<compile_context>
chip_gen: v7x
topology: tpu7x:2x2x1
jax: 0.10.2.dev20260603
libtpu: 0.0.44.dev20260713+nightly
codegen_flags: <defaults>
</compile_context>

<pallas_src>
import functools
import jax
import jax.numpy as jnp
from jax import lax
from jax.experimental import pallas as pl
from jax.experimental.pallas import tpu as pltpu, tpu_sc as plsc

NC = 2
NS = 16
NT = NC * NS
CH = 128
CH3 = 96
FRAC0 = 0.587
L = 16


def _k1_body(x_ref, w_ref, p_ref, h_ref, a1_ref, a2_ref):
    h = jnp.dot(x_ref[...], w_ref[...], preferred_element_type=jnp.float32)
    h = h + p_ref[0][None, :]
    h_ref[...] = h
    a1_ref[...] = jnp.sum(h * p_ref[1][None, :], axis=1) + p_ref[3, 0]
    a2_ref[...] = jnp.sum(h * p_ref[2][None, :], axis=1)


def _k1(x, W, params, n, d):
    return pl.pallas_call(
        _k1_body,
        out_shape=[
            jax.ShapeDtypeStruct((n, d), jnp.float32),
            jax.ShapeDtypeStruct((n,), jnp.float32),
            jax.ShapeDtypeStruct((n,), jnp.float32),
        ],
    )(x, W, params)


def _k2_body(n, ept0, ept1, src_hbm, dst_hbm, t_out, s_v, d_v, idx2, val2,
             sem):
    eptm = max(ept0, ept1)
    cid = lax.axis_index("c")
    sid = lax.axis_index("s")
    is0 = cid == 0
    base = jnp.where(is0, sid * ept0, NS * ept0 + sid * ept1)
    qc = jnp.where(is0, ept0 // CH, ept1 // CH)
    pltpu.sync_copy(src_hbm.at[pl.ds(base, eptm)], s_v)
    pltpu.sync_copy(dst_hbm.at[pl.ds(base, eptm)], d_v)

    def build(j, _):
        for c in range(CH // L):
            off = j * CH + c * L
            sv = s_v[pl.ds(off, L)]
            dv = d_v[pl.ds(off, L)]
            idx2[j, pl.ds(c * L, L)] = sv * n + dv
            val2[j, pl.ds(c * L, L)] = (
                base + off + lax.iota(jnp.int32, L))
        return 0

    lax.fori_loop(0, qc, build, 0)

    def scat(j, _):
        pltpu.async_copy(val2.at[j], t_out.at[idx2.at[j]], sem).wait()
        return 0

    lax.fori_loop(0, qc, scat, 0)


def _k2(src_full, dst_full, n, ept0, ept1):
    nn = n * n
    body = functools.partial(_k2_body, n, ept0, ept1)
    return pl.kernel(
        body,
        out_type=jax.ShapeDtypeStruct((nn,), jnp.int32),
        mesh=plsc.VectorSubcoreMesh(
            core_axis_name="c", subcore_axis_name="s",
            num_cores=NC, num_subcores=NS),
        compiler_params=pltpu.CompilerParams(needs_layout_passes=False),
        scratch_types=[
            pltpu.VMEM((max(ept0, ept1),), jnp.int32),
            pltpu.VMEM((max(ept0, ept1),), jnp.int32),
            pltpu.VMEM((max(ept0, ept1) // CH, CH), jnp.int32),
            pltpu.VMEM((max(ept0, ept1) // CH, CH), jnp.int32),
            pltpu.SemaphoreType.DMA,
        ],
    )(src_full, dst_full)


def _k3_body(n, npad, d, ept0, ept1,
             src_hbm, dst_hbm, t_hbm, h_hbm, a1_hbm, a2_hbm,
             den_out, num_out,
             d_v, src2, eid_b, a1g_b, a2g_b, rows, w_v, ex_v,
             num_sh, den_sh, sem, sem2, sem3):
    cid = lax.axis_index("c")
    sid = lax.axis_index("s")
    is0 = cid == 0
    base = jnp.where(is0, sid * ept0, NS * ept0 + sid * ept1)
    qc = jnp.where(is0, ept0 // CH3, ept1 // CH3)
    stripe = npad // NS

    pltpu.sync_copy(dst_hbm.at[pl.ds(base, max(ept0, ept1))], d_v)

    zero16 = jnp.zeros((L,), jnp.float32)

    def zrows(i, _):
        for c in range(d // L):
            rows[i, pl.ds(c * L, L)] = zero16
        return 0
    lax.fori_loop(0, CH3, zrows, 0)

    zoffs = sorted({min(t * CH3, stripe - CH3)
                    for t in range(-(-stripe // CH3))})
    for t in zoffs:
        pltpu.sync_copy(rows, num_sh.at[pl.ds(sid * stripe + t, CH3)])
    doffs = sorted({min(t * d, stripe - d) for t in range(-(-stripe // d))})
    for t in doffs:
        pltpu.sync_copy(rows.at[0],
                        den_sh.at[pl.ds(sid * stripe + t, d)])
    plsc.subcore_barrier()

    def chunk(j, _):
        pltpu.sync_copy(src_hbm.at[pl.ds(base + j * CH3, CH3)], src2.at[j])
        for c in range(CH3 // L):
            off = j * CH3 + c * L
            eid_b[pl.ds(c * L, L)] = (
                src2[j, pl.ds(c * L, L)] * n + d_v[pl.ds(off, L)])
        g1 = pltpu.async_copy(t_hbm.at[eid_b], w_v, sem)
        g2 = pltpu.async_copy(a1_hbm.at[src2.at[j]], a1g_b, sem)
        g3 = pltpu.async_copy(
            a2_hbm.at[d_v.at[pl.ds(j * CH3, CH3)]], a2g_b, sem)
        cp = pltpu.async_copy(h_hbm.at[d_v.at[pl.ds(j * CH3, CH3)]], rows,
                              sem2)
        g1.wait(); g2.wait(); g3.wait()
        for c in range(CH3 // L):
            off = j * CH3 + c * L
            k = base + off + lax.iota(jnp.int32, L)
            e = a1g_b[pl.ds(c * L, L)] + a2g_b[pl.ds(c * L, L)]
            e = jnp.where(e > 0, e, e * jnp.float32(0.01))
            ex = jnp.where(w_v[pl.ds(c * L, L)] == k,
                           jnp.exp(e), jnp.float32(0.0))
            ex_v[pl.ds(c * L, L)] = ex
        dn = pltpu.async_copy(ex_v, den_sh.at[src2.at[j]], sem3, add=True)
        cp.wait()

        def scale(g, _):
            exg = ex_v[pl.ds(g * L, L)]
            for lane in range(L):
                i = g * L + lane
                s = jnp.full((L,), exg[lane], jnp.float32)
                for c in range(d // L):
                    rows[i, pl.ds(c * L, L)] = rows[i, pl.ds(c * L, L)] * s
            return 0
        lax.fori_loop(0, CH3 // L, scale, 0)

        pltpu.async_copy(rows, num_sh.at[src2.at[j]], sem2, add=True).wait()
        dn.wait()
        return 0

    lax.fori_loop(0, qc, chunk, 0)
    plsc.subcore_barrier()

    pltpu.sync_copy(den_sh.at[pl.ds(sid * stripe, stripe)],
                    den_out.at[pl.ds(cid * npad + sid * stripe, stripe)])
    pltpu.sync_copy(num_sh.at[pl.ds(sid * stripe, stripe)],
                    num_out.at[pl.ds(cid * npad + sid * stripe, stripe)])


def _k3(src_full, dst_full, T, h, a1, a2, n, npad, d, ept0, ept1):
    body = functools.partial(_k3_body, n, npad, d, ept0, ept1)
    return pl.kernel(
        body,
        out_type=[
            jax.ShapeDtypeStruct((NC * npad,), jnp.float32),
            jax.ShapeDtypeStruct((NC * npad, d), jnp.float32),
        ],
        mesh=plsc.VectorSubcoreMesh(
            core_axis_name="c", subcore_axis_name="s",
            num_cores=NC, num_subcores=NS),
        compiler_params=pltpu.CompilerParams(needs_layout_passes=False),
        scratch_types=[
            pltpu.VMEM((max(ept0, ept1),), jnp.int32),
            pltpu.VMEM((max(ept0, ept1) // CH3, CH3), jnp.int32),
            pltpu.VMEM((CH3,), jnp.int32),
            pltpu.VMEM((CH3,), jnp.float32),
            pltpu.VMEM((CH3,), jnp.float32),
            pltpu.VMEM((CH3, 128), jnp.float32),
            pltpu.VMEM((CH3,), jnp.int32),
            pltpu.VMEM((CH3,), jnp.float32),
            pltpu.VMEM_SHARED((npad, 128), jnp.float32),
            pltpu.VMEM_SHARED((npad,), jnp.float32),
            pltpu.SemaphoreType.DMA,
            pltpu.SemaphoreType.DMA,
            pltpu.SemaphoreType.DMA,
        ],
    )(src_full, dst_full, T, h, a1, a2)


def _k4_body(np_ref, dp_ref, out_ref):
    num = np_ref[0] + np_ref[1]
    den = dp_ref[0] + dp_ref[1]
    v = num / den[:, None]
    out_ref[...] = jnp.where(v > 0, v, jnp.exp(v) - 1.0)


def _k4(numerP, denomP, npad, d):
    return pl.pallas_call(
        _k4_body,
        out_shape=jax.ShapeDtypeStruct((npad, d), jnp.float32),
    )(numerP, denomP)


def kernel(x, edge_index, W, b, Wa, ba):
    n, din = x.shape
    d = W.shape[1]
    e = edge_index.shape[1]

    tot = e + n
    avg = -(-tot // (NT * 384)) * 384
    ept0 = int(round(FRAC0 * 2 * avg / 384)) * 384
    ept1 = 2 * avg - ept0
    totp = NS * (ept0 + ept1)
    pad = totp - tot + abs(ept0 - ept1)
    npad = -(-n // 2048) * 2048

    loop = jnp.arange(n, dtype=jnp.int32)
    zpad = jnp.zeros((pad,), jnp.int32)
    src_full = jnp.concatenate([edge_index[0].astype(jnp.int32), loop, zpad])
    dst_full = jnp.concatenate([edge_index[1].astype(jnp.int32), loop, zpad])

    params = jnp.zeros((8, din), jnp.float32)
    params = params.at[0].set(b)
    params = params.at[1].set(Wa[:d, 0])
    params = params.at[2].set(Wa[d:, 0])
    params = params.at[3, 0].set(ba[0])

    h, a1, a2 = _k1(x, W, params, n, din)
    T = _k2(src_full, dst_full, n, ept0, ept1)
    denomP, numerP = _k3(src_full, dst_full, T, h, a1, a2,
                         n, npad, d, ept0, ept1)
    out = _k4(numerP.reshape(NC, npad, d), denomP.reshape(NC, npad),
              npad, d)
    return out[:n]

# --- scband reference (transcript-rebuilt; emitter-appended) ---
"""Pipeline reference for scband-gat-16080357556439 (READ-ONLY COPY).

The authoritative reference and input builder live on the scoring server;
editing this copy changes nothing except your own understanding.
"""

import jax, jax.numpy as jnp
import numpy as np

N = 10000
E = 320000
DIN = 128
DOUT = 128

def setup_inputs(seed: int = 0) -> dict:
    key = jax.random.key(seed)
    k1, k2, k3, k4, k5, k6 = jax.random.split(key, 6)
    x = jax.random.normal(k1, (N, DIN), dtype=jnp.float32)
    edge_index = jax.random.randint(k2, (2, E), 0, N, dtype=jnp.int32)
    # lin: Linear(in_channels, out_channels); stored as [in, out] (torch W.T)
    W = jax.random.normal(k3, (DIN, DOUT), dtype=jnp.float32) * 0.05
    b = jax.random.normal(k4, (DOUT,), dtype=jnp.float32) * 0.05
    # attention: Linear(2*out_channels, 1)
    Wa = jax.random.normal(k5, (2 * DOUT, 1), dtype=jnp.float32) * 0.05
    ba = jax.random.normal(k6, (1,), dtype=jnp.float32) * 0.05
    return {"x": x, "edge_index": edge_index, "W": W, "b": b, "Wa": Wa, "ba": ba}

def reference(x, edge_index, W, b, Wa, ba):
    n = x.shape[0]
    src0, dst0 = edge_index[0], edge_index[1]
    # add_self_loops
    loop = jnp.arange(n, dtype=src0.dtype)
    src = jnp.concatenate([src0, loop])
    dst = jnp.concatenate([dst0, loop])
    # to_dense_adj collapses duplicate edges -> dedupe edge ids
    eid = src * n + dst
    eid = jnp.sort(eid)
    first = jnp.concatenate([jnp.ones((1,), dtype=bool), eid[1:] != eid[:-1]])
    src = eid // n
    dst = eid % n
    # h = lin(x)
    h = x @ W + b
    # e_ij = leaky_relu(attention(cat(h_i, h_j)))  (i = src row of adj, j = neighbor)
    feat = jnp.concatenate([jnp.take(h, src, axis=0), jnp.take(h, dst, axis=0)], axis=1)
    e = jax.nn.leaky_relu((feat @ Wa + ba)[:, 0], negative_slope=0.01)
    ex = jnp.where(first, jnp.exp(e), 0.0)
    denom = jax.ops.segment_sum(ex, src, num_segments=n)
    alpha = ex / jnp.take(denom, src, axis=0)
    # out = elu(attention_matrix @ h)
    out = jax.ops.segment_sum(alpha[:, None] * jnp.take(h, dst, axis=0), src, num_segments=n)
    return jax.nn.elu(out)

if __name__ == "__main__":
    import jax
    _d = setup_inputs()
    print(jax.jit(kernel)(*tuple(_d.values())))

</pallas_src>

<mosaic_0001>
#map = affine_map<(d0, d1) -> (0)>
module attributes {stable_mosaic.version = 14 : i64} {
  func.func @_k2_body(%arg0: i32, %arg1: i32, %arg2: memref<335616xi32, #tpu.memory_space<hbm>>, %arg3: memref<335616xi32, #tpu.memory_space<hbm>>, %arg4: memref<100000000xi32, #tpu.memory_space<hbm>>, %arg5: memref<12288xi32, #tpu.memory_space<vmem>>, %arg6: memref<12288xi32, #tpu.memory_space<vmem>>, %arg7: memref<96x128xi32, #tpu.memory_space<vmem>>, %arg8: memref<96x128xi32, #tpu.memory_space<vmem>>, %arg9: memref<!tpu.dma_semaphore, #tpu.memory_space<semaphore_mem>>) attributes {dimension_semantics = [#tpu.dimension_semantics<core_parallel>, #tpu.dimension_semantics<subcore_parallel>], iteration_bounds = array<i64: 2, 16>, scalar_prefetch = 0 : i64, scratch_operands = 5 : i64, tpu.core_type = #tpu.core_type<sc_vector_subcore>, window_params = [{transform_indices = #map}, {transform_indices = #map}, {transform_indices = #map}]} {
    %eq3A = arith.constant 0 : i32
    %eq3A_0 = arith.cmpi eq, %arg0, %eq3A : i32
    %mul3A = arith.constant 12288 : i32
    %mul3A_1 = arith.muli %arg1, %mul3A : i32
    %mul3A_2 = arith.constant 8448 : i32
    %mul3A_3 = arith.muli %arg1, %mul3A_2 : i32
    %add3A = arith.constant 196608 : i32
    %add3A_4 = arith.addi %add3A, %mul3A_3 : i32
    %select_n3A = arith.select %eq3A_0, %mul3A_1, %add3A_4 : i32
    %jit3A = arith.constant 96 : i32
    %jit3A_5 = arith.constant 66 : i32
    %select_n3A_6 = arith.select %eq3A_0, %jit3A, %jit3A_5 : i32
    "tpu.region"() ({
      %run_scoped3A = tpu.sem_alloc : memref<!tpu.dma_semaphore, #tpu.memory_space<semaphore_mem>>
      %dma_start3A = tpu.memref_slice %arg2[%select_n3A] : memref<335616xi32, #tpu.memory_space<hbm>> -> memref<12288xi32, #tpu.memory_space<hbm>>
      %dma_start3A_30 = tpu.memref_slice %arg2[%select_n3A] : memref<335616xi32, #tpu.memory_space<hbm>> -> memref<12288xi32, #tpu.memory_space<hbm>>
      tpu.enqueue_dma source(%dma_start3A_30 : memref<12288xi32, #tpu.memory_space<hbm>>) target(%arg5 : memref<12288xi32, #tpu.memory_space<vmem>>) target_semaphore(%run_scoped3A : memref<!tpu.dma_semaphore, #tpu.memory_space<semaphore_mem>>)
      %dma_wait3A = tpu.memref_slice %arg2[%select_n3A] : memref<335616xi32, #tpu.memory_space<hbm>> -> memref<12288xi32, #tpu.memory_space<hbm>>
      %dma_wait3A_31 = tpu.memref_slice %arg2[%select_n3A] : memref<335616xi32, #tpu.memory_space<hbm>> -> memref<12288xi32, #tpu.memory_space<hbm>>
      tpu.wait_dma2 semaphore(%run_scoped3A : memref<!tpu.dma_semaphore, #tpu.memory_space<semaphore_mem>>) src(%dma_wait3A_31 : memref<12288xi32, #tpu.memory_space<hbm>>) dst(%arg5 : memref<12288xi32, #tpu.memory_space<vmem>>)
      tpu.yield
    }) : () -> ()
    "tpu.region"() ({
      %run_scoped3A = tpu.sem_alloc : memref<!tpu.dma_semaphore, #tpu.memory_space<semaphore_mem>>
      %dma_start3A = tpu.memref_slice %arg3[%select_n3A] : memref<335616xi32, #tpu.memory_space<hbm>> -> memref<12288xi32, #tpu.memory_space<hbm>>
      %dma_start3A_30 = tpu.memref_slice %arg3[%select_n3A] : memref<335616xi32, #tpu.memory_space<hbm>> -> memref<12288xi32, #tpu.memory_space<hbm>>
      tpu.enqueue_dma source(%dma_start3A_30 : memref<12288xi32, #tpu.memory_space<hbm>>) target(%arg6 : memref<12288xi32, #tpu.memory_space<vmem>>) target_semaphore(%run_scoped3A : memref<!tpu.dma_semaphore, #tpu.memory_space<semaphore_mem>>)
      %dma_wait3A = tpu.memref_slice %arg3[%select_n3A] : memref<335616xi32, #tpu.memory_space<hbm>> -> memref<12288xi32, #tpu.memory_space<hbm>>
      %dma_wait3A_31 = tpu.memref_slice %arg3[%select_n3A] : memref<335616xi32, #tpu.memory_space<hbm>> -> memref<12288xi32, #tpu.memory_space<hbm>>
      tpu.wait_dma2 semaphore(%run_scoped3A : memref<!tpu.dma_semaphore, #tpu.memory_space<semaphore_mem>>) src(%dma_wait3A_31 : memref<12288xi32, #tpu.memory_space<hbm>>) dst(%arg6 : memref<12288xi32, #tpu.memory_space<vmem>>)
      tpu.yield
    }) : () -> ()
    %while3A = arith.constant 0 : i32
    %while3A_7 = arith.constant 0 : i32
    %while3A_8 = arith.subi %select_n3A_6, %while3A : i32
    %while3A_9 = arith.addi %while3A, %while3A_8 : i32
    %while3A_10 = arith.constant 1 : i32
    %while3A_11 = arith.divsi %while3A_8, %while3A_10 : i32
    %while3A_12 = arith.muli %while3A_11, %while3A_10 : i32
    %while3A_13 = arith.addi %while3A, %while3A_12 : i32
    %while3A_14 = arith.constant 1 : i32
    %while3A_15 = scf.for %while3A_30 = %while3A to %while3A_13 step %while3A_14 iter_args(%while3A_31 = %while3A_7) -> (i32)  : i32 {
      %mul3A_32 = arith.constant 128 : i32
      %mul3A_33 = arith.muli %while3A_30, %mul3A_32 : i32
      %add3A_34 = arith.constant 0 : i32
      %add3A_35 = arith.addi %mul3A_33, %add3A_34 : i32
      %get3A = arith.index_cast %add3A_35 : i32 to index
      %get3A_36 = tpu.vector_load %arg5[%get3A] {strides = array<i32>} : memref<12288xi32, #tpu.memory_space<vmem>>, vector<16xi32>,
      %get3A_37 = arith.index_cast %add3A_35 : i32 to index
      %get3A_38 = tpu.vector_load %arg6[%get3A_37] {strides = array<i32>} : memref<12288xi32, #tpu.memory_space<vmem>>, vector<16xi32>,
      %mul3A_39 = arith.constant 10000 : i32
      %mul3A_40 = vector.broadcast %mul3A_39 : i32 to vector<16xi32>
      %mul3A_41 = arith.muli %get3A_36, %mul3A_40 : vector<16xi32>
      %add3A_42 = arith.addi %mul3A_41, %get3A_38 : vector<16xi32>
      %swap3A = arith.index_cast %while3A_30 : i32 to index
      %swap3A_43 = arith.constant 0 : index
      %swap3A_44 = tpu.vector_load %arg7[%swap3A, %swap3A_43] {strides = array<i32>} : memref<96x128xi32, #tpu.memory_space<vmem>>, vector<16xi32>,
      tpu.vector_store %arg7[%swap3A, %swap3A_43], %add3A_42 {strides = array<i32>} : memref<96x128xi32, #tpu.memory_space<vmem>>, vector<16xi32>,
      %add3A_45 = arith.addi %select_n3A, %add3A_35 : i32
      %iota3A = tpu.iota {dimensions = array<i32: 0>} : vector<16xi32>
      %add3A_46 = vector.broadcast %add3A_45 : i32 to vector<16xi32>
      %add3A_47 = arith.addi %add3A_46, %iota3A : vector<16xi32>
      %swap3A_48 = arith.index_cast %while3A_30 : i32 to index
      %swap3A_49 = arith.constant 0 : index
      %swap3A_50 = tpu.vector_load %arg8[%swap3A_48, %swap3A_49] {strides = array<i32>} : memref<96x128xi32, #tpu.memory_space<vmem>>, vector<16xi32>,
      tpu.vector_store %arg8[%swap3A_48, %swap3A_49], %add3A_47 {strides = array<i32>} : memref<96x128xi32, #tpu.memory_space<vmem>>, vector<16xi32>,
      %mul3A_51 = arith.constant 128 : i32
      %mul3A_52 = arith.muli %while3A_30, %mul3A_51 : i32
      %add3A_53 = arith.constant 16 : i32
      %add3A_54 = arith.addi %mul3A_52, %add3A_53 : i32
      %get3A_55 = arith.index_cast %add3A_54 : i32 to index
      %get3A_56 = tpu.vector_load %arg5[%get3A_55] {strides = array<i32>} : memref<12288xi32, #tpu.memory_space<vmem>>, vector<16xi32>,
      %get3A_57 = arith.index_cast %add3A_54 : i32 to index
      %get3A_58 = tpu.vector_load %arg6[%get3A_57] {strides = array<i32>} : memref<12288xi32, #tpu.memory_space<vmem>>, vector<16xi32>,
      %mul3A_59 = arith.constant 10000 : i32
      %mul3A_60 = vector.broadcast %mul3A_59 : i32 to vector<16xi32>
      %mul3A_61 = arith.muli %get3A_56, %mul3A_60 : vector<16xi32>
      %add3A_62 = arith.addi %mul3A_61, %get3A_58 : vector<16xi32>
      %swap3A_63 = arith.index_cast %while3A_30 : i32 to index
      %swap3A_64 = arith.constant 16 : index
      %swap3A_65 = tpu.vector_load %arg7[%swap3A_63, %swap3A_64] {strides = array<i32>} : memref<96x128xi32, #tpu.memory_space<vmem>>, vector<16xi32>,
      tpu.vector_store %arg7[%swap3A_63, %swap3A_64], %add3A_62 {strides = array<i32>} : memref<96x128xi32, #tpu.memory_space<vmem>>, vector<16xi32>,
      %add3A_66 = arith.addi %select_n3A, %add3A_54 : i32
      %iota3A_67 = tpu.iota {dimensions = array<i32: 0>} : vector<16xi32>
      %add3A_68 = vector.broadcast %add3A_66 : i32 to vector<16xi32>
      %add3A_69 = arith.addi %add3A_68, %iota3A_67 : vector<16xi32>
      %swap3A_70 = arith.index_cast %while3A_30 : i32 to index
      %swap3A_71 = arith.constant 16 : index
      %swap3A_72 = tpu.vector_load %arg8[%swap3A_70, %swap3A_71] {strides = array<i32>} : memref<96x128xi32, #tpu.memory_space<vmem>>, vector<16xi32>,
      tpu.vector_store %arg8[%swap3A_70, %swap3A_71], %add3A_69 {strides = array<i32>} : memref<96x128xi32, #tpu.memory_space<vmem>>, vector<16xi32>,
      %mul3A_73 = arith.constant 128 : i32
      %mul3A_74 = arith.muli %while3A_30, %mul3A_73 : i32
      %add3A_75 = arith.constant 32 : i32
      %add3A_76 = arith.addi %mul3A_74, %add3A_75 : i32
      %get3A_77 = arith.index_cast %add3A_76 : i32 to index
      %get3A_78 = tpu.vector_load %arg5[%get3A_77] {strides = array<i32>} : memref<12288xi32, #tpu.memory_space<vmem>>, vector<16xi32>,
      %get3A_79 = arith.index_cast %add3A_76 : i32 to index
      %get3A_80 = tpu.vector_load %arg6[%get3A_79] {strides = array<i32>} : memref<12288xi32, #tpu.memory_space<vmem>>, vector<16xi32>,
      %mul3A_81 = arith.constant 10000 : i32
      %mul3A_82 = vector.broadcast %mul3A_81 : i32 to vector<16xi32>
      %mul3A_83 = arith.muli %get3A_78, %mul3A_82 : vector<16xi32>
      %add3A_84 = arith.addi %mul3A_83, %get3A_80 : vector<16xi32>
      %swap3A_85 = arith.index_cast %while3A_30 : i32 to index
      %swap3A_86 = arith.constant 32 : index
      %swap3A_87 = tpu.vector_load %arg7[%swap3A_85, %swap3A_86] {strides = array<i32>} : memref<96x128xi32, #tpu.memory_space<vmem>>, vector<16xi32>,
      tpu.vector_store %arg7[%swap3A_85, %swap3A_86], %add3A_84 {strides = array<i32>} : memref<96x128xi32, #tpu.memory_space<vmem>>, vector<16xi32>,
      %add3A_88 = arith.addi %select_n3A, %add3A_76 : i32
      %iota3A_89 = tpu.iota {dimensions = array<i32: 0>} : vector<16xi32>
      %add3A_90 = vector.broadcast %add3A_88 : i32 to vector<16xi32>
      %add3A_91 = arith.addi %add3A_90, %iota3A_89 : vector<16xi32>
      %swap3A_92 = arith.index_cast %while3A_30 : i32 to index
      %swap3A_93 = arith.constant 32 : index
      %swap3A_94 = tpu.vector_load %arg8[%swap3A_92, %swap3A_93] {strides = array<i32>} : memref<96x128xi32, #tpu.memory_space<vmem>>, vector<16xi32>,
      tpu.vector_store %arg8[%swap3A_92, %swap3A_93], %add3A_91 {strides = array<i32>} : memref<96x128xi32, #tpu.memory_space<vmem>>, vector<16xi32>,
      %mul3A_95 = arith.constant 128 : i32
      %mul3A_96 = arith.muli %while3A_30, %mul3A_95 : i32
      %add3A_97 = arith.constant 48 : i32
      %add3A_98 = arith.addi %mul3A_96, %add3A_97 : i32
      %get3A_99 = arith.index_cast %add3A_98 : i32 to index
      %get3A_100 = tpu.vector_load %arg5[%get3A_99] {strides = array<i32>} : memref<12288xi32, #tpu.memory_space<vmem>>, vector<16xi32>,
      %get3A_101 = arith.index_cast %add3A_98 : i32 to index
      %get3A_102 = tpu.vector_load %arg6[%get3A_101] {strides = array<i32>} : memref<12288xi32, #tpu.memory_space<vmem>>, vector<16xi32>,
      %mul3A_103 = arith.constant 10000 : i32
      %mul3A_104 = vector.broadcast %mul3A_103 : i32 to vector<16xi32>
      %mul3A_105 = arith.muli %get3A_100, %mul3A_104 : vector<16xi32>
      %add3A_106 = arith.addi %mul3A_105, %get3A_102 : vector<16xi32>
      %swap3A_107 = arith.index_cast %while3A_30 : i32 to index
      %swap3A_108 = arith.constant 48 : index
      %swap3A_109 = tpu.vector_load %arg7[%swap3A_107, %swap3A_108] {strides = array<i32>} : memref<96x128xi32, #tpu.memory_space<vmem>>, vector<16xi32>,
      tpu.vector_store %arg7[%swap3A_107, %swap3A_108], %add3A_106 {strides = array<i32>} : memref<96x128xi32, #tpu.memory_space<vmem>>, vector<16xi32>,
      %add3A_110 = arith.addi %select_n3A, %add3A_98 : i32
      %iota3A_111 = tpu.iota {dimensions = array<i32: 0>} : vector<16xi32>
      %add3A_112 = vector.broadcast %add3A_110 : i32 to vector<16xi32>
      %add3A_113 = arith.addi %add3A_112, %iota3A_111 : vector<16xi32>
      %swap3A_114 = arith.index_cast %while3A_30 : i32 to index
      %swap3A_115 = arith.constant 48 : index
      %swap3A_116 = tpu.vector_load %arg8[%swap3A_114, %swap3A_115] {strides = array<i32>} : memref<96x128xi32, #tpu.memory_space<vmem>>, vector<16xi32>,
      tpu.vector_store %arg8[%swap3A_114, %swap3A_115], %add3A_113 {strides = array<i32>} : memref<96x128xi32, #tpu.memory_space<vmem>>, vector<16xi32>,
      %mul3A_117 = arith.constant 128 : i32
      %mul3A_118 = arith.muli %while3A_30, %mul3A_117 : i32
      %add3A_119 = arith.constant 64 : i32
      %add3A_120 = arith.addi %mul3A_118, %add3A_119 : i32
      %get3A_121 = arith.index_cast %add3A_120 : i32 to index
      %get3A_122 = tpu.vector_load %arg5[%get3A_121] {strides = array<i32>} : memref<12288xi32, #tpu.memory_space<vmem>>, vector<16xi32>,
      %get3A_123 = arith.index_cast %add3A_120 : i32 to index
      %get3A_124 = tpu.vector_load %arg6[%get3A_123] {strides = array<i32>} : memref<12288xi32, #tpu.memory_space<vmem>>, vector<16xi32>,
      %mul3A_125 = arith.constant 10000 : i32
      %mul3A_126 = vector.broadcast %mul3A_125 : i32 to vector<16xi32>
      %mul3A_127 = arith.muli %get3A_122, %mul3A_126 : vector<16xi32>
      %add3A_128 = arith.addi %mul3A_127, %get3A_124 : vector<16xi32>
      %swap3A_129 = arith.index_cast %while3A_30 : i32 to index
      %swap3A_130 = arith.constant 64 : index
      %swap3A_131 = tpu.vector_load %arg7[%swap3A_129, %swap3A_130] {strides = array<i32>} : memref<96x128xi32, #tpu.memory_space<vmem>>, vector<16xi32>,
      tpu.vector_store %arg7[%swap3A_129, %swap3A_130], %add3A_128 {strides = array<i32>} : memref<96x128xi32, #tpu.memory_space<vmem>>, vector<16xi32>,
      %add3A_132 = arith.addi %select_n3A, %add3A_120 : i32
      %iota3A_133 = tpu.iota {dimensions = array<i32: 0>} : vector<16xi32>
      %add3A_134 = vector.broadcast %add3A_132 : i32 to vector<16xi32>
      %add3A_135 = arith.addi %add3A_134, %iota3A_133 : vector<16xi32>
      %swap3A_136 = arith.index_cast %while3A_30 : i32 to index
      %swap3A_137 = arith.constant 64 : index
      %swap3A_138 = tpu.vector_load %arg8[%swap3A_136, %swap3A_137] {strides = array<i32>} : memref<96x128xi32, #tpu.memory_space<vmem>>, vector<16xi32>,
      tpu.vector_store %arg8[%swap3A_136, %swap3A_137], %add3A_135 {strides = array<i32>} : memref<96x128xi32, #tpu.memory_space<vmem>>, vector<16xi32>,
      %mul3A_139 = arith.constant 128 : i32
      %mul3A_140 = arith.muli %while3A_30, %mul3A_139 : i32
      %add3A_141 = arith.constant 80 : i32
      %add3A_142 = arith.addi %mul3A_140, %add3A_141 : i32
      %get3A_143 = arith.index_cast %add3A_142 : i32 to index
      %get3A_144 = tpu.vector_load %arg5[%get3A_143] {strides = array<i32>} : memref<12288xi32, #tpu.memory_space<vmem>>, vector<16xi32>,
      %get3A_145 = arith.index_cast %add3A_142 : i32 to index
      %get3A_146 = tpu.vector_load %arg6[%get3A_145] {strides = array<i32>} : memref<12288xi32, #tpu.memory_space<vmem>>, vector<16xi32>,
      %mul3A_147 = arith.constant 10000 : i32
      %mul3A_148 = vector.broadcast %mul3A_147 : i32 to vector<16xi32>
      %mul3A_149 = arith.muli %get3A_144, %mul3A_148 : vector<16xi32>
      %add3A_150 = arith.addi %mul3A_149, %get3A_146 : vector<16xi32>
      %swap3A_151 = arith.index_cast %while3A_30 : i32 to index
      %swap3A_152 = arith.constant 80 : index
      %swap3A_153 = tpu.vector_load %arg7[%swap3A_151, %swap3A_152] {strides = array<i32>} : memref<96x128xi32, #tpu.memory_space<vmem>>, vector<16xi32>,
      tpu.vector_store %arg7[%swap3A_151, %swap3A_152], %add3A_150 {strides = array<i32>} : memref<96x128xi32, #tpu.memory_space<vmem>>, vector<16xi32>,
      %add3A_154 = arith.addi %select_n3A, %add3A_142 : i32
      %iota3A_155 = tpu.iota {dimensions = array<i32: 0>} : vector<16xi32>
      %add3A_156 = vector.broadcast %add3A_154 : i32 to vector<16xi32>
      %add3A_157 = arith.addi %add3A_156, %iota3A_155 : vector<16xi32>
      %swap3A_158 = arith.index_cast %while3A_30 : i32 to index
      %swap3A_159 = arith.constant 80 : index
      %swap3A_160 = tpu.vector_load %arg8[%swap3A_158, %swap3A_159] {strides = array<i32>} : memref<96x128xi32, #tpu.memory_space<vmem>>, vector<16xi32>,
      tpu.vector_store %arg8[%swap3A_158, %swap3A_159], %add3A_157 {strides = array<i32>} : memref<96x128xi32, #tpu.memory_space<vmem>>, vector<16xi32>,
      %mul3A_161 = arith.constant 128 : i32
      %mul3A_162 = arith.muli %while3A_30, %mul3A_161 : i32
      %add3A_163 = arith.constant 96 : i32
      %add3A_164 = arith.addi %mul3A_162, %add3A_163 : i32
      %get3A_165 = arith.index_cast %add3A_164 : i32 to index
      %get3A_166 = tpu.vector_load %arg5[%get3A_165] {strides = array<i32>} : memref<12288xi32, #tpu.memory_space<vmem>>, vector<16xi32>,
      %get3A_167 = arith.index_cast %add3A_164 : i32 to index
      %get3A_168 = tpu.vector_load %arg6[%get3A_167] {strides = array<i32>} : memref<12288xi32, #tpu.memory_space<vmem>>, vector<16xi32>,
      %mul3A_169 = arith.constant 10000 : i32
      %mul3A_170 = vector.broadcast %mul3A_169 : i32 to vector<16xi32>
      %mul3A_171 = arith.muli %get3A_166, %mul3A_170 : vector<16xi32>
      %add3A_172 = arith.addi %mul3A_171, %get3A_168 : vector<16xi32>
      %swap3A_173 = arith.index_cast %while3A_30 : i32 to index
      %swap3A_174 = arith.constant 96 : index
      %swap3A_175 = tpu.vector_load %arg7[%swap3A_173, %swap3A_174] {strides = array<i32>} : memref<96x128xi32, #tpu.memory_space<vmem>>, vector<16xi32>,
      tpu.vector_store %arg7[%swap3A_173, %swap3A_174], %add3A_172 {strides = array<i32>} : memref<96x128xi32, #tpu.memory_space<vmem>>, vector<16xi32>,
      %add3A_176 = arith.addi %select_n3A, %add3A_164 : i32
      %iota3A_177 = tpu.iota {dimensions = array<i32: 0>} : vector<16xi32>
      %add3A_178 = vector.broadcast %add3A_176 : i32 to vector<16xi32>
      %add3A_179 = arith.addi %add3A_178, %iota3A_177 : vector<16xi32>
      %swap3A_180 = arith.index_cast %while3A_30 : i32 to index
      %swap3A_181 = arith.constant 96 : index
      %swap3A_182 = tpu.vector_load %arg8[%swap3A_180, %swap3A_181] {strides = array<i32>} : memref<96x128xi32, #tpu.memory_space<vmem>>, vector<16xi32>,
      tpu.vector_store %arg8[%swap3A_180, %swap3A_181], %add3A_179 {strides = array<i32>} : memref<96x128xi32, #tpu.memory_space<vmem>>, vector<16xi32>,
      %mul3A_183 = arith.constant 128 : i32
      %mul3A_184 = arith.muli %while3A_30, %mul3A_183 : i32
      %add3A_185 = arith.constant 112 : i32
      %add3A_186 = arith.addi %mul3A_184, %add3A_185 : i32
      %get3A_187 = arith.index_cast %add3A_186 : i32 to index
      %get3A_188 = tpu.vector_load %arg5[%get3A_187] {strides = array<i32>} : memref<12288xi32, #tpu.memory_space<vmem>>, vector<16xi32>,
      %get3A_189 = arith.index_cast %add3A_186 : i32 to index
      %get3A_190 = tpu.vector_load %arg6[%get3A_189] {strides = array<i32>} : memref<12288xi32, #tpu.memory_space<vmem>>, vector<16xi32>,
      %mul3A_191 = arith.constant 10000 : i32
      %mul3A_192 = vector.broadcast %mul3A_191 : i32 to vector<16xi32>
      %mul3A_193 = arith.muli %get3A_188, %mul3A_192 : vector<16xi32>
      %add3A_194 = arith.addi %mul3A_193, %get3A_190 : vector<16xi32>
      %swap3A_195 = arith.index_cast %while3A_30 : i32 to index
      %swap3A_196 = arith.constant 112 : index
      %swap3A_197 = tpu.vector_load %arg7[%swap3A_195, %swap3A_196] {strides = array<i32>} : memref<96x128xi32, #tpu.memory_space<vmem>>, vector<16xi32>,
      tpu.vector_store %arg7[%swap3A_195, %swap3A_196], %add3A_194 {strides = array<i32>} : memref<96x128xi32, #tpu.memory_space<vmem>>, vector<16xi32>,
      %add3A_198 = arith.addi %select_n3A, %add3A_186 : i32
      %iota3A_199 = tpu.iota {dimensions = array<i32: 0>} : vector<16xi32>
      %add3A_200 = vector.broadcast %add3A_198 : i32 to vector<16xi32>
      %add3A_201 = arith.addi %add3A_200, %iota3A_199 : vector<16xi32>
      %swap3A_202 = arith.index_cast %while3A_30 : i32 to index
      %swap3A_203 = arith.constant 112 : index
      %swap3A_204 = tpu.vector_load %arg8[%swap3A_202, %swap3A_203] {strides = array<i32>} : memref<96x128xi32, #tpu.memory_space<vmem>>, vector<16xi32>,
      tpu.vector_store %arg8[%swap3A_202, %swap3A_203], %add3A_201 {strides = array<i32>} : memref<96x128xi32, #tpu.memory_space<vmem>>, vector<16xi32>,
      %while3A_205 = arith.constant 0 : i32
      scf.yield %while3A_205 : i32
    }
    %while3A_16 = arith.constant 1 : i32
    %while3A_17 = scf.for %while3A_30 = %while3A_13 to %while3A_9 step %while3A_16 iter_args(%while3A_31 = %while3A_15) -> (i32)  : i32 {
      %mul3A_32 = arith.constant 128 : i32
      %mul3A_33 = arith.muli %while3A_30, %mul3A_32 : i32
      %add3A_34 = arith.constant 0 : i32
      %add3A_35 = arith.addi %mul3A_33, %add3A_34 : i32
      %get3A = arith.index_cast %add3A_35 : i32 to index
      %get3A_36 = tpu.vector_load %arg5[%get3A] {strides = array<i32>} : memref<12288xi32, #tpu.memory_space<vmem>>, vector<16xi32>,
      %get3A_37 = arith.index_cast %add3A_35 : i32 to index
      %get3A_38 = tpu.vector_load %arg6[%get3A_37] {strides = array<i32>} : memref<12288xi32, #tpu.memory_space<vmem>>, vector<16xi32>,
      %mul3A_39 = arith.constant 10000 : i32
      %mul3A_40 = vector.broadcast %mul3A_39 : i32 to vector<16xi32>
      %mul3A_41 = arith.muli %get3A_36, %mul3A_40 : vector<16xi32>
      %add3A_42 = arith.addi %mul3A_41, %get3A_38 : vector<16xi32>
      %swap3A = arith.index_cast %while3A_30 : i32 to index
      %swap3A_43 = arith.constant 0 : index
      %swap3A_44 = tpu.vector_load %arg7[%swap3A, %swap3A_43] {strides = array<i32>} : memref<96x128xi32, #tpu.memory_space<vmem>>, vector<16xi32>,
      tpu.vector_store %arg7[%swap3A, %swap3A_43], %add3A_42 {strides = array<i32>} : memref<96x128xi32, #tpu.memory_space<vmem>>, vector<16xi32>,
      %add3A_45 = arith.addi %select_n3A, %add3A_35 : i32
      %iota3A = tpu.iota {dimensions = array<i32: 0>} : vector<16xi32>
      %add3A_46 = vector.broadcast %add3A_45 : i32 to vector<16xi32>
      %add3A_47 = arith.addi %add3A_46, %iota3A : vector<16xi32>
      %swap3A_48 = arith.index_cast %while3A_30 : i32 to index
      %swap3A_49 = arith.constant 0 : index
      %swap3A_50 = tpu.vector_load %arg8[%swap3A_48, %swap3A_49] {strides = array<i32>} : memref<96x128xi32, #tpu.memory_space<vmem>>, vector<16xi32>,
      tpu.vector_store %arg8[%swap3A_48, %swap3A_49], %add3A_47 {strides = array<i32>} : memref<96x128xi32, #tpu.memory_space<vmem>>, vector<16xi32>,
      %mul3A_51 = arith.constant 128 : i32
      %mul3A_52 = arith.muli %while3A_30, %mul3A_51 : i32
      %add3A_53 = arith.constant 16 : i32
      %add3A_54 = arith.addi %mul3A_52, %add3A_53 : i32
      %get3A_55 = arith.index_cast %add3A_54 : i32 to index
      %get3A_56 = tpu.vector_load %arg5[%get3A_55] {strides = array<i32>} : memref<12288xi32, #tpu.memory_space<vmem>>, vector<16xi32>,
      %get3A_57 = arith.index_cast %add3A_54 : i32 to index
      %get3A_58 = tpu.vector_load %arg6[%get3A_57] {strides = array<i32>} : memref<12288xi32, #tpu.memory_space<vmem>>, vector<16xi32>,
      %mul3A_59 = arith.constant 10000 : i32
      %mul3A_60 = vector.broadcast %mul3A_59 : i32 to vector<16xi32>
      %mul3A_61 = arith.muli %get3A_56, %mul3A_60 : vector<16xi32>
      %add3A_62 = arith.addi %mul3A_61, %get3A_58 : vector<16xi32>
      %swap3A_63 = arith.index_cast %while3A_30 : i32 to index
      %swap3A_64 = arith.constant 16 : index
      %swap3A_65 = tpu.vector_load %arg7[%swap3A_63, %swap3A_64] {strides = array<i32>} : memref<96x128xi32, #tpu.memory_space<vmem>>, vector<16xi32>,
      tpu.vector_store %arg7[%swap3A_63, %swap3A_64], %add3A_62 {strides = array<i32>} : memref<96x128xi32, #tpu.memory_space<vmem>>, vector<16xi32>,
      %add3A_66 = arith.addi %select_n3A, %add3A_54 : i32
      %iota3A_67 = tpu.iota {dimensions = array<i32: 0>} : vector<16xi32>
      %add3A_68 = vector.broadcast %add3A_66 : i32 to vector<16xi32>
      %add3A_69 = arith.addi %add3A_68, %iota3A_67 : vector<16xi32>
      %swap3A_70 = arith.index_cast %while3A_30 : i32 to index
      %swap3A_71 = arith.constant 16 : index
      %swap3A_72 = tpu.vector_load %arg8[%swap3A_70, %swap3A_71] {strides = array<i32>} : memref<96x128xi32, #tpu.memory_space<vmem>>, vector<16xi32>,
      tpu.vector_store %arg8[%swap3A_70, %swap3A_71], %add3A_69 {strides = array<i32>} : memref<96x128xi32, #tpu.memory_space<vmem>>, vector<16xi32>,
      %mul3A_73 = arith.constant 128 : i32
      %mul3A_74 = arith.muli %while3A_30, %mul3A_73 : i32
      %add3A_75 = arith.constant 32 : i32
      %add3A_76 = arith.addi %mul3A_74, %add3A_75 : i32
      %get3A_77 = arith.index_cast %add3A_76 : i32 to index
      %get3A_78 = tpu.vector_load %arg5[%get3A_77] {strides = array<i32>} : memref<12288xi32, #tpu.memory_space<vmem>>, vector<16xi32>,
      %get3A_79 = arith.index_cast %add3A_76 : i32 to index
      %get3A_80 = tpu.vector_load %arg6[%get3A_79] {strides = array<i32>} : memref<12288xi32, #tpu.memory_space<vmem>>, vector<16xi32>,
      %mul3A_81 = arith.constant 10000 : i32
      %mul3A_82 = vector.broadcast %mul3A_81 : i32 to vector<16xi32>
      %mul3A_83 = arith.muli %get3A_78, %mul3A_82 : vector<16xi32>
      %add3A_84 = arith.addi %mul3A_83, %get3A_80 : vector<16xi32>
      %swap3A_85 = arith.index_cast %while3A_30 : i32 to index
      %swap3A_86 = arith.constant 32 : index
      %swap3A_87 = tpu.vector_load %arg7[%swap3A_85, %swap3A_86] {strides = array<i32>} : memref<96x128xi32, #tpu.memory_space<vmem>>, vector<16xi32>,
      tpu.vector_store %arg7[%swap3A_85, %swap3A_86], %add3A_84 {strides = array<i32>} : memref<96x128xi32, #tpu.memory_space<vmem>>, vector<16xi32>,
      %add3A_88 = arith.addi %select_n3A, %add3A_76 : i32
      %iota3A_89 = tpu.iota {dimensions = array<i32: 0>} : vector<16xi32>
      %add3A_90 = vector.broadcast %add3A_88 : i32 to vector<16xi32>
      %add3A_91 = arith.addi %add3A_90, %iota3A_89 : vector<16xi32>
      %swap3A_92 = arith.index_cast %while3A_30 : i32 to index
      %swap3A_93 = arith.constant 32 : index
      %swap3A_94 = tpu.vector_load %arg8[%swap3A_92, %swap3A_93] {strides = array<i32>} : memref<96x128xi32, #tpu.memory_space<vmem>>, vector<16xi32>,
      tpu.vector_store %arg8[%swap3A_92, %swap3A_93], %add3A_91 {strides = array<i32>} : memref<96x128xi32, #tpu.memory_space<vmem>>, vector<16xi32>,
      %mul3A_95 = arith.constant 128 : i32
      %mul3A_96 = arith.muli %while3A_30, %mul3A_95 : i32
      %add3A_97 = arith.constant 48 : i32
      %add3A_98 = arith.addi %mul3A_96, %add3A_97 : i32
      %get3A_99 = arith.index_cast %add3A_98 : i32 to index
      %get3A_100 = tpu.vector_load %arg5[%get3A_99] {strides = array<i32>} : memref<12288xi32, #tpu.memory_space<vmem>>, vector<16xi32>,
      %get3A_101 = arith.index_cast %add3A_98 : i32 to index
      %get3A_102 = tpu.vector_load %arg6[%get3A_101] {strides = array<i32>} : memref<12288xi32, #tpu.memory_space<vmem>>, vector<16xi32>,
      %mul3A_103 = arith.constant 10000 : i32
      %mul3A_104 = vector.broadcast %mul3A_103 : i32 to vector<16xi32>
      %mul3A_105 = arith.muli %get3A_100, %mul3A_104 : vector<16xi32>
      %add3A_106 = arith.addi %mul3A_105, %get3A_102 : vector<16xi32>
      %swap3A_107 = arith.index_cast %while3A_30 : i32 to index
      %swap3A_108 = arith.constant 48 : index
      %swap3A_109 = tpu.vector_load %arg7[%swap3A_107, %swap3A_108] {strides = array<i32>} : memref<96x128xi32, #tpu.memory_space<vmem>>, vector<16xi32>,
      tpu.vector_store %arg7[%swap3A_107, %swap3A_108], %add3A_106 {strides = array<i32>} : memref<96x128xi32, #tpu.memory_space<vmem>>, vector<16xi32>,
      %add3A_110 = arith.addi %select_n3A, %add3A_98 : i32
      %iota3A_111 = tpu.iota {dimensions = array<i32: 0>} : vector<16xi32>
      %add3A_112 = vector.broadcast %add3A_110 : i32 to vector<16xi32>
      %add3A_113 = arith.addi %add3A_112, %iota3A_111 : vector<16xi32>
      %swap3A_114 = arith.index_cast %while3A_30 : i32 to index
      %swap3A_115 = arith.constant 48 : index
      %swap3A_116 = tpu.vector_load %arg8[%swap3A_114, %swap3A_115] {strides = array<i32>} : memref<96x128xi32, #tpu.memory_space<vmem>>, vector<16xi32>,
      tpu.vector_store %arg8[%swap3A_114, %swap3A_115], %add3A_113 {strides = array<i32>} : memref<96x128xi32, #tpu.memory_space<vmem>>, vector<16xi32>,
      %mul3A_117 = arith.constant 128 : i32
      %mul3A_118 = arith.muli %while3A_30, %mul3A_117 : i32
      %add3A_119 = arith.constant 64 : i32
      %add3A_120 = arith.addi %mul3A_118, %add3A_119 : i32
      %get3A_121 = arith.index_cast %add3A_120 : i32 to index
      %get3A_122 = tpu.vector_load %arg5[%get3A_121] {strides = array<i32>} : memref<12288xi32, #tpu.memory_space<vmem>>, vector<16xi32>,
      %get3A_123 = arith.index_cast %add3A_120 : i32 to index
      %get3A_124 = tpu.vector_load %arg6[%get3A_123] {strides = array<i32>} : memref<12288xi32, #tpu.memory_space<vmem>>, vector<16xi32>,
      %mul3A_125 = arith.constant 10000 : i32
      %mul3A_126 = vector.broadcast %mul3A_125 : i32 to vector<16xi32>
      %mul3A_127 = arith.muli %get3A_122, %mul3A_126 : vector<16xi32>
      %add3A_128 = arith.addi %mul3A_127, %get3A_124 : vector<16xi32>
      %swap3A_129 = arith.index_cast %while3A_30 : i32 to index
      %swap3A_130 = arith.constant 64 : index
      %swap3A_131 = tpu.vector_load %arg7[%swap3A_129, %swap3A_130] {strides = array<i32>} : memref<96x128xi32, #tpu.memory_space<vmem>>, vector<16xi32>,
      tpu.vector_store %arg7[%swap3A_129, %swap3A_130], %add3A_128 {strides = array<i32>} : memref<96x128xi32, #tpu.memory_space<vmem>>, vector<16xi32>,
      %add3A_132 = arith.addi %select_n3A, %add3A_120 : i32
      %iota3A_133 = tpu.iota {dimensions = array<i32: 0>} : vector<16xi32>
      %add3A_134 = vector.broadcast %add3A_132 : i32 to vector<16xi32>
      %add3A_135 = arith.addi %add3A_134, %iota3A_133 : vector<16xi32>
      %swap3A_136 = arith.index_cast %while3A_30 : i32 to index
      %swap3A_137 = arith.constant 64 : index
      %swap3A_138 = tpu.vector_load %arg8[%swap3A_136, %swap3A_137] {strides = array<i32>} : memref<96x128xi32, #tpu.memory_space<vmem>>, vector<16xi32>,
      tpu.vector_store %arg8[%swap3A_136, %swap3A_137], %add3A_135 {strides = array<i32>} : memref<96x128xi32, #tpu.memory_space<vmem>>, vector<16xi32>,
      %mul3A_139 = arith.constant 128 : i32
      %mul3A_140 = arith.muli %while3A_30, %mul3A_139 : i32
      %add3A_141 = arith.constant 80 : i32
      %add3A_142 = arith.addi %mul3A_140, %add3A_141 : i32
      %get3A_143 = arith.index_cast %add3A_142 : i32 to index
      %get3A_144 = tpu.vector_load %arg5[%get3A_143] {strides = array<i32>} : memref<12288xi32, #tpu.memory_space<vmem>>, vector<16xi32>,
      %get3A_145 = arith.index_cast %add3A_142 : i32 to index
      %get3A_146 = tpu.vector_load %arg6[%get3A_145] {strides = array<i32>} : memref<12288xi32, #tpu.memory_space<vmem>>, vector<16xi32>,
      %mul3A_147 = arith.constant 10000 : i32
      %mul3A_148 = vector.broadcast %mul3A_147 : i32 to vector<16xi32>
      %mul3A_149 = arith.muli %get3A_144, %mul3A_148 : vector<16xi32>
      %add3A_150 = arith.addi %mul3A_149, %get3A_146 : vector<16xi32>
      %swap3A_151 = arith.index_cast %while3A_30 : i32 to index
      %swap3A_152 = arith.constant 80 : index
      %swap3A_153 = tpu.vector_load %arg7[%swap3A_151, %swap3A_152] {strides = array<i32>} : memref<96x128xi32, #tpu.memory_space<vmem>>, vector<16xi32>,
      tpu.vector_store %arg7[%swap3A_151, %swap3A_152], %add3A_150 {strides = array<i32>} : memref<96x128xi32, #tpu.memory_space<vmem>>, vector<16xi32>,
      %add3A_154 = arith.addi %select_n3A, %add3A_142 : i32
      %iota3A_155 = tpu.iota {dimensions = array<i32: 0>} : vector<16xi32>
      %add3A_156 = vector.broadcast %add3A_154 : i32 to vector<16xi32>
      %add3A_157 = arith.addi %add3A_156, %iota3A_155 : vector<16xi32>
      %swap3A_158 = arith.index_cast %while3A_30 : i32 to index
      %swap3A_159 = arith.constant 80 : index
      %swap3A_160 = tpu.vector_load %arg8[%swap3A_158, %swap3A_159] {strides = array<i32>} : memref<96x128xi32, #tpu.memory_space<vmem>>, vector<16xi32>,
      tpu.vector_store %arg8[%swap3A_158, %swap3A_159], %add3A_157 {strides = array<i32>} : memref<96x128xi32, #tpu.memory_space<vmem>>, vector<16xi32>,
      %mul3A_161 = arith.constant 128 : i32
      %mul3A_162 = arith.muli %while3A_30, %mul3A_161 : i32
      %add3A_163 = arith.constant 96 : i32
      %add3A_164 = arith.addi %mul3A_162, %add3A_163 : i32
      %get3A_165 = arith.index_cast %add3A_164 : i32 to index
      %get3A_166 = tpu.vector_load %arg5[%get3A_165] {strides = array<i32>} : memref<12288xi32, #tpu.memory_space<vmem>>, vector<16xi32>,
      %get3A_167 = arith.index_cast %add3A_164 : i32 to index
      %get3A_168 = tpu.vector_load %arg6[%get3A_167] {strides = array<i32>} : memref<12288xi32, #tpu.memory_space<vmem>>, vector<16xi32>,
      %mul3A_169 = arith.constant 10000 : i32
      %mul3A_170 = vector.broadcast %mul3A_169 : i32 to vector<16xi32>
      %mul3A_171 = arith.muli %get3A_166, %mul3A_170 : vector<16xi32>
      %add3A_172 = arith.addi %mul3A_171, %get3A_168 : vector<16xi32>
      %swap3A_173 = arith.index_cast %while3A_30 : i32 to index
      %swap3A_174 = arith.constant 96 : index
      %swap3A_175 = tpu.vector_load %arg7[%swap3A_173, %swap3A_174] {strides = array<i32>} : memref<96x128xi32, #tpu.memory_space<vmem>>, vector<16xi32>,
      tpu.vector_store %arg7[%swap3A_173, %swap3A_174], %add3A_172 {strides = array<i32>} : memref<96x128xi32, #tpu.memory_space<vmem>>, vector<16xi32>,
      %add3A_176 = arith.addi %select_n3A, %add3A_164 : i32
      %iota3A_177 = tpu.iota {dimensions = array<i32: 0>} : vector<16xi32>
      %add3A_178 = vector.broadcast %add3A_176 : i32 to vector<16xi32>
      %add3A_179 = arith.addi %add3A_178, %iota3A_177 : vector<16xi32>
      %swap3A_180 = arith.index_cast %while3A_30 : i32 to index
      %swap3A_181 = arith.constant 96 : index
      %swap3A_182 = tpu.vector_load %arg8[%swap3A_180, %swap3A_181] {strides = array<i32>} : memref<96x128xi32, #tpu.memory_space<vmem>>, vector<16xi32>,
      tpu.vector_store %arg8[%swap3A_180, %swap3A_181], %add3A_179 {strides = array<i32>} : memref<96x128xi32, #tpu.memory_space<vmem>>, vector<16xi32>,
      %mul3A_183 = arith.constant 128 : i32
      %mul3A_184 = arith.muli %while3A_30, %mul3A_183 : i32
      %add3A_185 = arith.constant 112 : i32
      %add3A_186 = arith.addi %mul3A_184, %add3A_185 : i32
      %get3A_187 = arith.index_cast %add3A_186 : i32 to index
      %get3A_188 = tpu.vector_load %arg5[%get3A_187] {strides = array<i32>} : memref<12288xi32, #tpu.memory_space<vmem>>, vector<16xi32>,
      %get3A_189 = arith.index_cast %add3A_186 : i32 to index
      %get3A_190 = tpu.vector_load %arg6[%get3A_189] {strides = array<i32>} : memref<12288xi32, #tpu.memory_space<vmem>>, vector<16xi32>,
      %mul3A_191 = arith.constant 10000 : i32
      %mul3A_192 = vector.broadcast %mul3A_191 : i32 to vector<16xi32>
      %mul3A_193 = arith.muli %get3A_188, %mul3A_192 : vector<16xi32>
      %add3A_194 = arith.addi %mul3A_193, %get3A_190 : vector<16xi32>
      %swap3A_195 = arith.index_cast %while3A_30 : i32 to index
      %swap3A_196 = arith.constant 112 : index
      %swap3A_197 = tpu.vector_load %arg7[%swap3A_195, %swap3A_196] {strides = array<i32>} : memref<96x128xi32, #tpu.memory_space<vmem>>, vector<16xi32>,
      tpu.vector_store %arg7[%swap3A_195, %swap3A_196], %add3A_194 {strides = array<i32>} : memref<96x128xi32, #tpu.memory_space<vmem>>, vector<16xi32>,
      %add3A_198 = arith.addi %select_n3A, %add3A_186 : i32
      %iota3A_199 = tpu.iota {dimensions = array<i32: 0>} : vector<16xi32>
      %add3A_200 = vector.broadcast %add3A_198 : i32 to vector<16xi32>
      %add3A_201 = arith.addi %add3A_200, %iota3A_199 : vector<16xi32>
      %swap3A_202 = arith.index_cast %while3A_30 : i32 to index
      %swap3A_203 = arith.constant 112 : index
      %swap3A_204 = tpu.vector_load %arg8[%swap3A_202, %swap3A_203] {strides = array<i32>} : memref<96x128xi32, #tpu.memory_space<vmem>>, vector<16xi32>,
      tpu.vector_store %arg8[%swap3A_202, %swap3A_203], %add3A_201 {strides = array<i32>} : memref<96x128xi32, #tpu.memory_space<vmem>>, vector<16xi32>,
      %while3A_205 = arith.constant 0 : i32
      scf.yield %while3A_205 : i32
    }
    %while3A_18 = arith.constant 0 : i32
    %while3A_19 = arith.constant 0 : i32
    %while3A_20 = arith.subi %select_n3A_6, %while3A_18 : i32
    %while3A_21 = arith.addi %while3A_18, %while3A_20 : i32
    %while3A_22 = arith.constant 1 : i32
    %while3A_23 = arith.divsi %while3A_20, %while3A_22 : i32
    %while3A_24 = arith.muli %while3A_23, %while3A_22 : i32
    %while3A_25 = arith.addi %while3A_18, %while3A_24 : i32
    %while3A_26 = arith.constant 1 : i32
    %while3A_27 = scf.for %while3A_30 = %while3A_18 to %while3A_25 step %while3A_26 iter_args(%while3A_31 = %while3A_19) -> (i32)  : i32 {
      %dma_start3A = arith.constant 0 : i32
      %dma_start3A_32 = tpu.memref_slice %arg8[%while3A_30, %dma_start3A] : memref<96x128xi32, #tpu.memory_space<vmem>> -> memref<1x128xi32, #tpu.memory_space<vmem>>
      %dma_start3A_33 = tpu.memref_squeeze %dma_start3A_32 : memref<1x128xi32, #tpu.memory_space<vmem>> -> memref<128xi32, #tpu.memory_space<vmem>>
      %dma_start3A_34 = arith.constant 0 : i32
      %dma_start3A_35 = tpu.memref_slice %arg7[%while3A_30, %dma_start3A_34] : memref<96x128xi32, #tpu.memory_space<vmem>> -> memref<1x128xi32, #tpu.memory_space<vmem>>
      %dma_start3A_36 = tpu.memref_squeeze %dma_start3A_35 : memref<1x128xi32, #tpu.memory_space<vmem>> -> memref<128xi32, #tpu.memory_space<vmem>>
      %dma_start3A_37 = arith.constant 0 : i32
      %dma_start3A_38 = tpu.memref_slice %arg4[%dma_start3A_37] : memref<100000000xi32, #tpu.memory_space<hbm>> -> memref<100000000xi32, #tpu.memory_space<hbm>>
      tpu.enqueue_indirect_dma source(%dma_start3A_33 : memref<128xi32, #tpu.memory_space<vmem>>) target(%dma_start3A_38 : memref<100000000xi32, #tpu.memory_space<hbm>>) offsets(%dma_start3A_36 : memref<128xi32, #tpu.memory_space<vmem>>) semaphore(%arg9 : memref<!tpu.dma_semaphore, #tpu.memory_space<semaphore_mem>>)
      %dma_wait3A = arith.constant 0 : i32
      %dma_wait3A_39 = tpu.memref_slice %arg8[%while3A_30, %dma_wait3A] : memref<96x128xi32, #tpu.memory_space<vmem>> -> memref<1x128xi32, #tpu.memory_space<vmem>>
      %dma_wait3A_40 = tpu.memref_squeeze %dma_wait3A_39 : memref<1x128xi32, #tpu.memory_space<vmem>> -> memref<128xi32, #tpu.memory_space<vmem>>
      %dma_wait3A_41 = arith.constant 0 : i32
      %dma_wait3A_42 = tpu.memref_slice %arg7[%while3A_30, %dma_wait3A_41] : memref<96x128xi32, #tpu.memory_space<vmem>> -> memref<1x128xi32, #tpu.memory_space<vmem>>
      %dma_wait3A_43 = tpu.memref_squeeze %dma_wait3A_42 : memref<1x128xi32, #tpu.memory_space<vmem>> -> memref<128xi32, #tpu.memory_space<vmem>>
      %dma_wait3A_44 = arith.constant 0 : i32
      %dma_wait3A_45 = tpu.memref_slice %arg4[%dma_wait3A_44] : memref<100000000xi32, #tpu.memory_space<hbm>> -> memref<100000000xi32, #tpu.memory_space<hbm>>
      tpu.wait_indirect_dma semaphore(%arg9 : memref<!tpu.dma_semaphore, #tpu.memory_space<semaphore_mem>>) src(%dma_wait3A_40 : memref<128xi32, #tpu.memory_space<vmem>>) dst(%dma_wait3A_45 : memref<100000000xi32, #tpu.memory_space<hbm>>)
      %while3A_46 = arith.constant 0 : i32
      scf.yield %while3A_46 : i32
    }
    %while3A_28 = arith.constant 1 : i32
    %while3A_29 = scf.for %while3A_30 = %while3A_25 to %while3A_21 step %while3A_28 iter_args(%while3A_31 = %while3A_27) -> (i32)  : i32 {
      %dma_start3A = arith.constant 0 : i32
      %dma_start3A_32 = tpu.memref_slice %arg8[%while3A_30, %dma_start3A] : memref<96x128xi32, #tpu.memory_space<vmem>> -> memref<1x128xi32, #tpu.memory_space<vmem>>
      %dma_start3A_33 = tpu.memref_squeeze %dma_start3A_32 : memref<1x128xi32, #tpu.memory_space<vmem>> -> memref<128xi32, #tpu.memory_space<vmem>>
      %dma_start3A_34 = arith.constant 0 : i32
      %dma_start3A_35 = tpu.memref_slice %arg7[%while3A_30, %dma_start3A_34] : memref<96x128xi32, #tpu.memory_space<vmem>> -> memref<1x128xi32, #tpu.memory_space<vmem>>
      %dma_start3A_36 = tpu.memref_squeeze %dma_start3A_35 : memref<1x128xi32, #tpu.memory_space<vmem>> -> memref<128xi32, #tpu.memory_space<vmem>>
      %dma_start3A_37 = arith.constant 0 : i32
      %dma_start3A_38 = tpu.memref_slice %arg4[%dma_start3A_37] : memref<100000000xi32, #tpu.memory_space<hbm>> -> memref<100000000xi32, #tpu.memory_space<hbm>>
      tpu.enqueue_indirect_dma source(%dma_start3A_33 : memref<128xi32, #tpu.memory_space<vmem>>) target(%dma_start3A_38 : memref<100000000xi32, #tpu.memory_space<hbm>>) offsets(%dma_start3A_36 : memref<128xi32, #tpu.memory_space<vmem>>) semaphore(%arg9 : memref<!tpu.dma_semaphore, #tpu.memory_space<semaphore_mem>>)
      %dma_wait3A = arith.constant 0 : i32
      %dma_wait3A_39 = tpu.memref_slice %arg8[%while3A_30, %dma_wait3A] : memref<96x128xi32, #tpu.memory_space<vmem>> -> memref<1x128xi32, #tpu.memory_space<vmem>>
      %dma_wait3A_40 = tpu.memref_squeeze %dma_wait3A_39 : memref<1x128xi32, #tpu.memory_space<vmem>> -> memref<128xi32, #tpu.memory_space<vmem>>
      %dma_wait3A_41 = arith.constant 0 : i32
      %dma_wait3A_42 = tpu.memref_slice %arg7[%while3A_30, %dma_wait3A_41] : memref<96x128xi32, #tpu.memory_space<vmem>> -> memref<1x128xi32, #tpu.memory_space<vmem>>
      %dma_wait3A_43 = tpu.memref_squeeze %dma_wait3A_42 : memref<1x128xi32, #tpu.memory_space<vmem>> -> memref<128xi32, #tpu.memory_space<vmem>>
      %dma_wait3A_44 = arith.constant 0 : i32
      %dma_wait3A_45 = tpu.memref_slice %arg4[%dma_wait3A_44] : memref<100000000xi32, #tpu.memory_space<hbm>> -> memref<100000000xi32, #tpu.memory_space<hbm>>
      tpu.wait_indirect_dma semaphore(%arg9 : memref<!tpu.dma_semaphore, #tpu.memory_space<semaphore_mem>>) src(%dma_wait3A_40 : memref<128xi32, #tpu.memory_space<vmem>>) dst(%dma_wait3A_45 : memref<100000000xi32, #tpu.memory_space<hbm>>)
      %while3A_46 = arith.constant 0 : i32
      scf.yield %while3A_46 : i32
    }
    return
  }
}

#map = affine_map<(d0, d1) -> (0)>
#map1 = affine_map<(d0, d1) -> (0, 0)>
module attributes {stable_mosaic.version = 14 : i64} {
  func.func @_k3_body(%arg0: i32, %arg1: i32, %arg2: memref<335616xi32, #tpu.memory_space<hbm>>, %arg3: memref<335616xi32, #tpu.memory_space<hbm>>, %arg4: memref<100000000xi32, #tpu.memory_space<hbm>>, %arg5: memref<10000x128xf32, #tpu.memory_space<hbm>>, %arg6: memref<10000xf32, #tpu.memory_space<hbm>>, %arg7: memref<10000xf32, #tpu.memory_space<hbm>>, %arg8: memref<20480xf32, #tpu.memory_space<hbm>>, %arg9: memref<20480x128xf32, #tpu.memory_space<hbm>>, %arg10: memref<12288xi32, #tpu.memory_space<vmem>>, %arg11: memref<128x96xi32, #tpu.memory_space<vmem>>, %arg12: memref<96xi32, #tpu.memory_space<vmem>>, %arg13: memref<96xf32, #tpu.memory_space<vmem>>, %arg14: memref<96xf32, #tpu.memory_space<vmem>>, %arg15: memref<96x128xf32, #tpu.memory_space<vmem>>, %arg16: memref<96xi32, #tpu.memory_space<vmem>>, %arg17: memref<96xf32, #tpu.memory_space<vmem>>, %arg18: memref<10240x128xf32, #tpu.memory_space<vmem_shared>>, %arg19: memref<10240xf32, #tpu.memory_space<vmem_shared>>, %arg20: memref<!tpu.dma_semaphore, #tpu.memory_space<semaphore_mem>>, %arg21: memref<!tpu.dma_semaphore, #tpu.memory_space<semaphore_mem>>, %arg22: memref<!tpu.dma_semaphore, #tpu.memory_space<semaphore_mem>>) attributes {dimension_semantics = [#tpu.dimension_semantics<core_parallel>, #tpu.dimension_semantics<subcore_parallel>], iteration_bounds = array<i64: 2, 16>, scalar_prefetch = 0 : i64, scratch_operands = 13 : i64, tpu.core_type = #tpu.core_type<sc_vector_subcore>, window_params = [{transform_indices = #map}, {transform_indices = #map}, {transform_indices = #map}, {transform_indices = #map1}, {transform_indices = #map}, {transform_indices = #map}, {transform_indices = #map}, {transform_indices = #map1}]} {
    %eq3A = arith.constant 0 : i32
    %eq3A_0 = arith.cmpi eq, %arg0, %eq3A : i32
    %mul3A = arith.constant 12288 : i32
    %mul3A_1 = arith.muli %arg1, %mul3A : i32
    %mul3A_2 = arith.constant 8448 : i32
    %mul3A_3 = arith.muli %arg1, %mul3A_2 : i32
    %add3A = arith.constant 196608 : i32
    %add3A_4 = arith.addi %add3A, %mul3A_3 : i32
    %select_n3A = arith.select %eq3A_0, %mul3A_1, %add3A_4 : i32
    %jit3A = arith.constant 128 : i32
    %jit3A_5 = arith.constant 88 : i32
    %select_n3A_6 = arith.select %eq3A_0, %jit3A, %jit3A_5 : i32
    "tpu.region"() ({
      %run_scoped3A_92 = tpu.sem_alloc : memref<!tpu.dma_semaphore, #tpu.memory_space<semaphore_mem>>
      %dma_start3A = tpu.memref_slice %arg3[%select_n3A] : memref<335616xi32, #tpu.memory_space<hbm>> -> memref<12288xi32, #tpu.memory_space<hbm>>
      %dma_start3A_93 = tpu.memref_slice %arg3[%select_n3A] : memref<335616xi32, #tpu.memory_space<hbm>> -> memref<12288xi32, #tpu.memory_space<hbm>>
      tpu.enqueue_dma source(%dma_start3A_93 : memref<12288xi32, #tpu.memory_space<hbm>>) target(%arg10 : memref<12288xi32, #tpu.memory_space<vmem>>) target_semaphore(%run_scoped3A_92 : memref<!tpu.dma_semaphore, #tpu.memory_space<semaphore_mem>>)
      %dma_wait3A = tpu.memref_slice %arg3[%select_n3A] : memref<335616xi32, #tpu.memory_space<hbm>> -> memref<12288xi32, #tpu.memory_space<hbm>>
      %dma_wait3A_94 = tpu.memref_slice %arg3[%select_n3A] : memref<335616xi32, #tpu.memory_space<hbm>> -> memref<12288xi32, #tpu.memory_space<hbm>>
      tpu.wait_dma2 semaphore(%run_scoped3A_92 : memref<!tpu.dma_semaphore, #tpu.memory_space<semaphore_mem>>) src(%dma_wait3A_94 : memref<12288xi32, #tpu.memory_space<hbm>>) dst(%arg10 : memref<12288xi32, #tpu.memory_space<vmem>>)
      tpu.yield
    }) : () -> ()
    %broadcast_in_dim3A = arith.constant 0.000000e+00 : f32
    %broadcast_in_dim3A_7 = vector.broadcast %broadcast_in_dim3A : f32 to vector<16xf32>
    %scan3A = arith.constant 0 : i32
    %scan3A_8 = arith.constant 0 : i32
    %scan3A_9 = arith.constant 96 : i32
    %scan3A_10 = arith.addi %scan3A_8, %scan3A_9 : i32
    %scan3A_11 = arith.constant 1 : i32
    %scan3A_12 = scf.for %scan3A_92 = %scan3A_8 to %scan3A_10 step %scan3A_11 iter_args(%scan3A_93 = %scan3A) -> (i32)  : i32 {
      %swap3A = arith.index_cast %scan3A_92 : i32 to index
      %swap3A_94 = arith.constant 0 : index
      %swap3A_95 = tpu.vector_load %arg15[%swap3A, %swap3A_94] {strides = array<i32>} : memref<96x128xf32, #tpu.memory_space<vmem>>, vector<16xf32>,
      tpu.vector_store %arg15[%swap3A, %swap3A_94], %broadcast_in_dim3A_7 {strides = array<i32>} : memref<96x128xf32, #tpu.memory_space<vmem>>, vector<16xf32>,
      %swap3A_96 = arith.index_cast %scan3A_92 : i32 to index
      %swap3A_97 = arith.constant 16 : index
      %swap3A_98 = tpu.vector_load %arg15[%swap3A_96, %swap3A_97] {strides = array<i32>} : memref<96x128xf32, #tpu.memory_space<vmem>>, vector<16xf32>,
      tpu.vector_store %arg15[%swap3A_96, %swap3A_97], %broadcast_in_dim3A_7 {strides = array<i32>} : memref<96x128xf32, #tpu.memory_space<vmem>>, vector<16xf32>,
      %swap3A_99 = arith.index_cast %scan3A_92 : i32 to index
      %swap3A_100 = arith.constant 32 : index
      %swap3A_101 = tpu.vector_load %arg15[%swap3A_99, %swap3A_100] {strides = array<i32>} : memref<96x128xf32, #tpu.memory_space<vmem>>, vector<16xf32>,
      tpu.vector_store %arg15[%swap3A_99, %swap3A_100], %broadcast_in_dim3A_7 {strides = array<i32>} : memref<96x128xf32, #tpu.memory_space<vmem>>, vector<16xf32>,
      %swap3A_102 = arith.index_cast %scan3A_92 : i32 to index
      %swap3A_103 = arith.constant 48 : index
      %swap3A_104 = tpu.vector_load %arg15[%swap3A_102, %swap3A_103] {strides = array<i32>} : memref<96x128xf32, #tpu.memory_space<vmem>>, vector<16xf32>,
      tpu.vector_store %arg15[%swap3A_102, %swap3A_103], %broadcast_in_dim3A_7 {strides = array<i32>} : memref<96x128xf32, #tpu.memory_space<vmem>>, vector<16xf32>,
      %swap3A_105 = arith.index_cast %scan3A_92 : i32 to index
      %swap3A_106 = arith.constant 64 : index
      %swap3A_107 = tpu.vector_load %arg15[%swap3A_105, %swap3A_106] {strides = array<i32>} : memref<96x128xf32, #tpu.memory_space<vmem>>, vector<16xf32>,
      tpu.vector_store %arg15[%swap3A_105, %swap3A_106], %broadcast_in_dim3A_7 {strides = array<i32>} : memref<96x128xf32, #tpu.memory_space<vmem>>, vector<16xf32>,
      %swap3A_108 = arith.index_cast %scan3A_92 : i32 to index
      %swap3A_109 = arith.constant 80 : index
      %swap3A_110 = tpu.vector_load %arg15[%swap3A_108, %swap3A_109] {strides = array<i32>} : memref<96x128xf32, #tpu.memory_space<vmem>>, vector<16xf32>,
      tpu.vector_store %arg15[%swap3A_108, %swap3A_109], %broadcast_in_dim3A_7 {strides = array<i32>} : memref<96x128xf32, #tpu.memory_space<vmem>>, vector<16xf32>,
      %swap3A_111 = arith.index_cast %scan3A_92 : i32 to index
      %swap3A_112 = arith.constant 96 : index
      %swap3A_113 = tpu.vector_load %arg15[%swap3A_111, %swap3A_112] {strides = array<i32>} : memref<96x128xf32, #tpu.memory_space<vmem>>, vector<16xf32>,
      tpu.vector_store %arg15[%swap3A_111, %swap3A_112], %broadcast_in_dim3A_7 {strides = array<i32>} : memref<96x128xf32, #tpu.memory_space<vmem>>, vector<16xf32>,
      %swap3A_114 = arith.index_cast %scan3A_92 : i32 to index
      %swap3A_115 = arith.constant 112 : index
      %swap3A_116 = tpu.vector_load %arg15[%swap3A_114, %swap3A_115] {strides = array<i32>} : memref<96x128xf32, #tpu.memory_space<vmem>>, vector<16xf32>,
      tpu.vector_store %arg15[%swap3A_114, %swap3A_115], %broadcast_in_dim3A_7 {strides = array<i32>} : memref<96x128xf32, #tpu.memory_space<vmem>>, vector<16xf32>,
      %scan3A_117 = arith.constant 0 : i32
      scf.yield %scan3A_117 : i32
    }
    %scan3A_13 = arith.constant 96 : i32
    %mul3A_14 = arith.constant 640 : i32
    %mul3A_15 = arith.muli %arg1, %mul3A_14 : i32
    %add3A_16 = arith.constant 0 : i32
    %add3A_17 = arith.addi %mul3A_15, %add3A_16 : i32
    "tpu.region"() ({
      %run_scoped3A_92 = tpu.sem_alloc : memref<!tpu.dma_semaphore, #tpu.memory_space<semaphore_mem>>
      %dma_start3A = arith.constant 0 : i32
      %dma_start3A_93 = tpu.memref_slice %arg18[%add3A_17, %dma_start3A] : memref<10240x128xf32, #tpu.memory_space<vmem_shared>> -> memref<96x128xf32, #tpu.memory_space<vmem_shared>>
      %dma_start3A_94 = arith.constant 0 : i32
      %dma_start3A_95 = tpu.memref_slice %arg18[%add3A_17, %dma_start3A_94] : memref<10240x128xf32, #tpu.memory_space<vmem_shared>> -> memref<96x128xf32, #tpu.memory_space<vmem_shared>>
      tpu.enqueue_dma source(%arg15 : memref<96x128xf32, #tpu.memory_space<vmem>>) target(%dma_start3A_95 : memref<96x128xf32, #tpu.memory_space<vmem_shared>>) target_semaphore(%run_scoped3A_92 : memref<!tpu.dma_semaphore, #tpu.memory_space<semaphore_mem>>)
      %dma_wait3A = arith.constant 0 : i32
      %dma_wait3A_96 = tpu.memref_slice %arg18[%add3A_17, %dma_wait3A] : memref<10240x128xf32, #tpu.memory_space<vmem_shared>> -> memref<96x128xf32, #tpu.memory_space<vmem_shared>>
      %dma_wait3A_97 = arith.constant 0 : i32
      %dma_wait3A_98 = tpu.memref_slice %arg18[%add3A_17, %dma_wait3A_97] : memref<10240x128xf32, #tpu.memory_space<vmem_shared>> -> memref<96x128xf32, #tpu.memory_space<vmem_shared>>
      tpu.wait_dma2 semaphore(%run_scoped3A_92 : memref<!tpu.dma_semaphore, #tpu.memory_space<semaphore_mem>>) src(%arg15 : memref<96x128xf32, #tpu.memory_space<vmem>>) dst(%dma_wait3A_98 : memref<96x128xf32, #tpu.memory_space<vmem_shared>>)
      tpu.yield
    }) : () -> ()
    %mul3A_18 = arith.constant 640 : i32
    %mul3A_19 = arith.muli %arg1, %mul3A_18 : i32
    %add3A_20 = arith.constant 96 : i32
    %add3A_21 = arith.addi %mul3A_19, %add3A_20 : i32
    "tpu.region"() ({
      %run_scoped3A_92 = tpu.sem_alloc : memref<!tpu.dma_semaphore, #tpu.memory_space<semaphore_mem>>
      %dma_start3A = arith.constant 0 : i32
      %dma_start3A_93 = tpu.memref_slice %arg18[%add3A_21, %dma_start3A] : memref<10240x128xf32, #tpu.memory_space<vmem_shared>> -> memref<96x128xf32, #tpu.memory_space<vmem_shared>>
      %dma_start3A_94 = arith.constant 0 : i32
      %dma_start3A_95 = tpu.memref_slice %arg18[%add3A_21, %dma_start3A_94] : memref<10240x128xf32, #tpu.memory_space<vmem_shared>> -> memref<96x128xf32, #tpu.memory_space<vmem_shared>>
      tpu.enqueue_dma source(%arg15 : memref<96x128xf32, #tpu.memory_space<vmem>>) target(%dma_start3A_95 : memref<96x128xf32, #tpu.memory_space<vmem_shared>>) target_semaphore(%run_scoped3A_92 : memref<!tpu.dma_semaphore, #tpu.memory_space<semaphore_mem>>)
      %dma_wait3A = arith.constant 0 : i32
      %dma_wait3A_96 = tpu.memref_slice %arg18[%add3A_21, %dma_wait3A] : memref<10240x128xf32, #tpu.memory_space<vmem_shared>> -> memref<96x128xf32, #tpu.memory_space<vmem_shared>>
      %dma_wait3A_97 = arith.constant 0 : i32
      %dma_wait3A_98 = tpu.memref_slice %arg18[%add3A_21, %dma_wait3A_97] : memref<10240x128xf32, #tpu.memory_space<vmem_shared>> -> memref<96x128xf32, #tpu.memory_space<vmem_shared>>
      tpu.wait_dma2 semaphore(%run_scoped3A_92 : memref<!tpu.dma_semaphore, #tpu.memory_space<semaphore_mem>>) src(%arg15 : memref<96x128xf32, #tpu.memory_space<vmem>>) dst(%dma_wait3A_98 : memref<96x128xf32, #tpu.memory_space<vmem_shared>>)
      tpu.yield
    }) : () -> ()
    %mul3A_22 = arith.constant 640 : i32
    %mul3A_23 = arith.muli %arg1, %mul3A_22 : i32
    %add3A_24 = arith.constant 192 : i32
    %add3A_25 = arith.addi %mul3A_23, %add3A_24 : i32
    "tpu.region"() ({
      %run_scoped3A_92 = tpu.sem_alloc : memref<!tpu.dma_semaphore, #tpu.memory_space<semaphore_mem>>
      %dma_start3A = arith.constant 0 : i32
      %dma_start3A_93 = tpu.memref_slice %arg18[%add3A_25, %dma_start3A] : memref<10240x128xf32, #tpu.memory_space<vmem_shared>> -> memref<96x128xf32, #tpu.memory_space<vmem_shared>>
      %dma_start3A_94 = arith.constant 0 : i32
      %dma_start3A_95 = tpu.memref_slice %arg18[%add3A_25, %dma_start3A_94] : memref<10240x128xf32, #tpu.memory_space<vmem_shared>> -> memref<96x128xf32, #tpu.memory_space<vmem_shared>>
      tpu.enqueue_dma source(%arg15 : memref<96x128xf32, #tpu.memory_space<vmem>>) target(%dma_start3A_95 : memref<96x128xf32, #tpu.memory_space<vmem_shared>>) target_semaphore(%run_scoped3A_92 : memref<!tpu.dma_semaphore, #tpu.memory_space<semaphore_mem>>)
      %dma_wait3A = arith.constant 0 : i32
      %dma_wait3A_96 = tpu.memref_slice %arg18[%add3A_25, %dma_wait3A] : memref<10240x128xf32, #tpu.memory_space<vmem_shared>> -> memref<96x128xf32, #tpu.memory_space<vmem_shared>>
      %dma_wait3A_97 = arith.constant 0 : i32
      %dma_wait3A_98 = tpu.memref_slice %arg18[%add3A_25, %dma_wait3A_97] : memref<10240x128xf32, #tpu.memory_space<vmem_shared>> -> memref<96x128xf32, #tpu.memory_space<vmem_shared>>
      tpu.wait_dma2 semaphore(%run_scoped3A_92 : memref<!tpu.dma_semaphore, #tpu.memory_space<semaphore_mem>>) src(%arg15 : memref<96x128xf32, #tpu.memory_space<vmem>>) dst(%dma_wait3A_98 : memref<96x128xf32, #tpu.memory_space<vmem_shared>>)
      tpu.yield
    }) : () -> ()
    %mul3A_26 = arith.constant 640 : i32
    %mul3A_27 = arith.muli %arg1, %mul3A_26 : i32
    %add3A_28 = arith.constant 288 : i32
    %add3A_29 = arith.addi %mul3A_27, %add3A_28 : i32
    "tpu.region"() ({
      %run_scoped3A_92 = tpu.sem_alloc : memref<!tpu.dma_semaphore, #tpu.memory_space<semaphore_mem>>
      %dma_start3A = arith.constant 0 : i32
      %dma_start3A_93 = tpu.memref_slice %arg18[%add3A_29, %dma_start3A] : memref<10240x128xf32, #tpu.memory_space<vmem_shared>> -> memref<96x128xf32, #tpu.memory_space<vmem_shared>>
      %dma_start3A_94 = arith.constant 0 : i32
      %dma_start3A_95 = tpu.memref_slice %arg18[%add3A_29, %dma_start3A_94] : memref<10240x128xf32, #tpu.memory_space<vmem_shared>> -> memref<96x128xf32, #tpu.memory_space<vmem_shared>>
      tpu.enqueue_dma source(%arg15 : memref<96x128xf32, #tpu.memory_space<vmem>>) target(%dma_start3A_95 : memref<96x128xf32, #tpu.memory_space<vmem_shared>>) target_semaphore(%run_scoped3A_92 : memref<!tpu.dma_semaphore, #tpu.memory_space<semaphore_mem>>)
      %dma_wait3A = arith.constant 0 : i32
      %dma_wait3A_96 = tpu.memref_slice %arg18[%add3A_29, %dma_wait3A] : memref<10240x128xf32, #tpu.memory_space<vmem_shared>> -> memref<96x128xf32, #tpu.memory_space<vmem_shared>>
      %dma_wait3A_97 = arith.constant 0 : i32
      %dma_wait3A_98 = tpu.memref_slice %arg18[%add3A_29, %dma_wait3A_97] : memref<10240x128xf32, #tpu.memory_space<vmem_shared>> -> memref<96x128xf32, #tpu.memory_space<vmem_shared>>
      tpu.wait_dma2 semaphore(%run_scoped3A_92 : memref<!tpu.dma_semaphore, #tpu.memory_space<semaphore_mem>>) src(%arg15 : memref<96x128xf32, #tpu.memory_space<vmem>>) dst(%dma_wait3A_98 : memref<96x128xf32, #tpu.memory_space<vmem_shared>>)
      tpu.yield
    }) : () -> ()
    %mul3A_30 = arith.constant 640 : i32
    %mul3A_31 = arith.muli %arg1, %mul3A_30 : i32
    %add3A_32 = arith.constant 384 : i32
    %add3A_33 = arith.addi %mul3A_31, %add3A_32 : i32
    "tpu.region"() ({
      %run_scoped3A_92 = tpu.sem_alloc : memref<!tpu.dma_semaphore, #tpu.memory_space<semaphore_mem>>
      %dma_start3A = arith.constant 0 : i32
      %dma_start3A_93 = tpu.memref_slice %arg18[%add3A_33, %dma_start3A] : memref<10240x128xf32, #tpu.memory_space<vmem_shared>> -> memref<96x128xf32, #tpu.memory_space<vmem_shared>>
      %dma_start3A_94 = arith.constant 0 : i32
      %dma_start3A_95 = tpu.memref_slice %arg18[%add3A_33, %dma_start3A_94] : memref<10240x128xf32, #tpu.memory_space<vmem_shared>> -> memref<96x128xf32, #tpu.memory_space<vmem_shared>>
      tpu.enqueue_dma source(%arg15 : memref<96x128xf32, #tpu.memory_space<vmem>>) target(%dma_start3A_95 : memref<96x128xf32, #tpu.memory_space<vmem_shared>>) target_semaphore(%run_scoped3A_92 : memref<!tpu.dma_semaphore, #tpu.memory_space<semaphore_mem>>)
      %dma_wait3A = arith.constant 0 : i32
      %dma_wait3A_96 = tpu.memref_slice %arg18[%add3A_33, %dma_wait3A] : memref<10240x128xf32, #tpu.memory_space<vmem_shared>> -> memref<96x128xf32, #tpu.memory_space<vmem_shared>>
      %dma_wait3A_97 = arith.constant 0 : i32
      %dma_wait3A_98 = tpu.memref_slice %arg18[%add3A_33, %dma_wait3A_97] : memref<10240x128xf32, #tpu.memory_space<vmem_shared>> -> memref<96x128xf32, #tpu.memory_space<vmem_shared>>
      tpu.wait_dma2 semaphore(%run_scoped3A_92 : memref<!tpu.dma_semaphore, #tpu.memory_space<semaphore_mem>>) src(%arg15 : memref<96x128xf32, #tpu.memory_space<vmem>>) dst(%dma_wait3A_98 : memref<96x128xf32, #tpu.memory_space<vmem_shared>>)
      tpu.yield
    }) : () -> ()
    %mul3A_34 = arith.constant 640 : i32
    %mul3A_35 = arith.muli %arg1, %mul3A_34 : i32
    %add3A_36 = arith.constant 480 : i32
    %add3A_37 = arith.addi %mul3A_35, %add3A_36 : i32
    "tpu.region"() ({
      %run_scoped3A_92 = tpu.sem_alloc : memref<!tpu.dma_semaphore, #tpu.memory_space<semaphore_mem>>
      %dma_start3A = arith.constant 0 : i32
      %dma_start3A_93 = tpu.memref_slice %arg18[%add3A_37, %dma_start3A] : memref<10240x128xf32, #tpu.memory_space<vmem_shared>> -> memref<96x128xf32, #tpu.memory_space<vmem_shared>>
      %dma_start3A_94 = arith.constant 0 : i32
      %dma_start3A_95 = tpu.memref_slice %arg18[%add3A_37, %dma_start3A_94] : memref<10240x128xf32, #tpu.memory_space<vmem_shared>> -> memref<96x128xf32, #tpu.memory_space<vmem_shared>>
      tpu.enqueue_dma source(%arg15 : memref<96x128xf32, #tpu.memory_space<vmem>>) target(%dma_start3A_95 : memref<96x128xf32, #tpu.memory_space<vmem_shared>>) target_semaphore(%run_scoped3A_92 : memref<!tpu.dma_semaphore, #tpu.memory_space<semaphore_mem>>)
      %dma_wait3A = arith.constant 0 : i32
      %dma_wait3A_96 = tpu.memref_slice %arg18[%add3A_37, %dma_wait3A] : memref<10240x128xf32, #tpu.memory_space<vmem_shared>> -> memref<96x128xf32, #tpu.memory_space<vmem_shared>>
      %dma_wait3A_97 = arith.constant 0 : i32
      %dma_wait3A_98 = tpu.memref_slice %arg18[%add3A_37, %dma_wait3A_97] : memref<10240x128xf32, #tpu.memory_space<vmem_shared>> -> memref<96x128xf32, #tpu.memory_space<vmem_shared>>
      tpu.wait_dma2 semaphore(%run_scoped3A_92 : memref<!tpu.dma_semaphore, #tpu.memory_space<semaphore_mem>>) src(%arg15 : memref<96x128xf32, #tpu.memory_space<vmem>>) dst(%dma_wait3A_98 : memref<96x128xf32, #tpu.memory_space<vmem_shared>>)
      tpu.yield
    }) : () -> ()
    %mul3A_38 = arith.constant 640 : i32
    %mul3A_39 = arith.muli %arg1, %mul3A_38 : i32
    %add3A_40 = arith.constant 544 : i32
    %add3A_41 = arith.addi %mul3A_39, %add3A_40 : i32
    "tpu.region"() ({
      %run_scoped3A_92 = tpu.sem_alloc : memref<!tpu.dma_semaphore, #tpu.memory_space<semaphore_mem>>
      %dma_start3A = arith.constant 0 : i32
      %dma_start3A_93 = tpu.memref_slice %arg18[%add3A_41, %dma_start3A] : memref<10240x128xf32, #tpu.memory_space<vmem_shared>> -> memref<96x128xf32, #tpu.memory_space<vmem_shared>>
      %dma_start3A_94 = arith.constant 0 : i32
      %dma_start3A_95 = tpu.memref_slice %arg18[%add3A_41, %dma_start3A_94] : memref<10240x128xf32, #tpu.memory_space<vmem_shared>> -> memref<96x128xf32, #tpu.memory_space<vmem_shared>>
      tpu.enqueue_dma source(%arg15 : memref<96x128xf32, #tpu.memory_space<vmem>>) target(%dma_start3A_95 : memref<96x128xf32, #tpu.memory_space<vmem_shared>>) target_semaphore(%run_scoped3A_92 : memref<!tpu.dma_semaphore, #tpu.memory_space<semaphore_mem>>)
      %dma_wait3A = arith.constant 0 : i32
      %dma_wait3A_96 = tpu.memref_slice %arg18[%add3A_41, %dma_wait3A] : memref<10240x128xf32, #tpu.memory_space<vmem_shared>> -> memref<96x128xf32, #tpu.memory_space<vmem_shared>>
      %dma_wait3A_97 = arith.constant 0 : i32
      %dma_wait3A_98 = tpu.memref_slice %arg18[%add3A_41, %dma_wait3A_97] : memref<10240x128xf32, #tpu.memory_space<vmem_shared>> -> memref<96x128xf32, #tpu.memory_space<vmem_shared>>
      tpu.wait_dma2 semaphore(%run_scoped3A_92 : memref<!tpu.dma_semaphore, #tpu.memory_space<semaphore_mem>>) src(%arg15 : memref<96x128xf32, #tpu.memory_space<vmem>>) dst(%dma_wait3A_98 : memref<96x128xf32, #tpu.memory_space<vmem_shared>>)
      tpu.yield
    }) : () -> ()
    %mul3A_42 = arith.constant 640 : i32
    %mul3A_43 = arith.muli %arg1, %mul3A_42 : i32
    %add3A_44 = arith.constant 0 : i32
    %add3A_45 = arith.addi %mul3A_43, %add3A_44 : i32
    %run_scoped3A = arith.constant 0 : i32
    "tpu.region"() ({
      %run_scoped3A_92 = tpu.sem_alloc : memref<!tpu.dma_semaphore, #tpu.memory_space<semaphore_mem>>
      %dma_start3A = arith.constant 0 : i32
      %dma_start3A_93 = tpu.memref_slice %arg15[%run_scoped3A, %dma_start3A] : memref<96x128xf32, #tpu.memory_space<vmem>> -> memref<1x128xf32, #tpu.memory_space<vmem>>
      %dma_start3A_94 = tpu.memref_squeeze %dma_start3A_93 : memref<1x128xf32, #tpu.memory_space<vmem>> -> memref<128xf32, #tpu.memory_space<vmem>>
      %dma_start3A_95 = tpu.memref_slice %arg19[%add3A_45] : memref<10240xf32, #tpu.memory_space<vmem_shared>> -> memref<128xf32, #tpu.memory_space<vmem_shared>>
      %dma_start3A_96 = tpu.memref_slice %arg19[%add3A_45] : memref<10240xf32, #tpu.memory_space<vmem_shared>> -> memref<128xf32, #tpu.memory_space<vmem_shared>>
      %dma_start3A_97 = arith.constant 0 : i32
      %dma_start3A_98 = tpu.memref_slice %arg15[%run_scoped3A, %dma_start3A_97] : memref<96x128xf32, #tpu.memory_space<vmem>> -> memref<1x128xf32, #tpu.memory_space<vmem>>
      %dma_start3A_99 = tpu.memref_squeeze %dma_start3A_98 : memref<1x128xf32, #tpu.memory_space<vmem>> -> memref<128xf32, #tpu.memory_space<vmem>>
      tpu.enqueue_dma source(%dma_start3A_99 : memref<128xf32, #tpu.memory_space<vmem>>) target(%dma_start3A_96 : memref<128xf32, #tpu.memory_space<vmem_shared>>) target_semaphore(%run_scoped3A_92 : memref<!tpu.dma_semaphore, #tpu.memory_space<semaphore_mem>>)
      %dma_wait3A = arith.constant 0 : i32
      %dma_wait3A_100 = tpu.memref_slice %arg15[%run_scoped3A, %dma_wait3A] : memref<96x128xf32, #tpu.memory_space<vmem>> -> memref<1x128xf32, #tpu.memory_space<vmem>>
      %dma_wait3A_101 = tpu.memref_squeeze %dma_wait3A_100 : memref<1x128xf32, #tpu.memory_space<vmem>> -> memref<128xf32, #tpu.memory_space<vmem>>
      %dma_wait3A_102 = tpu.memref_slice %arg19[%add3A_45] : memref<10240xf32, #tpu.memory_space<vmem_shared>> -> memref<128xf32, #tpu.memory_space<vmem_shared>>
      %dma_wait3A_103 = tpu.memref_slice %arg19[%add3A_45] : memref<10240xf32, #tpu.memory_space<vmem_shared>> -> memref<128xf32, #tpu.memory_space<vmem_shared>>
      %dma_wait3A_104 = arith.constant 0 : i32
      %dma_wait3A_105 = tpu.memref_slice %arg15[%run_scoped3A, %dma_wait3A_104] : memref<96x128xf32, #tpu.memory_space<vmem>> -> memref<1x128xf32, #tpu.memory_space<vmem>>
      %dma_wait3A_106 = tpu.memref_squeeze %dma_wait3A_105 : memref<1x128xf32, #tpu.memory_space<vmem>> -> memref<128xf32, #tpu.memory_space<vmem>>
      tpu.wait_dma2 semaphore(%run_scoped3A_92 : memref<!tpu.dma_semaphore, #tpu.memory_space<semaphore_mem>>) src(%dma_wait3A_106 : memref<128xf32, #tpu.memory_space<vmem>>) dst(%dma_wait3A_103 : memref<128xf32, #tpu.memory_space<vmem_shared>>)
      tpu.yield
    }) : () -> ()
    %mul3A_46 = arith.constant 640 : i32
    %mul3A_47 = arith.muli %arg1, %mul3A_46 : i32
    %add3A_48 = arith.constant 128 : i32
    %add3A_49 = arith.addi %mul3A_47, %add3A_48 : i32
    %run_scoped3A_50 = arith.constant 0 : i32
    "tpu.region"() ({
      %run_scoped3A_92 = tpu.sem_alloc : memref<!tpu.dma_semaphore, #tpu.memory_space<semaphore_mem>>
      %dma_start3A = arith.constant 0 : i32
      %dma_start3A_93 = tpu.memref_slice %arg15[%run_scoped3A_50, %dma_start3A] : memref<96x128xf32, #tpu.memory_space<vmem>> -> memref<1x128xf32, #tpu.memory_space<vmem>>
      %dma_start3A_94 = tpu.memref_squeeze %dma_start3A_93 : memref<1x128xf32, #tpu.memory_space<vmem>> -> memref<128xf32, #tpu.memory_space<vmem>>
      %dma_start3A_95 = tpu.memref_slice %arg19[%add3A_49] : memref<10240xf32, #tpu.memory_space<vmem_shared>> -> memref<128xf32, #tpu.memory_space<vmem_shared>>
      %dma_start3A_96 = tpu.memref_slice %arg19[%add3A_49] : memref<10240xf32, #tpu.memory_space<vmem_shared>> -> memref<128xf32, #tpu.memory_space<vmem_shared>>
      %dma_start3A_97 = arith.constant 0 : i32
      %dma_start3A_98 = tpu.memref_slice %arg15[%run_scoped3A_50, %dma_start3A_97] : memref<96x128xf32, #tpu.memory_space<vmem>> -> memref<1x128xf32, #tpu.memory_space<vmem>>
      %dma_start3A_99 = tpu.memref_squeeze %dma_start3A_98 : memref<1x128xf32, #tpu.memory_space<vmem>> -> memref<128xf32, #tpu.memory_space<vmem>>
      tpu.enqueue_dma source(%dma_start3A_99 : memref<128xf32, #tpu.memory_space<vmem>>) target(%dma_start3A_96 : memref<128xf32, #tpu.memory_space<vmem_shared>>) target_semaphore(%run_scoped3A_92 : memref<!tpu.dma_semaphore, #tpu.memory_space<semaphore_mem>>)
      %dma_wait3A = arith.constant 0 : i32
      %dma_wait3A_100 = tpu.memref_slice %arg15[%run_scoped3A_50, %dma_wait3A] : memref<96x128xf32, #tpu.memory_space<vmem>> -> memref<1x128xf32, #tpu.memory_space<vmem>>
      %dma_wait3A_101 = tpu.memref_squeeze %dma_wait3A_100 : memref<1x128xf32, #tpu.memory_space<vmem>> -> memref<128xf32, #tpu.memory_space<vmem>>
      %dma_wait3A_102 = tpu.memref_slice %arg19[%add3A_49] : memref<10240xf32, #tpu.memory_space<vmem_shared>> -> memref<128xf32, #tpu.memory_space<vmem_shared>>
      %dma_wait3A_103 = tpu.memref_slice %arg19[%add3A_49] : memref<10240xf32, #tpu.memory_space<vmem_shared>> -> memref<128xf32, #tpu.memory_space<vmem_shared>>
      %dma_wait3A_104 = arith.constant 0 : i32
      %dma_wait3A_105 = tpu.memref_slice %arg15[%run_scoped3A_50, %dma_wait3A_104] : memref<96x128xf32, #tpu.memory_space<vmem>> -> memref<1x128xf32, #tpu.memory_space<vmem>>
      %dma_wait3A_106 = tpu.memref_squeeze %dma_wait3A_105 : memref<1x128xf32, #tpu.memory_space<vmem>> -> memref<128xf32, #tpu.memory_space<vmem>>
      tpu.wait_dma2 semaphore(%run_scoped3A_92 : memref<!tpu.dma_semaphore, #tpu.memory_space<semaphore_mem>>) src(%dma_wait3A_106 : memref<128xf32, #tpu.memory_space<vmem>>) dst(%dma_wait3A_103 : memref<128xf32, #tpu.memory_space<vmem_shared>>)
      tpu.yield
    }) : () -> ()
    %mul3A_51 = arith.constant 640 : i32
    %mul3A_52 = arith.muli %arg1, %mul3A_51 : i32
    %add3A_53 = arith.constant 256 : i32
    %add3A_54 = arith.addi %mul3A_52, %add3A_53 : i32
    %run_scoped3A_55 = arith.constant 0 : i32
    "tpu.region"() ({
      %run_scoped3A_92 = tpu.sem_alloc : memref<!tpu.dma_semaphore, #tpu.memory_space<semaphore_mem>>
      %dma_start3A = arith.constant 0 : i32
      %dma_start3A_93 = tpu.memref_slice %arg15[%run_scoped3A_55, %dma_start3A] : memref<96x128xf32, #tpu.memory_space<vmem>> -> memref<1x128xf32, #tpu.memory_space<vmem>>
      %dma_start3A_94 = tpu.memref_squeeze %dma_start3A_93 : memref<1x128xf32, #tpu.memory_space<vmem>> -> memref<128xf32, #tpu.memory_space<vmem>>
      %dma_start3A_95 = tpu.memref_slice %arg19[%add3A_54] : memref<10240xf32, #tpu.memory_space<vmem_shared>> -> memref<128xf32, #tpu.memory_space<vmem_shared>>
      %dma_start3A_96 = tpu.memref_slice %arg19[%add3A_54] : memref<10240xf32, #tpu.memory_space<vmem_shared>> -> memref<128xf32, #tpu.memory_space<vmem_shared>>
      %dma_start3A_97 = arith.constant 0 : i32
      %dma_start3A_98 = tpu.memref_slice %arg15[%run_scoped3A_55, %dma_start3A_97] : memref<96x128xf32, #tpu.memory_space<vmem>> -> memref<1x128xf32, #tpu.memory_space<vmem>>
      %dma_start3A_99 = tpu.memref_squeeze %dma_start3A_98 : memref<1x128xf32, #tpu.memory_space<vmem>> -> memref<128xf32, #tpu.memory_space<vmem>>
      tpu.enqueue_dma source(%dma_start3A_99 : memref<128xf32, #tpu.memory_space<vmem>>) target(%dma_start3A_96 : memref<128xf32, #tpu.memory_space<vmem_shared>>) target_semaphore(%run_scoped3A_92 : memref<!tpu.dma_semaphore, #tpu.memory_space<semaphore_mem>>)
      %dma_wait3A = arith.constant 0 : i32
      %dma_wait3A_100 = tpu.memref_slice %arg15[%run_scoped3A_55, %dma_wait3A] : memref<96x128xf32, #tpu.memory_space<vmem>> -> memref<1x128xf32, #tpu.memory_space<vmem>>
      %dma_wait3A_101 = tpu.memref_squeeze %dma_wait3A_100 : memref<1x128xf32, #tpu.memory_space<vmem>> -> memref<128xf32, #tpu.memory_space<vmem>>
      %dma_wait3A_102 = tpu.memref_slice %arg19[%add3A_54] : memref<10240xf32, #tpu.memory_space<vmem_shared>> -> memref<128xf32, #tpu.memory_space<vmem_shared>>
      %dma_wait3A_103 = tpu.memref_slice %arg19[%add3A_54] : memref<10240xf32, #tpu.memory_space<vmem_shared>> -> memref<128xf32, #tpu.memory_space<vmem_shared>>
      %dma_wait3A_104 = arith.constant 0 : i32
      %dma_wait3A_105 = tpu.memref_slice %arg15[%run_scoped3A_55, %dma_wait3A_104] : memref<96x128xf32, #tpu.memory_space<vmem>> -> memref<1x128xf32, #tpu.memory_space<vmem>>
      %dma_wait3A_106 = tpu.memref_squeeze %dma_wait3A_105 : memref<1x128xf32, #tpu.memory_space<vmem>> -> memref<128xf32, #tpu.memory_space<vmem>>
      tpu.wait_dma2 semaphore(%run_scoped3A_92 : memref<!tpu.dma_semaphore, #tpu.memory_space<semaphore_mem>>) src(%dma_wait3A_106 : memref<128xf32, #tpu.memory_space<vmem>>) dst(%dma_wait3A_103 : memref<128xf32, #tpu.memory_space<vmem_shared>>)
      tpu.yield
    }) : () -> ()
    %mul3A_56 = arith.constant 640 : i32
    %mul3A_57 = arith.muli %arg1, %mul3A_56 : i32
    %add3A_58 = arith.constant 384 : i32
    %add3A_59 = arith.addi %mul3A_57, %add3A_58 : i32
    %run_scoped3A_60 = arith.constant 0 : i32
    "tpu.region"() ({
      %run_scoped3A_92 = tpu.sem_alloc : memref<!tpu.dma_semaphore, #tpu.memory_space<semaphore_mem>>
      %dma_start3A = arith.constant 0 : i32
      %dma_start3A_93 = tpu.memref_slice %arg15[%run_scoped3A_60, %dma_start3A] : memref<96x128xf32, #tpu.memory_space<vmem>> -> memref<1x128xf32, #tpu.memory_space<vmem>>
      %dma_start3A_94 = tpu.memref_squeeze %dma_start3A_93 : memref<1x128xf32, #tpu.memory_space<vmem>> -> memref<128xf32, #tpu.memory_space<vmem>>
      %dma_start3A_95 = tpu.memref_slice %arg19[%add3A_59] : memref<10240xf32, #tpu.memory_space<vmem_shared>> -> memref<128xf32, #tpu.memory_space<vmem_shared>>
      %dma_start3A_96 = tpu.memref_slice %arg19[%add3A_59] : memref<10240xf32, #tpu.memory_space<vmem_shared>> -> memref<128xf32, #tpu.memory_space<vmem_shared>>
      %dma_start3A_97 = arith.constant 0 : i32
      %dma_start3A_98 = tpu.memref_slice %arg15[%run_scoped3A_60, %dma_start3A_97] : memref<96x128xf32, #tpu.memory_space<vmem>> -> memref<1x128xf32, #tpu.memory_space<vmem>>
      %dma_start3A_99 = tpu.memref_squeeze %dma_start3A_98 : memref<1x128xf32, #tpu.memory_space<vmem>> -> memref<128xf32, #tpu.memory_space<vmem>>
      tpu.enqueue_dma source(%dma_start3A_99 : memref<128xf32, #tpu.memory_space<vmem>>) target(%dma_start3A_96 : memref<128xf32, #tpu.memory_space<vmem_shared>>) target_semaphore(%run_scoped3A_92 : memref<!tpu.dma_semaphore, #tpu.memory_space<semaphore_mem>>)
      %dma_wait3A = arith.constant 0 : i32
      %dma_wait3A_100 = tpu.memref_slice %arg15[%run_scoped3A_60, %dma_wait3A] : memref<96x128xf32, #tpu.memory_space<vmem>> -> memref<1x128xf32, #tpu.memory_space<vmem>>
      %dma_wait3A_101 = tpu.memref_squeeze %dma_wait3A_100 : memref<1x128xf32, #tpu.memory_space<vmem>> -> memref<128xf32, #tpu.memory_space<vmem>>
      %dma_wait3A_102 = tpu.memref_slice %arg19[%add3A_59] : memref<10240xf32, #tpu.memory_space<vmem_shared>> -> memref<128xf32, #tpu.memory_space<vmem_shared>>
      %dma_wait3A_103 = tpu.memref_slice %arg19[%add3A_59] : memref<10240xf32, #tpu.memory_space<vmem_shared>> -> memref<128xf32, #tpu.memory_space<vmem_shared>>
      %dma_wait3A_104 = arith.constant 0 : i32
      %dma_wait3A_105 = tpu.memref_slice %arg15[%run_scoped3A_60, %dma_wait3A_104] : memref<96x128xf32, #tpu.memory_space<vmem>> -> memref<1x128xf32, #tpu.memory_space<vmem>>
      %dma_wait3A_106 = tpu.memref_squeeze %dma_wait3A_105 : memref<1x128xf32, #tpu.memory_space<vmem>> -> memref<128xf32, #tpu.memory_space<vmem>>
      tpu.wait_dma2 semaphore(%run_scoped3A_92 : memref<!tpu.dma_semaphore, #tpu.memory_space<semaphore_mem>>) src(%dma_wait3A_106 : memref<128xf32, #tpu.memory_space<vmem>>) dst(%dma_wait3A_103 : memref<128xf32, #tpu.memory_space<vmem_shared>>)
      tpu.yield
    }) : () -> ()
    %mul3A_61 = arith.constant 640 : i32
    %mul3A_62 = arith.muli %arg1, %mul3A_61 : i32
    %add3A_63 = arith.constant 512 : i32
    %add3A_64 = arith.addi %mul3A_62, %add3A_63 : i32
    %run_scoped3A_65 = arith.constant 0 : i32
    "tpu.region"() ({
      %run_scoped3A_92 = tpu.sem_alloc : memref<!tpu.dma_semaphore, #tpu.memory_space<semaphore_mem>>
      %dma_start3A = arith.constant 0 : i32
      %dma_start3A_93 = tpu.memref_slice %arg15[%run_scoped3A_65, %dma_start3A] : memref<96x128xf32, #tpu.memory_space<vmem>> -> memref<1x128xf32, #tpu.memory_space<vmem>>
      %dma_start3A_94 = tpu.memref_squeeze %dma_start3A_93 : memref<1x128xf32, #tpu.memory_space<vmem>> -> memref<128xf32, #tpu.memory_space<vmem>>
      %dma_start3A_95 = tpu.memref_slice %arg19[%add3A_64] : memref<10240xf32, #tpu.memory_space<vmem_shared>> -> memref<128xf32, #tpu.memory_space<vmem_shared>>
      %dma_start3A_96 = tpu.memref_slice %arg19[%add3A_64] : memref<10240xf32, #tpu.memory_space<vmem_shared>> -> memref<128xf32, #tpu.memory_space<vmem_shared>>
      %dma_start3A_97 = arith.constant 0 : i32
      %dma_start3A_98 = tpu.memref_slice %arg15[%run_scoped3A_65, %dma_start3A_97] : memref<96x128xf32, #tpu.memory_space<vmem>> -> memref<1x128xf32, #tpu.memory_space<vmem>>
      %dma_start3A_99 = tpu.memref_squeeze %dma_start3A_98 : memref<1x128xf32, #tpu.memory_space<vmem>> -> memref<128xf32, #tpu.memory_space<vmem>>
      tpu.enqueue_dma source(%dma_start3A_99 : memref<128xf32, #tpu.memory_space<vmem>>) target(%dma_start3A_96 : memref<128xf32, #tpu.memory_space<vmem_shared>>) target_semaphore(%run_scoped3A_92 : memref<!tpu.dma_semaphore, #tpu.memory_space<semaphore_mem>>)
      %dma_wait3A = arith.constant 0 : i32
      %dma_wait3A_100 = tpu.memref_slice %arg15[%run_scoped3A_65, %dma_wait3A] : memref<96x128xf32, #tpu.memory_space<vmem>> -> memref<1x128xf32, #tpu.memory_space<vmem>>
      %dma_wait3A_101 = tpu.memref_squeeze %dma_wait3A_100 : memref<1x128xf32, #tpu.memory_space<vmem>> -> memref<128xf32, #tpu.memory_space<vmem>>
      %dma_wait3A_102 = tpu.memref_slice %arg19[%add3A_64] : memref<10240xf32, #tpu.memory_space<vmem_shared>> -> memref<128xf32, #tpu.memory_space<vmem_shared>>
      %dma_wait3A_103 = tpu.memref_slice %arg19[%add3A_64] : memref<10240xf32, #tpu.memory_space<vmem_shared>> -> memref<128xf32, #tpu.memory_space<vmem_shared>>
      %dma_wait3A_104 = arith.constant 0 : i32
      %dma_wait3A_105 = tpu.memref_slice %arg15[%run_scoped3A_65, %dma_wait3A_104] : memref<96x128xf32, #tpu.memory_space<vmem>> -> memref<1x128xf32, #tpu.memory_space<vmem>>
      %dma_wait3A_106 = tpu.memref_squeeze %dma_wait3A_105 : memref<1x128xf32, #tpu.memory_space<vmem>> -> memref<128xf32, #tpu.memory_space<vmem>>
      tpu.wait_dma2 semaphore(%run_scoped3A_92 : memref<!tpu.dma_semaphore, #tpu.memory_space<semaphore_mem>>) src(%dma_wait3A_106 : memref<128xf32, #tpu.memory_space<vmem>>) dst(%dma_wait3A_103 : memref<128xf32, #tpu.memory_space<vmem_shared>>)
      tpu.yield
    }) : () -> ()
    %barrier3A = arith.constant 0 : index
    tpu.barrier barrier_id(%barrier3A)
    %while3A = arith.constant 0 : i32
    %while3A_66 = arith.constant 0 : i32
    %while3A_67 = arith.subi %select_n3A_6, %while3A : i32
    %while3A_68 = arith.addi %while3A, %while3A_67 : i32
    %while3A_69 = arith.constant 1 : i32
    %while3A_70 = arith.divsi %while3A_67, %while3A_69 : i32
    %while3A_71 = arith.muli %while3A_70, %while3A_69 : i32
    %while3A_72 = arith.addi %while3A, %while3A_71 : i32
    %while3A_73 = arith.constant 1 : i32
    %while3A_74 = scf.for %while3A_92 = %while3A to %while3A_72 step %while3A_73 iter_args(%while3A_93 = %while3A_66) -> (i32)  : i32 {
      %mul3A_94 = arith.constant 96 : i32
      %mul3A_95 = arith.muli %while3A_92, %mul3A_94 : i32
      %add3A_96 = arith.addi %select_n3A, %mul3A_95 : i32
      "tpu.region"() ({
        %run_scoped3A_416 = tpu.sem_alloc : memref<!tpu.dma_semaphore, #tpu.memory_space<semaphore_mem>>
        %dma_start3A_417 = arith.constant 0 : i32
        %dma_start3A_418 = tpu.memref_slice %arg11[%while3A_92, %dma_start3A_417] : memref<128x96xi32, #tpu.memory_space<vmem>> -> memref<1x96xi32, #tpu.memory_space<vmem>>
        %dma_start3A_419 = tpu.memref_squeeze %dma_start3A_418 : memref<1x96xi32, #tpu.memory_space<vmem>> -> memref<96xi32, #tpu.memory_space<vmem>>
        %dma_start3A_420 = tpu.memref_slice %arg2[%add3A_96] : memref<335616xi32, #tpu.memory_space<hbm>> -> memref<96xi32, #tpu.memory_space<hbm>>
        %dma_start3A_421 = arith.constant 0 : i32
        %dma_start3A_422 = tpu.memref_slice %arg11[%while3A_92, %dma_start3A_421] : memref<128x96xi32, #tpu.memory_space<vmem>> -> memref<1x96xi32, #tpu.memory_space<vmem>>
        %dma_start3A_423 = tpu.memref_squeeze %dma_start3A_422 : memref<1x96xi32, #tpu.memory_space<vmem>> -> memref<96xi32, #tpu.memory_space<vmem>>
        %dma_start3A_424 = tpu.memref_slice %arg2[%add3A_96] : memref<335616xi32, #tpu.memory_space<hbm>> -> memref<96xi32, #tpu.memory_space<hbm>>
        tpu.enqueue_dma source(%dma_start3A_424 : memref<96xi32, #tpu.memory_space<hbm>>) target(%dma_start3A_423 : memref<96xi32, #tpu.memory_space<vmem>>) target_semaphore(%run_scoped3A_416 : memref<!tpu.dma_semaphore, #tpu.memory_space<semaphore_mem>>)
        %dma_wait3A_425 = arith.constant 0 : i32
        %dma_wait3A_426 = tpu.memref_slice %arg11[%while3A_92, %dma_wait3A_425] : memref<128x96xi32, #tpu.memory_space<vmem>> -> memref<1x96xi32, #tpu.memory_space<vmem>>
        %dma_wait3A_427 = tpu.memref_squeeze %dma_wait3A_426 : memref<1x96xi32, #tpu.memory_space<vmem>> -> memref<96xi32, #tpu.memory_space<vmem>>
        %dma_wait3A_428 = tpu.memref_slice %arg2[%add3A_96] : memref<335616xi32, #tpu.memory_space<hbm>> -> memref<96xi32, #tpu.memory_space<hbm>>
        %dma_wait3A_429 = arith.constant 0 : i32
        %dma_wait3A_430 = tpu.memref_slice %arg11[%while3A_92, %dma_wait3A_429] : memref<128x96xi32, #tpu.memory_space<vmem>> -> memref<1x96xi32, #tpu.memory_space<vmem>>
        %dma_wait3A_431 = tpu.memref_squeeze %dma_wait3A_430 : memref<1x96xi32, #tpu.memory_space<vmem>> -> memref<96xi32, #tpu.memory_space<vmem>>
        %dma_wait3A_432 = tpu.memref_slice %arg2[%add3A_96] : memref<335616xi32, #tpu.memory_space<hbm>> -> memref<96xi32, #tpu.memory_space<hbm>>
        tpu.wait_dma2 semaphore(%run_scoped3A_416 : memref<!tpu.dma_semaphore, #tpu.memory_space<semaphore_mem>>) src(%dma_wait3A_432 : memref<96xi32, #tpu.memory_space<hbm>>) dst(%dma_wait3A_431 : memref<96xi32, #tpu.memory_space<vmem>>)
        tpu.yield
      }) : () -> ()
      %mul3A_97 = arith.constant 96 : i32
      %mul3A_98 = arith.muli %while3A_92, %mul3A_97 : i32
      %add3A_99 = arith.constant 0 : i32
      %add3A_100 = arith.addi %mul3A_98, %add3A_99 : i32
      %get3A = arith.index_cast %while3A_92 : i32 to index
      %get3A_101 = arith.constant 0 : index
      %get3A_102 = tpu.vector_load %arg11[%get3A, %get3A_101] {strides = array<i32>} : memref<128x96xi32, #tpu.memory_space<vmem>>, vector<16xi32>,
      %mul3A_103 = arith.constant 10000 : i32
      %mul3A_104 = vector.broadcast %mul3A_103 : i32 to vector<16xi32>
      %mul3A_105 = arith.muli %get3A_102, %mul3A_104 : vector<16xi32>
      %get3A_106 = arith.index_cast %add3A_100 : i32 to index
      %get3A_107 = tpu.vector_load %arg10[%get3A_106] {strides = array<i32>} : memref<12288xi32, #tpu.memory_space<vmem>>, vector<16xi32>,
      %add3A_108 = arith.addi %mul3A_105, %get3A_107 : vector<16xi32>
      %swap3A = arith.constant 0 : index
      %swap3A_109 = tpu.vector_load %arg12[%swap3A] {strides = array<i32>} : memref<96xi32, #tpu.memory_space<vmem>>, vector<16xi32>,
      tpu.vector_store %arg12[%swap3A], %add3A_108 {strides = array<i32>} : memref<96xi32, #tpu.memory_space<vmem>>, vector<16xi32>,
      %mul3A_110 = arith.constant 96 : i32
      %mul3A_111 = arith.muli %while3A_92, %mul3A_110 : i32
      %add3A_112 = arith.constant 16 : i32
      %add3A_113 = arith.addi %mul3A_111, %add3A_112 : i32
      %get3A_114 = arith.index_cast %while3A_92 : i32 to index
      %get3A_115 = arith.constant 16 : index
      %get3A_116 = tpu.vector_load %arg11[%get3A_114, %get3A_115] {strides = array<i32>} : memref<128x96xi32, #tpu.memory_space<vmem>>, vector<16xi32>,
      %mul3A_117 = arith.constant 10000 : i32
      %mul3A_118 = vector.broadcast %mul3A_117 : i32 to vector<16xi32>
      %mul3A_119 = arith.muli %get3A_116, %mul3A_118 : vector<16xi32>
      %get3A_120 = arith.index_cast %add3A_113 : i32 to index
      %get3A_121 = tpu.vector_load %arg10[%get3A_120] {strides = array<i32>} : memref<12288xi32, #tpu.memory_space<vmem>>, vector<16xi32>,
      %add3A_122 = arith.addi %mul3A_119, %get3A_121 : vector<16xi32>
      %swap3A_123 = arith.constant 16 : index
      %swap3A_124 = tpu.vector_load %arg12[%swap3A_123] {strides = array<i32>} : memref<96xi32, #tpu.memory_space<vmem>>, vector<16xi32>,
      tpu.vector_store %arg12[%swap3A_123], %add3A_122 {strides = array<i32>} : memref<96xi32, #tpu.memory_space<vmem>>, vector<16xi32>,
      %mul3A_125 = arith.constant 96 : i32
      %mul3A_126 = arith.muli %while3A_92, %mul3A_125 : i32
      %add3A_127 = arith.constant 32 : i32
      %add3A_128 = arith.addi %mul3A_126, %add3A_127 : i32
      %get3A_129 = arith.index_cast %while3A_92 : i32 to index
      %get3A_130 = arith.constant 32 : index
      %get3A_131 = tpu.vector_load %arg11[%get3A_129, %get3A_130] {strides = array<i32>} : memref<128x96xi32, #tpu.memory_space<vmem>>, vector<16xi32>,
      %mul3A_132 = arith.constant 10000 : i32
      %mul3A_133 = vector.broadcast %mul3A_132 : i32 to vector<16xi32>
      %mul3A_134 = arith.muli %get3A_131, %mul3A_133 : vector<16xi32>
      %get3A_135 = arith.index_cast %add3A_128 : i32 to index
      %get3A_136 = tpu.vector_load %arg10[%get3A_135] {strides = array<i32>} : memref<12288xi32, #tpu.memory_space<vmem>>, vector<16xi32>,
      %add3A_137 = arith.addi %mul3A_134, %get3A_136 : vector<16xi32>
      %swap3A_138 = arith.constant 32 : index
      %swap3A_139 = tpu.vector_load %arg12[%swap3A_138] {strides = array<i32>} : memref<96xi32, #tpu.memory_space<vmem>>, vector<16xi32>,
      tpu.vector_store %arg12[%swap3A_138], %add3A_137 {strides = array<i32>} : memref<96xi32, #tpu.memory_space<vmem>>, vector<16xi32>,
      %mul3A_140 = arith.constant 96 : i32
      %mul3A_141 = arith.muli %while3A_92, %mul3A_140 : i32
      %add3A_142 = arith.constant 48 : i32
      %add3A_143 = arith.addi %mul3A_141, %add3A_142 : i32
      %get3A_144 = arith.index_cast %while3A_92 : i32 to index
      %get3A_145 = arith.constant 48 : index
      %get3A_146 = tpu.vector_load %arg11[%get3A_144, %get3A_145] {strides = array<i32>} : memref<128x96xi32, #tpu.memory_space<vmem>>, vector<16xi32>,
      %mul3A_147 = arith.constant 10000 : i32
      %mul3A_148 = vector.broadcast %mul3A_147 : i32 to vector<16xi32>
      %mul3A_149 = arith.muli %get3A_146, %mul3A_148 : vector<16xi32>
      %get3A_150 = arith.index_cast %add3A_143 : i32 to index
      %get3A_151 = tpu.vector_load %arg10[%get3A_150] {strides = array<i32>} : memref<12288xi32, #tpu.memory_space<vmem>>, vector<16xi32>,
      %add3A_152 = arith.addi %mul3A_149, %get3A_151 : vector<16xi32>
      %swap3A_153 = arith.constant 48 : index
      %swap3A_154 = tpu.vector_load %arg12[%swap3A_153] {strides = array<i32>} : memref<96xi32, #tpu.memory_space<vmem>>, vector<16xi32>,
      tpu.vector_store %arg12[%swap3A_153], %add3A_152 {strides = array<i32>} : memref<96xi32, #tpu.memory_space<vmem>>, vector<16xi32>,
      %mul3A_155 = arith.constant 96 : i32
      %mul3A_156 = arith.muli %while3A_92, %mul3A_155 : i32
      %add3A_157 = arith.constant 64 : i32
      %add3A_158 = arith.addi %mul3A_156, %add3A_157 : i32
      %get3A_159 = arith.index_cast %while3A_92 : i32 to index
      %get3A_160 = arith.constant 64 : index
      %get3A_161 = tpu.vector_load %arg11[%get3A_159, %get3A_160] {strides = array<i32>} : memref<128x96xi32, #tpu.memory_space<vmem>>, vector<16xi32>,
      %mul3A_162 = arith.constant 10000 : i32
      %mul3A_163 = vector.broadcast %mul3A_162 : i32 to vector<16xi32>
      %mul3A_164 = arith.muli %get3A_161, %mul3A_163 : vector<16xi32>
      %get3A_165 = arith.index_cast %add3A_158 : i32 to index
      %get3A_166 = tpu.vector_load %arg10[%get3A_165] {strides = array<i32>} : memref<12288xi32, #tpu.memory_space<vmem>>, vector<16xi32>,
      %add3A_167 = arith.addi %mul3A_164, %get3A_166 : vector<16xi32>
      %swap3A_168 = arith.constant 64 : index
      %swap3A_169 = tpu.vector_load %arg12[%swap3A_168] {strides = array<i32>} : memref<96xi32, #tpu.memory_space<vmem>>, vector<16xi32>,
      tpu.vector_store %arg12[%swap3A_168], %add3A_167 {strides = array<i32>} : memref<96xi32, #tpu.memory_space<vmem>>, vector<16xi32>,
      %mul3A_170 = arith.constant 96 : i32
      %mul3A_171 = arith.muli %while3A_92, %mul3A_170 : i32
      %add3A_172 = arith.constant 80 : i32
      %add3A_173 = arith.addi %mul3A_171, %add3A_172 : i32
      %get3A_174 = arith.index_cast %while3A_92 : i32 to index
      %get3A_175 = arith.constant 80 : index
      %get3A_176 = tpu.vector_load %arg11[%get3A_174, %get3A_175] {strides = array<i32>} : memref<128x96xi32, #tpu.memory_space<vmem>>, vector<16xi32>,
      %mul3A_177 = arith.constant 10000 : i32
      %mul3A_178 = vector.broadcast %mul3A_177 : i32 to vector<16xi32>
      %mul3A_179 = arith.muli %get3A_176, %mul3A_178 : vector<16xi32>
      %get3A_180 = arith.index_cast %add3A_173 : i32 to index
      %get3A_181 = tpu.vector_load %arg10[%get3A_180] {strides = array<i32>} : memref<12288xi32, #tpu.memory_space<vmem>>, vector<16xi32>,
      %add3A_182 = arith.addi %mul3A_179, %get3A_181 : vector<16xi32>
      %swap3A_183 = arith.constant 80 : index
      %swap3A_184 = tpu.vector_load %arg12[%swap3A_183] {strides = array<i32>} : memref<96xi32, #tpu.memory_space<vmem>>, vector<16xi32>,
      tpu.vector_store %arg12[%swap3A_183], %add3A_182 {strides = array<i32>} : memref<96xi32, #tpu.memory_space<vmem>>, vector<16xi32>,
      %dma_start3A = arith.constant 0 : i32
      %dma_start3A_185 = tpu.memref_slice %arg4[%dma_start3A] : memref<100000000xi32, #tpu.memory_space<hbm>> -> memref<100000000xi32, #tpu.memory_space<hbm>>
      tpu.enqueue_indirect_dma source(%dma_start3A_185 : memref<100000000xi32, #tpu.memory_space<hbm>>) target(%arg16 : memref<96xi32, #tpu.memory_space<vmem>>) offsets(%arg12 : memref<96xi32, #tpu.memory_space<vmem>>) semaphore(%arg20 : memref<!tpu.dma_semaphore, #tpu.memory_space<semaphore_mem>>)
      %dma_start3A_186 = arith.constant 0 : i32
      %dma_start3A_187 = tpu.memref_slice %arg11[%while3A_92, %dma_start3A_186] : memref<128x96xi32, #tpu.memory_space<vmem>> -> memref<1x96xi32, #tpu.memory_space<vmem>>
      %dma_start3A_188 = tpu.memref_squeeze %dma_start3A_187 : memref<1x96xi32, #tpu.memory_space<vmem>> -> memref<96xi32, #tpu.memory_space<vmem>>
      %dma_start3A_189 = arith.constant 0 : i32
      %dma_start3A_190 = tpu.memref_slice %arg6[%dma_start3A_189] : memref<10000xf32, #tpu.memory_space<hbm>> -> memref<10000xf32, #tpu.memory_space<hbm>>
      tpu.enqueue_indirect_dma source(%dma_start3A_190 : memref<10000xf32, #tpu.memory_space<hbm>>) target(%arg13 : memref<96xf32, #tpu.memory_space<vmem>>) offsets(%dma_start3A_188 : memref<96xi32, #tpu.memory_space<vmem>>) semaphore(%arg20 : memref<!tpu.dma_semaphore, #tpu.memory_space<semaphore_mem>>)
      %mul3A_191 = arith.constant 96 : i32
      %mul3A_192 = arith.muli %while3A_92, %mul3A_191 : i32
      %dma_start3A_193 = tpu.memref_slice %arg10[%mul3A_192] : memref<12288xi32, #tpu.memory_space<vmem>> -> memref<96xi32, #tpu.memory_space<vmem>>
      %dma_start3A_194 = arith.constant 0 : i32
      %dma_start3A_195 = tpu.memref_slice %arg7[%dma_start3A_194] : memref<10000xf32, #tpu.memory_space<hbm>> -> memref<10000xf32, #tpu.memory_space<hbm>>
      tpu.enqueue_indirect_dma source(%dma_start3A_195 : memref<10000xf32, #tpu.memory_space<hbm>>) target(%arg14 : memref<96xf32, #tpu.memory_space<vmem>>) offsets(%dma_start3A_193 : memref<96xi32, #tpu.memory_space<vmem>>) semaphore(%arg20 : memref<!tpu.dma_semaphore, #tpu.memory_space<semaphore_mem>>)
      %mul3A_196 = arith.constant 96 : i32
      %mul3A_197 = arith.muli %while3A_92, %mul3A_196 : i32
      %dma_start3A_198 = tpu.memref_slice %arg10[%mul3A_197] : memref<12288xi32, #tpu.memory_space<vmem>> -> memref<96xi32, #tpu.memory_space<vmem>>
      %dma_start3A_199 = arith.constant 0 : i32
      %dma_start3A_200 = arith.constant 0 : i32
      %dma_start3A_201 = tpu.memref_slice %arg5[%dma_start3A_199, %dma_start3A_200] : memref<10000x128xf32, #tpu.memory_space<hbm>> -> memref<10000x128xf32, #tpu.memory_space<hbm>>
      tpu.enqueue_indirect_dma source(%dma_start3A_201 : memref<10000x128xf32, #tpu.memory_space<hbm>>) target(%arg15 : memref<96x128xf32, #tpu.memory_space<vmem>>) offsets(%dma_start3A_198 : memref<96xi32, #tpu.memory_space<vmem>>) semaphore(%arg21 : memref<!tpu.dma_semaphore, #tpu.memory_space<semaphore_mem>>)
      %dma_wait3A = arith.constant 0 : i32
      %dma_wait3A_202 = tpu.memref_slice %arg4[%dma_wait3A] : memref<100000000xi32, #tpu.memory_space<hbm>> -> memref<100000000xi32, #tpu.memory_space<hbm>>
      tpu.wait_indirect_dma semaphore(%arg20 : memref<!tpu.dma_semaphore, #tpu.memory_space<semaphore_mem>>) src(%dma_wait3A_202 : memref<100000000xi32, #tpu.memory_space<hbm>>) dst(%arg16 : memref<96xi32, #tpu.memory_space<vmem>>)
      %dma_wait3A_203 = arith.constant 0 : i32
      %dma_wait3A_204 = tpu.memref_slice %arg11[%while3A_92, %dma_wait3A_203] : memref<128x96xi32, #tpu.memory_space<vmem>> -> memref<1x96xi32, #tpu.memory_space<vmem>>
      %dma_wait3A_205 = tpu.memref_squeeze %dma_wait3A_204 : memref<1x96xi32, #tpu.memory_space<vmem>> -> memref<96xi32, #tpu.memory_space<vmem>>
      %dma_wait3A_206 = arith.constant 0 : i32
      %dma_wait3A_207 = tpu.memref_slice %arg6[%dma_wait3A_206] : memref<10000xf32, #tpu.memory_space<hbm>> -> memref<10000xf32, #tpu.memory_space<hbm>>
      tpu.wait_indirect_dma semaphore(%arg20 : memref<!tpu.dma_semaphore, #tpu.memory_space<semaphore_mem>>) src(%dma_wait3A_207 : memref<10000xf32, #tpu.memory_space<hbm>>) dst(%arg13 : memref<96xf32, #tpu.memory_space<vmem>>)
      %dma_wait3A_208 = tpu.memref_slice %arg10[%mul3A_192] : memref<12288xi32, #tpu.memory_space<vmem>> -> memref<96xi32, #tpu.memory_space<vmem>>
      %dma_wait3A_209 = arith.constant 0 : i32
      %dma_wait3A_210 = tpu.memref_slice %arg7[%dma_wait3A_209] : memref<10000xf32, #tpu.memory_space<hbm>> -> memref<10000xf32, #tpu.memory_space<hbm>>
      tpu.wait_indirect_dma semaphore(%arg20 : memref<!tpu.dma_semaphore, #tpu.memory_space<semaphore_mem>>) src(%dma_wait3A_210 : memref<10000xf32, #tpu.memory_space<hbm>>) dst(%arg14 : memref<96xf32, #tpu.memory_space<vmem>>)
      %mul3A_211 = arith.constant 96 : i32
      %mul3A_212 = arith.muli %while3A_92, %mul3A_211 : i32
      %add3A_213 = arith.constant 0 : i32
      %add3A_214 = arith.addi %mul3A_212, %add3A_213 : i32
      %add3A_215 = arith.addi %select_n3A, %add3A_214 : i32
      %iota3A = tpu.iota {dimensions = array<i32: 0>} : vector<16xi32>
      %add3A_216 = vector.broadcast %add3A_215 : i32 to vector<16xi32>
      %add3A_217 = arith.addi %add3A_216, %iota3A : vector<16xi32>
      %get3A_218 = arith.constant 0 : index
      %get3A_219 = tpu.vector_load %arg13[%get3A_218] {strides = array<i32>} : memref<96xf32, #tpu.memory_space<vmem>>, vector<16xf32>,
      %get3A_220 = arith.constant 0 : index
      %get3A_221 = tpu.vector_load %arg14[%get3A_220] {strides = array<i32>} : memref<96xf32, #tpu.memory_space<vmem>>, vector<16xf32>,
      %add3A_222 = arith.addf %get3A_219, %get3A_221 : vector<16xf32>
      %gt3A = arith.constant 0.000000e+00 : f32
      %gt3A_223 = vector.broadcast %gt3A : f32 to vector<16xf32>
      %gt3A_224 = arith.cmpf ogt, %add3A_222, %gt3A_223 : vector<16xf32>
      %mul3A_225 = arith.constant 0.00999999977 : f32
      %mul3A_226 = vector.broadcast %mul3A_225 : f32 to vector<16xf32>
      %mul3A_227 = arith.mulf %add3A_222, %mul3A_226 : vector<16xf32>
      %select_n3A_228 = arith.select %gt3A_224, %add3A_222, %mul3A_227 : vector<16xi1>, vector<16xf32>
      %get3A_229 = arith.constant 0 : index
      %get3A_230 = tpu.vector_load %arg16[%get3A_229] {strides = array<i32>} : memref<96xi32, #tpu.memory_space<vmem>>, vector<16xi32>,
      %eq3A_231 = arith.cmpi eq, %get3A_230, %add3A_217 : vector<16xi32>
      %exp3A = math.exp %select_n3A_228 : vector<16xf32>
      %jit3A_232 = arith.constant 0.000000e+00 : f32
      %broadcast_in_dim3A_233 = vector.broadcast %jit3A_232 : f32 to vector<16xf32>
      %select_n3A_234 = arith.select %eq3A_231, %exp3A, %broadcast_in_dim3A_233 : vector<16xi1>, vector<16xf32>
      %swap3A_235 = arith.constant 0 : index
      %swap3A_236 = tpu.vector_load %arg17[%swap3A_235] {strides = array<i32>} : memref<96xf32, #tpu.memory_space<vmem>>, vector<16xf32>,
      tpu.vector_store %arg17[%swap3A_235], %select_n3A_234 {strides = array<i32>} : memref<96xf32, #tpu.memory_space<vmem>>, vector<16xf32>,
      %mul3A_237 = arith.constant 96 : i32
      %mul3A_238 = arith.muli %while3A_92, %mul3A_237 : i32
      %add3A_239 = arith.constant 16 : i32
      %add3A_240 = arith.addi %mul3A_238, %add3A_239 : i32
      %add3A_241 = arith.addi %select_n3A, %add3A_240 : i32
      %iota3A_242 = tpu.iota {dimensions = array<i32: 0>} : vector<16xi32>
      %add3A_243 = vector.broadcast %add3A_241 : i32 to vector<16xi32>
      %add3A_244 = arith.addi %add3A_243, %iota3A_242 : vector<16xi32>
      %get3A_245 = arith.constant 16 : index
      %get3A_246 = tpu.vector_load %arg13[%get3A_245] {strides = array<i32>} : memref<96xf32, #tpu.memory_space<vmem>>, vector<16xf32>,
      %get3A_247 = arith.constant 16 : index
      %get3A_248 = tpu.vector_load %arg14[%get3A_247] {strides = array<i32>} : memref<96xf32, #tpu.memory_space<vmem>>, vector<16xf32>,
      %add3A_249 = arith.addf %get3A_246, %get3A_248 : vector<16xf32>
      %gt3A_250 = arith.constant 0.000000e+00 : f32
      %gt3A_251 = vector.broadcast %gt3A_250 : f32 to vector<16xf32>
      %gt3A_252 = arith.cmpf ogt, %add3A_249, %gt3A_251 : vector<16xf32>
      %mul3A_253 = arith.constant 0.00999999977 : f32
      %mul3A_254 = vector.broadcast %mul3A_253 : f32 to vector<16xf32>
      %mul3A_255 = arith.mulf %add3A_249, %mul3A_254 : vector<16xf32>
      %select_n3A_256 = arith.select %gt3A_252, %add3A_249, %mul3A_255 : vector<16xi1>, vector<16xf32>
      %get3A_257 = arith.constant 16 : index
      %get3A_258 = tpu.vector_load %arg16[%get3A_257] {strides = array<i32>} : memref<96xi32, #tpu.memory_space<vmem>>, vector<16xi32>,
      %eq3A_259 = arith.cmpi eq, %get3A_258, %add3A_244 : vector<16xi32>
      %exp3A_260 = math.exp %select_n3A_256 : vector<16xf32>
      %jit3A_261 = arith.constant 0.000000e+00 : f32
      %broadcast_in_dim3A_262 = vector.broadcast %jit3A_261 : f32 to vector<16xf32>
      %select_n3A_263 = arith.select %eq3A_259, %exp3A_260, %broadcast_in_dim3A_262 : vector<16xi1>, vector<16xf32>
      %swap3A_264 = arith.constant 16 : index
      %swap3A_265 = tpu.vector_load %arg17[%swap3A_264] {strides = array<i32>} : memref<96xf32, #tpu.memory_space<vmem>>, vector<16xf32>,
      tpu.vector_store %arg17[%swap3A_264], %select_n3A_263 {strides = array<i32>} : memref<96xf32, #tpu.memory_space<vmem>>, vector<16xf32>,
      %mul3A_266 = arith.constant 96 : i32
      %mul3A_267 = arith.muli %while3A_92, %mul3A_266 : i32
      %add3A_268 = arith.constant 32 : i32
      %add3A_269 = arith.addi %mul3A_267, %add3A_268 : i32
      %add3A_270 = arith.addi %select_n3A, %add3A_269 : i32
      %iota3A_271 = tpu.iota {dimensions = array<i32: 0>} : vector<16xi32>
      %add3A_272 = vector.broadcast %add3A_270 : i32 to vector<16xi32>
      %add3A_273 = arith.addi %add3A_272, %iota3A_271 : vector<16xi32>
      %get3A_274 = arith.constant 32 : index
      %get3A_275 = tpu.vector_load %arg13[%get3A_274] {strides = array<i32>} : memref<96xf32, #tpu.memory_space<vmem>>, vector<16xf32>,
      %get3A_276 = arith.constant 32 : index
      %get3A_277 = tpu.vector_load %arg14[%get3A_276] {strides = array<i32>} : memref<96xf32, #tpu.memory_space<vmem>>, vector<16xf32>,
      %add3A_278 = arith.addf %get3A_275, %get3A_277 : vector<16xf32>
      %gt3A_279 = arith.constant 0.000000e+00 : f32
      %gt3A_280 = vector.broadcast %gt3A_279 : f32 to vector<16xf32>
      %gt3A_281 = arith.cmpf ogt, %add3A_278, %gt3A_280 : vector<16xf32>
      %mul3A_282 = arith.constant 0.00999999977 : f32
      %mul3A_283 = vector.broadcast %mul3A_282 : f32 to vector<16xf32>
      %mul3A_284 = arith.mulf %add3A_278, %mul3A_283 : vector<16xf32>
      %select_n3A_285 = arith.select %gt3A_281, %add3A_278, %mul3A_284 : vector<16xi1>, vector<16xf32>
      %get3A_286 = arith.constant 32 : index
      %get3A_287 = tpu.vector_load %arg16[%get3A_286] {strides = array<i32>} : memref<96xi32, #tpu.memory_space<vmem>>, vector<16xi32>,
      %eq3A_288 = arith.cmpi eq, %get3A_287, %add3A_273 : vector<16xi32>
      %exp3A_289 = math.exp %select_n3A_285 : vector<16xf32>
      %jit3A_290 = arith.constant 0.000000e+00 : f32
      %broadcast_in_dim3A_291 = vector.broadcast %jit3A_290 : f32 to vector<16xf32>
      %select_n3A_292 = arith.select %eq3A_288, %exp3A_289, %broadcast_in_dim3A_291 : vector<16xi1>, vector<16xf32>
      %swap3A_293 = arith.constant 32 : index
      %swap3A_294 = tpu.vector_load %arg17[%swap3A_293] {strides = array<i32>} : memref<96xf32, #tpu.memory_space<vmem>>, vector<16xf32>,
      tpu.vector_store %arg17[%swap3A_293], %select_n3A_292 {strides = array<i32>} : memref<96xf32, #tpu.memory_space<vmem>>, vector<16xf32>,
      %mul3A_295 = arith.constant 96 : i32
      %mul3A_296 = arith.muli %while3A_92, %mul3A_295 : i32
      %add3A_297 = arith.constant 48 : i32
      %add3A_298 = arith.addi %mul3A_296, %add3A_297 : i32
      %add3A_299 = arith.addi %select_n3A, %add3A_298 : i32
      %iota3A_300 = tpu.iota {dimensions = array<i32: 0>} : vector<16xi32>
      %add3A_301 = vector.broadcast %add3A_299 : i32 to vector<16xi32>
      %add3A_302 = arith.addi %add3A_301, %iota3A_300 : vector<16xi32>
      %get3A_303 = arith.constant 48 : index
      %get3A_304 = tpu.vector_load %arg13[%get3A_303] {strides = array<i32>} : memref<96xf32, #tpu.memory_space<vmem>>, vector<16xf32>,
      %get3A_305 = arith.constant 48 : index
      %get3A_306 = tpu.vector_load %arg14[%get3A_305] {strides = array<i32>} : memref<96xf32, #tpu.memory_space<vmem>>, vector<16xf32>,
      %add3A_307 = arith.addf %get3A_304, %get3A_306 : vector<16xf32>
      %gt3A_308 = arith.constant 0.000000e+00 : f32
      %gt3A_309 = vector.broadcast %gt3A_308 : f32 to vector<16xf32>
      %gt3A_310 = arith.cmpf ogt, %add3A_307, %gt3A_309 : vector<16xf32>
      %mul3A_311 = arith.constant 0.00999999977 : f32
      %mul3A_312 = vector.broadcast %mul3A_311 : f32 to vector<16xf32>
      %mul3A_313 = arith.mulf %add3A_307, %mul3A_312 : vector<16xf32>
      %select_n3A_314 = arith.select %gt3A_310, %add3A_307, %mul3A_313 : vector<16xi1>, vector<16xf32>
      %get3A_315 = arith.constant 48 : index
      %get3A_316 = tpu.vector_load %arg16[%get3A_315] {strides = array<i32>} : memref<96xi32, #tpu.memory_space<vmem>>, vector<16xi32>,
      %eq3A_317 = arith.cmpi eq, %get3A_316, %add3A_302 : vector<16xi32>
      %exp3A_318 = math.exp %select_n3A_314 : vector<16xf32>
      %jit3A_319 = arith.constant 0.000000e+00 : f32
      %broadcast_in_dim3A_320 = vector.broadcast %jit3A_319 : f32 to vector<16xf32>
      %select_n3A_321 = arith.select %eq3A_317, %exp3A_318, %broadcast_in_dim3A_320 : vector<16xi1>, vector<16xf32>
      %swap3A_322 = arith.constant 48 : index
      %swap3A_323 = tpu.vector_load %arg17[%swap3A_322] {strides = array<i32>} : memref<96xf32, #tpu.memory_space<vmem>>, vector<16xf32>,
      tpu.vector_store %arg17[%swap3A_322], %select_n3A_321 {strides = array<i32>} : memref<96xf32, #tpu.memory_space<vmem>>, vector<16xf32>,
      %mul3A_324 = arith.constant 96 : i32
      %mul3A_325 = arith.muli %while3A_92, %mul3A_324 : i32
      %add3A_326 = arith.constant 64 : i32
      %add3A_327 = arith.addi %mul3A_325, %add3A_326 : i32
      %add3A_328 = arith.addi %select_n3A, %add3A_327 : i32
      %iota3A_329 = tpu.iota {dimensions = array<i32: 0>} : vector<16xi32>
      %add3A_330 = vector.broadcast %add3A_328 : i32 to vector<16xi32>
      %add3A_331 = arith.addi %add3A_330, %iota3A_329 : vector<16xi32>
      %get3A_332 = arith.constant 64 : index
      %get3A_333 = tpu.vector_load %arg13[%get3A_332] {strides = array<i32>} : memref<96xf32, #tpu.memory_space<vmem>>, vector<16xf32>,
      %get3A_334 = arith.constant 64 : index
      %get3A_335 = tpu.vector_load %arg14[%get3A_334] {strides = array<i32>} : memref<96xf32, #tpu.memory_space<vmem>>, vector<16xf32>,
      %add3A_336 = arith.addf %get3A_333, %get3A_335 : vector<16xf32>
      %gt3A_337 = arith.constant 0.000000e+00 : f32
      %gt3A_338 = vector.broadcast %gt3A_337 : f32 to vector<16xf32>
      %gt3A_339 = arith.cmpf ogt, %add3A_336, %gt3A_338 : vector<16xf32>
      %mul3A_340 = arith.constant 0.00999999977 : f32
      %mul3A_341 = vector.broadcast %mul3A_340 : f32 to vector<16xf32>
      %mul3A_342 = arith.mulf %add3A_336, %mul3A_341 : vector<16xf32>
      %select_n3A_343 = arith.select %gt3A_339, %add3A_336, %mul3A_342 : vector<16xi1>, vector<16xf32>
      %get3A_344 = arith.constant 64 : index
      %get3A_345 = tpu.vector_load %arg16[%get3A_344] {strides = array<i32>} : memref<96xi32, #tpu.memory_space<vmem>>, vector<16xi32>,
      %eq3A_346 = arith.cmpi eq, %get3A_345, %add3A_331 : vector<16xi32>
      %exp3A_347 = math.exp %select_n3A_343 : vector<16xf32>
      %jit3A_348 = arith.constant 0.000000e+00 : f32
      %broadcast_in_dim3A_349 = vector.broadcast %jit3A_348 : f32 to vector<16xf32>
      %select_n3A_350 = arith.select %eq3A_346, %exp3A_347, %broadcast_in_dim3A_349 : vector<16xi1>, vector<16xf32>
      %swap3A_351 = arith.constant 64 : index
      %swap3A_352 = tpu.vector_load %arg17[%swap3A_351] {strides = array<i32>} : memref<96xf32, #tpu.memory_space<vmem>>, vector<16xf32>,
      tpu.vector_store %arg17[%swap3A_351], %select_n3A_350 {strides = array<i32>} : memref<96xf32, #tpu.memory_space<vmem>>, vector<16xf32>,
      %mul3A_353 = arith.constant 96 : i32
      %mul3A_354 = arith.muli %while3A_92, %mul3A_353 : i32
      %add3A_355 = arith.constant 80 : i32
      %add3A_356 = arith.addi %mul3A_354, %add3A_355 : i32
      %add3A_357 = arith.addi %select_n3A, %add3A_356 : i32
      %iota3A_358 = tpu.iota {dimensions = array<i32: 0>} : vector<16xi32>
      %add3A_359 = vector.broadcast %add3A_357 : i32 to vector<16xi32>
      %add3A_360 = arith.addi %add3A_359, %iota3A_358 : vector<16xi32>
      %get3A_361 = arith.constant 80 : index
      %get3A_362 = tpu.vector_load %arg13[%get3A_361] {strides = array<i32>} : memref<96xf32, #tpu.memory_space<vmem>>, vector<16xf32>,
      %get3A_363 = arith.constant 80 : index
      %get3A_364 = tpu.vector_load %arg14[%get3A_363] {strides = array<i32>} : memref<96xf32, #tpu.memory_space<vmem>>, vector<16xf32>,
      %add3A_365 = arith.addf %get3A_362, %get3A_364 : vector<16xf32>
      %gt3A_366 = arith.constant 0.000000e+00 : f32
      %gt3A_367 = vector.broadcast %gt3A_366 : f32 to vector<16xf32>
      %gt3A_368 = arith.cmpf ogt, %add3A_365, %gt3A_367 : vector<16xf32>
      %mul3A_369 = arith.constant 0.00999999977 : f32
      %mul3A_370 = vector.broadcast %mul3A_369 : f32 to vector<16xf32>
      %mul3A_371 = arith.mulf %add3A_365, %mul3A_370 : vector<16xf32>
      %select_n3A_372 = arith.select %gt3A_368, %add3A_365, %mul3A_371 : vector<16xi1>, vector<16xf32>
      %get3A_373 = arith.constant 80 : index
      %get3A_374 = tpu.vector_load %arg16[%get3A_373] {strides = array<i32>} : memref<96xi32, #tpu.memory_space<vmem>>, vector<16xi32>,
      %eq3A_375 = arith.cmpi eq, %get3A_374, %add3A_360 : vector<16xi32>
      %exp3A_376 = math.exp %select_n3A_372 : vector<16xf32>
      %jit3A_377 = arith.constant 0.000000e+00 : f32
      %broadcast_in_dim3A_378 = vector.broadcast %jit3A_377 : f32 to vector<16xf32>
      %select_n3A_379 = arith.select %eq3A_375, %exp3A_376, %broadcast_in_dim3A_378 : vector<16xi1>, vector<16xf32>
      %swap3A_380 = arith.constant 80 : index
      %swap3A_381 = tpu.vector_load %arg17[%swap3A_380] {strides = array<i32>} : memref<96xf32, #tpu.memory_space<vmem>>, vector<16xf32>,
      tpu.vector_store %arg17[%swap3A_380], %select_n3A_379 {strides = array<i32>} : memref<96xf32, #tpu.memory_space<vmem>>, vector<16xf32>,
      %dma_start3A_382 = arith.constant 0 : i32
      %dma_start3A_383 = tpu.memref_slice %arg11[%while3A_92, %dma_start3A_382] : memref<128x96xi32, #tpu.memory_space<vmem>> -> memref<1x96xi32, #tpu.memory_space<vmem>>
      %dma_start3A_384 = tpu.memref_squeeze %dma_start3A_383 : memref<1x96xi32, #tpu.memory_space<vmem>> -> memref<96xi32, #tpu.memory_space<vmem>>
      %dma_start3A_385 = arith.constant 0 : i32
      %dma_start3A_386 = tpu.memref_slice %arg19[%dma_start3A_385] : memref<10240xf32, #tpu.memory_space<vmem_shared>> -> memref<10240xf32, #tpu.memory_space<vmem_shared>>
      tpu.enqueue_indirect_dma source(%arg17 : memref<96xf32, #tpu.memory_space<vmem>>) target(%dma_start3A_386 : memref<10240xf32, #tpu.memory_space<vmem_shared>>) offsets(%dma_start3A_384 : memref<96xi32, #tpu.memory_space<vmem>>) semaphore(%arg22 : memref<!tpu.dma_semaphore, #tpu.memory_space<semaphore_mem>>) {add = true}
      %dma_wait3A_387 = tpu.memref_slice %arg10[%mul3A_197] : memref<12288xi32, #tpu.memory_space<vmem>> -> memref<96xi32, #tpu.memory_space<vmem>>
      %dma_wait3A_388 = arith.constant 0 : i32
      %dma_wait3A_389 = arith.constant 0 : i32
      %dma_wait3A_390 = tpu.memref_slice %arg5[%dma_wait3A_388, %dma_wait3A_389] : memref<10000x128xf32, #tpu.memory_space<hbm>> -> memref<10000x128xf32, #tpu.memory_space<hbm>>
      tpu.wait_indirect_dma semaphore(%arg21 : memref<!tpu.dma_semaphore, #tpu.memory_space<semaphore_mem>>) src(%dma_wait3A_390 : memref<10000x128xf32, #tpu.memory_space<hbm>>) dst(%arg15 : memref<96x128xf32, #tpu.memory_space<vmem>>)
      %scan3A_391 = arith.constant 0 : i32
      %scan3A_392 = arith.constant 0 : i32
      %scan3A_393 = arith.constant 6 : i32
      %scan3A_394 = arith.addi %scan3A_392, %scan3A_393 : i32
      %scan3A_395 = arith.constant 1 : i32
      %scan3A_396 = scf.for %scan3A_416 = %scan3A_392 to %scan3A_394 step %scan3A_395 iter_args(%scan3A_417 = %scan3A_391) -> (i32)  : i32 {
        %mul3A_418 = arith.constant 16 : i32
        %mul3A_419 = arith.muli %scan3A_416, %mul3A_418 : i32
        %get3A_420 = arith.index_cast %mul3A_419 : i32 to index
        %get3A_421 = tpu.vector_load %arg17[%get3A_420] {strides = array<i32>} : memref<96xf32, #tpu.memory_space<vmem>>, vector<16xf32>,
        %mul3A_422 = arith.constant 16 : i32
        %mul3A_423 = arith.muli %scan3A_416, %mul3A_422 : i32
        %add3A_424 = arith.constant 0 : i32
        %add3A_425 = arith.addi %mul3A_423, %add3A_424 : i32
        %slice3A = vector.extract_strided_slice %get3A_421 {offsets = [0], sizes = [1], strides = [1]} : vector<16xf32> to vector<1xf32>
        %squeeze3A = vector.extract %slice3A[0] : f32 from vector<1xf32>
        %broadcast_in_dim3A_426 = vector.broadcast %squeeze3A : f32 to vector<16xf32>
        %get3A_427 = arith.index_cast %add3A_425 : i32 to index
        %get3A_428 = arith.constant 0 : index
        %get3A_429 = tpu.vector_load %arg15[%get3A_427, %get3A_428] {strides = array<i32>} : memref<96x128xf32, #tpu.memory_space<vmem>>, vector<16xf32>,
        %mul3A_430 = arith.mulf %get3A_429, %broadcast_in_dim3A_426 : vector<16xf32>
        %swap3A_431 = arith.index_cast %add3A_425 : i32 to index
        %swap3A_432 = arith.constant 0 : index
        %swap3A_433 = tpu.vector_load %arg15[%swap3A_431, %swap3A_432] {strides = array<i32>} : memref<96x128xf32, #tpu.memory_space<vmem>>, vector<16xf32>,
        tpu.vector_store %arg15[%swap3A_431, %swap3A_432], %mul3A_430 {strides = array<i32>} : memref<96x128xf32, #tpu.memory_space<vmem>>, vector<16xf32>,
        %get3A_434 = arith.index_cast %add3A_425 : i32 to index
        %get3A_435 = arith.constant 16 : index
        %get3A_436 = tpu.vector_load %arg15[%get3A_434, %get3A_435] {strides = array<i32>} : memref<96x128xf32, #tpu.memory_space<vmem>>, vector<16xf32>,
        %mul3A_437 = arith.mulf %get3A_436, %broadcast_in_dim3A_426 : vector<16xf32>
        %swap3A_438 = arith.index_cast %add3A_425 : i32 to index
        %swap3A_439 = arith.constant 16 : index
        %swap3A_440 = tpu.vector_load %arg15[%swap3A_438, %swap3A_439] {strides = array<i32>} : memref<96x128xf32, #tpu.memory_space<vmem>>, vector<16xf32>,
        tpu.vector_store %arg15[%swap3A_438, %swap3A_439], %mul3A_437 {strides = array<i32>} : memref<96x128xf32, #tpu.memory_space<vmem>>, vector<16xf32>,
        %get3A_441 = arith.index_cast %add3A_425 : i32 to index
        %get3A_442 = arith.constant 32 : index
        %get3A_443 = tpu.vector_load %arg15[%get3A_441, %get3A_442] {strides = array<i32>} : memref<96x128xf32, #tpu.memory_space<vmem>>, vector<16xf32>,
        %mul3A_444 = arith.mulf %get3A_443, %broadcast_in_dim3A_426 : vector<16xf32>
        %swap3A_445 = arith.index_cast %add3A_425 : i32 to index
        %swap3A_446 = arith.constant 32 : index
        %swap3A_447 = tpu.vector_load %arg15[%swap3A_445, %swap3A_446] {strides = array<i32>} : memref<96x128xf32, #tpu.memory_space<vmem>>, vector<16xf32>,
        tpu.vector_store %arg15[%swap3A_445, %swap3A_446], %mul3A_444 {strides = array<i32>} : memref<96x128xf32, #tpu.memory_space<vmem>>, vector<16xf32>,
        %get3A_448 = arith.index_cast %add3A_425 : i32 to index
        %get3A_449 = arith.constant 48 : index
        %get3A_450 = tpu.vector_load %arg15[%get3A_448, %get3A_449] {strides = array<i32>} : memref<96x128xf32, #tpu.memory_space<vmem>>, vector<16xf32>,
        %mul3A_451 = arith.mulf %get3A_450, %broadcast_in_dim3A_426 : vector<16xf32>
        %swap3A_452 = arith.index_cast %add3A_425 : i32 to index
        %swap3A_453 = arith.constant 48 : index
        %swap3A_454 = tpu.vector_load %arg15[%swap3A_452, %swap3A_453] {strides = array<i32>} : memref<96x128xf32, #tpu.memory_space<vmem>>, vector<16xf32>,
        tpu.vector_store %arg15[%swap3A_452, %swap3A_453], %mul3A_451 {strides = array<i32>} : memref<96x128xf32, #tpu.memory_space<vmem>>, vector<16xf32>,
        %get3A_455 = arith.index_cast %add3A_425 : i32 to index
        %get3A_456 = arith.constant 64 : index
        %get3A_457 = tpu.vector_load %arg15[%get3A_455, %get3A_456] {strides = array<i32>} : memref<96x128xf32, #tpu.memory_space<vmem>>, vector<16xf32>,
        %mul3A_458 = arith.mulf %get3A_457, %broadcast_in_dim3A_426 : vector<16xf32>
        %swap3A_459 = arith.index_cast %add3A_425 : i32 to index
        %swap3A_460 = arith.constant 64 : index
        %swap3A_461 = tpu.vector_load %arg15[%swap3A_459, %swap3A_460] {strides = array<i32>} : memref<96x128xf32, #tpu.memory_space<vmem>>, vector<16xf32>,
        tpu.vector_store %arg15[%swap3A_459, %swap3A_460], %mul3A_458 {strides = array<i32>} : memref<96x128xf32, #tpu.memory_space<vmem>>, vector<16xf32>,
        %get3A_462 = arith.index_cast %add3A_425 : i32 to index
        %get3A_463 = arith.constant 80 : index
        %get3A_464 = tpu.vector_load %arg15[%get3A_462, %get3A_463] {strides = array<i32>} : memref<96x128xf32, #tpu.memory_space<vmem>>, vector<16xf32>,
        %mul3A_465 = arith.mulf %get3A_464, %broadcast_in_dim3A_426 : vector<16xf32>
        %swap3A_466 = arith.index_cast %add3A_425 : i32 to index
        %swap3A_467 = arith.constant 80 : index
        %swap3A_468 = tpu.vector_load %arg15[%swap3A_466, %swap3A_467] {strides = array<i32>} : memref<96x128xf32, #tpu.memory_space<vmem>>, vector<16xf32>,
        tpu.vector_store %arg15[%swap3A_466, %swap3A_467], %mul3A_465 {strides = array<i32>} : memref<96x128xf32, #tpu.memory_space<vmem>>, vector<16xf32>,
        %get3A_469 = arith.index_cast %add3A_425 : i32 to index
        %get3A_470 = arith.constant 96 : index
        %get3A_471 = tpu.vector_load %arg15[%get3A_469, %get3A_470] {strides = array<i32>} : memref<96x128xf32, #tpu.memory_space<vmem>>, vector<16xf32>,
        %mul3A_472 = arith.mulf %get3A_471, %broadcast_in_dim3A_426 : vector<16xf32>
        %swap3A_473 = arith.index_cast %add3A_425 : i32 to index
        %swap3A_474 = arith.constant 96 : index
        %swap3A_475 = tpu.vector_load %arg15[%swap3A_473, %swap3A_474] {strides = array<i32>} : memref<96x128xf32, #tpu.memory_space<vmem>>, vector<16xf32>,
        tpu.vector_store %arg15[%swap3A_473, %swap3A_474], %mul3A_472 {strides = array<i32>} : memref<96x128xf32, #tpu.memory_space<vmem>>, vector<16xf32>,
        %get3A_476 = arith.index_cast %add3A_425 : i32 to index
        %get3A_477 = arith.constant 112 : index
        %get3A_478 = tpu.vector_load %arg15[%get3A_476, %get3A_477] {strides = array<i32>} : memref<96x128xf32, #tpu.memory_space<vmem>>, vector<16xf32>,
        %mul3A_479 = arith.mulf %get3A_478, %broadcast_in_dim3A_426 : vector<16xf32>
        %swap3A_480 = arith.index_cast %add3A_425 : i32 to index
        %swap3A_481 = arith.constant 112 : index
        %swap3A_482 = tpu.vector_load %arg15[%swap3A_480, %swap3A_481] {strides = array<i32>} : memref<96x128xf32, #tpu.memory_space<vmem>>, vector<16xf32>,
        tpu.vector_store %arg15[%swap3A_480, %swap3A_481], %mul3A_479 {strides = array<i32>} : memref<96x128xf32, #tpu.memory_space<vmem>>, vector<16xf32>,
        %mul3A_483 = arith.constant 16 : i32
        %mul3A_484 = arith.muli %scan3A_416, %mul3A_483 : i32
        %add3A_485 = arith.constant 1 : i32
        %add3A_486 = arith.addi %mul3A_484, %add3A_485 : i32
        %slice3A_487 = vector.extract_strided_slice %get3A_421 {offsets = [1], sizes = [1], strides = [1]} : vector<16xf32> to vector<1xf32>
        %squeeze3A_488 = vector.extract %slice3A_487[0] : f32 from vector<1xf32>
        %broadcast_in_dim3A_489 = vector.broadcast %squeeze3A_488 : f32 to vector<16xf32>
        %get3A_490 = arith.index_cast %add3A_486 : i32 to index
        %get3A_491 = arith.constant 0 : index
        %get3A_492 = tpu.vector_load %arg15[%get3A_490, %get3A_491] {strides = array<i32>} : memref<96x128xf32, #tpu.memory_space<vmem>>, vector<16xf32>,
        %mul3A_493 = arith.mulf %get3A_492, %broadcast_in_dim3A_489 : vector<16xf32>
        %swap3A_494 = arith.index_cast %add3A_486 : i32 to index
        %swap3A_495 = arith.constant 0 : index
        %swap3A_496 = tpu.vector_load %arg15[%swap3A_494, %swap3A_495] {strides = array<i32>} : memref<96x128xf32, #tpu.memory_space<vmem>>, vector<16xf32>,
        tpu.vector_store %arg15[%swap3A_494, %swap3A_495], %mul3A_493 {strides = array<i32>} : memref<96x128xf32, #tpu.memory_space<vmem>>, vector<16xf32>,
        %get3A_497 = arith.index_cast %add3A_486 : i32 to index
        %get3A_498 = arith.constant 16 : index
        %get3A_499 = tpu.vector_load %arg15[%get3A_497, %get3A_498] {strides = array<i32>} : memref<96x128xf32, #tpu.memory_space<vmem>>, vector<16xf32>,
        %mul3A_500 = arith.mulf %get3A_499, %broadcast_in_dim3A_489 : vector<16xf32>
        %swap3A_501 = arith.index_cast %add3A_486 : i32 to index
        %swap3A_502 = arith.constant 16 : index
        %swap3A_503 = tpu.vector_load %arg15[%swap3A_501, %swap3A_502] {strides = array<i32>} : memref<96x128xf32, #tpu.memory_space<vmem>>, vector<16xf32>,
        tpu.vector_store %arg15[%swap3A_501, %swap3A_502], %mul3A_500 {strides = array<i32>} : memref<96x128xf32, #tpu.memory_space<vmem>>, vector<16xf32>,
        %get3A_504 = arith.index_cast %add3A_486 : i32 to index
        %get3A_505 = arith.constant 32 : index
        %get3A_506 = tpu.vector_load %arg15[%get3A_504, %get3A_505] {strides = array<i32>} : memref<96x128xf32, #tpu.memory_space<vmem>>, vector<16xf32>,
        %mul3A_507 = arith.mulf %get3A_506, %broadcast_in_dim3A_489 : vector<16xf32>
        %swap3A_508 = arith.index_cast %add3A_486 : i32 to index
        %swap3A_509 = arith.constant 32 : index
        %swap3A_510 = tpu.vector_load %arg15[%swap3A_508, %swap3A_509] {strides = array<i32>} : memref<96x128xf32, #tpu.memory_space<vmem>>, vector<16xf32>,
        tpu.vector_store %arg15[%swap3A_508, %swap3A_509], %mul3A_507 {strides = array<i32>} : memref<96x128xf32, #tpu.memory_space<vmem>>, vector<16xf32>,
        %get3A_511 = arith.index_cast %add3A_486 : i32 to index
        %get3A_512 = arith.constant 48 : index
        %get3A_513 = tpu.vector_load %arg15[%get3A_511, %get3A_512] {strides = array<i32>} : memref<96x128xf32, #tpu.memory_space<vmem>>, vector<16xf32>,
        %mul3A_514 = arith.mulf %get3A_513, %broadcast_in_dim3A_489 : vector<16xf32>
        %swap3A_515 = arith.index_cast %add3A_486 : i32 to index
        %swap3A_516 = arith.constant 48 : index
        %swap3A_517 = tpu.vector_load %arg15[%swap3A_515, %swap3A_516] {strides = array<i32>} : memref<96x128xf32, #tpu.memory_space<vmem>>, vector<16xf32>,
        tpu.vector_store %arg15[%swap3A_515, %swap3A_516], %mul3A_514 {strides = array<i32>} : memref<96x128xf32, #tpu.memory_space<vmem>>, vector<16xf32>,
        %get3A_518 = arith.index_cast %add3A_486 : i32 to index
        %get3A_519 = arith.constant 64 : index
        %get3A_520 = tpu.vector_load %arg15[%get3A_518, %get3A_519] {strides = array<i32>} : memref<96x128xf32, #tpu.memory_space<vmem>>, vector<16xf32>,
        %mul3A_521 = arith.mulf %get3A_520, %broadcast_in_dim3A_489 : vector<16xf32>
        %swap3A_522 = arith.index_cast %add3A_486 : i32 to index
        %swap3A_523 = arith.constant 64 : index
        %swap3A_524 = tpu.vector_load %arg15[%swap3A_522, %swap3A_523] {strides = array<i32>} : memref<96x128xf32, #tpu.memory_space<vmem>>, vector<16xf32>,
        tpu.vector_store %arg15[%swap3A_522, %swap3A_523], %mul3A_521 {strides = array<i32>} : memref<96x128xf32, #tpu.memory_space<vmem>>, vector<16xf32>,
        %get3A_525 = arith.index_cast %add3A_486 : i32 to index
        %get3A_526 = arith.constant 80 : index
        %get3A_527 = tpu.vector_load %arg15[%get3A_525, %get3A_526] {strides = array<i32>} : memref<96x128xf32, #tpu.memory_space<vmem>>, vector<16xf32>,
        %mul3A_528 = arith.mulf %get3A_527, %broadcast_in_dim3A_489 : vector<16xf32>
        %swap3A_529 = arith.index_cast %add3A_486 : i32 to index
        %swap3A_530 = arith.constant 80 : index
        %swap3A_531 = tpu.vector_load %arg15[%swap3A_529, %swap3A_530] {strides = array<i32>} : memref<96x128xf32, #tpu.memory_space<vmem>>, vector<16xf32>,
        tpu.vector_store %arg15[%swap3A_529, %swap3A_530], %mul3A_528 {strides = array<i32>} : memref<96x128xf32, #tpu.memory_space<vmem>>, vector<16xf32>,
        %get3A_532 = arith.index_cast %add3A_486 : i32 to index
        %get3A_533 = arith.constant 96 : index
        %get3A_534 = tpu.vector_load %arg15[%get3A_532, %get3A_533] {strides = array<i32>} : memref<96x128xf32, #tpu.memory_space<vmem>>, vector<16xf32>,
        %mul3A_535 = arith.mulf %get3A_534, %broadcast_in_dim3A_489 : vector<16xf32>
        %swap3A_536 = arith.index_cast %add3A_486 : i32 to index
        %swap3A_537 = arith.constant 96 : index
        %swap3A_538 = tpu.vector_load %arg15[%swap3A_536, %swap3A_537] {strides = array<i32>} : memref<96x128xf32, #tpu.memory_space<vmem>>, vector<16xf32>,
        tpu.vector_store %arg15[%swap3A_536, %swap3A_537], %mul3A_535 {strides = array<i32>} : memref<96x128xf32, #tpu.memory_space<vmem>>, vector<16xf32>,
        %get3A_539 = arith.index_cast %add3A_486 : i32 to index
        %get3A_540 = arith.constant 112 : index
        %get3A_541 = tpu.vector_load %arg15[%get3A_539, %get3A_540] {strides = array<i32>} : memref<96x128xf32, #tpu.memory_space<vmem>>, vector<16xf32>,
        %mul3A_542 = arith.mulf %get3A_541, %broadcast_in_dim3A_489 : vector<16xf32>
        %swap3A_543 = arith.index_cast %add3A_486 : i32 to index
        %swap3A_544 = arith.constant 112 : index
        %swap3A_545 = tpu.vector_load %arg15[%swap3A_543, %swap3A_544] {strides = array<i32>} : memref<96x128xf32, #tpu.memory_space<vmem>>, vector<16xf32>,
        tpu.vector_store %arg15[%swap3A_543, %swap3A_544], %mul3A_542 {strides = array<i32>} : memref<96x128xf32, #tpu.memory_space<vmem>>, vector<16xf32>,
        %mul3A_546 = arith.constant 16 : i32
        %mul3A_547 = arith.muli %scan3A_416, %mul3A_546 : i32
        %add3A_548 = arith.constant 2 : i32
        %add3A_549 = arith.addi %mul3A_547, %add3A_548 : i32
        %slice3A_550 = vector.extract_strided_slice %get3A_421 {offsets = [2], sizes = [1], strides = [1]} : vector<16xf32> to vector<1xf32>
        %squeeze3A_551 = vector.extract %slice3A_550[0] : f32 from vector<1xf32>
        %broadcast_in_dim3A_552 = vector.broadcast %squeeze3A_551 : f32 to vector<16xf32>
        %get3A_553 = arith.index_cast %add3A_549 : i32 to index
        %get3A_554 = arith.constant 0 : index
        %get3A_555 = tpu.vector_load %arg15[%get3A_553, %get3A_554] {strides = array<i32>} : memref<96x128xf32, #tpu.memory_space<vmem>>, vector<16xf32>,
        %mul3A_556 = arith.mulf %get3A_555, %broadcast_in_dim3A_552 : vector<16xf32>
        %swap3A_557 = arith.index_cast %add3A_549 : i32 to index
        %swap3A_558 = arith.constant 0 : index
        %swap3A_559 = tpu.vector_load %arg15[%swap3A_557, %swap3A_558] {strides = array<i32>} : memref<96x128xf32, #tpu.memory_space<vmem>>, vector<16xf32>,
        tpu.vector_store %arg15[%swap3A_557, %swap3A_558], %mul3A_556 {strides = array<i32>} : memref<96x128xf32, #tpu.memory_space<vmem>>, vector<16xf32>,
        %get3A_560 = arith.index_cast %add3A_549 : i32 to index
        %get3A_561 = arith.constant 16 : index
        %get3A_562 = tpu.vector_load %arg15[%get3A_560, %get3A_561] {strides = array<i32>} : memref<96x128xf32, #tpu.memory_space<vmem>>, vector<16xf32>,
        %mul3A_563 = arith.mulf %get3A_562, %broadcast_in_dim3A_552 : vector<16xf32>
        %swap3A_564 = arith.index_cast %add3A_549 : i32 to index
        %swap3A_565 = arith.constant 16 : index
        %swap3A_566 = tpu.vector_load %arg15[%swap3A_564, %swap3A_565] {strides = array<i32>} : memref<96x128xf32, #tpu.memory_space<vmem>>, vector<16xf32>,
        tpu.vector_store %arg15[%swap3A_564, %swap3A_565], %mul3A_563 {strides = array<i32>} : memref<96x128xf32, #tpu.memory_space<vmem>>, vector<16xf32>,
        %get3A_567 = arith.index_cast %add3A_549 : i32 to index
        %get3A_568 = arith.constant 32 : index
        %get3A_569 = tpu.vector_load %arg15[%get3A_567, %get3A_568] {strides = array<i32>} : memref<96x128xf32, #tpu.memory_space<vmem>>, vector<16xf32>,
        %mul3A_570 = arith.mulf %get3A_569, %broadcast_in_dim3A_552 : vector<16xf32>
        %swap3A_571 = arith.index_cast %add3A_549 : i32 to index
        %swap3A_572 = arith.constant 32 : index
        %swap3A_573 = tpu.vector_load %arg15[%swap3A_571, %swap3A_572] {strides = array<i32>} : memref<96x128xf32, #tpu.memory_space<vmem>>, vector<16xf32>,
        tpu.vector_store %arg15[%swap3A_571, %swap3A_572], %mul3A_570 {strides = array<i32>} : memref<96x128xf32, #tpu.memory_space<vmem>>, vector<16xf32>,
        %get3A_574 = arith.index_cast %add3A_549 : i32 to index
        %get3A_575 = arith.constant 48 : index
        %get3A_576 = tpu.vector_load %arg15[%get3A_574, %get3A_575] {strides = array<i32>} : memref<96x128xf32, #tpu.memory_space<vmem>>, vector<16xf32>,
        %mul3A_577 = arith.mulf %get3A_576, %broadcast_in_dim3A_552 : vector<16xf32>
        %swap3A_578 = arith.index_cast %add3A_549 : i32 to index
        %swap3A_579 = arith.constant 48 : index
        %swap3A_580 = tpu.vector_load %arg15[%swap3A_578, %swap3A_579] {strides = array<i32>} : memref<96x128xf32, #tpu.memory_space<vmem>>, vector<16xf32>,
        tpu.vector_store %arg15[%swap3A_578, %swap3A_579], %mul3A_577 {strides = array<i32>} : memref<96x128xf32, #tpu.memory_space<vmem>>, vector<16xf32>,
        %get3A_581 = arith.index_cast %add3A_549 : i32 to index
        %get3A_582 = arith.constant 64 : index
        %get3A_583 = tpu.vector_load %arg15[%get3A_581, %get3A_582] {strides = array<i32>} : memref<96x128xf32, #tpu.memory_space<vmem>>, vector<16xf32>,
        %mul3A_584 = arith.mulf %get3A_583, %broadcast_in_dim3A_552 : vector<16xf32>
        %swap3A_585 = arith.index_cast %add3A_549 : i32 to index
        %swap3A_586 = arith.constant 64 : index
        %swap3A_587 = tpu.vector_load %arg15[%swap3A_585, %swap3A_586] {strides = array<i32>} : memref<96x128xf32, #tpu.memory_space<vmem>>, vector<16xf32>,
        tpu.vector_store %arg15[%swap3A_585, %swap3A_586], %mul3A_584 {strides = array<i32>} : memref<96x128xf32, #tpu.memory_space<vmem>>, vector<16xf32>,
        %get3A_588 = arith.index_cast %add3A_549 : i32 to index
        %get3A_589 = arith.constant 80 : index
        %get3A_590 = tpu.vector_load %arg15[%get3A_588, %get3A_589] {strides = array<i32>} : memref<96x128xf32, #tpu.memory_space<vmem>>, vector<16xf32>,
        %mul3A_591 = arith.mulf %get3A_590, %broadcast_in_dim3A_552 : vector<16xf32>
        %swap3A_592 = arith.index_cast %add3A_549 : i32 to index
        %swap3A_593 = arith.constant 80 : index
        %swap3A_594 = tpu.vector_load %arg15[%swap3A_592, %swap3A_593] {strides = array<i32>} : memref<96x128xf32, #tpu.memory_space<vmem>>, vector<16xf32>,
        tpu.vector_store %arg15[%swap3A_592, %swap3A_593], %mul3A_591 {strides = array<i32>} : memref<96x128xf32, #tpu.memory_space<vmem>>, vector<16xf32>,
        %get3A_595 = arith.index_cast %add3A_549 : i32 to index
        %get3A_596 = arith.constant 96 : index
        %get3A_597 = tpu.vector_load %arg15[%get3A_595, %get3A_596] {strides = array<i32>} : memref<96x128xf32, #tpu.memory_space<vmem>>, vector<16xf32>,
        %mul3A_598 = arith.mulf %get3A_597, %broadcast_in_dim3A_552 : vector<16xf32>
        %swap3A_599 = arith.index_cast %add3A_549 : i32 to index
        %swap3A_600 = arith.constant 96 : index
        %swap3A_601 = tpu.vector_load %arg15[%swap3A_599, %swap3A_600] {strides = array<i32>} : memref<96x128xf32, #tpu.memory_space<vmem>>, vector<16xf32>,
        tpu.vector_store %arg15[%swap3A_599, %swap3A_600], %mul3A_598 {strides = array<i32>} : memref<96x128xf32, #tpu.memory_space<vmem>>, vector<16xf32>,
        %get3A_602 = arith.index_cast %add3A_549 : i32 to index
        %get3A_603 = arith.constant 112 : index
        %get3A_604 = tpu.vector_load %arg15[%get3A_602, %get3A_603] {strides = array<i32>} : memref<96x128xf32, #tpu.memory_space<vmem>>, vector<16xf32>,
        %mul3A_605 = arith.mulf %get3A_604, %broadcast_in_dim3A_552 : vector<16xf32>
        %swap3A_606 = arith.index_cast %add3A_549 : i32 to index
        %swap3A_607 = arith.constant 112 : index
        %swap3A_608 = tpu.vector_load %arg15[%swap3A_606, %swap3A_607] {strides = array<i32>} : memref<96x128xf32, #tpu.memory_space<vmem>>, vector<16xf32>,
        tpu.vector_store %arg15[%swap3A_606, %swap3A_607], %mul3A_605 {strides = array<i32>} : memref<96x128xf32, #tpu.memory_space<vmem>>, vector<16xf32>,
        %mul3A_609 = arith.constant 16 : i32
        %mul3A_610 = arith.muli %scan3A_416, %mul3A_609 : i32
        %add3A_611 = arith.constant 3 : i32
        %add3A_612 = arith.addi %mul3A_610, %add3A_611 : i32
        %slice3A_613 = vector.extract_strided_slice %get3A_421 {offsets = [3], sizes = [1], strides = [1]} : vector<16xf32> to vector<1xf32>
        %squeeze3A_614 = vector.extract %slice3A_613[0] : f32 from vector<1xf32>
        %broadcast_in_dim3A_615 = vector.broadcast %squeeze3A_614 : f32 to vector<16xf32>
        %get3A_616 = arith.index_cast %add3A_612 : i32 to index
        %get3A_617 = arith.constant 0 : index
        %get3A_618 = tpu.vector_load %arg15[%get3A_616, %get3A_617] {strides = array<i32>} : memref<96x128xf32, #tpu.memory_space<vmem>>, vector<16xf32>,
        %mul3A_619 = arith.mulf %get3A_618, %broadcast_in_dim3A_615 : vector<16xf32>
        %swap3A_620 = arith.index_cast %add3A_612 : i32 to index
        %swap3A_621 = arith.constant 0 : index
        %swap3A_622 = tpu.vector_load %arg15[%swap3A_620, %swap3A_621] {strides = array<i32>} : memref<96x128xf32, #tpu.memory_space<vmem>>, vector<16xf32>,
        tpu.vector_store %arg15[%swap3A_620, %swap3A_621], %mul3A_619 {strides = array<i32>} : memref<96x128xf32, #tpu.memory_space<vmem>>, vector<16xf32>,
        %get3A_623 = arith.index_cast %add3A_612 : i32 to index
        %get3A_624 = arith.constant 16 : index
        %get3A_625 = tpu.vector_load %arg15[%get3A_623, %get3A_624] {strides = array<i32>} : memref<96x128xf32, #tpu.memory_space<vmem>>, vector<16xf32>,
        %mul3A_626 = arith.mulf %get3A_625, %broadcast_in_dim3A_615 : vector<16xf32>
        %swap3A_627 = arith.index_cast %add3A_612 : i32 to index
        %swap3A_628 = arith.constant 16 : index
        %swap3A_629 = tpu.vector_load %arg15[%swap3A_627, %swap3A_628] {strides = array<i32>} : memref<96x128xf32, #tpu.memory_space<vmem>>, vector<16xf32>,
        tpu.vector_store %arg15[%swap3A_627, %swap3A_628], %mul3A_626 {strides = array<i32>} : memref<96x128xf32, #tpu.memory_space<vmem>>, vector<16xf32>,
        %get3A_630 = arith.index_cast %add3A_612 : i32 to index
        %get3A_631 = arith.constant 32 : index
        %get3A_632 = tpu.vector_load %arg15[%get3A_630, %get3A_631] {strides = array<i32>} : memref<96x128xf32, #tpu.memory_space<vmem>>, vector<16xf32>,
        %mul3A_633 = arith.mulf %get3A_632, %broadcast_in_dim3A_615 : vector<16xf32>
        %swap3A_634 = arith.index_cast %add3A_612 : i32 to index
        %swap3A_635 = arith.constant 32 : index
        %swap3A_636 = tpu.vector_load %arg15[%swap3A_634, %swap3A_635] {strides = array<i32>} : memref<96x128xf32, #tpu.memory_space<vmem>>, vector<16xf32>,
        tpu.vector_store %arg15[%swap3A_634, %swap3A_635], %mul3A_633 {strides = array<i32>} : memref<96x128xf32, #tpu.memory_space<vmem>>, vector<16xf32>,
        %get3A_637 = arith.index_cast %add3A_612 : i32 to index
        %get3A_638 = arith.constant 48 : index
        %get3A_639 = tpu.vector_load %arg15[%get3A_637, %get3A_638] {strides = array<i32>} : memref<96x128xf32, #tpu.memory_space<vmem>>, vector<16xf32>,
        %mul3A_640 = arith.mulf %get3A_639, %broadcast_in_dim3A_615 : vector<16xf32>
        %swap3A_641 = arith.index_cast %add3A_612 : i32 to index
        %swap3A_642 = arith.constant 48 : index
        %swap3A_643 = tpu.vector_load %arg15[%swap3A_641, %swap3A_642] {strides = array<i32>} : memref<96x128xf32, #tpu.memory_space<vmem>>, vector<16xf32>,
        tpu.vector_store %arg15[%swap3A_641, %swap3A_642], %mul3A_640 {strides = array<i32>} : memref<96x128xf32, #tpu.memory_space<vmem>>, vector<16xf32>,
        %get3A_644 = arith.index_cast %add3A_612 : i32 to index
        %get3A_645 = arith.constant 64 : index
        %get3A_646 = tpu.vector_load %arg15[%get3A_644, %get3A_645] {strides = array<i32>} : memref<96x128xf32, #tpu.memory_space<vmem>>, vector<16xf32>,
        %mul3A_647 = arith.mulf %get3A_646, %broadcast_in_dim3A_615 : vector<16xf32>
        %swap3A_648 = arith.index_cast %add3A_612 : i32 to index
        %swap3A_649 = arith.constant 64 : index
        %swap3A_650 = tpu.vector_load %arg15[%swap3A_648, %swap3A_649] {strides = array<i32>} : memref<96x128xf32, #tpu.memory_space<vmem>>, vector<16xf32>,
        tpu.vector_store %arg15[%swap3A_648, %swap3A_649], %mul3A_647 {strides = array<i32>} : memref<96x128xf32, #tpu.memory_space<vmem>>, vector<16xf32>,
        %get3A_651 = arith.index_cast %add3A_612 : i32 to index
        %get3A_652 = arith.constant 80 : index
        %get3A_653 = tpu.vector_load %arg15[%get3A_651, %get3A_652] {strides = array<i32>} : memref<96x128xf32, #tpu.memory_space<vmem>>, vector<16xf32>,
        %mul3A_654 = arith.mulf %get3A_653, %broadcast_in_dim3A_615 : vector<16xf32>
        %swap3A_655 = arith.index_cast %add3A_612 : i32 to index
        %swap3A_656 = arith.constant 80 : index
        %swap3A_657 = tpu.vector_load %arg15[%swap3A_655, %swap3A_656] {strides = array<i32>} : memref<96x128xf32, #tpu.memory_space<vmem>>, vector<16xf32>,
        tpu.vector_store %arg15[%swap3A_655, %swap3A_656], %mul3A_654 {strides = array<i32>} : memref<96x128xf32, #tpu.memory_space<vmem>>, vector<16xf32>,
        %get3A_658 = arith.index_cast %add3A_612 : i32 to index
        %get3A_659 = arith.constant 96 : index
        %get3A_660 = tpu.vector_load %arg15[%get3A_658, %get3A_659] {strides = array<i32>} : memref<96x128xf32, #tpu.memory_space<vmem>>, vector<16xf32>,
        %mul3A_661 = arith.mulf %get3A_660, %broadcast_in_dim3A_615 : vector<16xf32>
        %swap3A_662 = arith.index_cast %add3A_612 : i32 to index
        %swap3A_663 = arith.constant 96 : index
        %swap3A_664 = tpu.vector_load %arg15[%swap3A_662, %swap3A_663] {strides = array<i32>} : memref<96x128xf32, #tpu.memory_space<vmem>>, vector<16xf32>,
        tpu.vector_store %arg15[%swap3A_662, %swap3A_663], %mul3A_661 {strides = array<i32>} : memref<96x128xf32, #tpu.memory_space<vmem>>, vector<16xf32>,
        %get3A_665 = arith.index_cast %add3A_612 : i32 to index
        %get3A_666 = arith.constant 112 : index
        %get3A_667 = tpu.vector_load %arg15[%get3A_665, %get3A_666] {strides = array<i32>} : memref<96x128xf32, #tpu.memory_space<vmem>>, vector<16xf32>,
        %mul3A_668 = arith.mulf %get3A_667, %broadcast_in_dim3A_615 : vector<16xf32>
        %swap3A_669 = arith.index_cast %add3A_612 : i32 to index
        %swap3A_670 = arith.constant 112 : index
        %swap3A_671 = tpu.vector_load %arg15[%swap3A_669, %swap3A_670] {strides = array<i32>} : memref<96x128xf32, #tpu.memory_space<vmem>>, vector<16xf32>,
        tpu.vector_store %arg15[%swap3A_669, %swap3A_670], %mul3A_668 {strides = array<i32>} : memref<96x128xf32, #tpu.memory_space<vmem>>, vector<16xf32>,
        %mul3A_672 = arith.constant 16 : i32
        %mul3A_673 = arith.muli %scan3A_416, %mul3A_672 : i32
        %add3A_674 = arith.constant 4 : i32
        %add3A_675 = arith.addi %mul3A_673, %add3A_674 : i32
        %slice3A_676 = vector.extract_strided_slice %get3A_421 {offsets = [4], sizes = [1], strides = [1]} : vector<16xf32> to vector<1xf32>
        %squeeze3A_677 = vector.extract %slice3A_676[0] : f32 from vector<1xf32>
        %broadcast_in_dim3A_678 = vector.broadcast %squeeze3A_677 : f32 to vector<16xf32>
        %get3A_679 = arith.index_cast %add3A_675 : i32 to index
        %get3A_680 = arith.constant 0 : index
        %get3A_681 = tpu.vector_load %arg15[%get3A_679, %get3A_680] {strides = array<i32>} : memref<96x128xf32, #tpu.memory_space<vmem>>, vector<16xf32>,
        %mul3A_682 = arith.mulf %get3A_681, %broadcast_in_dim3A_678 : vector<16xf32>
        %swap3A_683 = arith.index_cast %add3A_675 : i32 to index
        %swap3A_684 = arith.constant 0 : index
        %swap3A_685 = tpu.vector_load %arg15[%swap3A_683, %swap3A_684] {strides = array<i32>} : memref<96x128xf32, #tpu.memory_space<vmem>>, vector<16xf32>,
        tpu.vector_store %arg15[%swap3A_683, %swap3A_684], %mul3A_682 {strides = array<i32>} : memref<96x128xf32, #tpu.memory_space<vmem>>, vector<16xf32>,
        %get3A_686 = arith.index_cast %add3A_675 : i32 to index
        %get3A_687 = arith.constant 16 : index
        %get3A_688 = tpu.vector_load %arg15[%get3A_686, %get3A_687] {strides = array<i32>} : memref<96x128xf32, #tpu.memory_space<vmem>>, vector<16xf32>,
        %mul3A_689 = arith.mulf %get3A_688, %broadcast_in_dim3A_678 : vector<16xf32>
        %swap3A_690 = arith.index_cast %add3A_675 : i32 to index
        %swap3A_691 = arith.constant 16 : index
        %swap3A_692 = tpu.vector_load %arg15[%swap3A_690, %swap3A_691] {strides = array<i32>} : memref<96x128xf32, #tpu.memory_space<vmem>>, vector<16xf32>,
        tpu.vector_store %arg15[%swap3A_690, %swap3A_691], %mul3A_689 {strides = array<i32>} : memref<96x128xf32, #tpu.memory_space<vmem>>, vector<16xf32>,
        %get3A_693 = arith.index_cast %add3A_675 : i32 to index
        %get3A_694 = arith.constant 32 : index
        %get3A_695 = tpu.vector_load %arg15[%get3A_693, %get3A_694] {strides = array<i32>} : memref<96x128xf32, #tpu.memory_space<vmem>>, vector<16xf32>,
        %mul3A_696 = arith.mulf %get3A_695, %broadcast_in_dim3A_678 : vector<16xf32>
        %swap3A_697 = arith.index_cast %add3A_675 : i32 to index
        %swap3A_698 = arith.constant 32 : index
        %swap3A_699 = tpu.vector_load %arg15[%swap3A_697, %swap3A_698] {strides = array<i32>} : memref<96x128xf32, #tpu.memory_space<vmem>>, vector<16xf32>,
        tpu.vector_store %arg15[%swap3A_697, %swap3A_698], %mul3A_696 {strides = array<i32>} : memref<96x128xf32, #tpu.memory_space<vmem>>, vector<16xf32>,
        %get3A_700 = arith.index_cast %add3A_675 : i32 to index
        %get3A_701 = arith.constant 48 : index
        %get3A_702 = tpu.vector_load %arg15[%get3A_700, %get3A_701] {strides = array<i32>} : memref<96x128xf32, #tpu.memory_space<vmem>>, vector<16xf32>,
        %mul3A_703 = arith.mulf %get3A_702, %broadcast_in_dim3A_678 : vector<16xf32>
        %swap3A_704 = arith.index_cast %add3A_675 : i32 to index
        %swap3A_705 = arith.constant 48 : index
        %swap3A_706 = tpu.vector_load %arg15[%swap3A_704, %swap3A_705] {strides = array<i32>} : memref<96x128xf32, #tpu.memory_space<vmem>>, vector<16xf32>,
        tpu.vector_store %arg15[%swap3A_704, %swap3A_705], %mul3A_703 {strides = array<i32>} : memref<96x128xf32, #tpu.memory_space<vmem>>, vector<16xf32>,
        %get3A_707 = arith.index_cast %add3A_675 : i32 to index
        %get3A_708 = arith.constant 64 : index
        %get3A_709 = tpu.vector_load %arg15[%get3A_707, %get3A_708] {strides = array<i32>} : memref<96x128xf32, #tpu.memory_space<vmem>>, vector<16xf32>,
        %mul3A_710 = arith.mulf %get3A_709, %broadcast_in_dim3A_678 : vector<16xf32>
        %swap3A_711 = arith.index_cast %add3A_675 : i32 to index
        %swap3A_712 = arith.constant 64 : index
        %swap3A_713 = tpu.vector_load %arg15[%swap3A_711, %swap3A_712] {strides = array<i32>} : memref<96x128xf32, #tpu.memory_space<vmem>>, vector<16xf32>,
        tpu.vector_store %arg15[%swap3A_711, %swap3A_712], %mul3A_710 {strides = array<i32>} : memref<96x128xf32, #tpu.memory_space<vmem>>, vector<16xf32>,
        %get3A_714 = arith.index_cast %add3A_675 : i32 to index
        %get3A_715 = arith.constant 80 : index
        %get3A_716 = tpu.vector_load %arg15[%get3A_714, %get3A_715] {strides = array<i32>} : memref<96x128xf32, #tpu.memory_space<vmem>>, vector<16xf32>,
        %mul3A_717 = arith.mulf %get3A_716, %broadcast_in_dim3A_678 : vector<16xf32>
        %swap3A_718 = arith.index_cast %add3A_675 : i32 to index
        %swap3A_719 = arith.constant 80 : index
        %swap3A_720 = tpu.vector_load %arg15[%swap3A_718, %swap3A_719] {strides = array<i32>} : memref<96x128xf32, #tpu.memory_space<vmem>>, vector<16xf32>,
        tpu.vector_store %arg15[%swap3A_718, %swap3A_719], %mul3A_717 {strides = array<i32>} : memref<96x128xf32, #tpu.memory_space<vmem>>, vector<16xf32>,
        %get3A_721 = arith.index_cast %add3A_675 : i32 to index
        %get3A_722 = arith.constant 96 : index
        %get3A_723 = tpu.vector_load %arg15[%get3A_721, %get3A_722] {strides = array<i32>} : memref<96x128xf32, #tpu.memory_space<vmem>>, vector<16xf32>,
        %mul3A_724 = arith.mulf %get3A_723, %broadcast_in_dim3A_678 : vector<16xf32>
        %swap3A_725 = arith.index_cast %add3A_675 : i32 to index
        %swap3A_726 = arith.constant 96 : index
        %swap3A_727 = tpu.vector_load %arg15[%swap3A_725, %swap3A_726] {strides = array<i32>} : memref<96x128xf32, #tpu.memory_space<vmem>>, vector<16xf32>,
        tpu.vector_store %arg15[%swap3A_725, %swap3A_726], %mul3A_724 {strides = array<i32>} : memref<96x128xf32, #tpu.memory_space<vmem>>, vector<16xf32>,
        %get3A_728 = arith.index_cast %add3A_675 : i32 to index
        %get3A_729 = arith.constant 112 : index
        %get3A_730 = tpu.vector_load %arg15[%get3A_728, %get3A_729] {strides = array<i32>} : memref<96x128xf32, #tpu.memory_space<vmem>>, vector<16xf32>,
        %mul3A_731 = arith.mulf %get3A_730, %broadcast_in_dim3A_678 : vector<16xf32>
        %swap3A_732 = arith.index_cast %add3A_675 : i32 to index
        %swap3A_733 = arith.constant 112 : index
        %swap3A_734 = tpu.vector_load %arg15[%swap3A_732, %swap3A_733] {strides = array<i32>} : memref<96x128xf32, #tpu.memory_space<vmem>>, vector<16xf32>,
        tpu.vector_store %arg15[%swap3A_732, %swap3A_733], %mul3A_731 {strides = array<i32>} : memref<96x128xf32, #tpu.memory_space<vmem>>, vector<16xf32>,
        %mul3A_735 = arith.constant 16 : i32
        %mul3A_736 = arith.muli %scan3A_416, %mul3A_735 : i32
        %add3A_737 = arith.constant 5 : i32
        %add3A_738 = arith.addi %mul3A_736, %add3A_737 : i32
        %slice3A_739 = vector.extract_strided_slice %get3A_421 {offsets = [5], sizes = [1], strides = [1]} : vector<16xf32> to vector<1xf32>
        %squeeze3A_740 = vector.extract %slice3A_739[0] : f32 from vector<1xf32>
        %broadcast_in_dim3A_741 = vector.broadcast %squeeze3A_740 : f32 to vector<16xf32>
        %get3A_742 = arith.index_cast %add3A_738 : i32 to index
        %get3A_743 = arith.constant 0 : index
        %get3A_744 = tpu.vector_load %arg15[%get3A_742, %get3A_743] {strides = array<i32>} : memref<96x128xf32, #tpu.memory_space<vmem>>, vector<16xf32>,
        %mul3A_745 = arith.mulf %get3A_744, %broadcast_in_dim3A_741 : vector<16xf32>
        %swap3A_746 = arith.index_cast %add3A_738 : i32 to index
        %swap3A_747 = arith.constant 0 : index
        %swap3A_748 = tpu.vector_load %arg15[%swap3A_746, %swap3A_747] {strides = array<i32>} : memref<96x128xf32, #tpu.memory_space<vmem>>, vector<16xf32>,
        tpu.vector_store %arg15[%swap3A_746, %swap3A_747], %mul3A_745 {strides = array<i32>} : memref<96x128xf32, #tpu.memory_space<vmem>>, vector<16xf32>,
        %get3A_749 = arith.index_cast %add3A_738 : i32 to index
        %get3A_750 = arith.constant 16 : index
        %get3A_751 = tpu.vector_load %arg15[%get3A_749, %get3A_750] {strides = array<i32>} : memref<96x128xf32, #tpu.memory_space<vmem>>, vector<16xf32>,
        %mul3A_752 = arith.mulf %get3A_751, %broadcast_in_dim3A_741 : vector<16xf32>
        %swap3A_753 = arith.index_cast %add3A_738 : i32 to index
        %swap3A_754 = arith.constant 16 : index
        %swap3A_755 = tpu.vector_load %arg15[%swap3A_753, %swap3A_754] {strides = array<i32>} : memref<96x128xf32, #tpu.memory_space<vmem>>, vector<16xf32>,
        tpu.vector_store %arg15[%swap3A_753, %swap3A_754], %mul3A_752 {strides = array<i32>} : memref<96x128xf32, #tpu.memory_space<vmem>>, vector<16xf32>,
        %get3A_756 = arith.index_cast %add3A_738 : i32 to index
        %get3A_757 = arith.constant 32 : index
        %get3A_758 = tpu.vector_load %arg15[%get3A_756, %get3A_757] {strides = array<i32>} : memref<96x128xf32, #tpu.memory_space<vmem>>, vector<16xf32>,
        %mul3A_759 = arith.mulf %get3A_758, %broadcast_in_dim3A_741 : vector<16xf32>
        %swap3A_760 = arith.index_cast %add3A_738 : i32 to index
        %swap3A_761 = arith.constant 32 : index
        %swap3A_762 = tpu.vector_load %arg15[%swap3A_760, %swap3A_761] {strides = array<i32>} : memref<96x128xf32, #tpu.memory_space<vmem>>, vector<16xf32>,
        tpu.vector_store %arg15[%swap3A_760, %swap3A_761], %mul3A_759 {strides = array<i32>} : memref<96x128xf32, #tpu.memory_space<vmem>>, vector<16xf32>,
        %get3A_763 = arith.index_cast %add3A_738 : i32 to index
        %get3A_764 = arith.constant 48 : index
        %get3A_765 = tpu.vector_load %arg15[%get3A_763, %get3A_764] {strides = array<i32>} : memref<96x128xf32, #tpu.memory_space<vmem>>, vector<16xf32>,
        %mul3A_766 = arith.mulf %get3A_765, %broadcast_in_dim3A_741 : vector<16xf32>
        %swap3A_767 = arith.index_cast %add3A_738 : i32 to index
        %swap3A_768 = arith.constant 48 : index
        %swap3A_769 = tpu.vector_load %arg15[%swap3A_767, %swap3A_768] {strides = array<i32>} : memref<96x128xf32, #tpu.memory_space<vmem>>, vector<16xf32>,
        tpu.vector_store %arg15[%swap3A_767, %swap3A_768], %mul3A_766 {strides = array<i32>} : memref<96x128xf32, #tpu.memory_space<vmem>>, vector<16xf32>,
        %get3A_770 = arith.index_cast %add3A_738 : i32 to index
        %get3A_771 = arith.constant 64 : index
        %get3A_772 = tpu.vector_load %arg15[%get3A_770, %get3A_771] {strides = array<i32>} : memref<96x128xf32, #tpu.memory_space<vmem>>, vector<16xf32>,
        %mul3A_773 = arith.mulf %get3A_772, %broadcast_in_dim3A_741 : vector<16xf32>
        %swap3A_774 = arith.index_cast %add3A_738 : i32 to index
        %swap3A_775 = arith.constant 64 : index
        %swap3A_776 = tpu.vector_load %arg15[%swap3A_774, %swap3A_775] {strides = array<i32>} : memref<96x128xf32, #tpu.memory_space<vmem>>, vector<16xf32>,
        tpu.vector_store %arg15[%swap3A_774, %swap3A_775], %mul3A_773 {strides = array<i32>} : memref<96x128xf32, #tpu.memory_space<vmem>>, vector<16xf32>,
        %get3A_777 = arith.index_cast %add3A_738 : i32 to index
        %get3A_778 = arith.constant 80 : index
        %get3A_779 = tpu.vector_load %arg15[%get3A_777, %get3A_778] {strides = array<i32>} : memref<96x128xf32, #tpu.memory_space<vmem>>, vector<16xf32>,
        %mul3A_780 = arith.mulf %get3A_779, %broadcast_in_dim3A_741 : vector<16xf32>
        %swap3A_781 = arith.index_cast %add3A_738 : i32 to index
        %swap3A_782 = arith.constant 80 : index
        %swap3A_783 = tpu.vector_load %arg15[%swap3A_781, %swap3A_782] {strides = array<i32>} : memref<96x128xf32, #tpu.memory_space<vmem>>, vector<16xf32>,
        tpu.vector_store %arg15[%swap3A_781, %swap3A_782], %mul3A_780 {strides = array<i32>} : memref<96x128xf32, #tpu.memory_space<vmem>>, vector<16xf32>,
        %get3A_784 = arith.index_cast %add3A_738 : i32 to index
        %get3A_785 = arith.constant 96 : index
        %get3A_786 = tpu.vector_load %arg15[%get3A_784, %get3A_785] {strides = array<i32>} : memref<96x128xf32, #tpu.memory_space<vmem>>, vector<16xf32>,
        %mul3A_787 = arith.mulf %get3A_786, %broadcast_in_dim3A_741 : vector<16xf32>
        %swap3A_788 = arith.index_cast %add3A_738 : i32 to index
        %swap3A_789 = arith.constant 96 : index
        %swap3A_790 = tpu.vector_load %arg15[%swap3A_788, %swap3A_789] {strides = array<i32>} : memref<96x128xf32, #tpu.memory_space<vmem>>, vector<16xf32>,
        tpu.vector_store %arg15[%swap3A_788, %swap3A_789], %mul3A_787 {strides = array<i32>} : memref<96x128xf32, #tpu.memory_space<vmem>>, vector<16xf32>,
        %get3A_791 = arith.index_cast %add3A_738 : i32 to index
        %get3A_792 = arith.constant 112 : index
        %get3A_793 = tpu.vector_load %arg15[%get3A_791, %get3A_792] {strides = array<i32>} : memref<96x128xf32, #tpu.memory_space<vmem>>, vector<16xf32>,
        %mul3A_794 = arith.mulf %get3A_793, %broadcast_in_dim3A_741 : vector<16xf32>
        %swap3A_795 = arith.index_cast %add3A_738 : i32 to index
        %swap3A_796 = arith.constant 112 : index
        %swap3A_797 = tpu.vector_load %arg15[%swap3A_795, %swap3A_796] {strides = array<i32>} : memref<96x128xf32, #tpu.memory_space<vmem>>, vector<16xf32>,
        tpu.vector_store %arg15[%swap3A_795, %swap3A_796], %mul3A_794 {strides = array<i32>} : memref<96x128xf32, #tpu.memory_space<vmem>>, vector<16xf32>,
        %mul3A_798 = arith.constant 16 : i32
        %mul3A_799 = arith.muli %scan3A_416, %mul3A_798 : i32
        %add3A_800 = arith.constant 6 : i32
        %add3A_801 = arith.addi %mul3A_799, %add3A_800 : i32
        %slice3A_802 = vector.extract_strided_slice %get3A_421 {offsets = [6], sizes = [1], strides = [1]} : vector<16xf32> to vector<1xf32>
        %squeeze3A_803 = vector.extract %slice3A_802[0] : f32 from vector<1xf32>
        %broadcast_in_dim3A_804 = vector.broadcast %squeeze3A_803 : f32 to vector<16xf32>
        %get3A_805 = arith.index_cast %add3A_801 : i32 to index
        %get3A_806 = arith.constant 0 : index
        %get3A_807 = tpu.vector_load %arg15[%get3A_805, %get3A_806] {strides = array<i32>} : memref<96x128xf32, #tpu.memory_space<vmem>>, vector<16xf32>,
        %mul3A_808 = arith.mulf %get3A_807, %broadcast_in_dim3A_804 : vector<16xf32>
        %swap3A_809 = arith.index_cast %add3A_801 : i32 to index
        %swap3A_810 = arith.constant 0 : index
        %swap3A_811 = tpu.vector_load %arg15[%swap3A_809, %swap3A_810] {strides = array<i32>} : memref<96x128xf32, #tpu.memory_space<vmem>>, vector<16xf32>,
        tpu.vector_store %arg15[%swap3A_809, %swap3A_810], %mul3A_808 {strides = array<i32>} : memref<96x128xf32, #tpu.memory_space<vmem>>, vector<16xf32>,
        %get3A_812 = arith.index_cast %add3A_801 : i32 to index
        %get3A_813 = arith.constant 16 : index
        %get3A_814 = tpu.vector_load %arg15[%get3A_812, %get3A_813] {strides = array<i32>} : memref<96x128xf32, #tpu.memory_space<vmem>>, vector<16xf32>,
        %mul3A_815 = arith.mulf %get3A_814, %broadcast_in_dim3A_804 : vector<16xf32>
        %swap3A_816 = arith.index_cast %add3A_801 : i32 to index
        %swap3A_817 = arith.constant 16 : index
        %swap3A_818 = tpu.vector_load %arg15[%swap3A_816, %swap3A_817] {strides = array<i32>} : memref<96x128xf32, #tpu.memory_space<vmem>>, vector<16xf32>,
        tpu.vector_store %arg15[%swap3A_816, %swap3A_817], %mul3A_815 {strides = array<i32>} : memref<96x128xf32, #tpu.memory_space<vmem>>, vector<16xf32>,
        %get3A_819 = arith.index_cast %add3A_801 : i32 to index
        %get3A_820 = arith.constant 32 : index
        %get3A_821 = tpu.vector_load %arg15[%get3A_819, %get3A_820] {strides = array<i32>} : memref<96x128xf32, #tpu.memory_space<vmem>>, vector<16xf32>,
        %mul3A_822 = arith.mulf %get3A_821, %broadcast_in_dim3A_804 : vector<16xf32>
        %swap3A_823 = arith.index_cast %add3A_801 : i32 to index
        %swap3A_824 = arith.constant 32 : index
        %swap3A_825 = tpu.vector_load %arg15[%swap3A_823, %swap3A_824] {strides = array<i32>} : memref<96x128xf32, #tpu.memory_space<vmem>>, vector<16xf32>,
        tpu.vector_store %arg15[%swap3A_823, %swap3A_824], %mul3A_822 {strides = array<i32>} : memref<96x128xf32, #tpu.memory_space<vmem>>, vector<16xf32>,
        %get3A_826 = arith.index_cast %add3A_801 : i32 to index
        %get3A_827 = arith.constant 48 : index
        %get3A_828 = tpu.vector_load %arg15[%get3A_826, %get3A_827] {strides = array<i32>} : memref<96x128xf32, #tpu.memory_space<vmem>>, vector<16xf32>,
        %mul3A_829 = arith.mulf %get3A_828, %broadcast_in_dim3A_804 : vector<16xf32>
        %swap3A_830 = arith.index_cast %add3A_801 : i32 to index
        %swap3A_831 = arith.constant 48 : index
        %swap3A_832 = tpu.vector_load %arg15[%swap3A_830, %swap3A_831] {strides = array<i32>} : memref<96x128xf32, #tpu.memory_space<vmem>>, vector<16xf32>,
        tpu.vector_store %arg15[%swap3A_830, %swap3A_831], %mul3A_829 {strides = array<i32>} : memref<96x128xf32, #tpu.memory_space<vmem>>, vector<16xf32>,
        %get3A_833 = arith.index_cast %add3A_801 : i32 to index
        %get3A_834 = arith.constant 64 : index
        %get3A_835 = tpu.vector_load %arg15[%get3A_833, %get3A_834] {strides = array<i32>} : memref<96x128xf32, #tpu.memory_space<vmem>>, vector<16xf32>,
        %mul3A_836 = arith.mulf %get3A_835, %broadcast_in_dim3A_804 : vector<16xf32>
        %swap3A_837 = arith.index_cast %add3A_801 : i32 to index
        %swap3A_838 = arith.constant 64 : index
        %swap3A_839 = tpu.vector_load %arg15[%swap3A_837, %swap3A_838] {strides = array<i32>} : memref<96x128xf32, #tpu.memory_space<vmem>>, vector<16xf32>,
        tpu.vector_store %arg15[%swap3A_837, %swap3A_838], %mul3A_836 {strides = array<i32>} : memref<96x128xf32, #tpu.memory_space<vmem>>, vector<16xf32>,
        %get3A_840 = arith.index_cast %add3A_801 : i32 to index
        %get3A_841 = arith.constant 80 : index
        %get3A_842 = tpu.vector_load %arg15[%get3A_840, %get3A_841] {strides = array<i32>} : memref<96x128xf32, #tpu.memory_space<vmem>>, vector<16xf32>,
        %mul3A_843 = arith.mulf %get3A_842, %broadcast_in_dim3A_804 : vector<16xf32>
        %swap3A_844 = arith.index_cast %add3A_801 : i32 to index
        %swap3A_845 = arith.constant 80 : index
        %swap3A_846 = tpu.vector_load %arg15[%swap3A_844, %swap3A_845] {strides = array<i32>} : memref<96x128xf32, #tpu.memory_space<vmem>>, vector<16xf32>,
        tpu.vector_store %arg15[%swap3A_844, %swap3A_845], %mul3A_843 {strides = array<i32>} : memref<96x128xf32, #tpu.memory_space<vmem>>, vector<16xf32>,
        %get3A_847 = arith.index_cast %add3A_801 : i32 to index
        %get3A_848 = arith.constant 96 : index
        %get3A_849 = tpu.vector_load %arg15[%get3A_847, %get3A_848] {strides = array<i32>} : memref<96x128xf32, #tpu.memory_space<vmem>>, vector<16xf32>,
        %mul3A_850 = arith.mulf %get3A_849, %broadcast_in_dim3A_804 : vector<16xf32>
        %swap3A_851 = arith.index_cast %add3A_801 : i32 to index
        %swap3A_852 = arith.constant 96 : index
        %swap3A_853 = tpu.vector_load %arg15[%swap3A_851, %swap3A_852] {strides = array<i32>} : memref<96x128xf32, #tpu.memory_space<vmem>>, vector<16xf32>,
        tpu.vector_store %arg15[%swap3A_851, %swap3A_852], %mul3A_850 {strides = array<i32>} : memref<96x128xf32, #tpu.memory_space<vmem>>, vector<16xf32>,
        %get3A_854 = arith.index_cast %add3A_801 : i32 to index
        %get3A_855 = arith.constant 112 : index
        %get3A_856 = tpu.vector_load %arg15[%get3A_854, %get3A_855] {strides = array<i32>} : memref<96x128xf32, #tpu.memory_space<vmem>>, vector<16xf32>,
        %mul3A_857 = arith.mulf %get3A_856, %broadcast_in_dim3A_804 : vector<16xf32>
        %swap3A_858 = arith.index_cast %add3A_801 : i32 to index
        %swap3A_859 = arith.constant 112 : index
        %swap3A_860 = tpu.vector_load %arg15[%swap3A_858, %swap3A_859] {strides = array<i32>} : memref<96x128xf32, #tpu.memory_space<vmem>>, vector<16xf32>,
        tpu.vector_store %arg15[%swap3A_858, %swap3A_859], %mul3A_857 {strides = array<i32>} : memref<96x128xf32, #tpu.memory_space<vmem>>, vector<16xf32>,
        %mul3A_861 = arith.constant 16 : i32
        %mul3A_862 = arith.muli %scan3A_416, %mul3A_861 : i32
        %add3A_863 = arith.constant 7 : i32
        %add3A_864 = arith.addi %mul3A_862, %add3A_863 : i32
        %slice3A_865 = vector.extract_strided_slice %get3A_421 {offsets = [7], sizes = [1], strides = [1]} : vector<16xf32> to vector<1xf32>
        %squeeze3A_866 = vector.extract %slice3A_865[0] : f32 from vector<1xf32>
        %broadcast_in_dim3A_867 = vector.broadcast %squeeze3A_866 : f32 to vector<16xf32>
        %get3A_868 = arith.index_cast %add3A_864 : i32 to index
        %get3A_869 = arith.constant 0 : index
        %get3A_870 = tpu.vector_load %arg15[%get3A_868, %get3A_869] {strides = array<i32>} : memref<96x128xf32, #tpu.memory_space<vmem>>, vector<16xf32>,
        %mul3A_871 = arith.mulf %get3A_870, %broadcast_in_dim3A_867 : vector<16xf32>
        %swap3A_872 = arith.index_cast %add3A_864 : i32 to index
        %swap3A_873 = arith.constant 0 : index
        %swap3A_874 = tpu.vector_load %arg15[%swap3A_872, %swap3A_873] {strides = array<i32>} : memref<96x128xf32, #tpu.memory_space<vmem>>, vector<16xf32>,
        tpu.vector_store %arg15[%swap3A_872, %swap3A_873], %mul3A_871 {strides = array<i32>} : memref<96x128xf32, #tpu.memory_space<vmem>>, vector<16xf32>,
        %get3A_875 = arith.index_cast %add3A_864 : i32 to index
        %get3A_876 = arith.constant 16 : index
        %get3A_877 = tpu.vector_load %arg15[%get3A_875, %get3A_876] {strides = array<i32>} : memref<96x128xf32, #tpu.memory_space<vmem>>, vector<16xf32>,
        %mul3A_878 = arith.mulf %get3A_877, %broadcast_in_dim3A_867 : vector<16xf32>
        %swap3A_879 = arith.index_cast %add3A_864 : i32 to index
        %swap3A_880 = arith.constant 16 : index
        %swap3A_881 = tpu.vector_load %arg15[%swap3A_879, %swap3A_880] {strides = array<i32>} : memref<96x128xf32, #tpu.memory_space<vmem>>, vector<16xf32>,
        tpu.vector_store %arg15[%swap3A_879, %swap3A_880], %mul3A_878 {strides = array<i32>} : memref<96x128xf32, #tpu.memory_space<vmem>>, vector<16xf32>,
        %get3A_882 = arith.index_cast %add3A_864 : i32 to index
        %get3A_883 = arith.constant 32 : index
        %get3A_884 = tpu.vector_load %arg15[%get3A_882, %get3A_883] {strides = array<i32>} : memref<96x128xf32, #tpu.memory_space<vmem>>, vector<16xf32>,
        %mul3A_885 = arith.mulf %get3A_884, %broadcast_in_dim3A_867 : vector<16xf32>
        %swap3A_886 = arith.index_cast %add3A_864 : i32 to index
        %swap3A_887 = arith.constant 32 : index
        %swap3A_888 = tpu.vector_load %arg15[%swap3A_886, %swap3A_887] {strides = array<i32>} : memref<96x128xf32, #tpu.memory_space<vmem>>, vector<16xf32>,
        tpu.vector_store %arg15[%swap3A_886, %swap3A_887], %mul3A_885 {strides = array<i32>} : memref<96x128xf32, #tpu.memory_space<vmem>>, vector<16xf32>,
        %get3A_889 = arith.index_cast %add3A_864 : i32 to index
        %get3A_890 = arith.constant 48 : index
        %get3A_891 = tpu.vector_load %arg15[%get3A_889, %get3A_890] {strides = array<i32>} : memref<96x128xf32, #tpu.memory_space<vmem>>, vector<16xf32>,
        %mul3A_892 = arith.mulf %get3A_891, %broadcast_in_dim3A_867 : vector<16xf32>
        %swap3A_893 = arith.index_cast %add3A_864 : i32 to index
        %swap3A_894 = arith.constant 48 : index
        %swap3A_895 = tpu.vector_load %arg15[%swap3A_893, %swap3A_894] {strides = array<i32>} : memref<96x128xf32, #tpu.memory_space<vmem>>, vector<16xf32>,
        tpu.vector_store %arg15[%swap3A_893, %swap3A_894], %mul3A_892 {strides = array<i32>} : memref<96x128xf32, #tpu.memory_space<vmem>>, vector<16xf32>,
        %get3A_896 = arith.index_cast %add3A_864 : i32 to index
        %get3A_897 = arith.constant 64 : index
        %get3A_898 = tpu.vector_load %arg15[%get3A_896, %get3A_897] {strides = array<i32>} : memref<96x128xf32, #tpu.memory_space<vmem>>, vector<16xf32>,
        %mul3A_899 = arith.mulf %get3A_898, %broadcast_in_dim3A_867 : vector<16xf32>
        %swap3A_900 = arith.index_cast %add3A_864 : i32 to index
        %swap3A_901 = arith.constant 64 : index
        %swap3A_902 = tpu.vector_load %arg15[%swap3A_900, %swap3A_901] {strides = array<i32>} : memref<96x128xf32, #tpu.memory_space<vmem>>, vector<16xf32>,
        tpu.vector_store %arg15[%swap3A_900, %swap3A_901], %mul3A_899 {strides = array<i32>} : memref<96x128xf32, #tpu.memory_space<vmem>>, vector<16xf32>,
        %get3A_903 = arith.index_cast %add3A_864 : i32 to index
        %get3A_904 = arith.constant 80 : index
        %get3A_905 = tpu.vector_load %arg15[%get3A_903, %get3A_904] {strides = array<i32>} : memref<96x128xf32, #tpu.memory_space<vmem>>, vector<16xf32>,
        %mul3A_906 = arith.mulf %get3A_905, %broadcast_in_dim3A_867 : vector<16xf32>
        %swap3A_907 = arith.index_cast %add3A_864 : i32 to index
        %swap3A_908 = arith.constant 80 : index
        %swap3A_909 = tpu.vector_load %arg15[%swap3A_907, %swap3A_908] {strides = array<i32>} : memref<96x128xf32, #tpu.memory_space<vmem>>, vector<16xf32>,
        tpu.vector_store %arg15[%swap3A_907, %swap3A_908], %mul3A_906 {strides = array<i32>} : memref<96x128xf32, #tpu.memory_space<vmem>>, vector<16xf32>,
        %get3A_910 = arith.index_cast %add3A_864 : i32 to index
        %get3A_911 = arith.constant 96 : index
        %get3A_912 = tpu.vector_load %arg15[%get3A_910, %get3A_911] {strides = array<i32>} : memref<96x128xf32, #tpu.memory_space<vmem>>, vector<16xf32>,
        %mul3A_913 = arith.mulf %get3A_912, %broadcast_in_dim3A_867 : vector<16xf32>
        %swap3A_914 = arith.index_cast %add3A_864 : i32 to index
        %swap3A_915 = arith.constant 96 : index
        %swap3A_916 = tpu.vector_load %arg15[%swap3A_914, %swap3A_915] {strides = array<i32>} : memref<96x128xf32, #tpu.memory_space<vmem>>, vector<16xf32>,
        tpu.vector_store %arg15[%swap3A_914, %swap3A_915], %mul3A_913 {strides = array<i32>} : memref<96x128xf32, #tpu.memory_space<vmem>>, vector<16xf32>,
        %get3A_917 = arith.index_cast %add3A_864 : i32 to index
        %get3A_918 = arith.constant 112 : index
        %get3A_919 = tpu.vector_load %arg15[%get3A_917, %get3A_918] {strides = array<i32>} : memref<96x128xf32, #tpu.memory_space<vmem>>, vector<16xf32>,
        %mul3A_920 = arith.mulf %get3A_919, %broadcast_in_dim3A_867 : vector<16xf32>
        %swap3A_921 = arith.index_cast %add3A_864 : i32 to index
        %swap3A_922 = arith.constant 112 : index
        %swap3A_923 = tpu.vector_load %arg15[%swap3A_921, %swap3A_922] {strides = array<i32>} : memref<96x128xf32, #tpu.memory_space<vmem>>, vector<16xf32>,
        tpu.vector_store %arg15[%swap3A_921, %swap3A_922], %mul3A_920 {strides = array<i32>} : memref<96x128xf32, #tpu.memory_space<vmem>>, vector<16xf32>,
        %mul3A_924 = arith.constant 16 : i32
        %mul3A_925 = arith.muli %scan3A_416, %mul3A_924 : i32
        %add3A_926 = arith.constant 8 : i32
        %add3A_927 = arith.addi %mul3A_925, %add3A_926 : i32
        %slice3A_928 = vector.extract_strided_slice %get3A_421 {offsets = [8], sizes = [1], strides = [1]} : vector<16xf32> to vector<1xf32>
        %squeeze3A_929 = vector.extract %slice3A_928[0] : f32 from vector<1xf32>
        %broadcast_in_dim3A_930 = vector.broadcast %squeeze3A_929 : f32 to vector<16xf32>
        %get3A_931 = arith.index_cast %add3A_927 : i32 to index
        %get3A_932 = arith.constant 0 : index
        %get3A_933 = tpu.vector_load %arg15[%get3A_931, %get3A_932] {strides = array<i32>} : memref<96x128xf32, #tpu.memory_space<vmem>>, vector<16xf32>,
        %mul3A_934 = arith.mulf %get3A_933, %broadcast_in_dim3A_930 : vector<16xf32>
        %swap3A_935 = arith.index_cast %add3A_927 : i32 to index
        %swap3A_936 = arith.constant 0 : index
        %swap3A_937 = tpu.vector_load %arg15[%swap3A_935, %swap3A_936] {strides = array<i32>} : memref<96x128xf32, #tpu.memory_space<vmem>>, vector<16xf32>,
        tpu.vector_store %arg15[%swap3A_935, %swap3A_936], %mul3A_934 {strides = array<i32>} : memref<96x128xf32, #tpu.memory_space<vmem>>, vector<16xf32>,
        %get3A_938 = arith.index_cast %add3A_927 : i32 to index
        %get3A_939 = arith.constant 16 : index
        %get3A_940 = tpu.vector_load %arg15[%get3A_938, %get3A_939] {strides = array<i32>} : memref<96x128xf32, #tpu.memory_space<vmem>>, vector<16xf32>,
        %mul3A_941 = arith.mulf %get3A_940, %broadcast_in_dim3A_930 : vector<16xf32>
        %swap3A_942 = arith.index_cast %add3A_927 : i32 to index
        %swap3A_943 = arith.constant 16 : index
        %swap3A_944 = tpu.vector_load %arg15[%swap3A_942, %swap3A_943] {strides = array<i32>} : memref<96x128xf32, #tpu.memory_space<vmem>>, vector<16xf32>,
        tpu.vector_store %arg15[%swap3A_942, %swap3A_943], %mul3A_941 {strides = array<i32>} : memref<96x128xf32, #tpu.memory_space<vmem>>, vector<16xf32>,
        %get3A_945 = arith.index_cast %add3A_927 : i32 to index
        %get3A_946 = arith.constant 32 : index
        %get3A_947 = tpu.vector_load %arg15[%get3A_945, %get3A_946] {strides = array<i32>} : memref<96x128xf32, #tpu.memory_space<vmem>>, vector<16xf32>,
        %mul3A_948 = arith.mulf %get3A_947, %broadcast_in_dim3A_930 : vector<16xf32>
        %swap3A_949 = arith.index_cast %add3A_927 : i32 to index
        %swap3A_950 = arith.constant 32 : index
        %swap3A_951 = tpu.vector_load %arg15[%swap3A_949, %swap3A_950] {strides = array<i32>} : memref<96x128xf32, #tpu.memory_space<vmem>>, vector<16xf32>,
        tpu.vector_store %arg15[%swap3A_949, %swap3A_950], %mul3A_948 {strides = array<i32>} : memref<96x128xf32, #tpu.memory_space<vmem>>, vector<16xf32>,
        %get3A_952 = arith.index_cast %add3A_927 : i32 to index
        %get3A_953 = arith.constant 48 : index
        %get3A_954 = tpu.vector_load %arg15[%get3A_952, %get3A_953] {strides = array<i32>} : memref<96x128xf32, #tpu.memory_space<vmem>>, vector<16xf32>,
        %mul3A_955 = arith.mulf %get3A_954, %broadcast_in_dim3A_930 : vector<16xf32>
        %swap3A_956 = arith.index_cast %add3A_927 : i32 to index
        %swap3A_957 = arith.constant 48 : index
        %swap3A_958 = tpu.vector_load %arg15[%swap3A_956, %swap3A_957] {strides = array<i32>} : memref<96x128xf32, #tpu.memory_space<vmem>>, vector<16xf32>,
        tpu.vector_store %arg15[%swap3A_956, %swap3A_957], %mul3A_955 {strides = array<i32>} : memref<96x128xf32, #tpu.memory_space<vmem>>, vector<16xf32>,
        %get3A_959 = arith.index_cast %add3A_927 : i32 to index
        %get3A_960 = arith.constant 64 : index
        %get3A_961 = tpu.vector_load %arg15[%get3A_959, %get3A_960] {strides = array<i32>} : memref<96x128xf32, #tpu.memory_space<vmem>>, vector<16xf32>,
        %mul3A_962 = arith.mulf %get3A_961, %broadcast_in_dim3A_930 : vector<16xf32>
        %swap3A_963 = arith.index_cast %add3A_927 : i32 to index
        %swap3A_964 = arith.constant 64 : index
        %swap3A_965 = tpu.vector_load %arg15[%swap3A_963, %swap3A_964] {strides = array<i32>} : memref<96x128xf32, #tpu.memory_space<vmem>>, vector<16xf32>,
        tpu.vector_store %arg15[%swap3A_963, %swap3A_964], %mul3A_962 {strides = array<i32>} : memref<96x128xf32, #tpu.memory_space<vmem>>, vector<16xf32>,
        %get3A_966 = arith.index_cast %add3A_927 : i32 to index
        %get3A_967 = arith.constant 80 : index
        %get3A_968 = tpu.vector_load %arg15[%get3A_966, %get3A_967] {strides = array<i32>} : memref<96x128xf32, #tpu.memory_space<vmem>>, vector<16xf32>,
        %mul3A_969 = arith.mulf %get3A_968, %broadcast_in_dim3A_930 : vector<16xf32>
        %swap3A_970 = arith.index_cast %add3A_927 : i32 to index
        %swap3A_971 = arith.constant 80 : index
        %swap3A_972 = tpu.vector_load %arg15[%swap3A_970, %swap3A_971] {strides = array<i32>} : memref<96x128xf32, #tpu.memory_space<vmem>>, vector<16xf32>,
        tpu.vector_store %arg15[%swap3A_970, %swap3A_971], %mul3A_969 {strides = array<i32>} : memref<96x128xf32, #tpu.memory_space<vmem>>, vector<16xf32>,
        %get3A_973 = arith.index_cast %add3A_927 : i32 to index
        %get3A_974 = arith.constant 96 : index
        %get3A_975 = tpu.vector_load %arg15[%get3A_973, %get3A_974] {strides = array<i32>} : memref<96x128xf32, #tpu.memory_space<vmem>>, vector<16xf32>,
        %mul3A_976 = arith.mulf %get3A_975, %broadcast_in_dim3A_930 : vector<16xf32>
        %swap3A_977 = arith.index_cast %add3A_927 : i32 to index
        %swap3A_978 = arith.constant 96 : index
        %swap3A_979 = tpu.vector_load %arg15[%swap3A_977, %swap3A_978] {strides = array<i32>} : memref<96x128xf32, #tpu.memory_space<vmem>>, vector<16xf32>,
        tpu.vector_store %arg15[%swap3A_977, %swap3A_978], %mul3A_976 {strides = array<i32>} : memref<96x128xf32, #tpu.memory_space<vmem>>, vector<16xf32>,
        %get3A_980 = arith.index_cast %add3A_927 : i32 to index
        %get3A_981 = arith.constant 112 : index
        %get3A_982 = tpu.vector_load %arg15[%get3A_980, %get3A_981] {strides = array<i32>} : memref<96x128xf32, #tpu.memory_space<vmem>>, vector<16xf32>,
        %mul3A_983 = arith.mulf %get3A_982, %broadcast_in_dim3A_930 : vector<16xf32>
        %swap3A_984 = arith.index_cast %add3A_927 : i32 to index
        %swap3A_985 = arith.constant 112 : index
        %swap3A_986 = tpu.vector_load %arg15[%swap3A_984, %swap3A_985] {strides = array<i32>} : memref<96x128xf32, #tpu.memory_space<vmem>>, vector<16xf32>,
        tpu.vector_store %arg15[%swap3A_984, %swap3A_985], %mul3A_983 {strides = array<i32>} : memref<96x128xf32, #tpu.memory_space<vmem>>, vector<16xf32>,
        %mul3A_987 = arith.constant 16 : i32
        %mul3A_988 = arith.muli %scan3A_416, %mul3A_987 : i32
        %add3A_989 = arith.constant 9 : i32
        %add3A_990 = arith.addi %mul3A_988, %add3A_989 : i32
        %slice3A_991 = vector.extract_strided_slice %get3A_421 {offsets = [9], sizes = [1], strides = [1]} : vector<16xf32> to vector<1xf32>
        %squeeze3A_992 = vector.extract %slice3A_991[0] : f32 from vector<1xf32>
        %broadcast_in_dim3A_993 = vector.broadcast %squeeze3A_992 : f32 to vector<16xf32>
        %get3A_994 = arith.index_cast %add3A_990 : i32 to index
        %get3A_995 = arith.constant 0 : index
        %get3A_996 = tpu.vector_load %arg15[%get3A_994, %get3A_995] {strides = array<i32>} : memref<96x128xf32, #tpu.memory_space<vmem>>, vector<16xf32>,
        %mul3A_997 = arith.mulf %get3A_996, %broadcast_in_dim3A_993 : vector<16xf32>
        %swap3A_998 = arith.index_cast %add3A_990 : i32 to index
        %swap3A_999 = arith.constant 0 : index
        %swap3A_1000 = tpu.vector_load %arg15[%swap3A_998, %swap3A_999] {strides = array<i32>} : memref<96x128xf32, #tpu.memory_space<vmem>>, vector<16xf32>,
        tpu.vector_store %arg15[%swap3A_998, %swap3A_999], %mul3A_997 {strides = array<i32>} : memref<96x128xf32, #tpu.memory_space<vmem>>, vector<16xf32>,
        %get3A_1001 = arith.index_cast %add3A_990 : i32 to index
        %get3A_1002 = arith.constant 16 : index
        %get3A_1003 = tpu.vector_load %arg15[%get3A_1001, %get3A_1002] {strides = array<i32>} : memref<96x128xf32, #tpu.memory_space<vmem>>, vector<16xf32>,
        %mul3A_1004 = arith.mulf %get3A_1003, %broadcast_in_dim3A_993 : vector<16xf32>
        %swap3A_1005 = arith.index_cast %add3A_990 : i32 to index
        %swap3A_1006 = arith.constant 16 : index
        %swap3A_1007 = tpu.vector_load %arg15[%swap3A_1005, %swap3A_1006] {strides = array<i32>} : memref<96x128xf32, #tpu.memory_space<vmem>>, vector<16xf32>,
        tpu.vector_store %arg15[%swap3A_1005, %swap3A_1006], %mul3A_1004 {strides = array<i32>} : memref<96x128xf32, #tpu.memory_space<vmem>>, vector<16xf32>,
        %get3A_1008 = arith.index_cast %add3A_990 : i32 to index
        %get3A_1009 = arith.constant 32 : index
        %get3A_1010 = tpu.vector_load %arg15[%get3A_1008, %get3A_1009] {strides = array<i32>} : memref<96x128xf32, #tpu.memory_space<vmem>>, vector<16xf32>,
        %mul3A_1011 = arith.mulf %get3A_1010, %broadcast_in_dim3A_993 : vector<16xf32>
        %swap3A_1012 = arith.index_cast %add3A_990 : i32 to index
        %swap3A_1013 = arith.constant 32 : index
        %swap3A_1014 = tpu.vector_load %arg15[%swap3A_1012, %swap3A_1013] {strides = array<i32>} : memref<96x128xf32, #tpu.memory_space<vmem>>, vector<16xf32>,
        tpu.vector_store %arg15[%swap3A_1012, %swap3A_1013], %mul3A_1011 {strides = array<i32>} : memref<96x128xf32, #tpu.memory_space<vmem>>, vector<16xf32>,
        %get3A_1015 = arith.index_cast %add3A_990 : i32 to index
        %get3A_1016 = arith.constant 48 : index
        %get3A_1017 = tpu.vector_load %arg15[%get3A_1015, %get3A_1016] {strides = array<i32>} : memref<96x128xf32, #tpu.memory_space<vmem>>, vector<16xf32>,
        %mul3A_1018 = arith.mulf %get3A_1017, %broadcast_in_dim3A_993 : vector<16xf32>
        %swap3A_1019 = arith.index_cast %add3A_990 : i32 to index
        %swap3A_1020 = arith.constant 48 : index
        %swap3A_1021 = tpu.vector_load %arg15[%swap3A_1019, %swap3A_1020] {strides = array<i32>} : memref<96x128xf32, #tpu.memory_space<vmem>>, vector<16xf32>,
        tpu.vector_store %arg15[%swap3A_1019, %swap3A_1020], %mul3A_1018 {strides = array<i32>} : memref<96x128xf32, #tpu.memory_space<vmem>>, vector<16xf32>,
        %get3A_1022 = arith.index_cast %add3A_990 : i32 to index
        %get3A_1023 = arith.constant 64 : index
        %get3A_1024 = tpu.vector_load %arg15[%get3A_1022, %get3A_1023] {strides = array<i32>} : memref<96x128xf32, #tpu.memory_space<vmem>>, vector<16xf32>,
        %mul3A_1025 = arith.mulf %get3A_1024, %broadcast_in_dim3A_993 : vector<16xf32>
        %swap3A_1026 = arith.index_cast %add3A_990 : i32 to index
        %swap3A_1027 = arith.constant 64 : index
        %swap3A_1028 = tpu.vector_load %arg15[%swap3A_1026, %swap3A_1027] {strides = array<i32>} : memref<96x128xf32, #tpu.memory_space<vmem>>, vector<16xf32>,
        tpu.vector_store %arg15[%swap3A_1026, %swap3A_1027], %mul3A_1025 {strides = array<i32>} : memref<96x128xf32, #tpu.memory_space<vmem>>, vector<16xf32>,
        %get3A_1029 = arith.index_cast %add3A_990 : i32 to index
        %get3A_1030 = arith.constant 80 : index
        %get3A_1031 = tpu.vector_load %arg15[%get3A_1029, %get3A_1030] {strides = array<i32>} : memref<96x128xf32, #tpu.memory_space<vmem>>, vector<16xf32>,
        %mul3A_1032 = arith.mulf %get3A_1031, %broadcast_in_dim3A_993 : vector<16xf32>
        %swap3A_1033 = arith.index_cast %add3A_990 : i32 to index
        %swap3A_1034 = arith.constant 80 : index
        %swap3A_1035 = tpu.vector_load %arg15[%swap3A_1033, %swap3A_1034] {strides = array<i32>} : memref<96x128xf32, #tpu.memory_space<vmem>>, vector<16xf32>,
        tpu.vector_store %arg15[%swap3A_1033, %swap3A_1034], %mul3A_1032 {strides = array<i32>} : memref<96x128xf32, #tpu.memory_space<vmem>>, vector<16xf32>,
        %get3A_1036 = arith.index_cast %add3A_990 : i32 to index
        %get3A_1037 = arith.constant 96 : index
        %get3A_1038 = tpu.vector_load %arg15[%get3A_1036, %get3A_1037] {strides = array<i32>} : memref<96x128xf32, #tpu.memory_space<vmem>>, vector<16xf32>,
        %mul3A_1039 = arith.mulf %get3A_1038, %broadcast_in_dim3A_993 : vector<16xf32>
        %swap3A_1040 = arith.index_cast %add3A_990 : i32 to index
        %swap3A_1041 = arith.constant 96 : index
        %swap3A_1042 = tpu.vector_load %arg15[%swap3A_1040, %swap3A_1041] {strides = array<i32>} : memref<96x128xf32, #tpu.memory_space<vmem>>, vector<16xf32>,
        tpu.vector_store %arg15[%swap3A_1040, %swap3A_1041], %mul3A_1039 {strides = array<i32>} : memref<96x128xf32, #tpu.memory_space<vmem>>, vector<16xf32>,
        %get3A_1043 = arith.index_cast %add3A_990 : i32 to index
        %get3A_1044 = arith.constant 112 : index
        %get3A_1045 = tpu.vector_load %arg15[%get3A_1043, %get3A_1044] {strides = array<i32>} : memref<96x128xf32, #tpu.memory_space<vmem>>, vector<16xf32>,
        %mul3A_1046 = arith.mulf %get3A_1045, %broadcast_in_dim3A_993 : vector<16xf32>
        %swap3A_1047 = arith.index_cast %add3A_990 : i32 to index
        %swap3A_1048 = arith.constant 112 : index
        %swap3A_1049 = tpu.vector_load %arg15[%swap3A_1047, %swap3A_1048] {strides = array<i32>} : memref<96x128xf32, #tpu.memory_space<vmem>>, vector<16xf32>,
        tpu.vector_store %arg15[%swap3A_1047, %swap3A_1048], %mul3A_1046 {strides = array<i32>} : memref<96x128xf32, #tpu.memory_space<vmem>>, vector<16xf32>,
        %mul3A_1050 = arith.constant 16 : i32
        %mul3A_1051 = arith.muli %scan3A_416, %mul3A_1050 : i32
        %add3A_1052 = arith.constant 10 : i32
        %add3A_1053 = arith.addi %mul3A_1051, %add3A_1052 : i32
        %slice3A_1054 = vector.extract_strided_slice %get3A_421 {offsets = [10], sizes = [1], strides = [1]} : vector<16xf32> to vector<1xf32>
        %squeeze3A_1055 = vector.extract %slice3A_1054[0] : f32 from vector<1xf32>
        %broadcast_in_dim3A_1056 = vector.broadcast %squeeze3A_1055 : f32 to vector<16xf32>
        %get3A_1057 = arith.index_cast %add3A_1053 : i32 to index
        %get3A_1058 = arith.constant 0 : index
        %get3A_1059 = tpu.vector_load %arg15[%get3A_1057, %get3A_1058] {strides = array<i32>} : memref<96x128xf32, #tpu.memory_space<vmem>>, vector<16xf32>,
        %mul3A_1060 = arith.mulf %get3A_1059, %broadcast_in_dim3A_1056 : vector<16xf32>
        %swap3A_1061 = arith.index_cast %add3A_1053 : i32 to index
        %swap3A_1062 = arith.constant 0 : index
        %swap3A_1063 = tpu.vector_load %arg15[%swap3A_1061, %swap3A_1062] {strides = array<i32>} : memref<96x128xf32, #tpu.memory_space<vmem>>, vector<16xf32>,
        tpu.vector_store %arg15[%swap3A_1061, %swap3A_1062], %mul3A_1060 {strides = array<i32>} : memref<96x128xf32, #tpu.memory_space<vmem>>, vector<16xf32>,
        %get3A_1064 = arith.index_cast %add3A_1053 : i32 to index
        %get3A_1065 = arith.constant 16 : index
        %get3A_1066 = tpu.vector_load %arg15[%get3A_1064, %get3A_1065] {strides = array<i32>} : memref<96x128xf32, #tpu.memory_space<vmem>>, vector<16xf32>,
        %mul3A_1067 = arith.mulf %get3A_1066, %broadcast_in_dim3A_1056 : vector<16xf32>
        %swap3A_1068 = arith.index_cast %add3A_1053 : i32 to index
        %swap3A_1069 = arith.constant 16 : index
        %swap3A_1070 = tpu.vector_load %arg15[%swap3A_1068, %swap3A_1069] {strides = array<i32>} : memref<96x128xf32, #tpu.memory_space<vmem>>, vector<16xf32>,
        tpu.vector_store %arg15[%swap3A_1068, %swap3A_1069], %mul3A_1067 {strides = array<i32>} : memref<96x128xf32, #tpu.memory_space<vmem>>, vector<16xf32>,
        %get3A_1071 = arith.index_cast %add3A_1053 : i32 to index
        %get3A_1072 = arith.constant 32 : index
        %get3A_1073 = tpu.vector_load %arg15[%get3A_1071, %get3A_1072] {strides = array<i32>} : memref<96x128xf32, #tpu.memory_space<vmem>>, vector<16xf32>,
        %mul3A_1074 = arith.mulf %get3A_1073, %broadcast_in_dim3A_1056 : vector<16xf32>
        %swap3A_1075 = arith.index_cast %add3A_1053 : i32 to index
        %swap3A_1076 = arith.constant 32 : index
        %swap3A_1077 = tpu.vector_load %arg15[%swap3A_1075, %swap3A_1076] {strides = array<i32>} : memref<96x128xf32, #tpu.memory_space<vmem>>, vector<16xf32>,
        tpu.vector_store %arg15[%swap3A_1075, %swap3A_1076], %mul3A_1074 {strides = array<i32>} : memref<96x128xf32, #tpu.memory_space<vmem>>, vector<16xf32>,
        %get3A_1078 = arith.index_cast %add3A_1053 : i32 to index
        %get3A_1079 = arith.constant 48 : index
        %get3A_1080 = tpu.vector_load %arg15[%get3A_1078, %get3A_1079] {strides = array<i32>} : memref<96x128xf32, #tpu.memory_space<vmem>>, vector<16xf32>,
        %mul3A_1081 = arith.mulf %get3A_1080, %broadcast_in_dim3A_1056 : vector<16xf32>
        %swap3A_1082 = arith.index_cast %add3A_1053 : i32 to index
        %swap3A_1083 = arith.constant 48 : index
        %swap3A_1084 = tpu.vector_load %arg15[%swap3A_1082, %swap3A_1083] {strides = array<i32>} : memref<96x128xf32, #tpu.memory_space<vmem>>, vector<16xf32>,
        tpu.vector_store %arg15[%swap3A_1082, %swap3A_1083], %mul3A_1081 {strides = array<i32>} : memref<96x128xf32, #tpu.memory_space<vmem>>, vector<16xf32>,
        %get3A_1085 = arith.index_cast %add3A_1053 : i32 to index
        %get3A_1086 = arith.constant 64 : index
        %get3A_1087 = tpu.vector_load %arg15[%get3A_1085, %get3A_1086] {strides = array<i32>} : memref<96x128xf32, #tpu.memory_space<vmem>>, vector<16xf32>,
        %mul3A_1088 = arith.mulf %get3A_1087, %broadcast_in_dim3A_1056 : vector<16xf32>
        %swap3A_1089 = arith.index_cast %add3A_1053 : i32 to index
        %swap3A_1090 = arith.constant 64 : index
        %swap3A_1091 = tpu.vector_load %arg15[%swap3A_1089, %swap3A_1090] {strides = array<i32>} : memref<96x128xf32, #tpu.memory_space<vmem>>, vector<16xf32>,
        tpu.vector_store %arg15[%swap3A_1089, %swap3A_1090], %mul3A_1088 {strides = array<i32>} : memref<96x128xf32, #tpu.memory_space<vmem>>, vector<16xf32>,
        %get3A_1092 = arith.index_cast %add3A_1053 : i32 to index
        %get3A_1093 = arith.constant 80 : index
        %get3A_1094 = tpu.vector_load %arg15[%get3A_1092, %get3A_1093] {strides = array<i32>} : memref<96x128xf32, #tpu.memory_space<vmem>>, vector<16xf32>,
        %mul3A_1095 = arith.mulf %get3A_1094, %broadcast_in_dim3A_1056 : vector<16xf32>
        %swap3A_1096 = arith.index_cast %add3A_1053 : i32 to index
        %swap3A_1097 = arith.constant 80 : index
        %swap3A_1098 = tpu.vector_load %arg15[%swap3A_1096, %swap3A_1097] {strides = array<i32>} : memref<96x128xf32, #tpu.memory_space<vmem>>, vector<16xf32>,
        tpu.vector_store %arg15[%swap3A_1096, %swap3A_1097], %mul3A_1095 {strides = array<i32>} : memref<96x128xf32, #tpu.memory_space<vmem>>, vector<16xf32>,
        %get3A_1099 = arith.index_cast %add3A_1053 : i32 to index
        %get3A_1100 = arith.constant 96 : index
        %get3A_1101 = tpu.vector_load %arg15[%get3A_1099, %get3A_1100] {strides = array<i32>} : memref<96x128xf32, #tpu.memory_space<vmem>>, vector<16xf32>,
        %mul3A_1102 = arith.mulf %get3A_1101, %broadcast_in_dim3A_1056 : vector<16xf32>
        %swap3A_1103 = arith.index_cast %add3A_1053 : i32 to index
        %swap3A_1104 = arith.constant 96 : index
        %swap3A_1105 = tpu.vector_load %arg15[%swap3A_1103, %swap3A_1104] {strides = array<i32>} : memref<96x128xf32, #tpu.memory_space<vmem>>, vector<16xf32>,
        tpu.vector_store %arg15[%swap3A_1103, %swap3A_1104], %mul3A_1102 {strides = array<i32>} : memref<96x128xf32, #tpu.memory_space<vmem>>, vector<16xf32>,
        %get3A_1106 = arith.index_cast %add3A_1053 : i32 to index
        %get3A_1107 = arith.constant 112 : index
        %get3A_1108 = tpu.vector_load %arg15[%get3A_1106, %get3A_1107] {strides = array<i32>} : memref<96x128xf32, #tpu.memory_space<vmem>>, vector<16xf32>,
        %mul3A_1109 = arith.mulf %get3A_1108, %broadcast_in_dim3A_1056 : vector<16xf32>
        %swap3A_1110 = arith.index_cast %add3A_1053 : i32 to index
        %swap3A_1111 = arith.constant 112 : index
        %swap3A_1112 = tpu.vector_load %arg15[%swap3A_1110, %swap3A_1111] {strides = array<i32>} : memref<96x128xf32, #tpu.memory_space<vmem>>, vector<16xf32>,
        tpu.vector_store %arg15[%swap3A_1110, %swap3A_1111], %mul3A_1109 {strides = array<i32>} : memref<96x128xf32, #tpu.memory_space<vmem>>, vector<16xf32>,
        %mul3A_1113 = arith.constant 16 : i32
        %mul3A_1114 = arith.muli %scan3A_416, %mul3A_1113 : i32
        %add3A_1115 = arith.constant 11 : i32
        %add3A_1116 = arith.addi %mul3A_1114, %add3A_1115 : i32
        %slice3A_1117 = vector.extract_strided_slice %get3A_421 {offsets = [11], sizes = [1], strides = [1]} : vector<16xf32> to vector<1xf32>
        %squeeze3A_1118 = vector.extract %slice3A_1117[0] : f32 from vector<1xf32>
        %broadcast_in_dim3A_1119 = vector.broadcast %squeeze3A_1118 : f32 to vector<16xf32>
        %get3A_1120 = arith.index_cast %add3A_1116 : i32 to index
        %get3A_1121 = arith.constant 0 : index
        %get3A_1122 = tpu.vector_load %arg15[%get3A_1120, %get3A_1121] {strides = array<i32>} : memref<96x128xf32, #tpu.memory_space<vmem>>, vector<16xf32>,
        %mul3A_1123 = arith.mulf %get3A_1122, %broadcast_in_dim3A_1119 : vector<16xf32>
        %swap3A_1124 = arith.index_cast %add3A_1116 : i32 to index
        %swap3A_1125 = arith.constant 0 : index
        %swap3A_1126 = tpu.vector_load %arg15[%swap3A_1124, %swap3A_1125] {strides = array<i32>} : memref<96x128xf32, #tpu.memory_space<vmem>>, vector<16xf32>,
        tpu.vector_store %arg15[%swap3A_1124, %swap3A_1125], %mul3A_1123 {strides = array<i32>} : memref<96x128xf32, #tpu.memory_space<vmem>>, vector<16xf32>,
        %get3A_1127 = arith.index_cast %add3A_1116 : i32 to index
        %get3A_1128 = arith.constant 16 : index
        %get3A_1129 = tpu.vector_load %arg15[%get3A_1127, %get3A_1128] {strides = array<i32>} : memref<96x128xf32, #tpu.memory_space<vmem>>, vector<16xf32>,
        %mul3A_1130 = arith.mulf %get3A_1129, %broadcast_in_dim3A_1119 : vector<16xf32>
        %swap3A_1131 = arith.index_cast %add3A_1116 : i32 to index
        %swap3A_1132 = arith.constant 16 : index
        %swap3A_1133 = tpu.vector_load %arg15[%swap3A_1131, %swap3A_1132] {strides = array<i32>} : memref<96x128xf32, #tpu.memory_space<vmem>>, vector<16xf32>,
        tpu.vector_store %arg15[%swap3A_1131, %swap3A_1132], %mul3A_1130 {strides = array<i32>} : memref<96x128xf32, #tpu.memory_space<vmem>>, vector<16xf32>,
        %get3A_1134 = arith.index_cast %add3A_1116 : i32 to index
        %get3A_1135 = arith.constant 32 : index
        %get3A_1136 = tpu.vector_load %arg15[%get3A_1134, %get3A_1135] {strides = array<i32>} : memref<96x128xf32, #tpu.memory_space<vmem>>, vector<16xf32>,
        %mul3A_1137 = arith.mulf %get3A_1136, %broadcast_in_dim3A_1119 : vector<16xf32>
        %swap3A_1138 = arith.index_cast %add3A_1116 : i32 to index
        %swap3A_1139 = arith.constant 32 : index
        %swap3A_1140 = tpu.vector_load %arg15[%swap3A_1138, %swap3A_1139] {strides = array<i32>} : memref<96x128xf32, #tpu.memory_space<vmem>>, vector<16xf32>,
        tpu.vector_store %arg15[%swap3A_1138, %swap3A_1139], %mul3A_1137 {strides = array<i32>} : memref<96x128xf32, #tpu.memory_space<vmem>>, vector<16xf32>,
        %get3A_1141 = arith.index_cast %add3A_1116 : i32 to index
        %get3A_1142 = arith.constant 48 : index
        %get3A_1143 = tpu.vector_load %arg15[%get3A_1141, %get3A_1142] {strides = array<i32>} : memref<96x128xf32, #tpu.memory_space<vmem>>, vector<16xf32>,
        %mul3A_1144 = arith.mulf %get3A_1143, %broadcast_in_dim3A_1119 : vector<16xf32>
        %swap3A_1145 = arith.index_cast %add3A_1116 : i32 to index
        %swap3A_1146 = arith.constant 48 : index
        %swap3A_1147 = tpu.vector_load %arg15[%swap3A_1145, %swap3A_1146] {strides = array<i32>} : memref<96x128xf32, #tpu.memory_space<vmem>>, vector<16xf32>,
        tpu.vector_store %arg15[%swap3A_1145, %swap3A_1146], %mul3A_1144 {strides = array<i32>} : memref<96x128xf32, #tpu.memory_space<vmem>>, vector<16xf32>,
        %get3A_1148 = arith.index_cast %add3A_1116 : i32 to index
        %get3A_1149 = arith.constant 64 : index
        %get3A_1150 = tpu.vector_load %arg15[%get3A_1148, %get3A_1149] {strides = array<i32>} : memref<96x128xf32, #tpu.memory_space<vmem>>, vector<16xf32>,
        %mul3A_1151 = arith.mulf %get3A_1150, %broadcast_in_dim3A_1119 : vector<16xf32>
        %swap3A_1152 = arith.index_cast %add3A_1116 : i32 to index
        %swap3A_1153 = arith.constant 64 : index
        %swap3A_1154 = tpu.vector_load %arg15[%swap3A_1152, %swap3A_1153] {strides = array<i32>} : memref<96x128xf32, #tpu.memory_space<vmem>>, vector<16xf32>,
        tpu.vector_store %arg15[%swap3A_1152, %swap3A_1153], %mul3A_1151 {strides = array<i32>} : memref<96x128xf32, #tpu.memory_space<vmem>>, vector<16xf32>,
        %get3A_1155 = arith.index_cast %add3A_1116 : i32 to index
        %get3A_1156 = arith.constant 80 : index
        %get3A_1157 = tpu.vector_load %arg15[%get3A_1155, %get3A_1156] {strides = array<i32>} : memref<96x128xf32, #tpu.memory_space<vmem>>, vector<16xf32>,
        %mul3A_1158 = arith.mulf %get3A_1157, %broadcast_in_dim3A_1119 : vector<16xf32>
        %swap3A_1159 = arith.index_cast %add3A_1116 : i32 to index
        %swap3A_1160 = arith.constant 80 : index
        %swap3A_1161 = tpu.vector_load %arg15[%swap3A_1159, %swap3A_1160] {strides = array<i32>} : memref<96x128xf32, #tpu.memory_space<vmem>>, vector<16xf32>,
        tpu.vector_store %arg15[%swap3A_1159, %swap3A_1160], %mul3A_1158 {strides = array<i32>} : memref<96x128xf32, #tpu.memory_space<vmem>>, vector<16xf32>,
        %get3A_1162 = arith.index_cast %add3A_1116 : i32 to index
        %get3A_1163 = arith.constant 96 : index
        %get3A_1164 = tpu.vector_load %arg15[%get3A_1162, %get3A_1163] {strides = array<i32>} : memref<96x128xf32, #tpu.memory_space<vmem>>, vector<16xf32>,
        %mul3A_1165 = arith.mulf %get3A_1164, %broadcast_in_dim3A_1119 : vector<16xf32>
        %swap3A_1166 = arith.index_cast %add3A_1116 : i32 to index
        %swap3A_1167 = arith.constant 96 : index
        %swap3A_1168 = tpu.vector_load %arg15[%swap3A_1166, %swap3A_1167] {strides = array<i32>} : memref<96x128xf32, #tpu.memory_space<vmem>>, vector<16xf32>,
        tpu.vector_store %arg15[%swap3A_1166, %swap3A_1167], %mul3A_1165 {strides = array<i32>} : memref<96x128xf32, #tpu.memory_space<vmem>>, vector<16xf32>,
        %get3A_1169 = arith.index_cast %add3A_1116 : i32 to index
        %get3A_1170 = arith.constant 112 : index
        %get3A_1171 = tpu.vector_load %arg15[%get3A_1169, %get3A_1170] {strides = array<i32>} : memref<96x128xf32, #tpu.memory_space<vmem>>, vector<16xf32>,
        %mul3A_1172 = arith.mulf %get3A_1171, %broadcast_in_dim3A_1119 : vector<16xf32>
        %swap3A_1173 = arith.index_cast %add3A_1116 : i32 to index
        %swap3A_1174 = arith.constant 112 : index
        %swap3A_1175 = tpu.vector_load %arg15[%swap3A_1173, %swap3A_1174] {strides = array<i32>} : memref<96x128xf32, #tpu.memory_space<vmem>>, vector<16xf32>,
        tpu.vector_store %arg15[%swap3A_1173, %swap3A_1174], %mul3A_1172 {strides = array<i32>} : memref<96x128xf32, #tpu.memory_space<vmem>>, vector<16xf32>,
        %mul3A_1176 = arith.constant 16 : i32
        %mul3A_1177 = arith.muli %scan3A_416, %mul3A_1176 : i32
        %add3A_1178 = arith.constant 12 : i32
        %add3A_1179 = arith.addi %mul3A_1177, %add3A_1178 : i32
        %slice3A_1180 = vector.extract_strided_slice %get3A_421 {offsets = [12], sizes = [1], strides = [1]} : vector<16xf32> to vector<1xf32>
        %squeeze3A_1181 = vector.extract %slice3A_1180[0] : f32 from vector<1xf32>
        %broadcast_in_dim3A_1182 = vector.broadcast %squeeze3A_1181 : f32 to vector<16xf32>
        %get3A_1183 = arith.index_cast %add3A_1179 : i32 to index
        %get3A_1184 = arith.constant 0 : index
        %get3A_1185 = tpu.vector_load %arg15[%get3A_1183, %get3A_1184] {strides = array<i32>} : memref<96x128xf32, #tpu.memory_space<vmem>>, vector<16xf32>,
        %mul3A_1186 = arith.mulf %get3A_1185, %broadcast_in_dim3A_1182 : vector<16xf32>
        %swap3A_1187 = arith.index_cast %add3A_1179 : i32 to index
        %swap3A_1188 = arith.constant 0 : index
        %swap3A_1189 = tpu.vector_load %arg15[%swap3A_1187, %swap3A_1188] {strides = array<i32>} : memref<96x128xf32, #tpu.memory_space<vmem>>, vector<16xf32>,
        tpu.vector_store %arg15[%swap3A_1187, %swap3A_1188], %mul3A_1186 {strides = array<i32>} : memref<96x128xf32, #tpu.memory_space<vmem>>, vector<16xf32>,
        %get3A_1190 = arith.index_cast %add3A_1179 : i32 to index
        %get3A_1191 = arith.constant 16 : index
        %get3A_1192 = tpu.vector_load %arg15[%get3A_1190, %get3A_1191] {strides = array<i32>} : memref<96x128xf32, #tpu.memory_space<vmem>>, vector<16xf32>,
        %mul3A_1193 = arith.mulf %get3A_1192, %broadcast_in_dim3A_1182 : vector<16xf32>
        %swap3A_1194 = arith.index_cast %add3A_1179 : i32 to index
        %swap3A_1195 = arith.constant 16 : index
        %swap3A_1196 = tpu.vector_load %arg15[%swap3A_1194, %swap3A_1195] {strides = array<i32>} : memref<96x128xf32, #tpu.memory_space<vmem>>, vector<16xf32>,
        tpu.vector_store %arg15[%swap3A_1194, %swap3A_1195], %mul3A_1193 {strides = array<i32>} : memref<96x128xf32, #tpu.memory_space<vmem>>, vector<16xf32>,
        %get3A_1197 = arith.index_cast %add3A_1179 : i32 to index
        %get3A_1198 = arith.constant 32 : index
        %get3A_1199 = tpu.vector_load %arg15[%get3A_1197, %get3A_1198] {strides = array<i32>} : memref<96x128xf32, #tpu.memory_space<vmem>>, vector<16xf32>,
        %mul3A_1200 = arith.mulf %get3A_1199, %broadcast_in_dim3A_1182 : vector<16xf32>
        %swap3A_1201 = arith.index_cast %add3A_1179 : i32 to index
        %swap3A_1202 = arith.constant 32 : index
        %swap3A_1203 = tpu.vector_load %arg15[%swap3A_1201, %swap3A_1202] {strides = array<i32>} : memref<96x128xf32, #tpu.memory_space<vmem>>, vector<16xf32>,
        tpu.vector_store %arg15[%swap3A_1201, %swap3A_1202], %mul3A_1200 {strides = array<i32>} : memref<96x128xf32, #tpu.memory_space<vmem>>, vector<16xf32>,
        %get3A_1204 = arith.index_cast %add3A_1179 : i32 to index
        %get3A_1205 = arith.constant 48 : index
        %get3A_1206 = tpu.vector_load %arg15[%get3A_1204, %get3A_1205] {strides = array<i32>} : memref<96x128xf32, #tpu.memory_space<vmem>>, vector<16xf32>,
        %mul3A_1207 = arith.mulf %get3A_1206, %broadcast_in_dim3A_1182 : vector<16xf32>
        %swap3A_1208 = arith.index_cast %add3A_1179 : i32 to index
        %swap3A_1209 = arith.constant 48 : index
        %swap3A_1210 = tpu.vector_load %arg15[%swap3A_1208, %swap3A_1209] {strides = array<i32>} : memref<96x128xf32, #tpu.memory_space<vmem>>, vector<16xf32>,
        tpu.vector_store %arg15[%swap3A_1208, %swap3A_1209], %mul3A_1207 {strides = array<i32>} : memref<96x128xf32, #tpu.memory_space<vmem>>, vector<16xf32>,
        %get3A_1211 = arith.index_cast %add3A_1179 : i32 to index
        %get3A_1212 = arith.constant 64 : index
        %get3A_1213 = tpu.vector_load %arg15[%get3A_1211, %get3A_1212] {strides = array<i32>} : memref<96x128xf32, #tpu.memory_space<vmem>>, vector<16xf32>,
        %mul3A_1214 = arith.mulf %get3A_1213, %broadcast_in_dim3A_1182 : vector<16xf32>
        %swap3A_1215 = arith.index_cast %add3A_1179 : i32 to index
        %swap3A_1216 = arith.constant 64 : index
        %swap3A_1217 = tpu.vector_load %arg15[%swap3A_1215, %swap3A_1216] {strides = array<i32>} : memref<96x128xf32, #tpu.memory_space<vmem>>, vector<16xf32>,
        tpu.vector_store %arg15[%swap3A_1215, %swap3A_1216], %mul3A_1214 {strides = array<i32>} : memref<96x128xf32, #tpu.memory_space<vmem>>, vector<16xf32>,
        %get3A_1218 = arith.index_cast %add3A_1179 : i32 to index
        %get3A_1219 = arith.constant 80 : index
        %get3A_1220 = tpu.vector_load %arg15[%get3A_1218, %get3A_1219] {strides = array<i32>} : memref<96x128xf32, #tpu.memory_space<vmem>>, vector<16xf32>,
        %mul3A_1221 = arith.mulf %get3A_1220, %broadcast_in_dim3A_1182 : vector<16xf32>
        %swap3A_1222 = arith.index_cast %add3A_1179 : i32 to index
        %swap3A_1223 = arith.constant 80 : index
        %swap3A_1224 = tpu.vector_load %arg15[%swap3A_1222, %swap3A_1223] {strides = array<i32>} : memref<96x128xf32, #tpu.memory_space<vmem>>, vector<16xf32>,
        tpu.vector_store %arg15[%swap3A_1222, %swap3A_1223], %mul3A_1221 {strides = array<i32>} : memref<96x128xf32, #tpu.memory_space<vmem>>, vector<16xf32>,
        %get3A_1225 = arith.index_cast %add3A_1179 : i32 to index
        %get3A_1226 = arith.constant 96 : index
        %get3A_1227 = tpu.vector_load %arg15[%get3A_1225, %get3A_1226] {strides = array<i32>} : memref<96x128xf32, #tpu.memory_space<vmem>>, vector<16xf32>,
        %mul3A_1228 = arith.mulf %get3A_1227, %broadcast_in_dim3A_1182 : vector<16xf32>
        %swap3A_1229 = arith.index_cast %add3A_1179 : i32 to index
        %swap3A_1230 = arith.constant 96 : index
        %swap3A_1231 = tpu.vector_load %arg15[%swap3A_1229, %swap3A_1230] {strides = array<i32>} : memref<96x128xf32, #tpu.memory_space<vmem>>, vector<16xf32>,
        tpu.vector_store %arg15[%swap3A_1229, %swap3A_1230], %mul3A_1228 {strides = array<i32>} : memref<96x128xf32, #tpu.memory_space<vmem>>, vector<16xf32>,
        %get3A_1232 = arith.index_cast %add3A_1179 : i32 to index
        %get3A_1233 = arith.constant 112 : index
        %get3A_1234 = tpu.vector_load %arg15[%get3A_1232, %get3A_1233] {strides = array<i32>} : memref<96x128xf32, #tpu.memory_space<vmem>>, vector<16xf32>,
        %mul3A_1235 = arith.mulf %get3A_1234, %broadcast_in_dim3A_1182 : vector<16xf32>
        %swap3A_1236 = arith.index_cast %add3A_1179 : i32 to index
        %swap3A_1237 = arith.constant 112 : index
        %swap3A_1238 = tpu.vector_load %arg15[%swap3A_1236, %swap3A_1237] {strides = array<i32>} : memref<96x128xf32, #tpu.memory_space<vmem>>, vector<16xf32>,
        tpu.vector_store %arg15[%swap3A_1236, %swap3A_1237], %mul3A_1235 {strides = array<i32>} : memref<96x128xf32, #tpu.memory_space<vmem>>, vector<16xf32>,
        %mul3A_1239 = arith.constant 16 : i32
        %mul3A_1240 = arith.muli %scan3A_416, %mul3A_1239 : i32
        %add3A_1241 = arith.constant 13 : i32
        %add3A_1242 = arith.addi %mul3A_1240, %add3A_1241 : i32
        %slice3A_1243 = vector.extract_strided_slice %get3A_421 {offsets = [13], sizes = [1], strides = [1]} : vector<16xf32> to vector<1xf32>
        %squeeze3A_1244 = vector.extract %slice3A_1243[0] : f32 from vector<1xf32>
        %broadcast_in_dim3A_1245 = vector.broadcast %squeeze3A_1244 : f32 to vector<16xf32>
        %get3A_1246 = arith.index_cast %add3A_1242 : i32 to index
        %get3A_1247 = arith.constant 0 : index
        %get3A_1248 = tpu.vector_load %arg15[%get3A_1246, %get3A_1247] {strides = array<i32>} : memref<96x128xf32, #tpu.memory_space<vmem>>, vector<16xf32>,
        %mul3A_1249 = arith.mulf %get3A_1248, %broadcast_in_dim3A_1245 : vector<16xf32>
        %swap3A_1250 = arith.index_cast %add3A_1242 : i32 to index
        %swap3A_1251 = arith.constant 0 : index
        %swap3A_1252 = tpu.vector_load %arg15[%swap3A_1250, %swap3A_1251] {strides = array<i32>} : memref<96x128xf32, #tpu.memory_space<vmem>>, vector<16xf32>,
        tpu.vector_store %arg15[%swap3A_1250, %swap3A_1251], %mul3A_1249 {strides = array<i32>} : memref<96x128xf32, #tpu.memory_space<vmem>>, vector<16xf32>,
        %get3A_1253 = arith.index_cast %add3A_1242 : i32 to index
        %get3A_1254 = arith.constant 16 : index
        %get3A_1255 = tpu.vector_load %arg15[%get3A_1253, %get3A_1254] {strides = array<i32>} : memref<96x128xf32, #tpu.memory_space<vmem>>, vector<16xf32>,
        %mul3A_1256 = arith.mulf %get3A_1255, %broadcast_in_dim3A_1245 : vector<16xf32>
        %swap3A_1257 = arith.index_cast %add3A_1242 : i32 to index
        %swap3A_1258 = arith.constant 16 : index
        %swap3A_1259 = tpu.vector_load %arg15[%swap3A_1257, %swap3A_1258] {strides = array<i32>} : memref<96x128xf32, #tpu.memory_space<vmem>>, vector<16xf32>,
        tpu.vector_store %arg15[%swap3A_1257, %swap3A_1258], %mul3A_1256 {strides = array<i32>} : memref<96x128xf32, #tpu.memory_space<vmem>>, vector<16xf32>,
        %get3A_1260 = arith.index_cast %add3A_1242 : i32 to index
        %get3A_1261 = arith.constant 32 : index
        %get3A_1262 = tpu.vector_load %arg15[%get3A_1260, %get3A_1261] {strides = array<i32>} : memref<96x128xf32, #tpu.memory_space<vmem>>, vector<16xf32>,
        %mul3A_1263 = arith.mulf %get3A_1262, %broadcast_in_dim3A_1245 : vector<16xf32>
        %swap3A_1264 = arith.index_cast %add3A_1242 : i32 to index
        %swap3A_1265 = arith.constant 32 : index
        %swap3A_1266 = tpu.vector_load %arg15[%swap3A_1264, %swap3A_1265] {strides = array<i32>} : memref<96x128xf32, #tpu.memory_space<vmem>>, vector<16xf32>,
        tpu.vector_store %arg15[%swap3A_1264, %swap3A_1265], %mul3A_1263 {strides = array<i32>} : memref<96x128xf32, #tpu.memory_space<vmem>>, vector<16xf32>,
        %get3A_1267 = arith.index_cast %add3A_1242 : i32 to index
        %get3A_1268 = arith.constant 48 : index
        %get3A_1269 = tpu.vector_load %arg15[%get3A_1267, %get3A_1268] {strides = array<i32>} : memref<96x128xf32, #tpu.memory_space<vmem>>, vector<16xf32>,
        %mul3A_1270 = arith.mulf %get3A_1269, %broadcast_in_dim3A_1245 : vector<16xf32>
        %swap3A_1271 = arith.index_cast %add3A_1242 : i32 to index
        %swap3A_1272 = arith.constant 48 : index
        %swap3A_1273 = tpu.vector_load %arg15[%swap3A_1271, %swap3A_1272] {strides = array<i32>} : memref<96x128xf32, #tpu.memory_space<vmem>>, vector<16xf32>,
        tpu.vector_store %arg15[%swap3A_1271, %swap3A_1272], %mul3A_1270 {strides = array<i32>} : memref<96x128xf32, #tpu.memory_space<vmem>>, vector<16xf32>,
        %get3A_1274 = arith.index_cast %add3A_1242 : i32 to index
        %get3A_1275 = arith.constant 64 : index
        %get3A_1276 = tpu.vector_load %arg15[%get3A_1274, %get3A_1275] {strides = array<i32>} : memref<96x128xf32, #tpu.memory_space<vmem>>, vector<16xf32>,
        %mul3A_1277 = arith.mulf %get3A_1276, %broadcast_in_dim3A_1245 : vector<16xf32>
        %swap3A_1278 = arith.index_cast %add3A_1242 : i32 to index
        %swap3A_1279 = arith.constant 64 : index
        %swap3A_1280 = tpu.vector_load %arg15[%swap3A_1278, %swap3A_1279] {strides = array<i32>} : memref<96x128xf32, #tpu.memory_space<vmem>>, vector<16xf32>,
        tpu.vector_store %arg15[%swap3A_1278, %swap3A_1279], %mul3A_1277 {strides = array<i32>} : memref<96x128xf32, #tpu.memory_space<vmem>>, vector<16xf32>,
        %get3A_1281 = arith.index_cast %add3A_1242 : i32 to index
        %get3A_1282 = arith.constant 80 : index
        %get3A_1283 = tpu.vector_load %arg15[%get3A_1281, %get3A_1282] {strides = array<i32>} : memref<96x128xf32, #tpu.memory_space<vmem>>, vector<16xf32>,
        %mul3A_1284 = arith.mulf %get3A_1283, %broadcast_in_dim3A_1245 : vector<16xf32>
        %swap3A_1285 = arith.index_cast %add3A_1242 : i32 to index
        %swap3A_1286 = arith.constant 80 : index
        %swap3A_1287 = tpu.vector_load %arg15[%swap3A_1285, %swap3A_1286] {strides = array<i32>} : memref<96x128xf32, #tpu.memory_space<vmem>>, vector<16xf32>,
        tpu.vector_store %arg15[%swap3A_1285, %swap3A_1286], %mul3A_1284 {strides = array<i32>} : memref<96x128xf32, #tpu.memory_space<vmem>>, vector<16xf32>,
        %get3A_1288 = arith.index_cast %add3A_1242 : i32 to index
        %get3A_1289 = arith.constant 96 : index
        %get3A_1290 = tpu.vector_load %arg15[%get3A_1288, %get3A_1289] {strides = array<i32>} : memref<96x128xf32, #tpu.memory_space<vmem>>, vector<16xf32>,
        %mul3A_1291 = arith.mulf %get3A_1290, %broadcast_in_dim3A_1245 : vector<16xf32>
        %swap3A_1292 = arith.index_cast %add3A_1242 : i32 to index
        %swap3A_1293 = arith.constant 96 : index
        %swap3A_1294 = tpu.vector_load %arg15[%swap3A_1292, %swap3A_1293] {strides = array<i32>} : memref<96x128xf32, #tpu.memory_space<vmem>>, vector<16xf32>,
        tpu.vector_store %arg15[%swap3A_1292, %swap3A_1293], %mul3A_1291 {strides = array<i32>} : memref<96x128xf32, #tpu.memory_space<vmem>>, vector<16xf32>,
        %get3A_1295 = arith.index_cast %add3A_1242 : i32 to index
        %get3A_1296 = arith.constant 112 : index
        %get3A_1297 = tpu.vector_load %arg15[%get3A_1295, %get3A_1296] {strides = array<i32>} : memref<96x128xf32, #tpu.memory_space<vmem>>, vector<16xf32>,
        %mul3A_1298 = arith.mulf %get3A_1297, %broadcast_in_dim3A_1245 : vector<16xf32>
        %swap3A_1299 = arith.index_cast %add3A_1242 : i32 to index
        %swap3A_1300 = arith.constant 112 : index
        %swap3A_1301 = tpu.vector_load %arg15[%swap3A_1299, %swap3A_1300] {strides = array<i32>} : memref<96x128xf32, #tpu.memory_space<vmem>>, vector<16xf32>,
        tpu.vector_store %arg15[%swap3A_1299, %swap3A_1300], %mul3A_1298 {strides = array<i32>} : memref<96x128xf32, #tpu.memory_space<vmem>>, vector<16xf32>,
        %mul3A_1302 = arith.constant 16 : i32
        %mul3A_1303 = arith.muli %scan3A_416, %mul3A_1302 : i32
        %add3A_1304 = arith.constant 14 : i32
        %add3A_1305 = arith.addi %mul3A_1303, %add3A_1304 : i32
        %slice3A_1306 = vector.extract_strided_slice %get3A_421 {offsets = [14], sizes = [1], strides = [1]} : vector<16xf32> to vector<1xf32>
        %squeeze3A_1307 = vector.extract %slice3A_1306[0] : f32 from vector<1xf32>
        %broadcast_in_dim3A_1308 = vector.broadcast %squeeze3A_1307 : f32 to vector<16xf32>
        %get3A_1309 = arith.index_cast %add3A_1305 : i32 to index
        %get3A_1310 = arith.constant 0 : index
        %get3A_1311 = tpu.vector_load %arg15[%get3A_1309, %get3A_1310] {strides = array<i32>} : memref<96x128xf32, #tpu.memory_space<vmem>>, vector<16xf32>,
        %mul3A_1312 = arith.mulf %get3A_1311, %broadcast_in_dim3A_1308 : vector<16xf32>
        %swap3A_1313 = arith.index_cast %add3A_1305 : i32 to index
        %swap3A_1314 = arith.constant 0 : index
        %swap3A_1315 = tpu.vector_load %arg15[%swap3A_1313, %swap3A_1314] {strides = array<i32>} : memref<96x128xf32, #tpu.memory_space<vmem>>, vector<16xf32>,
        tpu.vector_store %arg15[%swap3A_1313, %swap3A_1314], %mul3A_1312 {strides = array<i32>} : memref<96x128xf32, #tpu.memory_space<vmem>>, vector<16xf32>,
        %get3A_1316 = arith.index_cast %add3A_1305 : i32 to index
        %get3A_1317 = arith.constant 16 : index
        %get3A_1318 = tpu.vector_load %arg15[%get3A_1316, %get3A_1317] {strides = array<i32>} : memref<96x128xf32, #tpu.memory_space<vmem>>, vector<16xf32>,
        %mul3A_1319 = arith.mulf %get3A_1318, %broadcast_in_dim3A_1308 : vector<16xf32>
        %swap3A_1320 = arith.index_cast %add3A_1305 : i32 to index
        %swap3A_1321 = arith.constant 16 : index
        %swap3A_1322 = tpu.vector_load %arg15[%swap3A_1320, %swap3A_1321] {strides = array<i32>} : memref<96x128xf32, #tpu.memory_space<vmem>>, vector<16xf32>,
        tpu.vector_store %arg15[%swap3A_1320, %swap3A_1321], %mul3A_1319 {strides = array<i32>} : memref<96x128xf32, #tpu.memory_space<vmem>>, vector<16xf32>,
        %get3A_1323 = arith.index_cast %add3A_1305 : i32 to index
        %get3A_1324 = arith.constant 32 : index
        %get3A_1325 = tpu.vector_load %arg15[%get3A_1323, %get3A_1324] {strides = array<i32>} : memref<96x128xf32, #tpu.memory_space<vmem>>, vector<16xf32>,
        %mul3A_1326 = arith.mulf %get3A_1325, %broadcast_in_dim3A_1308 : vector<16xf32>
        %swap3A_1327 = arith.index_cast %add3A_1305 : i32 to index
        %swap3A_1328 = arith.constant 32 : index
        %swap3A_1329 = tpu.vector_load %arg15[%swap3A_1327, %swap3A_1328] {strides = array<i32>} : memref<96x128xf32, #tpu.memory_space<vmem>>, vector<16xf32>,
        tpu.vector_store %arg15[%swap3A_1327, %swap3A_1328], %mul3A_1326 {strides = array<i32>} : memref<96x128xf32, #tpu.memory_space<vmem>>, vector<16xf32>,
        %get3A_1330 = arith.index_cast %add3A_1305 : i32 to index
        %get3A_1331 = arith.constant 48 : index
        %get3A_1332 = tpu.vector_load %arg15[%get3A_1330, %get3A_1331] {strides = array<i32>} : memref<96x128xf32, #tpu.memory_space<vmem>>, vector<16xf32>,
        %mul3A_1333 = arith.mulf %get3A_1332, %broadcast_in_dim3A_1308 : vector<16xf32>
        %swap3A_1334 = arith.index_cast %add3A_1305 : i32 to index
        %swap3A_1335 = arith.constant 48 : index
        %swap3A_1336 = tpu.vector_load %arg15[%swap3A_1334, %swap3A_1335] {strides = array<i32>} : memref<96x128xf32, #tpu.memory_space<vmem>>, vector<16xf32>,
        tpu.vector_store %arg15[%swap3A_1334, %swap3A_1335], %mul3A_1333 {strides = array<i32>} : memref<96x128xf32, #tpu.memory_space<vmem>>, vector<16xf32>,
        %get3A_1337 = arith.index_cast %add3A_1305 : i32 to index
        %get3A_1338 = arith.constant 64 : index
        %get3A_1339 = tpu.vector_load %arg15[%get3A_1337, %get3A_1338] {strides = array<i32>} : memref<96x128xf32, #tpu.memory_space<vmem>>, vector<16xf32>,
        %mul3A_1340 = arith.mulf %get3A_1339, %broadcast_in_dim3A_1308 : vector<16xf32>
        %swap3A_1341 = arith.index_cast %add3A_1305 : i32 to index
        %swap3A_1342 = arith.constant 64 : index
        %swap3A_1343 = tpu.vector_load %arg15[%swap3A_1341, %swap3A_1342] {strides = array<i32>} : memref<96x128xf32, #tpu.memory_space<vmem>>, vector<16xf32>,
        tpu.vector_store %arg15[%swap3A_1341, %swap3A_1342], %mul3A_1340 {strides = array<i32>} : memref<96x128xf32, #tpu.memory_space<vmem>>, vector<16xf32>,
        %get3A_1344 = arith.index_cast %add3A_1305 : i32 to index
        %get3A_1345 = arith.constant 80 : index
        %get3A_1346 = tpu.vector_load %arg15[%get3A_1344, %get3A_1345] {strides = array<i32>} : memref<96x128xf32, #tpu.memory_space<vmem>>, vector<16xf32>,
        %mul3A_1347 = arith.mulf %get3A_1346, %broadcast_in_dim3A_1308 : vector<16xf32>
        %swap3A_1348 = arith.index_cast %add3A_1305 : i32 to index
        %swap3A_1349 = arith.constant 80 : index
        %swap3A_1350 = tpu.vector_load %arg15[%swap3A_1348, %swap3A_1349] {strides = array<i32>} : memref<96x128xf32, #tpu.memory_space<vmem>>, vector<16xf32>,
        tpu.vector_store %arg15[%swap3A_1348, %swap3A_1349], %mul3A_1347 {strides = array<i32>} : memref<96x128xf32, #tpu.memory_space<vmem>>, vector<16xf32>,
        %get3A_1351 = arith.index_cast %add3A_1305 : i32 to index
        %get3A_1352 = arith.constant 96 : index
        %get3A_1353 = tpu.vector_load %arg15[%get3A_1351, %get3A_1352] {strides = array<i32>} : memref<96x128xf32, #tpu.memory_space<vmem>>, vector<16xf32>,
        %mul3A_1354 = arith.mulf %get3A_1353, %broadcast_in_dim3A_1308 : vector<16xf32>
        %swap3A_1355 = arith.index_cast %add3A_1305 : i32 to index
        %swap3A_1356 = arith.constant 96 : index
        %swap3A_1357 = tpu.vector_load %arg15[%swap3A_1355, %swap3A_1356] {strides = array<i32>} : memref<96x128xf32, #tpu.memory_space<vmem>>, vector<16xf32>,
        tpu.vector_store %arg15[%swap3A_1355, %swap3A_1356], %mul3A_1354 {strides = array<i32>} : memref<96x128xf32, #tpu.memory_space<vmem>>, vector<16xf32>,
        %get3A_1358 = arith.index_cast %add3A_1305 : i32 to index
        %get3A_1359 = arith.constant 112 : index
        %get3A_1360 = tpu.vector_load %arg15[%get3A_1358, %get3A_1359] {strides = array<i32>} : memref<96x128xf32, #tpu.memory_space<vmem>>, vector<16xf32>,
        %mul3A_1361 = arith.mulf %get3A_1360, %broadcast_in_dim3A_1308 : vector<16xf32>
        %swap3A_1362 = arith.index_cast %add3A_1305 : i32 to index
        %swap3A_1363 = arith.constant 112 : index
        %swap3A_1364 = tpu.vector_load %arg15[%swap3A_1362, %swap3A_1363] {strides = array<i32>} : memref<96x128xf32, #tpu.memory_space<vmem>>, vector<16xf32>,
        tpu.vector_store %arg15[%swap3A_1362, %swap3A_1363], %mul3A_1361 {strides = array<i32>} : memref<96x128xf32, #tpu.memory_space<vmem>>, vector<16xf32>,
        %mul3A_1365 = arith.constant 16 : i32
        %mul3A_1366 = arith.muli %scan3A_416, %mul3A_1365 : i32
        %add3A_1367 = arith.constant 15 : i32
        %add3A_1368 = arith.addi %mul3A_1366, %add3A_1367 : i32
        %slice3A_1369 = vector.extract_strided_slice %get3A_421 {offsets = [15], sizes = [1], strides = [1]} : vector<16xf32> to vector<1xf32>
        %squeeze3A_1370 = vector.extract %slice3A_1369[0] : f32 from vector<1xf32>
        %broadcast_in_dim3A_1371 = vector.broadcast %squeeze3A_1370 : f32 to vector<16xf32>
        %get3A_1372 = arith.index_cast %add3A_1368 : i32 to index
        %get3A_1373 = arith.constant 0 : index
        %get3A_1374 = tpu.vector_load %arg15[%get3A_1372, %get3A_1373] {strides = array<i32>} : memref<96x128xf32, #tpu.memory_space<vmem>>, vector<16xf32>,
        %mul3A_1375 = arith.mulf %get3A_1374, %broadcast_in_dim3A_1371 : vector<16xf32>
        %swap3A_1376 = arith.index_cast %add3A_1368 : i32 to index
        %swap3A_1377 = arith.constant 0 : index
        %swap3A_1378 = tpu.vector_load %arg15[%swap3A_1376, %swap3A_1377] {strides = array<i32>} : memref<96x128xf32, #tpu.memory_space<vmem>>, vector<16xf32>,
        tpu.vector_store %arg15[%swap3A_1376, %swap3A_1377], %mul3A_1375 {strides = array<i32>} : memref<96x128xf32, #tpu.memory_space<vmem>>, vector<16xf32>,
        %get3A_1379 = arith.index_cast %add3A_1368 : i32 to index
        %get3A_1380 = arith.constant 16 : index
        %get3A_1381 = tpu.vector_load %arg15[%get3A_1379, %get3A_1380] {strides = array<i32>} : memref<96x128xf32, #tpu.memory_space<vmem>>, vector<16xf32>,
        %mul3A_1382 = arith.mulf %get3A_1381, %broadcast_in_dim3A_1371 : vector<16xf32>
        %swap3A_1383 = arith.index_cast %add3A_1368 : i32 to index
        %swap3A_1384 = arith.constant 16 : index
        %swap3A_1385 = tpu.vector_load %arg15[%swap3A_1383, %swap3A_1384] {strides = array<i32>} : memref<96x128xf32, #tpu.memory_space<vmem>>, vector<16xf32>,
        tpu.vector_store %arg15[%swap3A_1383, %swap3A_1384], %mul3A_1382 {strides = array<i32>} : memref<96x128xf32, #tpu.memory_space<vmem>>, vector<16xf32>,
        %get3A_1386 = arith.index_cast %add3A_1368 : i32 to index
        %get3A_1387 = arith.constant 32 : index
        %get3A_1388 = tpu.vector_load %arg15[%get3A_1386, %get3A_1387] {strides = array<i32>} : memref<96x128xf32, #tpu.memory_space<vmem>>, vector<16xf32>,
        %mul3A_1389 = arith.mulf %get3A_1388, %broadcast_in_dim3A_1371 : vector<16xf32>
        %swap3A_1390 = arith.index_cast %add3A_1368 : i32 to index
        %swap3A_1391 = arith.constant 32 : index
        %swap3A_1392 = tpu.vector_load %arg15[%swap3A_1390, %swap3A_1391] {strides = array<i32>} : memref<96x128xf32, #tpu.memory_space<vmem>>, vector<16xf32>,
        tpu.vector_store %arg15[%swap3A_1390, %swap3A_1391], %mul3A_1389 {strides = array<i32>} : memref<96x128xf32, #tpu.memory_space<vmem>>, vector<16xf32>,
        %get3A_1393 = arith.index_cast %add3A_1368 : i32 to index
        %get3A_1394 = arith.constant 48 : index
        %get3A_1395 = tpu.vector_load %arg15[%get3A_1393, %get3A_1394] {strides = array<i32>} : memref<96x128xf32, #tpu.memory_space<vmem>>, vector<16xf32>,
        %mul3A_1396 = arith.mulf %get3A_1395, %broadcast_in_dim3A_1371 : vector<16xf32>
        %swap3A_1397 = arith.index_cast %add3A_1368 : i32 to index
        %swap3A_1398 = arith.constant 48 : index
        %swap3A_1399 = tpu.vector_load %arg15[%swap3A_1397, %swap3A_1398] {strides = array<i32>} : memref<96x128xf32, #tpu.memory_space<vmem>>, vector<16xf32>,
        tpu.vector_store %arg15[%swap3A_1397, %swap3A_1398], %mul3A_1396 {strides = array<i32>} : memref<96x128xf32, #tpu.memory_space<vmem>>, vector<16xf32>,
        %get3A_1400 = arith.index_cast %add3A_1368 : i32 to index
        %get3A_1401 = arith.constant 64 : index
        %get3A_1402 = tpu.vector_load %arg15[%get3A_1400, %get3A_1401] {strides = array<i32>} : memref<96x128xf32, #tpu.memory_space<vmem>>, vector<16xf32>,
        %mul3A_1403 = arith.mulf %get3A_1402, %broadcast_in_dim3A_1371 : vector<16xf32>
        %swap3A_1404 = arith.index_cast %add3A_1368 : i32 to index
        %swap3A_1405 = arith.constant 64 : index
        %swap3A_1406 = tpu.vector_load %arg15[%swap3A_1404, %swap3A_1405] {strides = array<i32>} : memref<96x128xf32, #tpu.memory_space<vmem>>, vector<16xf32>,
        tpu.vector_store %arg15[%swap3A_1404, %swap3A_1405], %mul3A_1403 {strides = array<i32>} : memref<96x128xf32, #tpu.memory_space<vmem>>, vector<16xf32>,
        %get3A_1407 = arith.index_cast %add3A_1368 : i32 to index
        %get3A_1408 = arith.constant 80 : index
        %get3A_1409 = tpu.vector_load %arg15[%get3A_1407, %get3A_1408] {strides = array<i32>} : memref<96x128xf32, #tpu.memory_space<vmem>>, vector<16xf32>,
        %mul3A_1410 = arith.mulf %get3A_1409, %broadcast_in_dim3A_1371 : vector<16xf32>
        %swap3A_1411 = arith.index_cast %add3A_1368 : i32 to index
        %swap3A_1412 = arith.constant 80 : index
        %swap3A_1413 = tpu.vector_load %arg15[%swap3A_1411, %swap3A_1412] {strides = array<i32>} : memref<96x128xf32, #tpu.memory_space<vmem>>, vector<16xf32>,
        tpu.vector_store %arg15[%swap3A_1411, %swap3A_1412], %mul3A_1410 {strides = array<i32>} : memref<96x128xf32, #tpu.memory_space<vmem>>, vector<16xf32>,
        %get3A_1414 = arith.index_cast %add3A_1368 : i32 to index
        %get3A_1415 = arith.constant 96 : index
        %get3A_1416 = tpu.vector_load %arg15[%get3A_1414, %get3A_1415] {strides = array<i32>} : memref<96x128xf32, #tpu.memory_space<vmem>>, vector<16xf32>,
        %mul3A_1417 = arith.mulf %get3A_1416, %broadcast_in_dim3A_1371 : vector<16xf32>
        %swap3A_1418 = arith.index_cast %add3A_1368 : i32 to index
        %swap3A_1419 = arith.constant 96 : index
        %swap3A_1420 = tpu.vector_load %arg15[%swap3A_1418, %swap3A_1419] {strides = array<i32>} : memref<96x128xf32, #tpu.memory_space<vmem>>, vector<16xf32>,
        tpu.vector_store %arg15[%swap3A_1418, %swap3A_1419], %mul3A_1417 {strides = array<i32>} : memref<96x128xf32, #tpu.memory_space<vmem>>, vector<16xf32>,
        %get3A_1421 = arith.index_cast %add3A_1368 : i32 to index
        %get3A_1422 = arith.constant 112 : index
        %get3A_1423 = tpu.vector_load %arg15[%get3A_1421, %get3A_1422] {strides = array<i32>} : memref<96x128xf32, #tpu.memory_space<vmem>>, vector<16xf32>,
        %mul3A_1424 = arith.mulf %get3A_1423, %broadcast_in_dim3A_1371 : vector<16xf32>
        %swap3A_1425 = arith.index_cast %add3A_1368 : i32 to index
        %swap3A_1426 = arith.constant 112 : index
        %swap3A_1427 = tpu.vector_load %arg15[%swap3A_1425, %swap3A_1426] {strides = array<i32>} : memref<96x128xf32, #tpu.memory_space<vmem>>, vector<16xf32>,
        tpu.vector_store %arg15[%swap3A_1425, %swap3A_1426], %mul3A_1424 {strides = array<i32>} : memref<96x128xf32, #tpu.memory_space<vmem>>, vector<16xf32>,
        %scan3A_1428 = arith.constant 0 : i32
        scf.yield %scan3A_1428 : i32
      }
      %scan3A_397 = arith.constant 6 : i32
      %dma_start3A_398 = arith.constant 0 : i32
      %dma_start3A_399 = tpu.memref_slice %arg11[%while3A_92, %dma_start3A_398] : memref<128x96xi32, #tpu.memory_space<vmem>> -> memref<1x96xi32, #tpu.memory_space<vmem>>
      %dma_start3A_400 = tpu.memref_squeeze %dma_start3A_399 : memref<1x96xi32, #tpu.memory_space<vmem>> -> memref<96xi32, #tpu.memory_space<vmem>>
      %dma_start3A_401 = arith.constant 0 : i32
      %dma_start3A_402 = arith.constant 0 : i32
      %dma_start3A_403 = tpu.memref_slice %arg18[%dma_start3A_401, %dma_start3A_402] : memref<10240x128xf32, #tpu.memory_space<vmem_shared>> -> memref<10240x128xf32, #tpu.memory_space<vmem_shared>>
      tpu.enqueue_indirect_dma source(%arg15 : memref<96x128xf32, #tpu.memory_space<vmem>>) target(%dma_start3A_403 : memref<10240x128xf32, #tpu.memory_space<vmem_shared>>) offsets(%dma_start3A_400 : memref<96xi32, #tpu.memory_space<vmem>>) semaphore(%arg21 : memref<!tpu.dma_semaphore, #tpu.memory_space<semaphore_mem>>) {add = true}
      %dma_wait3A_404 = arith.constant 0 : i32
      %dma_wait3A_405 = tpu.memref_slice %arg11[%while3A_92, %dma_wait3A_404] : memref<128x96xi32, #tpu.memory_space<vmem>> -> memref<1x96xi32, #tpu.memory_space<vmem>>
      %dma_wait3A_406 = tpu.memref_squeeze %dma_wait3A_405 : memref<1x96xi32, #tpu.memory_space<vmem>> -> memref<96xi32, #tpu.memory_space<vmem>>
      %dma_wait3A_407 = arith.constant 0 : i32
      %dma_wait3A_408 = arith.constant 0 : i32
      %dma_wait3A_409 = tpu.memref_slice %arg18[%dma_wait3A_407, %dma_wait3A_408] : memref<10240x128xf32, #tpu.memory_space<vmem_shared>> -> memref<10240x128xf32, #tpu.memory_space<vmem_shared>>
      tpu.wait_indirect_dma semaphore(%arg21 : memref<!tpu.dma_semaphore, #tpu.memory_space<semaphore_mem>>) src(%arg15 : memref<96x128xf32, #tpu.memory_space<vmem>>) dst(%dma_wait3A_409 : memref<10240x128xf32, #tpu.memory_space<vmem_shared>>)
      %dma_wait3A_410 = arith.constant 0 : i32
      %dma_wait3A_411 = tpu.memref_slice %arg11[%while3A_92, %dma_wait3A_410] : memref<128x96xi32, #tpu.memory_space<vmem>> -> memref<1x96xi32, #tpu.memory_space<vmem>>
      %dma_wait3A_412 = tpu.memref_squeeze %dma_wait3A_411 : memref<1x96xi32, #tpu.memory_space<vmem>> -> memref<96xi32, #tpu.memory_space<vmem>>
      %dma_wait3A_413 = arith.constant 0 : i32
      %dma_wait3A_414 = tpu.memref_slice %arg19[%dma_wait3A_413] : memref<10240xf32, #tpu.memory_space<vmem_shared>> -> memref<10240xf32, #tpu.memory_space<vmem_shared>>
      tpu.wait_indirect_dma semaphore(%arg22 : memref<!tpu.dma_semaphore, #tpu.memory_space<semaphore_mem>>) src(%arg17 : memref<96xf32, #tpu.memory_space<vmem>>) dst(%dma_wait3A_414 : memref<10240xf32, #tpu.memory_space<vmem_shared>>)
      %while3A_415 = arith.constant 0 : i32
      scf.yield %while3A_415 : i32
    }
    %while3A_75 = arith.constant 1 : i32
    %while3A_76 = scf.for %while3A_92 = %while3A_72 to %while3A_68 step %while3A_75 iter_args(%while3A_93 = %while3A_74) -> (i32)  : i32 {
      %mul3A_94 = arith.constant 96 : i32
      %mul3A_95 = arith.muli %while3A_92, %mul3A_94 : i32
      %add3A_96 = arith.addi %select_n3A, %mul3A_95 : i32
      "tpu.region"() ({
        %run_scoped3A_416 = tpu.sem_alloc : memref<!tpu.dma_semaphore, #tpu.memory_space<semaphore_mem>>
        %dma_start3A_417 = arith.constant 0 : i32
        %dma_start3A_418 = tpu.memref_slice %arg11[%while3A_92, %dma_start3A_417] : memref<128x96xi32, #tpu.memory_space<vmem>> -> memref<1x96xi32, #tpu.memory_space<vmem>>
        %dma_start3A_419 = tpu.memref_squeeze %dma_start3A_418 : memref<1x96xi32, #tpu.memory_space<vmem>> -> memref<96xi32, #tpu.memory_space<vmem>>
        %dma_start3A_420 = tpu.memref_slice %arg2[%add3A_96] : memref<335616xi32, #tpu.memory_space<hbm>> -> memref<96xi32, #tpu.memory_space<hbm>>
        %dma_start3A_421 = arith.constant 0 : i32
        %dma_start3A_422 = tpu.memref_slice %arg11[%while3A_92, %dma_start3A_421] : memref<128x96xi32, #tpu.memory_space<vmem>> -> memref<1x96xi32, #tpu.memory_space<vmem>>
        %dma_start3A_423 = tpu.memref_squeeze %dma_start3A_422 : memref<1x96xi32, #tpu.memory_space<vmem>> -> memref<96xi32, #tpu.memory_space<vmem>>
        %dma_start3A_424 = tpu.memref_slice %arg2[%add3A_96] : memref<335616xi32, #tpu.memory_space<hbm>> -> memref<96xi32, #tpu.memory_space<hbm>>
        tpu.enqueue_dma source(%dma_start3A_424 : memref<96xi32, #tpu.memory_space<hbm>>) target(%dma_start3A_423 : memref<96xi32, #tpu.memory_space<vmem>>) target_semaphore(%run_scoped3A_416 : memref<!tpu.dma_semaphore, #tpu.memory_space<semaphore_mem>>)
        %dma_wait3A_425 = arith.constant 0 : i32
        %dma_wait3A_426 = tpu.memref_slice %arg11[%while3A_92, %dma_wait3A_425] : memref<128x96xi32, #tpu.memory_space<vmem>> -> memref<1x96xi32, #tpu.memory_space<vmem>>
        %dma_wait3A_427 = tpu.memref_squeeze %dma_wait3A_426 : memref<1x96xi32, #tpu.memory_space<vmem>> -> memref<96xi32, #tpu.memory_space<vmem>>
        %dma_wait3A_428 = tpu.memref_slice %arg2[%add3A_96] : memref<335616xi32, #tpu.memory_space<hbm>> -> memref<96xi32, #tpu.memory_space<hbm>>
        %dma_wait3A_429 = arith.constant 0 : i32
        %dma_wait3A_430 = tpu.memref_slice %arg11[%while3A_92, %dma_wait3A_429] : memref<128x96xi32, #tpu.memory_space<vmem>> -> memref<1x96xi32, #tpu.memory_space<vmem>>
        %dma_wait3A_431 = tpu.memref_squeeze %dma_wait3A_430 : memref<1x96xi32, #tpu.memory_space<vmem>> -> memref<96xi32, #tpu.memory_space<vmem>>
        %dma_wait3A_432 = tpu.memref_slice %arg2[%add3A_96] : memref<335616xi32, #tpu.memory_space<hbm>> -> memref<96xi32, #tpu.memory_space<hbm>>
        tpu.wait_dma2 semaphore(%run_scoped3A_416 : memref<!tpu.dma_semaphore, #tpu.memory_space<semaphore_mem>>) src(%dma_wait3A_432 : memref<96xi32, #tpu.memory_space<hbm>>) dst(%dma_wait3A_431 : memref<96xi32, #tpu.memory_space<vmem>>)
        tpu.yield
      }) : () -> ()
      %mul3A_97 = arith.constant 96 : i32
      %mul3A_98 = arith.muli %while3A_92, %mul3A_97 : i32
      %add3A_99 = arith.constant 0 : i32
      %add3A_100 = arith.addi %mul3A_98, %add3A_99 : i32
      %get3A = arith.index_cast %while3A_92 : i32 to index
      %get3A_101 = arith.constant 0 : index
      %get3A_102 = tpu.vector_load %arg11[%get3A, %get3A_101] {strides = array<i32>} : memref<128x96xi32, #tpu.memory_space<vmem>>, vector<16xi32>,
      %mul3A_103 = arith.constant 10000 : i32
      %mul3A_104 = vector.broadcast %mul3A_103 : i32 to vector<16xi32>
      %mul3A_105 = arith.muli %get3A_102, %mul3A_104 : vector<16xi32>
      %get3A_106 = arith.index_cast %add3A_100 : i32 to index
      %get3A_107 = tpu.vector_load %arg10[%get3A_106] {strides = array<i32>} : memref<12288xi32, #tpu.memory_space<vmem>>, vector<16xi32>,
      %add3A_108 = arith.addi %mul3A_105, %get3A_107 : vector<16xi32>
      %swap3A = arith.constant 0 : index
      %swap3A_109 = tpu.vector_load %arg12[%swap3A] {strides = array<i32>} : memref<96xi32, #tpu.memory_space<vmem>>, vector<16xi32>,
      tpu.vector_store %arg12[%swap3A], %add3A_108 {strides = array<i32>} : memref<96xi32, #tpu.memory_space<vmem>>, vector<16xi32>,
      %mul3A_110 = arith.constant 96 : i32
      %mul3A_111 = arith.muli %while3A_92, %mul3A_110 : i32
      %add3A_112 = arith.constant 16 : i32
      %add3A_113 = arith.addi %mul3A_111, %add3A_112 : i32
      %get3A_114 = arith.index_cast %while3A_92 : i32 to index
      %get3A_115 = arith.constant 16 : index
      %get3A_116 = tpu.vector_load %arg11[%get3A_114, %get3A_115] {strides = array<i32>} : memref<128x96xi32, #tpu.memory_space<vmem>>, vector<16xi32>,
      %mul3A_117 = arith.constant 10000 : i32
      %mul3A_118 = vector.broadcast %mul3A_117 : i32 to vector<16xi32>
      %mul3A_119 = arith.muli %get3A_116, %mul3A_118 : vector<16xi32>
      %get3A_120 = arith.index_cast %add3A_113 : i32 to index
      %get3A_121 = tpu.vector_load %arg10[%get3A_120] {strides = array<i32>} : memref<12288xi32, #tpu.memory_space<vmem>>, vector<16xi32>,
      %add3A_122 = arith.addi %mul3A_119, %get3A_121 : vector<16xi32>
      %swap3A_123 = arith.constant 16 : index
      %swap3A_124 = tpu.vector_load %arg12[%swap3A_123] {strides = array<i32>} : memref<96xi32, #tpu.memory_space<vmem>>, vector<16xi32>,
      tpu.vector_store %arg12[%swap3A_123], %add3A_122 {strides = array<i32>} : memref<96xi32, #tpu.memory_space<vmem>>, vector<16xi32>,
      %mul3A_125 = arith.constant 96 : i32
      %mul3A_126 = arith.muli %while3A_92, %mul3A_125 : i32
      %add3A_127 = arith.constant 32 : i32
      %add3A_128 = arith.addi %mul3A_126, %add3A_127 : i32
      %get3A_129 = arith.index_cast %while3A_92 : i32 to index
      %get3A_130 = arith.constant 32 : index
      %get3A_131 = tpu.vector_load %arg11[%get3A_129, %get3A_130] {strides = array<i32>} : memref<128x96xi32, #tpu.memory_space<vmem>>, vector<16xi32>,
      %mul3A_132 = arith.constant 10000 : i32
      %mul3A_133 = vector.broadcast %mul3A_132 : i32 to vector<16xi32>
      %mul3A_134 = arith.muli %get3A_131, %mul3A_133 : vector<16xi32>
      %get3A_135 = arith.index_cast %add3A_128 : i32 to index
      %get3A_136 = tpu.vector_load %arg10[%get3A_135] {strides = array<i32>} : memref<12288xi32, #tpu.memory_space<vmem>>, vector<16xi32>,
      %add3A_137 = arith.addi %mul3A_134, %get3A_136 : vector<16xi32>
      %swap3A_138 = arith.constant 32 : index
      %swap3A_139 = tpu.vector_load %arg12[%swap3A_138] {strides = array<i32>} : memref<96xi32, #tpu.memory_space<vmem>>, vector<16xi32>,
      tpu.vector_store %arg12[%swap3A_138], %add3A_137 {strides = array<i32>} : memref<96xi32, #tpu.memory_space<vmem>>, vector<16xi32>,
      %mul3A_140 = arith.constant 96 : i32
      %mul3A_141 = arith.muli %while3A_92, %mul3A_140 : i32
      %add3A_142 = arith.constant 48 : i32
      %add3A_143 = arith.addi %mul3A_141, %add3A_142 : i32
      %get3A_144 = arith.index_cast %while3A_92 : i32 to index
      %get3A_145 = arith.constant 48 : index
      %get3A_146 = tpu.vector_load %arg11[%get3A_144, %get3A_145] {strides = array<i32>} : memref<128x96xi32, #tpu.memory_space<vmem>>, vector<16xi32>,
      %mul3A_147 = arith.constant 10000 : i32
      %mul3A_148 = vector.broadcast %mul3A_147 : i32 to vector<16xi32>
      %mul3A_149 = arith.muli %get3A_146, %mul3A_148 : vector<16xi32>
      %get3A_150 = arith.index_cast %add3A_143 : i32 to index
      %get3A_151 = tpu.vector_load %arg10[%get3A_150] {strides = array<i32>} : memref<12288xi32, #tpu.memory_space<vmem>>, vector<16xi32>,
      %add3A_152 = arith.addi %mul3A_149, %get3A_151 : vector<16xi32>
      %swap3A_153 = arith.constant 48 : index
      %swap3A_154 = tpu.vector_load %arg12[%swap3A_153] {strides = array<i32>} : memref<96xi32, #tpu.memory_space<vmem>>, vector<16xi32>,
      tpu.vector_store %arg12[%swap3A_153], %add3A_152 {strides = array<i32>} : memref<96xi32, #tpu.memory_space<vmem>>, vector<16xi32>,
      %mul3A_155 = arith.constant 96 : i32
      %mul3A_156 = arith.muli %while3A_92, %mul3A_155 : i32
      %add3A_157 = arith.constant 64 : i32
      %add3A_158 = arith.addi %mul3A_156, %add3A_157 : i32
      %get3A_159 = arith.index_cast %while3A_92 : i32 to index
      %get3A_160 = arith.constant 64 : index
      %get3A_161 = tpu.vector_load %arg11[%get3A_159, %get3A_160] {strides = array<i32>} : memref<128x96xi32, #tpu.memory_space<vmem>>, vector<16xi32>,
      %mul3A_162 = arith.constant 10000 : i32
      %mul3A_163 = vector.broadcast %mul3A_162 : i32 to vector<16xi32>
      %mul3A_164 = arith.muli %get3A_161, %mul3A_163 : vector<16xi32>
      %get3A_165 = arith.index_cast %add3A_158 : i32 to index
      %get3A_166 = tpu.vector_load %arg10[%get3A_165] {strides = array<i32>} : memref<12288xi32, #tpu.memory_space<vmem>>, vector<16xi32>,
      %add3A_167 = arith.addi %mul3A_164, %get3A_166 : vector<16xi32>
      %swap3A_168 = arith.constant 64 : index
      %swap3A_169 = tpu.vector_load %arg12[%swap3A_168] {strides = array<i32>} : memref<96xi32, #tpu.memory_space<vmem>>, vector<16xi32>,
      tpu.vector_store %arg12[%swap3A_168], %add3A_167 {strides = array<i32>} : memref<96xi32, #tpu.memory_space<vmem>>, vector<16xi32>,
      %mul3A_170 = arith.constant 96 : i32
      %mul3A_171 = arith.muli %while3A_92, %mul3A_170 : i32
      %add3A_172 = arith.constant 80 : i32
      %add3A_173 = arith.addi %mul3A_171, %add3A_172 : i32
      %get3A_174 = arith.index_cast %while3A_92 : i32 to index
      %get3A_175 = arith.constant 80 : index
      %get3A_176 = tpu.vector_load %arg11[%get3A_174, %get3A_175] {strides = array<i32>} : memref<128x96xi32, #tpu.memory_space<vmem>>, vector<16xi32>,
      %mul3A_177 = arith.constant 10000 : i32
      %mul3A_178 = vector.broadcast %mul3A_177 : i32 to vector<16xi32>
      %mul3A_179 = arith.muli %get3A_176, %mul3A_178 : vector<16xi32>
      %get3A_180 = arith.index_cast %add3A_173 : i32 to index
      %get3A_181 = tpu.vector_load %arg10[%get3A_180] {strides = array<i32>} : memref<12288xi32, #tpu.memory_space<vmem>>, vector<16xi32>,
      %add3A_182 = arith.addi %mul3A_179, %get3A_181 : vector<16xi32>
      %swap3A_183 = arith.constant 80 : index
      %swap3A_184 = tpu.vector_load %arg12[%swap3A_183] {strides = array<i32>} : memref<96xi32, #tpu.memory_space<vmem>>, vector<16xi32>,
      tpu.vector_store %arg12[%swap3A_183], %add3A_182 {strides = array<i32>} : memref<96xi32, #tpu.memory_space<vmem>>, vector<16xi32>,
      %dma_start3A = arith.constant 0 : i32
      %dma_start3A_185 = tpu.memref_slice %arg4[%dma_start3A] : memref<100000000xi32, #tpu.memory_space<hbm>> -> memref<100000000xi32, #tpu.memory_space<hbm>>
      tpu.enqueue_indirect_dma source(%dma_start3A_185 : memref<100000000xi32, #tpu.memory_space<hbm>>) target(%arg16 : memref<96xi32, #tpu.memory_space<vmem>>) offsets(%arg12 : memref<96xi32, #tpu.memory_space<vmem>>) semaphore(%arg20 : memref<!tpu.dma_semaphore, #tpu.memory_space<semaphore_mem>>)
      %dma_start3A_186 = arith.constant 0 : i32
      %dma_start3A_187 = tpu.memref_slice %arg11[%while3A_92, %dma_start3A_186] : memref<128x96xi32, #tpu.memory_space<vmem>> -> memref<1x96xi32, #tpu.memory_space<vmem>>
      %dma_start3A_188 = tpu.memref_squeeze %dma_start3A_187 : memref<1x96xi32, #tpu.memory_space<vmem>> -> memref<96xi32, #tpu.memory_space<vmem>>
      %dma_start3A_189 = arith.constant 0 : i32
      %dma_start3A_190 = tpu.memref_slice %arg6[%dma_start3A_189] : memref<10000xf32, #tpu.memory_space<hbm>> -> memref<10000xf32, #tpu.memory_space<hbm>>
      tpu.enqueue_indirect_dma source(%dma_start3A_190 : memref<10000xf32, #tpu.memory_space<hbm>>) target(%arg13 : memref<96xf32, #tpu.memory_space<vmem>>) offsets(%dma_start3A_188 : memref<96xi32, #tpu.memory_space<vmem>>) semaphore(%arg20 : memref<!tpu.dma_semaphore, #tpu.memory_space<semaphore_mem>>)
      %mul3A_191 = arith.constant 96 : i32
      %mul3A_192 = arith.muli %while3A_92, %mul3A_191 : i32
      %dma_start3A_193 = tpu.memref_slice %arg10[%mul3A_192] : memref<12288xi32, #tpu.memory_space<vmem>> -> memref<96xi32, #tpu.memory_space<vmem>>
      %dma_start3A_194 = arith.constant 0 : i32
      %dma_start3A_195 = tpu.memref_slice %arg7[%dma_start3A_194] : memref<10000xf32, #tpu.memory_space<hbm>> -> memref<10000xf32, #tpu.memory_space<hbm>>
      tpu.enqueue_indirect_dma source(%dma_start3A_195 : memref<10000xf32, #tpu.memory_space<hbm>>) target(%arg14 : memref<96xf32, #tpu.memory_space<vmem>>) offsets(%dma_start3A_193 : memref<96xi32, #tpu.memory_space<vmem>>) semaphore(%arg20 : memref<!tpu.dma_semaphore, #tpu.memory_space<semaphore_mem>>)
      %mul3A_196 = arith.constant 96 : i32
      %mul3A_197 = arith.muli %while3A_92, %mul3A_196 : i32
      %dma_start3A_198 = tpu.memref_slice %arg10[%mul3A_197] : memref<12288xi32, #tpu.memory_space<vmem>> -> memref<96xi32, #tpu.memory_space<vmem>>
      %dma_start3A_199 = arith.constant 0 : i32
      %dma_start3A_200 = arith.constant 0 : i32
      %dma_start3A_201 = tpu.memref_slice %arg5[%dma_start3A_199, %dma_start3A_200] : memref<10000x128xf32, #tpu.memory_space<hbm>> -> memref<10000x128xf32, #tpu.memory_space<hbm>>
      tpu.enqueue_indirect_dma source(%dma_start3A_201 : memref<10000x128xf32, #tpu.memory_space<hbm>>) target(%arg15 : memref<96x128xf32, #tpu.memory_space<vmem>>) offsets(%dma_start3A_198 : memref<96xi32, #tpu.memory_space<vmem>>) semaphore(%arg21 : memref<!tpu.dma_semaphore, #tpu.memory_space<semaphore_mem>>)
      %dma_wait3A = arith.constant 0 : i32
      %dma_wait3A_202 = tpu.memref_slice %arg4[%dma_wait3A] : memref<100000000xi32, #tpu.memory_space<hbm>> -> memref<100000000xi32, #tpu.memory_space<hbm>>
      tpu.wait_indirect_dma semaphore(%arg20 : memref<!tpu.dma_semaphore, #tpu.memory_space<semaphore_mem>>) src(%dma_wait3A_202 : memref<100000000xi32, #tpu.memory_space<hbm>>) dst(%arg16 : memref<96xi32, #tpu.memory_space<vmem>>)
      %dma_wait3A_203 = arith.constant 0 : i32
      %dma_wait3A_204 = tpu.memref_slice %arg11[%while3A_92, %dma_wait3A_203] : memref<128x96xi32, #tpu.memory_space<vmem>> -> memref<1x96xi32, #tpu.memory_space<vmem>>
      %dma_wait3A_205 = tpu.memref_squeeze %dma_wait3A_204 : memref<1x96xi32, #tpu.memory_space<vmem>> -> memref<96xi32, #tpu.memory_space<vmem>>
      %dma_wait3A_206 = arith.constant 0 : i32
      %dma_wait3A_207 = tpu.memref_slice %arg6[%dma_wait3A_206] : memref<10000xf32, #tpu.memory_space<hbm>> -> memref<10000xf32, #tpu.memory_space<hbm>>
      tpu.wait_indirect_dma semaphore(%arg20 : memref<!tpu.dma_semaphore, #tpu.memory_space<semaphore_mem>>) src(%dma_wait3A_207 : memref<10000xf32, #tpu.memory_space<hbm>>) dst(%arg13 : memref<96xf32, #tpu.memory_space<vmem>>)
      %dma_wait3A_208 = tpu.memref_slice %arg10[%mul3A_192] : memref<12288xi32, #tpu.memory_space<vmem>> -> memref<96xi32, #tpu.memory_space<vmem>>
      %dma_wait3A_209 = arith.constant 0 : i32
      %dma_wait3A_210 = tpu.memref_slice %arg7[%dma_wait3A_209] : memref<10000xf32, #tpu.memory_space<hbm>> -> memref<10000xf32, #tpu.memory_space<hbm>>
      tpu.wait_indirect_dma semaphore(%arg20 : memref<!tpu.dma_semaphore, #tpu.memory_space<semaphore_mem>>) src(%dma_wait3A_210 : memref<10000xf32, #tpu.memory_space<hbm>>) dst(%arg14 : memref<96xf32, #tpu.memory_space<vmem>>)
      %mul3A_211 = arith.constant 96 : i32
      %mul3A_212 = arith.muli %while3A_92, %mul3A_211 : i32
      %add3A_213 = arith.constant 0 : i32
      %add3A_214 = arith.addi %mul3A_212, %add3A_213 : i32
      %add3A_215 = arith.addi %select_n3A, %add3A_214 : i32
      %iota3A = tpu.iota {dimensions = array<i32: 0>} : vector<16xi32>
      %add3A_216 = vector.broadcast %add3A_215 : i32 to vector<16xi32>
      %add3A_217 = arith.addi %add3A_216, %iota3A : vector<16xi32>
      %get3A_218 = arith.constant 0 : index
      %get3A_219 = tpu.vector_load %arg13[%get3A_218] {strides = array<i32>} : memref<96xf32, #tpu.memory_space<vmem>>, vector<16xf32>,
      %get3A_220 = arith.constant 0 : index
      %get3A_221 = tpu.vector_load %arg14[%get3A_220] {strides = array<i32>} : memref<96xf32, #tpu.memory_space<vmem>>, vector<16xf32>,
      %add3A_222 = arith.addf %get3A_219, %get3A_221 : vector<16xf32>
      %gt3A = arith.constant 0.000000e+00 : f32
      %gt3A_223 = vector.broadcast %gt3A : f32 to vector<16xf32>
      %gt3A_224 = arith.cmpf ogt, %add3A_222, %gt3A_223 : vector<16xf32>
      %mul3A_225 = arith.constant 0.00999999977 : f32
      %mul3A_226 = vector.broadcast %mul3A_225 : f32 to vector<16xf32>
      %mul3A_227 = arith.mulf %add3A_222, %mul3A_226 : vector<16xf32>
      %select_n3A_228 = arith.select %gt3A_224, %add3A_222, %mul3A_227 : vector<16xi1>, vector<16xf32>
      %get3A_229 = arith.constant 0 : index
      %get3A_230 = tpu.vector_load %arg16[%get3A_229] {strides = array<i32>} : memref<96xi32, #tpu.memory_space<vmem>>, vector<16xi32>,
      %eq3A_231 = arith.cmpi eq, %get3A_230, %add3A_217 : vector<16xi32>
      %exp3A = math.exp %select_n3A_228 : vector<16xf32>
      %jit3A_232 = arith.constant 0.000000e+00 : f32
      %broadcast_in_dim3A_233 = vector.broadcast %jit3A_232 : f32 to vector<16xf32>
      %select_n3A_234 = arith.select %eq3A_231, %exp3A, %broadcast_in_dim3A_233 : vector<16xi1>, vector<16xf32>
      %swap3A_235 = arith.constant 0 : index
      %swap3A_236 = tpu.vector_load %arg17[%swap3A_235] {strides = array<i32>} : memref<96xf32, #tpu.memory_space<vmem>>, vector<16xf32>,
      tpu.vector_store %arg17[%swap3A_235], %select_n3A_234 {strides = array<i32>} : memref<96xf32, #tpu.memory_space<vmem>>, vector<16xf32>,
      %mul3A_237 = arith.constant 96 : i32
      %mul3A_238 = arith.muli %while3A_92, %mul3A_237 : i32
      %add3A_239 = arith.constant 16 : i32
      %add3A_240 = arith.addi %mul3A_238, %add3A_239 : i32
      %add3A_241 = arith.addi %select_n3A, %add3A_240 : i32
      %iota3A_242 = tpu.iota {dimensions = array<i32: 0>} : vector<16xi32>
      %add3A_243 = vector.broadcast %add3A_241 : i32 to vector<16xi32>
      %add3A_244 = arith.addi %add3A_243, %iota3A_242 : vector<16xi32>
      %get3A_245 = arith.constant 16 : index
      %get3A_246 = tpu.vector_load %arg13[%get3A_245] {strides = array<i32>} : memref<96xf32, #tpu.memory_space<vmem>>, vector<16xf32>,
      %get3A_247 = arith.constant 16 : index
      %get3A_248 = tpu.vector_load %arg14[%get3A_247] {strides = array<i32>} : memref<96xf32, #tpu.memory_space<vmem>>, vector<16xf32>,
      %add3A_249 = arith.addf %get3A_246, %get3A_248 : vector<16xf32>
      %gt3A_250 = arith.constant 0.000000e+00 : f32
      %gt3A_251 = vector.broadcast %gt3A_250 : f32 to vector<16xf32>
      %gt3A_252 = arith.cmpf ogt, %add3A_249, %gt3A_251 : vector<16xf32>
      %mul3A_253 = arith.constant 0.00999999977 : f32
      %mul3A_254 = vector.broadcast %mul3A_253 : f32 to vector<16xf32>
      %mul3A_255 = arith.mulf %add3A_249, %mul3A_254 : vector<16xf32>
      %select_n3A_256 = arith.select %gt3A_252, %add3A_249, %mul3A_255 : vector<16xi1>, vector<16xf32>
      %get3A_257 = arith.constant 16 : index
      %get3A_258 = tpu.vector_load %arg16[%get3A_257] {strides = array<i32>} : memref<96xi32, #tpu.memory_space<vmem>>, vector<16xi32>,
      %eq3A_259 = arith.cmpi eq, %get3A_258, %add3A_244 : vector<16xi32>
      %exp3A_260 = math.exp %select_n3A_256 : vector<16xf32>
      %jit3A_261 = arith.constant 0.000000e+00 : f32
      %broadcast_in_dim3A_262 = vector.broadcast %jit3A_261 : f32 to vector<16xf32>
      %select_n3A_263 = arith.select %eq3A_259, %exp3A_260, %broadcast_in_dim3A_262 : vector<16xi1>, vector<16xf32>
      %swap3A_264 = arith.constant 16 : index
      %swap3A_265 = tpu.vector_load %arg17[%swap3A_264] {strides = array<i32>} : memref<96xf32, #tpu.memory_space<vmem>>, vector<16xf32>,
      tpu.vector_store %arg17[%swap3A_264], %select_n3A_263 {strides = array<i32>} : memref<96xf32, #tpu.memory_space<vmem>>, vector<16xf32>,
      %mul3A_266 = arith.constant 96 : i32
      %mul3A_267 = arith.muli %while3A_92, %mul3A_266 : i32
      %add3A_268 = arith.constant 32 : i32
      %add3A_269 = arith.addi %mul3A_267, %add3A_268 : i32
      %add3A_270 = arith.addi %select_n3A, %add3A_269 : i32
      %iota3A_271 = tpu.iota {dimensions = array<i32: 0>} : vector<16xi32>
      %add3A_272 = vector.broadcast %add3A_270 : i32 to vector<16xi32>
      %add3A_273 = arith.addi %add3A_272, %iota3A_271 : vector<16xi32>
      %get3A_274 = arith.constant 32 : index
      %get3A_275 = tpu.vector_load %arg13[%get3A_274] {strides = array<i32>} : memref<96xf32, #tpu.memory_space<vmem>>, vector<16xf32>,
      %get3A_276 = arith.constant 32 : index
      %get3A_277 = tpu.vector_load %arg14[%get3A_276] {strides = array<i32>} : memref<96xf32, #tpu.memory_space<vmem>>, vector<16xf32>,
      %add3A_278 = arith.addf %get3A_275, %get3A_277 : vector<16xf32>
      %gt3A_279 = arith.constant 0.000000e+00 : f32
      %gt3A_280 = vector.broadcast %gt3A_279 : f32 to vector<16xf32>
      %gt3A_281 = arith.cmpf ogt, %add3A_278, %gt3A_280 : vector<16xf32>
      %mul3A_282 = arith.constant 0.00999999977 : f32
      %mul3A_283 = vector.broadcast %mul3A_282 : f32 to vector<16xf32>
      %mul3A_284 = arith.mulf %add3A_278, %mul3A_283 : vector<16xf32>
      %select_n3A_285 = arith.select %gt3A_281, %add3A_278, %mul3A_284 : vector<16xi1>, vector<16xf32>
      %get3A_286 = arith.constant 32 : index
      %get3A_287 = tpu.vector_load %arg16[%get3A_286] {strides = array<i32>} : memref<96xi32, #tpu.memory_space<vmem>>, vector<16xi32>,
      %eq3A_288 = arith.cmpi eq, %get3A_287, %add3A_273 : vector<16xi32>
      %exp3A_289 = math.exp %select_n3A_285 : vector<16xf32>
      %jit3A_290 = arith.constant 0.000000e+00 : f32
      %broadcast_in_dim3A_291 = vector.broadcast %jit3A_290 : f32 to vector<16xf32>
      %select_n3A_292 = arith.select %eq3A_288, %exp3A_289, %broadcast_in_dim3A_291 : vector<16xi1>, vector<16xf32>
      %swap3A_293 = arith.constant 32 : index
      %swap3A_294 = tpu.vector_load %arg17[%swap3A_293] {strides = array<i32>} : memref<96xf32, #tpu.memory_space<vmem>>, vector<16xf32>,
      tpu.vector_store %arg17[%swap3A_293], %select_n3A_292 {strides = array<i32>} : memref<96xf32, #tpu.memory_space<vmem>>, vector<16xf32>,
      %mul3A_295 = arith.constant 96 : i32
      %mul3A_296 = arith.muli %while3A_92, %mul3A_295 : i32
      %add3A_297 = arith.constant 48 : i32
      %add3A_298 = arith.addi %mul3A_296, %add3A_297 : i32
      %add3A_299 = arith.addi %select_n3A, %add3A_298 : i32
      %iota3A_300 = tpu.iota {dimensions = array<i32: 0>} : vector<16xi32>
      %add3A_301 = vector.broadcast %add3A_299 : i32 to vector<16xi32>
      %add3A_302 = arith.addi %add3A_301, %iota3A_300 : vector<16xi32>
      %get3A_303 = arith.constant 48 : index
      %get3A_304 = tpu.vector_load %arg13[%get3A_303] {strides = array<i32>} : memref<96xf32, #tpu.memory_space<vmem>>, vector<16xf32>,
      %get3A_305 = arith.constant 48 : index
      %get3A_306 = tpu.vector_load %arg14[%get3A_305] {strides = array<i32>} : memref<96xf32, #tpu.memory_space<vmem>>, vector<16xf32>,
      %add3A_307 = arith.addf %get3A_304, %get3A_306 : vector<16xf32>
      %gt3A_308 = arith.constant 0.000000e+00 : f32
      %gt3A_309 = vector.broadcast %gt3A_308 : f32 to vector<16xf32>
      %gt3A_310 = arith.cmpf ogt, %add3A_307, %gt3A_309 : vector<16xf32>
      %mul3A_311 = arith.constant 0.00999999977 : f32
      %mul3A_312 = vector.broadcast %mul3A_311 : f32 to vector<16xf32>
      %mul3A_313 = arith.mulf %add3A_307, %mul3A_312 : vector<16xf32>
      %select_n3A_314 = arith.select %gt3A_310, %add3A_307, %mul3A_313 : vector<16xi1>, vector<16xf32>
      %get3A_315 = arith.constant 48 : index
      %get3A_316 = tpu.vector_load %arg16[%get3A_315] {strides = array<i32>} : memref<96xi32, #tpu.memory_space<vmem>>, vector<16xi32>,
      %eq3A_317 = arith.cmpi eq, %get3A_316, %add3A_302 : vector<16xi32>
      %exp3A_318 = math.exp %select_n3A_314 : vector<16xf32>
      %jit3A_319 = arith.constant 0.000000e+00 : f32
      %broadcast_in_dim3A_320 = vector.broadcast %jit3A_319 : f32 to vector<16xf32>
      %select_n3A_321 = arith.select %eq3A_317, %exp3A_318, %broadcast_in_dim3A_320 : vector<16xi1>, vector<16xf32>
      %swap3A_322 = arith.constant 48 : index
      %swap3A_323 = tpu.vector_load %arg17[%swap3A_322] {strides = array<i32>} : memref<96xf32, #tpu.memory_space<vmem>>, vector<16xf32>,
      tpu.vector_store %arg17[%swap3A_322], %select_n3A_321 {strides = array<i32>} : memref<96xf32, #tpu.memory_space<vmem>>, vector<16xf32>,
      %mul3A_324 = arith.constant 96 : i32
      %mul3A_325 = arith.muli %while3A_92, %mul3A_324 : i32
      %add3A_326 = arith.constant 64 : i32
      %add3A_327 = arith.addi %mul3A_325, %add3A_326 : i32
      %add3A_328 = arith.addi %select_n3A, %add3A_327 : i32
      %iota3A_329 = tpu.iota {dimensions = array<i32: 0>} : vector<16xi32>
      %add3A_330 = vector.broadcast %add3A_328 : i32 to vector<16xi32>
      %add3A_331 = arith.addi %add3A_330, %iota3A_329 : vector<16xi32>
      %get3A_332 = arith.constant 64 : index
      %get3A_333 = tpu.vector_load %arg13[%get3A_332] {strides = array<i32>} : memref<96xf32, #tpu.memory_space<vmem>>, vector<16xf32>,
      %get3A_334 = arith.constant 64 : index
      %get3A_335 = tpu.vector_load %arg14[%get3A_334] {strides = array<i32>} : memref<96xf32, #tpu.memory_space<vmem>>, vector<16xf32>,
      %add3A_336 = arith.addf %get3A_333, %get3A_335 : vector<16xf32>
      %gt3A_337 = arith.constant 0.000000e+00 : f32
      %gt3A_338 = vector.broadcast %gt3A_337 : f32 to vector<16xf32>
      %gt3A_339 = arith.cmpf ogt, %add3A_336, %gt3A_338 : vector<16xf32>
      %mul3A_340 = arith.constant 0.00999999977 : f32
      %mul3A_341 = vector.broadcast %mul3A_340 : f32 to vector<16xf32>
      %mul3A_342 = arith.mulf %add3A_336, %mul3A_341 : vector<16xf32>
      %select_n3A_343 = arith.select %gt3A_339, %add3A_336, %mul3A_342 : vector<16xi1>, vector<16xf32>
      %get3A_344 = arith.constant 64 : index
      %get3A_345 = tpu.vector_load %arg16[%get3A_344] {strides = array<i32>} : memref<96xi32, #tpu.memory_space<vmem>>, vector<16xi32>,
      %eq3A_346 = arith.cmpi eq, %get3A_345, %add3A_331 : vector<16xi32>
      %exp3A_347 = math.exp %select_n3A_343 : vector<16xf32>
      %jit3A_348 = arith.constant 0.000000e+00 : f32
      %broadcast_in_dim3A_349 = vector.broadcast %jit3A_348 : f32 to vector<16xf32>
      %select_n3A_350 = arith.select %eq3A_346, %exp3A_347, %broadcast_in_dim3A_349 : vector<16xi1>, vector<16xf32>
      %swap3A_351 = arith.constant 64 : index
      %swap3A_352 = tpu.vector_load %arg17[%swap3A_351] {strides = array<i32>} : memref<96xf32, #tpu.memory_space<vmem>>, vector<16xf32>,
      tpu.vector_store %arg17[%swap3A_351], %select_n3A_350 {strides = array<i32>} : memref<96xf32, #tpu.memory_space<vmem>>, vector<16xf32>,
      %mul3A_353 = arith.constant 96 : i32
      %mul3A_354 = arith.muli %while3A_92, %mul3A_353 : i32
      %add3A_355 = arith.constant 80 : i32
      %add3A_356 = arith.addi %mul3A_354, %add3A_355 : i32
      %add3A_357 = arith.addi %select_n3A, %add3A_356 : i32
      %iota3A_358 = tpu.iota {dimensions = array<i32: 0>} : vector<16xi32>
      %add3A_359 = vector.broadcast %add3A_357 : i32 to vector<16xi32>
      %add3A_360 = arith.addi %add3A_359, %iota3A_358 : vector<16xi32>
      %get3A_361 = arith.constant 80 : index
      %get3A_362 = tpu.vector_load %arg13[%get3A_361] {strides = array<i32>} : memref<96xf32, #tpu.memory_space<vmem>>, vector<16xf32>,
      %get3A_363 = arith.constant 80 : index
      %get3A_364 = tpu.vector_load %arg14[%get3A_363] {strides = array<i32>} : memref<96xf32, #tpu.memory_space<vmem>>, vector<16xf32>,
      %add3A_365 = arith.addf %get3A_362, %get3A_364 : vector<16xf32>
      %gt3A_366 = arith.constant 0.000000e+00 : f32
      %gt3A_367 = vector.broadcast %gt3A_366 : f32 to vector<16xf32>
      %gt3A_368 = arith.cmpf ogt, %add3A_365, %gt3A_367 : vector<16xf32>
      %mul3A_369 = arith.constant 0.00999999977 : f32
      %mul3A_370 = vector.broadcast %mul3A_369 : f32 to vector<16xf32>
      %mul3A_371 = arith.mulf %add3A_365, %mul3A_370 : vector<16xf32>
      %select_n3A_372 = arith.select %gt3A_368, %add3A_365, %mul3A_371 : vector<16xi1>, vector<16xf32>
      %get3A_373 = arith.constant 80 : index
      %get3A_374 = tpu.vector_load %arg16[%get3A_373] {strides = array<i32>} : memref<96xi32, #tpu.memory_space<vmem>>, vector<16xi32>,
      %eq3A_375 = arith.cmpi eq, %get3A_374, %add3A_360 : vector<16xi32>
      %exp3A_376 = math.exp %select_n3A_372 : vector<16xf32>
      %jit3A_377 = arith.constant 0.000000e+00 : f32
      %broadcast_in_dim3A_378 = vector.broadcast %jit3A_377 : f32 to vector<16xf32>
      %select_n3A_379 = arith.select %eq3A_375, %exp3A_376, %broadcast_in_dim3A_378 : vector<16xi1>, vector<16xf32>
      %swap3A_380 = arith.constant 80 : index
      %swap3A_381 = tpu.vector_load %arg17[%swap3A_380] {strides = array<i32>} : memref<96xf32, #tpu.memory_space<vmem>>, vector<16xf32>,
      tpu.vector_store %arg17[%swap3A_380], %select_n3A_379 {strides = array<i32>} : memref<96xf32, #tpu.memory_space<vmem>>, vector<16xf32>,
      %dma_start3A_382 = arith.constant 0 : i32
      %dma_start3A_383 = tpu.memref_slice %arg11[%while3A_92, %dma_start3A_382] : memref<128x96xi32, #tpu.memory_space<vmem>> -> memref<1x96xi32, #tpu.memory_space<vmem>>
      %dma_start3A_384 = tpu.memref_squeeze %dma_start3A_383 : memref<1x96xi32, #tpu.memory_space<vmem>> -> memref<96xi32, #tpu.memory_space<vmem>>
      %dma_start3A_385 = arith.constant 0 : i32
      %dma_start3A_386 = tpu.memref_slice %arg19[%dma_start3A_385] : memref<10240xf32, #tpu.memory_space<vmem_shared>> -> memref<10240xf32, #tpu.memory_space<vmem_shared>>
      tpu.enqueue_indirect_dma source(%arg17 : memref<96xf32, #tpu.memory_space<vmem>>) target(%dma_start3A_386 : memref<10240xf32, #tpu.memory_space<vmem_shared>>) offsets(%dma_start3A_384 : memref<96xi32, #tpu.memory_space<vmem>>) semaphore(%arg22 : memref<!tpu.dma_semaphore, #tpu.memory_space<semaphore_mem>>) {add = true}
      %dma_wait3A_387 = tpu.memref_slice %arg10[%mul3A_197] : memref<12288xi32, #tpu.memory_space<vmem>> -> memref<96xi32, #tpu.memory_space<vmem>>
      %dma_wait3A_388 = arith.constant 0 : i32
      %dma_wait3A_389 = arith.constant 0 : i32
      %dma_wait3A_390 = tpu.memref_slice %arg5[%dma_wait3A_388, %dma_wait3A_389] : memref<10000x128xf32, #tpu.memory_space<hbm>> -> memref<10000x128xf32, #tpu.memory_space<hbm>>
      tpu.wait_indirect_dma semaphore(%arg21 : memref<!tpu.dma_semaphore, #tpu.memory_space<semaphore_mem>>) src(%dma_wait3A_390 : memref<10000x128xf32, #tpu.memory_space<hbm>>) dst(%arg15 : memref<96x128xf32, #tpu.memory_space<vmem>>)
      %scan3A_391 = arith.constant 0 : i32
      %scan3A_392 = arith.constant 0 : i32
      %scan3A_393 = arith.constant 6 : i32
      %scan3A_394 = arith.addi %scan3A_392, %scan3A_393 : i32
      %scan3A_395 = arith.constant 1 : i32
      %scan3A_396 = scf.for %scan3A_416 = %scan3A_392 to %scan3A_394 step %scan3A_395 iter_args(%scan3A_417 = %scan3A_391) -> (i32)  : i32 {
        %mul3A_418 = arith.constant 16 : i32
        %mul3A_419 = arith.muli %scan3A_416, %mul3A_418 : i32
        %get3A_420 = arith.index_cast %mul3A_419 : i32 to index
        %get3A_421 = tpu.vector_load %arg17[%get3A_420] {strides = array<i32>} : memref<96xf32, #tpu.memory_space<vmem>>, vector<16xf32>,
        %mul3A_422 = arith.constant 16 : i32
        %mul3A_423 = arith.muli %scan3A_416, %mul3A_422 : i32
        %add3A_424 = arith.constant 0 : i32
        %add3A_425 = arith.addi %mul3A_423, %add3A_424 : i32
        %slice3A = vector.extract_strided_slice %get3A_421 {offsets = [0], sizes = [1], strides = [1]} : vector<16xf32> to vector<1xf32>
        %squeeze3A = vector.extract %slice3A[0] : f32 from vector<1xf32>
        %broadcast_in_dim3A_426 = vector.broadcast %squeeze3A : f32 to vector<16xf32>
        %get3A_427 = arith.index_cast %add3A_425 : i32 to index
        %get3A_428 = arith.constant 0 : index
        %get3A_429 = tpu.vector_load %arg15[%get3A_427, %get3A_428] {strides = array<i32>} : memref<96x128xf32, #tpu.memory_space<vmem>>, vector<16xf32>,
        %mul3A_430 = arith.mulf %get3A_429, %broadcast_in_dim3A_426 : vector<16xf32>
        %swap3A_431 = arith.index_cast %add3A_425 : i32 to index
        %swap3A_432 = arith.constant 0 : index
        %swap3A_433 = tpu.vector_load %arg15[%swap3A_431, %swap3A_432] {strides = array<i32>} : memref<96x128xf32, #tpu.memory_space<vmem>>, vector<16xf32>,
        tpu.vector_store %arg15[%swap3A_431, %swap3A_432], %mul3A_430 {strides = array<i32>} : memref<96x128xf32, #tpu.memory_space<vmem>>, vector<16xf32>,
        %get3A_434 = arith.index_cast %add3A_425 : i32 to index
        %get3A_435 = arith.constant 16 : index
        %get3A_436 = tpu.vector_load %arg15[%get3A_434, %get3A_435] {strides = array<i32>} : memref<96x128xf32, #tpu.memory_space<vmem>>, vector<16xf32>,
        %mul3A_437 = arith.mulf %get3A_436, %broadcast_in_dim3A_426 : vector<16xf32>
        %swap3A_438 = arith.index_cast %add3A_425 : i32 to index
        %swap3A_439 = arith.constant 16 : index
        %swap3A_440 = tpu.vector_load %arg15[%swap3A_438, %swap3A_439] {strides = array<i32>} : memref<96x128xf32, #tpu.memory_space<vmem>>, vector<16xf32>,
        tpu.vector_store %arg15[%swap3A_438, %swap3A_439], %mul3A_437 {strides = array<i32>} : memref<96x128xf32, #tpu.memory_space<vmem>>, vector<16xf32>,
        %get3A_441 = arith.index_cast %add3A_425 : i32 to index
        %get3A_442 = arith.constant 32 : index
        %get3A_443 = tpu.vector_load %arg15[%get3A_441, %get3A_442] {strides = array<i32>} : memref<96x128xf32, #tpu.memory_space<vmem>>, vector<16xf32>,
        %mul3A_444 = arith.mulf %get3A_443, %broadcast_in_dim3A_426 : vector<16xf32>
        %swap3A_445 = arith.index_cast %add3A_425 : i32 to index
        %swap3A_446 = arith.constant 32 : index
        %swap3A_447 = tpu.vector_load %arg15[%swap3A_445, %swap3A_446] {strides = array<i32>} : memref<96x128xf32, #tpu.memory_space<vmem>>, vector<16xf32>,
        tpu.vector_store %arg15[%swap3A_445, %swap3A_446], %mul3A_444 {strides = array<i32>} : memref<96x128xf32, #tpu.memory_space<vmem>>, vector<16xf32>,
        %get3A_448 = arith.index_cast %add3A_425 : i32 to index
        %get3A_449 = arith.constant 48 : index
        %get3A_450 = tpu.vector_load %arg15[%get3A_448, %get3A_449] {strides = array<i32>} : memref<96x128xf32, #tpu.memory_space<vmem>>, vector<16xf32>,
        %mul3A_451 = arith.mulf %get3A_450, %broadcast_in_dim3A_426 : vector<16xf32>
        %swap3A_452 = arith.index_cast %add3A_425 : i32 to index
        %swap3A_453 = arith.constant 48 : index
        %swap3A_454 = tpu.vector_load %arg15[%swap3A_452, %swap3A_453] {strides = array<i32>} : memref<96x128xf32, #tpu.memory_space<vmem>>, vector<16xf32>,
        tpu.vector_store %arg15[%swap3A_452, %swap3A_453], %mul3A_451 {strides = array<i32>} : memref<96x128xf32, #tpu.memory_space<vmem>>, vector<16xf32>,
        %get3A_455 = arith.index_cast %add3A_425 : i32 to index
        %get3A_456 = arith.constant 64 : index
        %get3A_457 = tpu.vector_load %arg15[%get3A_455, %get3A_456] {strides = array<i32>} : memref<96x128xf32, #tpu.memory_space<vmem>>, vector<16xf32>,
        %mul3A_458 = arith.mulf %get3A_457, %broadcast_in_dim3A_426 : vector<16xf32>
        %swap3A_459 = arith.index_cast %add3A_425 : i32 to index
        %swap3A_460 = arith.constant 64 : index
        %swap3A_461 = tpu.vector_load %arg15[%swap3A_459, %swap3A_460] {strides = array<i32>} : memref<96x128xf32, #tpu.memory_space<vmem>>, vector<16xf32>,
        tpu.vector_store %arg15[%swap3A_459, %swap3A_460], %mul3A_458 {strides = array<i32>} : memref<96x128xf32, #tpu.memory_space<vmem>>, vector<16xf32>,
        %get3A_462 = arith.index_cast %add3A_425 : i32 to index
        %get3A_463 = arith.constant 80 : index
        %get3A_464 = tpu.vector_load %arg15[%get3A_462, %get3A_463] {strides = array<i32>} : memref<96x128xf32, #tpu.memory_space<vmem>>, vector<16xf32>,
        %mul3A_465 = arith.mulf %get3A_464, %broadcast_in_dim3A_426 : vector<16xf32>
        %swap3A_466 = arith.index_cast %add3A_425 : i32 to index
        %swap3A_467 = arith.constant 80 : index
        %swap3A_468 = tpu.vector_load %arg15[%swap3A_466, %swap3A_467] {strides = array<i32>} : memref<96x128xf32, #tpu.memory_space<vmem>>, vector<16xf32>,
        tpu.vector_store %arg15[%swap3A_466, %swap3A_467], %mul3A_465 {strides = array<i32>} : memref<96x128xf32, #tpu.memory_space<vmem>>, vector<16xf32>,
        %get3A_469 = arith.index_cast %add3A_425 : i32 to index
        %get3A_470 = arith.constant 96 : index
        %get3A_471 = tpu.vector_load %arg15[%get3A_469, %get3A_470] {strides = array<i32>} : memref<96x128xf32, #tpu.memory_space<vmem>>, vector<16xf32>,
        %mul3A_472 = arith.mulf %get3A_471, %broadcast_in_dim3A_426 : vector<16xf32>
        %swap3A_473 = arith.index_cast %add3A_425 : i32 to index
        %swap3A_474 = arith.constant 96 : index
        %swap3A_475 = tpu.vector_load %arg15[%swap3A_473, %swap3A_474] {strides = array<i32>} : memref<96x128xf32, #tpu.memory_space<vmem>>, vector<16xf32>,
        tpu.vector_store %arg15[%swap3A_473, %swap3A_474], %mul3A_472 {strides = array<i32>} : memref<96x128xf32, #tpu.memory_space<vmem>>, vector<16xf32>,
        %get3A_476 = arith.index_cast %add3A_425 : i32 to index
        %get3A_477 = arith.constant 112 : index
        %get3A_478 = tpu.vector_load %arg15[%get3A_476, %get3A_477] {strides = array<i32>} : memref<96x128xf32, #tpu.memory_space<vmem>>, vector<16xf32>,
        %mul3A_479 = arith.mulf %get3A_478, %broadcast_in_dim3A_426 : vector<16xf32>
        %swap3A_480 = arith.index_cast %add3A_425 : i32 to index
        %swap3A_481 = arith.constant 112 : index
        %swap3A_482 = tpu.vector_load %arg15[%swap3A_480, %swap3A_481] {strides = array<i32>} : memref<96x128xf32, #tpu.memory_space<vmem>>, vector<16xf32>,
        tpu.vector_store %arg15[%swap3A_480, %swap3A_481], %mul3A_479 {strides = array<i32>} : memref<96x128xf32, #tpu.memory_space<vmem>>, vector<16xf32>,
        %mul3A_483 = arith.constant 16 : i32
        %mul3A_484 = arith.muli %scan3A_416, %mul3A_483 : i32
        %add3A_485 = arith.constant 1 : i32
        %add3A_486 = arith.addi %mul3A_484, %add3A_485 : i32
        %slice3A_487 = vector.extract_strided_slice %get3A_421 {offsets = [1], sizes = [1], strides = [1]} : vector<16xf32> to vector<1xf32>
        %squeeze3A_488 = vector.extract %slice3A_487[0] : f32 from vector<1xf32>
        %broadcast_in_dim3A_489 = vector.broadcast %squeeze3A_488 : f32 to vector<16xf32>
        %get3A_490 = arith.index_cast %add3A_486 : i32 to index
        %get3A_491 = arith.constant 0 : index
        %get3A_492 = tpu.vector_load %arg15[%get3A_490, %get3A_491] {strides = array<i32>} : memref<96x128xf32, #tpu.memory_space<vmem>>, vector<16xf32>,
        %mul3A_493 = arith.mulf %get3A_492, %broadcast_in_dim3A_489 : vector<16xf32>
        %swap3A_494 = arith.index_cast %add3A_486 : i32 to index
        %swap3A_495 = arith.constant 0 : index
        %swap3A_496 = tpu.vector_load %arg15[%swap3A_494, %swap3A_495] {strides = array<i32>} : memref<96x128xf32, #tpu.memory_space<vmem>>, vector<16xf32>,
        tpu.vector_store %arg15[%swap3A_494, %swap3A_495], %mul3A_493 {strides = array<i32>} : memref<96x128xf32, #tpu.memory_space<vmem>>, vector<16xf32>,
        %get3A_497 = arith.index_cast %add3A_486 : i32 to index
        %get3A_498 = arith.constant 16 : index
        %get3A_499 = tpu.vector_load %arg15[%get3A_497, %get3A_498] {strides = array<i32>} : memref<96x128xf32, #tpu.memory_space<vmem>>, vector<16xf32>,
        %mul3A_500 = arith.mulf %get3A_499, %broadcast_in_dim3A_489 : vector<16xf32>
        %swap3A_501 = arith.index_cast %add3A_486 : i32 to index
        %swap3A_502 = arith.constant 16 : index
        %swap3A_503 = tpu.vector_load %arg15[%swap3A_501, %swap3A_502] {strides = array<i32>} : memref<96x128xf32, #tpu.memory_space<vmem>>, vector<16xf32>,
        tpu.vector_store %arg15[%swap3A_501, %swap3A_502], %mul3A_500 {strides = array<i32>} : memref<96x128xf32, #tpu.memory_space<vmem>>, vector<16xf32>,
        %get3A_504 = arith.index_cast %add3A_486 : i32 to index
        %get3A_505 = arith.constant 32 : index
        %get3A_506 = tpu.vector_load %arg15[%get3A_504, %get3A_505] {strides = array<i32>} : memref<96x128xf32, #tpu.memory_space<vmem>>, vector<16xf32>,
        %mul3A_507 = arith.mulf %get3A_506, %broadcast_in_dim3A_489 : vector<16xf32>
        %swap3A_508 = arith.index_cast %add3A_486 : i32 to index
        %swap3A_509 = arith.constant 32 : index
        %swap3A_510 = tpu.vector_load %arg15[%swap3A_508, %swap3A_509] {strides = array<i32>} : memref<96x128xf32, #tpu.memory_space<vmem>>, vector<16xf32>,
        tpu.vector_store %arg15[%swap3A_508, %swap3A_509], %mul3A_507 {strides = array<i32>} : memref<96x128xf32, #tpu.memory_space<vmem>>, vector<16xf32>,
        %get3A_511 = arith.index_cast %add3A_486 : i32 to index
        %get3A_512 = arith.constant 48 : index
        %get3A_513 = tpu.vector_load %arg15[%get3A_511, %get3A_512] {strides = array<i32>} : memref<96x128xf32, #tpu.memory_space<vmem>>, vector<16xf32>,
        %mul3A_514 = arith.mulf %get3A_513, %broadcast_in_dim3A_489 : vector<16xf32>
        %swap3A_515 = arith.index_cast %add3A_486 : i32 to index
        %swap3A_516 = arith.constant 48 : index
        %swap3A_517 = tpu.vector_load %arg15[%swap3A_515, %swap3A_516] {strides = array<i32>} : memref<96x128xf32, #tpu.memory_space<vmem>>, vector<16xf32>,
        tpu.vector_store %arg15[%swap3A_515, %swap3A_516], %mul3A_514 {strides = array<i32>} : memref<96x128xf32, #tpu.memory_space<vmem>>, vector<16xf32>,
        %get3A_518 = arith.index_cast %add3A_486 : i32 to index
        %get3A_519 = arith.constant 64 : index
        %get3A_520 = tpu.vector_load %arg15[%get3A_518, %get3A_519] {strides = array<i32>} : memref<96x128xf32, #tpu.memory_space<vmem>>, vector<16xf32>,
        %mul3A_521 = arith.mulf %get3A_520, %broadcast_in_dim3A_489 : vector<16xf32>
        %swap3A_522 = arith.index_cast %add3A_486 : i32 to index
        %swap3A_523 = arith.constant 64 : index
        %swap3A_524 = tpu.vector_load %arg15[%swap3A_522, %swap3A_523] {strides = array<i32>} : memref<96x128xf32, #tpu.memory_space<vmem>>, vector<16xf32>,
        tpu.vector_store %arg15[%swap3A_522, %swap3A_523], %mul3A_521 {strides = array<i32>} : memref<96x128xf32, #tpu.memory_space<vmem>>, vector<16xf32>,
        %get3A_525 = arith.index_cast %add3A_486 : i32 to index
        %get3A_526 = arith.constant 80 : index
        %get3A_527 = tpu.vector_load %arg15[%get3A_525, %get3A_526] {strides = array<i32>} : memref<96x128xf32, #tpu.memory_space<vmem>>, vector<16xf32>,
        %mul3A_528 = arith.mulf %get3A_527, %broadcast_in_dim3A_489 : vector<16xf32>
        %swap3A_529 = arith.index_cast %add3A_486 : i32 to index
        %swap3A_530 = arith.constant 80 : index
        %swap3A_531 = tpu.vector_load %arg15[%swap3A_529, %swap3A_530] {strides = array<i32>} : memref<96x128xf32, #tpu.memory_space<vmem>>, vector<16xf32>,
        tpu.vector_store %arg15[%swap3A_529, %swap3A_530], %mul3A_528 {strides = array<i32>} : memref<96x128xf32, #tpu.memory_space<vmem>>, vector<16xf32>,
        %get3A_532 = arith.index_cast %add3A_486 : i32 to index
        %get3A_533 = arith.constant 96 : index
        %get3A_534 = tpu.vector_load %arg15[%get3A_532, %get3A_533] {strides = array<i32>} : memref<96x128xf32, #tpu.memory_space<vmem>>, vector<16xf32>,
        %mul3A_535 = arith.mulf %get3A_534, %broadcast_in_dim3A_489 : vector<16xf32>
        %swap3A_536 = arith.index_cast %add3A_486 : i32 to index
        %swap3A_537 = arith.constant 96 : index
        %swap3A_538 = tpu.vector_load %arg15[%swap3A_536, %swap3A_537] {strides = array<i32>} : memref<96x128xf32, #tpu.memory_space<vmem>>, vector<16xf32>,
        tpu.vector_store %arg15[%swap3A_536, %swap3A_537], %mul3A_535 {strides = array<i32>} : memref<96x128xf32, #tpu.memory_space<vmem>>, vector<16xf32>,
        %get3A_539 = arith.index_cast %add3A_486 : i32 to index
        %get3A_540 = arith.constant 112 : index
        %get3A_541 = tpu.vector_load %arg15[%get3A_539, %get3A_540] {strides = array<i32>} : memref<96x128xf32, #tpu.memory_space<vmem>>, vector<16xf32>,
        %mul3A_542 = arith.mulf %get3A_541, %broadcast_in_dim3A_489 : vector<16xf32>
        %swap3A_543 = arith.index_cast %add3A_486 : i32 to index
        %swap3A_544 = arith.constant 112 : index
        %swap3A_545 = tpu.vector_load %arg15[%swap3A_543, %swap3A_544] {strides = array<i32>} : memref<96x128xf32, #tpu.memory_space<vmem>>, vector<16xf32>,
        tpu.vector_store %arg15[%swap3A_543, %swap3A_544], %mul3A_542 {strides = array<i32>} : memref<96x128xf32, #tpu.memory_space<vmem>>, vector<16xf32>,
        %mul3A_546 = arith.constant 16 : i32
        %mul3A_547 = arith.muli %scan3A_416, %mul3A_546 : i32
        %add3A_548 = arith.constant 2 : i32
        %add3A_549 = arith.addi %mul3A_547, %add3A_548 : i32
        %slice3A_550 = vector.extract_strided_slice %get3A_421 {offsets = [2], sizes = [1], strides = [1]} : vector<16xf32> to vector<1xf32>
        %squeeze3A_551 = vector.extract %slice3A_550[0] : f32 from vector<1xf32>
        %broadcast_in_dim3A_552 = vector.broadcast %squeeze3A_551 : f32 to vector<16xf32>
        %get3A_553 = arith.index_cast %add3A_549 : i32 to index
        %get3A_554 = arith.constant 0 : index
        %get3A_555 = tpu.vector_load %arg15[%get3A_553, %get3A_554] {strides = array<i32>} : memref<96x128xf32, #tpu.memory_space<vmem>>, vector<16xf32>,
        %mul3A_556 = arith.mulf %get3A_555, %broadcast_in_dim3A_552 : vector<16xf32>
        %swap3A_557 = arith.index_cast %add3A_549 : i32 to index
        %swap3A_558 = arith.constant 0 : index
        %swap3A_559 = tpu.vector_load %arg15[%swap3A_557, %swap3A_558] {strides = array<i32>} : memref<96x128xf32, #tpu.memory_space<vmem>>, vector<16xf32>,
        tpu.vector_store %arg15[%swap3A_557, %swap3A_558], %mul3A_556 {strides = array<i32>} : memref<96x128xf32, #tpu.memory_space<vmem>>, vector<16xf32>,
        %get3A_560 = arith.index_cast %add3A_549 : i32 to index
        %get3A_561 = arith.constant 16 : index
        %get3A_562 = tpu.vector_load %arg15[%get3A_560, %get3A_561] {strides = array<i32>} : memref<96x128xf32, #tpu.memory_space<vmem>>, vector<16xf32>,
        %mul3A_563 = arith.mulf %get3A_562, %broadcast_in_dim3A_552 : vector<16xf32>
        %swap3A_564 = arith.index_cast %add3A_549 : i32 to index
        %swap3A_565 = arith.constant 16 : index
        %swap3A_566 = tpu.vector_load %arg15[%swap3A_564, %swap3A_565] {strides = array<i32>} : memref<96x128xf32, #tpu.memory_space<vmem>>, vector<16xf32>,
        tpu.vector_store %arg15[%swap3A_564, %swap3A_565], %mul3A_563 {strides = array<i32>} : memref<96x128xf32, #tpu.memory_space<vmem>>, vector<16xf32>,
        %get3A_567 = arith.index_cast %add3A_549 : i32 to index
        %get3A_568 = arith.constant 32 : index
        %get3A_569 = tpu.vector_load %arg15[%get3A_567, %get3A_568] {strides = array<i32>} : memref<96x128xf32, #tpu.memory_space<vmem>>, vector<16xf32>,
        %mul3A_570 = arith.mulf %get3A_569, %broadcast_in_dim3A_552 : vector<16xf32>
        %swap3A_571 = arith.index_cast %add3A_549 : i32 to index
        %swap3A_572 = arith.constant 32 : index
        %swap3A_573 = tpu.vector_load %arg15[%swap3A_571, %swap3A_572] {strides = array<i32>} : memref<96x128xf32, #tpu.memory_space<vmem>>, vector<16xf32>,
        tpu.vector_store %arg15[%swap3A_571, %swap3A_572], %mul3A_570 {strides = array<i32>} : memref<96x128xf32, #tpu.memory_space<vmem>>, vector<16xf32>,
        %get3A_574 = arith.index_cast %add3A_549 : i32 to index
        %get3A_575 = arith.constant 48 : index
        %get3A_576 = tpu.vector_load %arg15[%get3A_574, %get3A_575] {strides = array<i32>} : memref<96x128xf32, #tpu.memory_space<vmem>>, vector<16xf32>,
        %mul3A_577 = arith.mulf %get3A_576, %broadcast_in_dim3A_552 : vector<16xf32>
        %swap3A_578 = arith.index_cast %add3A_549 : i32 to index
        %swap3A_579 = arith.constant 48 : index
        %swap3A_580 = tpu.vector_load %arg15[%swap3A_578, %swap3A_579] {strides = array<i32>} : memref<96x128xf32, #tpu.memory_space<vmem>>, vector<16xf32>,
        tpu.vector_store %arg15[%swap3A_578, %swap3A_579], %mul3A_577 {strides = array<i32>} : memref<96x128xf32, #tpu.memory_space<vmem>>, vector<16xf32>,
        %get3A_581 = arith.index_cast %add3A_549 : i32 to index
        %get3A_582 = arith.constant 64 : index
        %get3A_583 = tpu.vector_load %arg15[%get3A_581, %get3A_582] {strides = array<i32>} : memref<96x128xf32, #tpu.memory_space<vmem>>, vector<16xf32>,
        %mul3A_584 = arith.mulf %get3A_583, %broadcast_in_dim3A_552 : vector<16xf32>
        %swap3A_585 = arith.index_cast %add3A_549 : i32 to index
        %swap3A_586 = arith.constant 64 : index
        %swap3A_587 = tpu.vector_load %arg15[%swap3A_585, %swap3A_586] {strides = array<i32>} : memref<96x128xf32, #tpu.memory_space<vmem>>, vector<16xf32>,
        tpu.vector_store %arg15[%swap3A_585, %swap3A_586], %mul3A_584 {strides = array<i32>} : memref<96x128xf32, #tpu.memory_space<vmem>>, vector<16xf32>,
        %get3A_588 = arith.index_cast %add3A_549 : i32 to index
        %get3A_589 = arith.constant 80 : index
        %get3A_590 = tpu.vector_load %arg15[%get3A_588, %get3A_589] {strides = array<i32>} : memref<96x128xf32, #tpu.memory_space<vmem>>, vector<16xf32>,
        %mul3A_591 = arith.mulf %get3A_590, %broadcast_in_dim3A_552 : vector<16xf32>
        %swap3A_592 = arith.index_cast %add3A_549 : i32 to index
        %swap3A_593 = arith.constant 80 : index
        %swap3A_594 = tpu.vector_load %arg15[%swap3A_592, %swap3A_593] {strides = array<i32>} : memref<96x128xf32, #tpu.memory_space<vmem>>, vector<16xf32>,
        tpu.vector_store %arg15[%swap3A_592, %swap3A_593], %mul3A_591 {strides = array<i32>} : memref<96x128xf32, #tpu.memory_space<vmem>>, vector<16xf32>,
        %get3A_595 = arith.index_cast %add3A_549 : i32 to index
        %get3A_596 = arith.constant 96 : index
        %get3A_597 = tpu.vector_load %arg15[%get3A_595, %get3A_596] {strides = array<i32>} : memref<96x128xf32, #tpu.memory_space<vmem>>, vector<16xf32>,
        %mul3A_598 = arith.mulf %get3A_597, %broadcast_in_dim3A_552 : vector<16xf32>
        %swap3A_599 = arith.index_cast %add3A_549 : i32 to index
        %swap3A_600 = arith.constant 96 : index
        %swap3A_601 = tpu.vector_load %arg15[%swap3A_599, %swap3A_600] {strides = array<i32>} : memref<96x128xf32, #tpu.memory_space<vmem>>, vector<16xf32>,
        tpu.vector_store %arg15[%swap3A_599, %swap3A_600], %mul3A_598 {strides = array<i32>} : memref<96x128xf32, #tpu.memory_space<vmem>>, vector<16xf32>,
        %get3A_602 = arith.index_cast %add3A_549 : i32 to index
        %get3A_603 = arith.constant 112 : index
        %get3A_604 = tpu.vector_load %arg15[%get3A_602, %get3A_603] {strides = array<i32>} : memref<96x128xf32, #tpu.memory_space<vmem>>, vector<16xf32>,
        %mul3A_605 = arith.mulf %get3A_604, %broadcast_in_dim3A_552 : vector<16xf32>
        %swap3A_606 = arith.index_cast %add3A_549 : i32 to index
        %swap3A_607 = arith.constant 112 : index
        %swap3A_608 = tpu.vector_load %arg15[%swap3A_606, %swap3A_607] {strides = array<i32>} : memref<96x128xf32, #tpu.memory_space<vmem>>, vector<16xf32>,
        tpu.vector_store %arg15[%swap3A_606, %swap3A_607], %mul3A_605 {strides = array<i32>} : memref<96x128xf32, #tpu.memory_space<vmem>>, vector<16xf32>,
        %mul3A_609 = arith.constant 16 : i32
        %mul3A_610 = arith.muli %scan3A_416, %mul3A_609 : i32
        %add3A_611 = arith.constant 3 : i32
        %add3A_612 = arith.addi %mul3A_610, %add3A_611 : i32
        %slice3A_613 = vector.extract_strided_slice %get3A_421 {offsets = [3], sizes = [1], strides = [1]} : vector<16xf32> to vector<1xf32>
        %squeeze3A_614 = vector.extract %slice3A_613[0] : f32 from vector<1xf32>
        %broadcast_in_dim3A_615 = vector.broadcast %squeeze3A_614 : f32 to vector<16xf32>
        %get3A_616 = arith.index_cast %add3A_612 : i32 to index
        %get3A_617 = arith.constant 0 : index
        %get3A_618 = tpu.vector_load %arg15[%get3A_616, %get3A_617] {strides = array<i32>} : memref<96x128xf32, #tpu.memory_space<vmem>>, vector<16xf32>,
        %mul3A_619 = arith.mulf %get3A_618, %broadcast_in_dim3A_615 : vector<16xf32>
        %swap3A_620 = arith.index_cast %add3A_612 : i32 to index
        %swap3A_621 = arith.constant 0 : index
        %swap3A_622 = tpu.vector_load %arg15[%swap3A_620, %swap3A_621] {strides = array<i32>} : memref<96x128xf32, #tpu.memory_space<vmem>>, vector<16xf32>,
        tpu.vector_store %arg15[%swap3A_620, %swap3A_621], %mul3A_619 {strides = array<i32>} : memref<96x128xf32, #tpu.memory_space<vmem>>, vector<16xf32>,
        %get3A_623 = arith.index_cast %add3A_612 : i32 to index
        %get3A_624 = arith.constant 16 : index
        %get3A_625 = tpu.vector_load %arg15[%get3A_623, %get3A_624] {strides = array<i32>} : memref<96x128xf32, #tpu.memory_space<vmem>>, vector<16xf32>,
        %mul3A_626 = arith.mulf %get3A_625, %broadcast_in_dim3A_615 : vector<16xf32>
        %swap3A_627 = arith.index_cast %add3A_612 : i32 to index
        %swap3A_628 = arith.constant 16 : index
        %swap3A_629 = tpu.vector_load %arg15[%swap3A_627, %swap3A_628] {strides = array<i32>} : memref<96x128xf32, #tpu.memory_space<vmem>>, vector<16xf32>,
        tpu.vector_store %arg15[%swap3A_627, %swap3A_628], %mul3A_626 {strides = array<i32>} : memref<96x128xf32, #tpu.memory_space<vmem>>, vector<16xf32>,
        %get3A_630 = arith.index_cast %add3A_612 : i32 to index
        %get3A_631 = arith.constant 32 : index
        %get3A_632 = tpu.vector_load %arg15[%get3A_630, %get3A_631] {strides = array<i32>} : memref<96x128xf32, #tpu.memory_space<vmem>>, vector<16xf32>,
        %mul3A_633 = arith.mulf %get3A_632, %broadcast_in_dim3A_615 : vector<16xf32>
        %swap3A_634 = arith.index_cast %add3A_612 : i32 to index
        %swap3A_635 = arith.constant 32 : index
        %swap3A_636 = tpu.vector_load %arg15[%swap3A_634, %swap3A_635] {strides = array<i32>} : memref<96x128xf32, #tpu.memory_space<vmem>>, vector<16xf32>,
        tpu.vector_store %arg15[%swap3A_634, %swap3A_635], %mul3A_633 {strides = array<i32>} : memref<96x128xf32, #tpu.memory_space<vmem>>, vector<16xf32>,
        %get3A_637 = arith.index_cast %add3A_612 : i32 to index
        %get3A_638 = arith.constant 48 : index
        %get3A_639 = tpu.vector_load %arg15[%get3A_637, %get3A_638] {strides = array<i32>} : memref<96x128xf32, #tpu.memory_space<vmem>>, vector<16xf32>,
        %mul3A_640 = arith.mulf %get3A_639, %broadcast_in_dim3A_615 : vector<16xf32>
        %swap3A_641 = arith.index_cast %add3A_612 : i32 to index
        %swap3A_642 = arith.constant 48 : index
        %swap3A_643 = tpu.vector_load %arg15[%swap3A_641, %swap3A_642] {strides = array<i32>} : memref<96x128xf32, #tpu.memory_space<vmem>>, vector<16xf32>,
        tpu.vector_store %arg15[%swap3A_641, %swap3A_642], %mul3A_640 {strides = array<i32>} : memref<96x128xf32, #tpu.memory_space<vmem>>, vector<16xf32>,
        %get3A_644 = arith.index_cast %add3A_612 : i32 to index
        %get3A_645 = arith.constant 64 : index
        %get3A_646 = tpu.vector_load %arg15[%get3A_644, %get3A_645] {strides = array<i32>} : memref<96x128xf32, #tpu.memory_space<vmem>>, vector<16xf32>,
        %mul3A_647 = arith.mulf %get3A_646, %broadcast_in_dim3A_615 : vector<16xf32>
        %swap3A_648 = arith.index_cast %add3A_612 : i32 to index
        %swap3A_649 = arith.constant 64 : index
        %swap3A_650 = tpu.vector_load %arg15[%swap3A_648, %swap3A_649] {strides = array<i32>} : memref<96x128xf32, #tpu.memory_space<vmem>>, vector<16xf32>,
        tpu.vector_store %arg15[%swap3A_648, %swap3A_649], %mul3A_647 {strides = array<i32>} : memref<96x128xf32, #tpu.memory_space<vmem>>, vector<16xf32>,
        %get3A_651 = arith.index_cast %add3A_612 : i32 to index
        %get3A_652 = arith.constant 80 : index
        %get3A_653 = tpu.vector_load %arg15[%get3A_651, %get3A_652] {strides = array<i32>} : memref<96x128xf32, #tpu.memory_space<vmem>>, vector<16xf32>,
        %mul3A_654 = arith.mulf %get3A_653, %broadcast_in_dim3A_615 : vector<16xf32>
        %swap3A_655 = arith.index_cast %add3A_612 : i32 to index
        %swap3A_656 = arith.constant 80 : index
        %swap3A_657 = tpu.vector_load %arg15[%swap3A_655, %swap3A_656] {strides = array<i32>} : memref<96x128xf32, #tpu.memory_space<vmem>>, vector<16xf32>,
        tpu.vector_store %arg15[%swap3A_655, %swap3A_656], %mul3A_654 {strides = array<i32>} : memref<96x128xf32, #tpu.memory_space<vmem>>, vector<16xf32>,
        %get3A_658 = arith.index_cast %add3A_612 : i32 to index
        %get3A_659 = arith.constant 96 : index
        %get3A_660 = tpu.vector_load %arg15[%get3A_658, %get3A_659] {strides = array<i32>} : memref<96x128xf32, #tpu.memory_space<vmem>>, vector<16xf32>,
        %mul3A_661 = arith.mulf %get3A_660, %broadcast_in_dim3A_615 : vector<16xf32>
        %swap3A_662 = arith.index_cast %add3A_612 : i32 to index
        %swap3A_663 = arith.constant 96 : index
        %swap3A_664 = tpu.vector_load %arg15[%swap3A_662, %swap3A_663] {strides = array<i32>} : memref<96x128xf32, #tpu.memory_space<vmem>>, vector<16xf32>,
        tpu.vector_store %arg15[%swap3A_662, %swap3A_663], %mul3A_661 {strides = array<i32>} : memref<96x128xf32, #tpu.memory_space<vmem>>, vector<16xf32>,
        %get3A_665 = arith.index_cast %add3A_612 : i32 to index
        %get3A_666 = arith.constant 112 : index
        %get3A_667 = tpu.vector_load %arg15[%get3A_665, %get3A_666] {strides = array<i32>} : memref<96x128xf32, #tpu.memory_space<vmem>>, vector<16xf32>,
        %mul3A_668 = arith.mulf %get3A_667, %broadcast_in_dim3A_615 : vector<16xf32>
        %swap3A_669 = arith.index_cast %add3A_612 : i32 to index
        %swap3A_670 = arith.constant 112 : index
        %swap3A_671 = tpu.vector_load %arg15[%swap3A_669, %swap3A_670] {strides = array<i32>} : memref<96x128xf32, #tpu.memory_space<vmem>>, vector<16xf32>,
        tpu.vector_store %arg15[%swap3A_669, %swap3A_670], %mul3A_668 {strides = array<i32>} : memref<96x128xf32, #tpu.memory_space<vmem>>, vector<16xf32>,
        %mul3A_672 = arith.constant 16 : i32
        %mul3A_673 = arith.muli %scan3A_416, %mul3A_672 : i32
        %add3A_674 = arith.constant 4 : i32
        %add3A_675 = arith.addi %mul3A_673, %add3A_674 : i32
        %slice3A_676 = vector.extract_strided_slice %get3A_421 {offsets = [4], sizes = [1], strides = [1]} : vector<16xf32> to vector<1xf32>
        %squeeze3A_677 = vector.extract %slice3A_676[0] : f32 from vector<1xf32>
        %broadcast_in_dim3A_678 = vector.broadcast %squeeze3A_677 : f32 to vector<16xf32>
        %get3A_679 = arith.index_cast %add3A_675 : i32 to index
        %get3A_680 = arith.constant 0 : index
        %get3A_681 = tpu.vector_load %arg15[%get3A_679, %get3A_680] {strides = array<i32>} : memref<96x128xf32, #tpu.memory_space<vmem>>, vector<16xf32>,
        %mul3A_682 = arith.mulf %get3A_681, %broadcast_in_dim3A_678 : vector<16xf32>
        %swap3A_683 = arith.index_cast %add3A_675 : i32 to index
        %swap3A_684 = arith.constant 0 : index
        %swap3A_685 = tpu.vector_load %arg15[%swap3A_683, %swap3A_684] {strides = array<i32>} : memref<96x128xf32, #tpu.memory_space<vmem>>, vector<16xf32>,
        tpu.vector_store %arg15[%swap3A_683, %swap3A_684], %mul3A_682 {strides = array<i32>} : memref<96x128xf32, #tpu.memory_space<vmem>>, vector<16xf32>,
        %get3A_686 = arith.index_cast %add3A_675 : i32 to index
        %get3A_687 = arith.constant 16 : index
        %get3A_688 = tpu.vector_load %arg15[%get3A_686, %get3A_687] {strides = array<i32>} : memref<96x128xf32, #tpu.memory_space<vmem>>, vector<16xf32>,
        %mul3A_689 = arith.mulf %get3A_688, %broadcast_in_dim3A_678 : vector<16xf32>
        %swap3A_690 = arith.index_cast %add3A_675 : i32 to index
        %swap3A_691 = arith.constant 16 : index
        %swap3A_692 = tpu.vector_load %arg15[%swap3A_690, %swap3A_691] {strides = array<i32>} : memref<96x128xf32, #tpu.memory_space<vmem>>, vector<16xf32>,
        tpu.vector_store %arg15[%swap3A_690, %swap3A_691], %mul3A_689 {strides = array<i32>} : memref<96x128xf32, #tpu.memory_space<vmem>>, vector<16xf32>,
        %get3A_693 = arith.index_cast %add3A_675 : i32 to index
        %get3A_694 = arith.constant 32 : index
        %get3A_695 = tpu.vector_load %arg15[%get3A_693, %get3A_694] {strides = array<i32>} : memref<96x128xf32, #tpu.memory_space<vmem>>, vector<16xf32>,
        %mul3A_696 = arith.mulf %get3A_695, %broadcast_in_dim3A_678 : vector<16xf32>
        %swap3A_697 = arith.index_cast %add3A_675 : i32 to index
        %swap3A_698 = arith.constant 32 : index
        %swap3A_699 = tpu.vector_load %arg15[%swap3A_697, %swap3A_698] {strides = array<i32>} : memref<96x128xf32, #tpu.memory_space<vmem>>, vector<16xf32>,
        tpu.vector_store %arg15[%swap3A_697, %swap3A_698], %mul3A_696 {strides = array<i32>} : memref<96x128xf32, #tpu.memory_space<vmem>>, vector<16xf32>,
        %get3A_700 = arith.index_cast %add3A_675 : i32 to index
        %get3A_701 = arith.constant 48 : index
        %get3A_702 = tpu.vector_load %arg15[%get3A_700, %get3A_701] {strides = array<i32>} : memref<96x128xf32, #tpu.memory_space<vmem>>, vector<16xf32>,
        %mul3A_703 = arith.mulf %get3A_702, %broadcast_in_dim3A_678 : vector<16xf32>
        %swap3A_704 = arith.index_cast %add3A_675 : i32 to index
        %swap3A_705 = arith.constant 48 : index
        %swap3A_706 = tpu.vector_load %arg15[%swap3A_704, %swap3A_705] {strides = array<i32>} : memref<96x128xf32, #tpu.memory_space<vmem>>, vector<16xf32>,
        tpu.vector_store %arg15[%swap3A_704, %swap3A_705], %mul3A_703 {strides = array<i32>} : memref<96x128xf32, #tpu.memory_space<vmem>>, vector<16xf32>,
        %get3A_707 = arith.index_cast %add3A_675 : i32 to index
        %get3A_708 = arith.constant 64 : index
        %get3A_709 = tpu.vector_load %arg15[%get3A_707, %get3A_708] {strides = array<i32>} : memref<96x128xf32, #tpu.memory_space<vmem>>, vector<16xf32>,
        %mul3A_710 = arith.mulf %get3A_709, %broadcast_in_dim3A_678 : vector<16xf32>
        %swap3A_711 = arith.index_cast %add3A_675 : i32 to index
        %swap3A_712 = arith.constant 64 : index
        %swap3A_713 = tpu.vector_load %arg15[%swap3A_711, %swap3A_712] {strides = array<i32>} : memref<96x128xf32, #tpu.memory_space<vmem>>, vector<16xf32>,
        tpu.vector_store %arg15[%swap3A_711, %swap3A_712], %mul3A_710 {strides = array<i32>} : memref<96x128xf32, #tpu.memory_space<vmem>>, vector<16xf32>,
        %get3A_714 = arith.index_cast %add3A_675 : i32 to index
        %get3A_715 = arith.constant 80 : index
        %get3A_716 = tpu.vector_load %arg15[%get3A_714, %get3A_715] {strides = array<i32>} : memref<96x128xf32, #tpu.memory_space<vmem>>, vector<16xf32>,
        %mul3A_717 = arith.mulf %get3A_716, %broadcast_in_dim3A_678 : vector<16xf32>
        %swap3A_718 = arith.index_cast %add3A_675 : i32 to index
        %swap3A_719 = arith.constant 80 : index
        %swap3A_720 = tpu.vector_load %arg15[%swap3A_718, %swap3A_719] {strides = array<i32>} : memref<96x128xf32, #tpu.memory_space<vmem>>, vector<16xf32>,
        tpu.vector_store %arg15[%swap3A_718, %swap3A_719], %mul3A_717 {strides = array<i32>} : memref<96x128xf32, #tpu.memory_space<vmem>>, vector<16xf32>,
        %get3A_721 = arith.index_cast %add3A_675 : i32 to index
        %get3A_722 = arith.constant 96 : index
        %get3A_723 = tpu.vector_load %arg15[%get3A_721, %get3A_722] {strides = array<i32>} : memref<96x128xf32, #tpu.memory_space<vmem>>, vector<16xf32>,
        %mul3A_724 = arith.mulf %get3A_723, %broadcast_in_dim3A_678 : vector<16xf32>
        %swap3A_725 = arith.index_cast %add3A_675 : i32 to index
        %swap3A_726 = arith.constant 96 : index
        %swap3A_727 = tpu.vector_load %arg15[%swap3A_725, %swap3A_726] {strides = array<i32>} : memref<96x128xf32, #tpu.memory_space<vmem>>, vector<16xf32>,
        tpu.vector_store %arg15[%swap3A_725, %swap3A_726], %mul3A_724 {strides = array<i32>} : memref<96x128xf32, #tpu.memory_space<vmem>>, vector<16xf32>,
        %get3A_728 = arith.index_cast %add3A_675 : i32 to index
        %get3A_729 = arith.constant 112 : index
        %get3A_730 = tpu.vector_load %arg15[%get3A_728, %get3A_729] {strides = array<i32>} : memref<96x128xf32, #tpu.memory_space<vmem>>, vector<16xf32>,
        %mul3A_731 = arith.mulf %get3A_730, %broadcast_in_dim3A_678 : vector<16xf32>
        %swap3A_732 = arith.index_cast %add3A_675 : i32 to index
        %swap3A_733 = arith.constant 112 : index
        %swap3A_734 = tpu.vector_load %arg15[%swap3A_732, %swap3A_733] {strides = array<i32>} : memref<96x128xf32, #tpu.memory_space<vmem>>, vector<16xf32>,
        tpu.vector_store %arg15[%swap3A_732, %swap3A_733], %mul3A_731 {strides = array<i32>} : memref<96x128xf32, #tpu.memory_space<vmem>>, vector<16xf32>,
        %mul3A_735 = arith.constant 16 : i32
        %mul3A_736 = arith.muli %scan3A_416, %mul3A_735 : i32
        %add3A_737 = arith.constant 5 : i32
        %add3A_738 = arith.addi %mul3A_736, %add3A_737 : i32
        %slice3A_739 = vector.extract_strided_slice %get3A_421 {offsets = [5], sizes = [1], strides = [1]} : vector<16xf32> to vector<1xf32>
        %squeeze3A_740 = vector.extract %slice3A_739[0] : f32 from vector<1xf32>
        %broadcast_in_dim3A_741 = vector.broadcast %squeeze3A_740 : f32 to vector<16xf32>
        %get3A_742 = arith.index_cast %add3A_738 : i32 to index
        %get3A_743 = arith.constant 0 : index
        %get3A_744 = tpu.vector_load %arg15[%get3A_742, %get3A_743] {strides = array<i32>} : memref<96x128xf32, #tpu.memory_space<vmem>>, vector<16xf32>,
        %mul3A_745 = arith.mulf %get3A_744, %broadcast_in_dim3A_741 : vector<16xf32>
        %swap3A_746 = arith.index_cast %add3A_738 : i32 to index
        %swap3A_747 = arith.constant 0 : index
        %swap3A_748 = tpu.vector_load %arg15[%swap3A_746, %swap3A_747] {strides = array<i32>} : memref<96x128xf32, #tpu.memory_space<vmem>>, vector<16xf32>,
        tpu.vector_store %arg15[%swap3A_746, %swap3A_747], %mul3A_745 {strides = array<i32>} : memref<96x128xf32, #tpu.memory_space<vmem>>, vector<16xf32>,
        %get3A_749 = arith.index_cast %add3A_738 : i32 to index
        %get3A_750 = arith.constant 16 : index
        %get3A_751 = tpu.vector_load %arg15[%get3A_749, %get3A_750] {strides = array<i32>} : memref<96x128xf32, #tpu.memory_space<vmem>>, vector<16xf32>,
        %mul3A_752 = arith.mulf %get3A_751, %broadcast_in_dim3A_741 : vector<16xf32>
        %swap3A_753 = arith.index_cast %add3A_738 : i32 to index
        %swap3A_754 = arith.constant 16 : index
        %swap3A_755 = tpu.vector_load %arg15[%swap3A_753, %swap3A_754] {strides = array<i32>} : memref<96x128xf32, #tpu.memory_space<vmem>>, vector<16xf32>,
        tpu.vector_store %arg15[%swap3A_753, %swap3A_754], %mul3A_752 {strides = array<i32>} : memref<96x128xf32, #tpu.memory_space<vmem>>, vector<16xf32>,
        %get3A_756 = arith.index_cast %add3A_738 : i32 to index
        %get3A_757 = arith.constant 32 : index
        %get3A_758 = tpu.vector_load %arg15[%get3A_756, %get3A_757] {strides = array<i32>} : memref<96x128xf32, #tpu.memory_space<vmem>>, vector<16xf32>,
        %mul3A_759 = arith.mulf %get3A_758, %broadcast_in_dim3A_741 : vector<16xf32>
        %swap3A_760 = arith.index_cast %add3A_738 : i32 to index
        %swap3A_761 = arith.constant 32 : index
        %swap3A_762 = tpu.vector_load %arg15[%swap3A_760, %swap3A_761] {strides = array<i32>} : memref<96x128xf32, #tpu.memory_space<vmem>>, vector<16xf32>,
        tpu.vector_store %arg15[%swap3A_760, %swap3A_761], %mul3A_759 {strides = array<i32>} : memref<96x128xf32, #tpu.memory_space<vmem>>, vector<16xf32>,
        %get3A_763 = arith.index_cast %add3A_738 : i32 to index
        %get3A_764 = arith.constant 48 : index
        %get3A_765 = tpu.vector_load %arg15[%get3A_763, %get3A_764] {strides = array<i32>} : memref<96x128xf32, #tpu.memory_space<vmem>>, vector<16xf32>,
        %mul3A_766 = arith.mulf %get3A_765, %broadcast_in_dim3A_741 : vector<16xf32>
        %swap3A_767 = arith.index_cast %add3A_738 : i32 to index
        %swap3A_768 = arith.constant 48 : index
        %swap3A_769 = tpu.vector_load %arg15[%swap3A_767, %swap3A_768] {strides = array<i32>} : memref<96x128xf32, #tpu.memory_space<vmem>>, vector<16xf32>,
        tpu.vector_store %arg15[%swap3A_767, %swap3A_768], %mul3A_766 {strides = array<i32>} : memref<96x128xf32, #tpu.memory_space<vmem>>, vector<16xf32>,
        %get3A_770 = arith.index_cast %add3A_738 : i32 to index
        %get3A_771 = arith.constant 64 : index
        %get3A_772 = tpu.vector_load %arg15[%get3A_770, %get3A_771] {strides = array<i32>} : memref<96x128xf32, #tpu.memory_space<vmem>>, vector<16xf32>,
        %mul3A_773 = arith.mulf %get3A_772, %broadcast_in_dim3A_741 : vector<16xf32>
        %swap3A_774 = arith.index_cast %add3A_738 : i32 to index
        %swap3A_775 = arith.constant 64 : index
        %swap3A_776 = tpu.vector_load %arg15[%swap3A_774, %swap3A_775] {strides = array<i32>} : memref<96x128xf32, #tpu.memory_space<vmem>>, vector<16xf32>,
        tpu.vector_store %arg15[%swap3A_774, %swap3A_775], %mul3A_773 {strides = array<i32>} : memref<96x128xf32, #tpu.memory_space<vmem>>, vector<16xf32>,
        %get3A_777 = arith.index_cast %add3A_738 : i32 to index
        %get3A_778 = arith.constant 80 : index
        %get3A_779 = tpu.vector_load %arg15[%get3A_777, %get3A_778] {strides = array<i32>} : memref<96x128xf32, #tpu.memory_space<vmem>>, vector<16xf32>,
        %mul3A_780 = arith.mulf %get3A_779, %broadcast_in_dim3A_741 : vector<16xf32>
        %swap3A_781 = arith.index_cast %add3A_738 : i32 to index
        %swap3A_782 = arith.constant 80 : index
        %swap3A_783 = tpu.vector_load %arg15[%swap3A_781, %swap3A_782] {strides = array<i32>} : memref<96x128xf32, #tpu.memory_space<vmem>>, vector<16xf32>,
        tpu.vector_store %arg15[%swap3A_781, %swap3A_782], %mul3A_780 {strides = array<i32>} : memref<96x128xf32, #tpu.memory_space<vmem>>, vector<16xf32>,
        %get3A_784 = arith.index_cast %add3A_738 : i32 to index
        %get3A_785 = arith.constant 96 : index
        %get3A_786 = tpu.vector_load %arg15[%get3A_784, %get3A_785] {strides = array<i32>} : memref<96x128xf32, #tpu.memory_space<vmem>>, vector<16xf32>,
        %mul3A_787 = arith.mulf %get3A_786, %broadcast_in_dim3A_741 : vector<16xf32>
        %swap3A_788 = arith.index_cast %add3A_738 : i32 to index
        %swap3A_789 = arith.constant 96 : index
        %swap3A_790 = tpu.vector_load %arg15[%swap3A_788, %swap3A_789] {strides = array<i32>} : memref<96x128xf32, #tpu.memory_space<vmem>>, vector<16xf32>,
        tpu.vector_store %arg15[%swap3A_788, %swap3A_789], %mul3A_787 {strides = array<i32>} : memref<96x128xf32, #tpu.memory_space<vmem>>, vector<16xf32>,
        %get3A_791 = arith.index_cast %add3A_738 : i32 to index
        %get3A_792 = arith.constant 112 : index
        %get3A_793 = tpu.vector_load %arg15[%get3A_791, %get3A_792] {strides = array<i32>} : memref<96x128xf32, #tpu.memory_space<vmem>>, vector<16xf32>,
        %mul3A_794 = arith.mulf %get3A_793, %broadcast_in_dim3A_741 : vector<16xf32>
        %swap3A_795 = arith.index_cast %add3A_738 : i32 to index
        %swap3A_796 = arith.constant 112 : index
        %swap3A_797 = tpu.vector_load %arg15[%swap3A_795, %swap3A_796] {strides = array<i32>} : memref<96x128xf32, #tpu.memory_space<vmem>>, vector<16xf32>,
        tpu.vector_store %arg15[%swap3A_795, %swap3A_796], %mul3A_794 {strides = array<i32>} : memref<96x128xf32, #tpu.memory_space<vmem>>, vector<16xf32>,
        %mul3A_798 = arith.constant 16 : i32
        %mul3A_799 = arith.muli %scan3A_416, %mul3A_798 : i32
        %add3A_800 = arith.constant 6 : i32
        %add3A_801 = arith.addi %mul3A_799, %add3A_800 : i32
        %slice3A_802 = vector.extract_strided_slice %get3A_421 {offsets = [6], sizes = [1], strides = [1]} : vector<16xf32> to vector<1xf32>
        %squeeze3A_803 = vector.extract %slice3A_802[0] : f32 from vector<1xf32>
        %broadcast_in_dim3A_804 = vector.broadcast %squeeze3A_803 : f32 to vector<16xf32>
        %get3A_805 = arith.index_cast %add3A_801 : i32 to index
        %get3A_806 = arith.constant 0 : index
        %get3A_807 = tpu.vector_load %arg15[%get3A_805, %get3A_806] {strides = array<i32>} : memref<96x128xf32, #tpu.memory_space<vmem>>, vector<16xf32>,
        %mul3A_808 = arith.mulf %get3A_807, %broadcast_in_dim3A_804 : vector<16xf32>
        %swap3A_809 = arith.index_cast %add3A_801 : i32 to index
        %swap3A_810 = arith.constant 0 : index
        %swap3A_811 = tpu.vector_load %arg15[%swap3A_809, %swap3A_810] {strides = array<i32>} : memref<96x128xf32, #tpu.memory_space<vmem>>, vector<16xf32>,
        tpu.vector_store %arg15[%swap3A_809, %swap3A_810], %mul3A_808 {strides = array<i32>} : memref<96x128xf32, #tpu.memory_space<vmem>>, vector<16xf32>,
        %get3A_812 = arith.index_cast %add3A_801 : i32 to index
        %get3A_813 = arith.constant 16 : index
        %get3A_814 = tpu.vector_load %arg15[%get3A_812, %get3A_813] {strides = array<i32>} : memref<96x128xf32, #tpu.memory_space<vmem>>, vector<16xf32>,
        %mul3A_815 = arith.mulf %get3A_814, %broadcast_in_dim3A_804 : vector<16xf32>
        %swap3A_816 = arith.index_cast %add3A_801 : i32 to index
        %swap3A_817 = arith.constant 16 : index
        %swap3A_818 = tpu.vector_load %arg15[%swap3A_816, %swap3A_817] {strides = array<i32>} : memref<96x128xf32, #tpu.memory_space<vmem>>, vector<16xf32>,
        tpu.vector_store %arg15[%swap3A_816, %swap3A_817], %mul3A_815 {strides = array<i32>} : memref<96x128xf32, #tpu.memory_space<vmem>>, vector<16xf32>,
        %get3A_819 = arith.index_cast %add3A_801 : i32 to index
        %get3A_820 = arith.constant 32 : index
        %get3A_821 = tpu.vector_load %arg15[%get3A_819, %get3A_820] {strides = array<i32>} : memref<96x128xf32, #tpu.memory_space<vmem>>, vector<16xf32>,
        %mul3A_822 = arith.mulf %get3A_821, %broadcast_in_dim3A_804 : vector<16xf32>
        %swap3A_823 = arith.index_cast %add3A_801 : i32 to index
        %swap3A_824 = arith.constant 32 : index
        %swap3A_825 = tpu.vector_load %arg15[%swap3A_823, %swap3A_824] {strides = array<i32>} : memref<96x128xf32, #tpu.memory_space<vmem>>, vector<16xf32>,
        tpu.vector_store %arg15[%swap3A_823, %swap3A_824], %mul3A_822 {strides = array<i32>} : memref<96x128xf32, #tpu.memory_space<vmem>>, vector<16xf32>,
        %get3A_826 = arith.index_cast %add3A_801 : i32 to index
        %get3A_827 = arith.constant 48 : index
        %get3A_828 = tpu.vector_load %arg15[%get3A_826, %get3A_827] {strides = array<i32>} : memref<96x128xf32, #tpu.memory_space<vmem>>, vector<16xf32>,
        %mul3A_829 = arith.mulf %get3A_828, %broadcast_in_dim3A_804 : vector<16xf32>
        %swap3A_830 = arith.index_cast %add3A_801 : i32 to index
        %swap3A_831 = arith.constant 48 : index
        %swap3A_832 = tpu.vector_load %arg15[%swap3A_830, %swap3A_831] {strides = array<i32>} : memref<96x128xf32, #tpu.memory_space<vmem>>, vector<16xf32>,
        tpu.vector_store %arg15[%swap3A_830, %swap3A_831], %mul3A_829 {strides = array<i32>} : memref<96x128xf32, #tpu.memory_space<vmem>>, vector<16xf32>,
        %get3A_833 = arith.index_cast %add3A_801 : i32 to index
        %get3A_834 = arith.constant 64 : index
        %get3A_835 = tpu.vector_load %arg15[%get3A_833, %get3A_834] {strides = array<i32>} : memref<96x128xf32, #tpu.memory_space<vmem>>, vector<16xf32>,
        %mul3A_836 = arith.mulf %get3A_835, %broadcast_in_dim3A_804 : vector<16xf32>
        %swap3A_837 = arith.index_cast %add3A_801 : i32 to index
        %swap3A_838 = arith.constant 64 : index
        %swap3A_839 = tpu.vector_load %arg15[%swap3A_837, %swap3A_838] {strides = array<i32>} : memref<96x128xf32, #tpu.memory_space<vmem>>, vector<16xf32>,
        tpu.vector_store %arg15[%swap3A_837, %swap3A_838], %mul3A_836 {strides = array<i32>} : memref<96x128xf32, #tpu.memory_space<vmem>>, vector<16xf32>,
        %get3A_840 = arith.index_cast %add3A_801 : i32 to index
        %get3A_841 = arith.constant 80 : index
        %get3A_842 = tpu.vector_load %arg15[%get3A_840, %get3A_841] {strides = array<i32>} : memref<96x128xf32, #tpu.memory_space<vmem>>, vector<16xf32>,
        %mul3A_843 = arith.mulf %get3A_842, %broadcast_in_dim3A_804 : vector<16xf32>
        %swap3A_844 = arith.index_cast %add3A_801 : i32 to index
        %swap3A_845 = arith.constant 80 : index
        %swap3A_846 = tpu.vector_load %arg15[%swap3A_844, %swap3A_845] {strides = array<i32>} : memref<96x128xf32, #tpu.memory_space<vmem>>, vector<16xf32>,
        tpu.vector_store %arg15[%swap3A_844, %swap3A_845], %mul3A_843 {strides = array<i32>} : memref<96x128xf32, #tpu.memory_space<vmem>>, vector<16xf32>,
        %get3A_847 = arith.index_cast %add3A_801 : i32 to index
        %get3A_848 = arith.constant 96 : index
        %get3A_849 = tpu.vector_load %arg15[%get3A_847, %get3A_848] {strides = array<i32>} : memref<96x128xf32, #tpu.memory_space<vmem>>, vector<16xf32>,
        %mul3A_850 = arith.mulf %get3A_849, %broadcast_in_dim3A_804 : vector<16xf32>
        %swap3A_851 = arith.index_cast %add3A_801 : i32 to index
        %swap3A_852 = arith.constant 96 : index
        %swap3A_853 = tpu.vector_load %arg15[%swap3A_851, %swap3A_852] {strides = array<i32>} : memref<96x128xf32, #tpu.memory_space<vmem>>, vector<16xf32>,
        tpu.vector_store %arg15[%swap3A_851, %swap3A_852], %mul3A_850 {strides = array<i32>} : memref<96x128xf32, #tpu.memory_space<vmem>>, vector<16xf32>,
        %get3A_854 = arith.index_cast %add3A_801 : i32 to index
        %get3A_855 = arith.constant 112 : index
        %get3A_856 = tpu.vector_load %arg15[%get3A_854, %get3A_855] {strides = array<i32>} : memref<96x128xf32, #tpu.memory_space<vmem>>, vector<16xf32>,
        %mul3A_857 = arith.mulf %get3A_856, %broadcast_in_dim3A_804 : vector<16xf32>
        %swap3A_858 = arith.index_cast %add3A_801 : i32 to index
        %swap3A_859 = arith.constant 112 : index
        %swap3A_860 = tpu.vector_load %arg15[%swap3A_858, %swap3A_859] {strides = array<i32>} : memref<96x128xf32, #tpu.memory_space<vmem>>, vector<16xf32>,
        tpu.vector_store %arg15[%swap3A_858, %swap3A_859], %mul3A_857 {strides = array<i32>} : memref<96x128xf32, #tpu.memory_space<vmem>>, vector<16xf32>,
        %mul3A_861 = arith.constant 16 : i32
        %mul3A_862 = arith.muli %scan3A_416, %mul3A_861 : i32
        %add3A_863 = arith.constant 7 : i32
        %add3A_864 = arith.addi %mul3A_862, %add3A_863 : i32
        %slice3A_865 = vector.extract_strided_slice %get3A_421 {offsets = [7], sizes = [1], strides = [1]} : vector<16xf32> to vector<1xf32>
        %squeeze3A_866 = vector.extract %slice3A_865[0] : f32 from vector<1xf32>
        %broadcast_in_dim3A_867 = vector.broadcast %squeeze3A_866 : f32 to vector<16xf32>
        %get3A_868 = arith.index_cast %add3A_864 : i32 to index
        %get3A_869 = arith.constant 0 : index
        %get3A_870 = tpu.vector_load %arg15[%get3A_868, %get3A_869] {strides = array<i32>} : memref<96x128xf32, #tpu.memory_space<vmem>>, vector<16xf32>,
        %mul3A_871 = arith.mulf %get3A_870, %broadcast_in_dim3A_867 : vector<16xf32>
        %swap3A_872 = arith.index_cast %add3A_864 : i32 to index
        %swap3A_873 = arith.constant 0 : index
        %swap3A_874 = tpu.vector_load %arg15[%swap3A_872, %swap3A_873] {strides = array<i32>} : memref<96x128xf32, #tpu.memory_space<vmem>>, vector<16xf32>,
        tpu.vector_store %arg15[%swap3A_872, %swap3A_873], %mul3A_871 {strides = array<i32>} : memref<96x128xf32, #tpu.memory_space<vmem>>, vector<16xf32>,
        %get3A_875 = arith.index_cast %add3A_864 : i32 to index
        %get3A_876 = arith.constant 16 : index
        %get3A_877 = tpu.vector_load %arg15[%get3A_875, %get3A_876] {strides = array<i32>} : memref<96x128xf32, #tpu.memory_space<vmem>>, vector<16xf32>,
        %mul3A_878 = arith.mulf %get3A_877, %broadcast_in_dim3A_867 : vector<16xf32>
        %swap3A_879 = arith.index_cast %add3A_864 : i32 to index
        %swap3A_880 = arith.constant 16 : index
        %swap3A_881 = tpu.vector_load %arg15[%swap3A_879, %swap3A_880] {strides = array<i32>} : memref<96x128xf32, #tpu.memory_space<vmem>>, vector<16xf32>,
        tpu.vector_store %arg15[%swap3A_879, %swap3A_880], %mul3A_878 {strides = array<i32>} : memref<96x128xf32, #tpu.memory_space<vmem>>, vector<16xf32>,
        %get3A_882 = arith.index_cast %add3A_864 : i32 to index
        %get3A_883 = arith.constant 32 : index
        %get3A_884 = tpu.vector_load %arg15[%get3A_882, %get3A_883] {strides = array<i32>} : memref<96x128xf32, #tpu.memory_space<vmem>>, vector<16xf32>,
        %mul3A_885 = arith.mulf %get3A_884, %broadcast_in_dim3A_867 : vector<16xf32>
        %swap3A_886 = arith.index_cast %add3A_864 : i32 to index
        %swap3A_887 = arith.constant 32 : index
        %swap3A_888 = tpu.vector_load %arg15[%swap3A_886, %swap3A_887] {strides = array<i32>} : memref<96x128xf32, #tpu.memory_space<vmem>>, vector<16xf32>,
        tpu.vector_store %arg15[%swap3A_886, %swap3A_887], %mul3A_885 {strides = array<i32>} : memref<96x128xf32, #tpu.memory_space<vmem>>, vector<16xf32>,
        %get3A_889 = arith.index_cast %add3A_864 : i32 to index
        %get3A_890 = arith.constant 48 : index
        %get3A_891 = tpu.vector_load %arg15[%get3A_889, %get3A_890] {strides = array<i32>} : memref<96x128xf32, #tpu.memory_space<vmem>>, vector<16xf32>,
        %mul3A_892 = arith.mulf %get3A_891, %broadcast_in_dim3A_867 : vector<16xf32>
        %swap3A_893 = arith.index_cast %add3A_864 : i32 to index
        %swap3A_894 = arith.constant 48 : index
        %swap3A_895 = tpu.vector_load %arg15[%swap3A_893, %swap3A_894] {strides = array<i32>} : memref<96x128xf32, #tpu.memory_space<vmem>>, vector<16xf32>,
        tpu.vector_store %arg15[%swap3A_893, %swap3A_894], %mul3A_892 {strides = array<i32>} : memref<96x128xf32, #tpu.memory_space<vmem>>, vector<16xf32>,
        %get3A_896 = arith.index_cast %add3A_864 : i32 to index
        %get3A_897 = arith.constant 64 : index
        %get3A_898 = tpu.vector_load %arg15[%get3A_896, %get3A_897] {strides = array<i32>} : memref<96x128xf32, #tpu.memory_space<vmem>>, vector<16xf32>,
        %mul3A_899 = arith.mulf %get3A_898, %broadcast_in_dim3A_867 : vector<16xf32>
        %swap3A_900 = arith.index_cast %add3A_864 : i32 to index
        %swap3A_901 = arith.constant 64 : index
        %swap3A_902 = tpu.vector_load %arg15[%swap3A_900, %swap3A_901] {strides = array<i32>} : memref<96x128xf32, #tpu.memory_space<vmem>>, vector<16xf32>,
        tpu.vector_store %arg15[%swap3A_900, %swap3A_901], %mul3A_899 {strides = array<i32>} : memref<96x128xf32, #tpu.memory_space<vmem>>, vector<16xf32>,
        %get3A_903 = arith.index_cast %add3A_864 : i32 to index
        %get3A_904 = arith.constant 80 : index
        %get3A_905 = tpu.vector_load %arg15[%get3A_903, %get3A_904] {strides = array<i32>} : memref<96x128xf32, #tpu.memory_space<vmem>>, vector<16xf32>,
        %mul3A_906 = arith.mulf %get3A_905, %broadcast_in_dim3A_867 : vector<16xf32>
        %swap3A_907 = arith.index_cast %add3A_864 : i32 to index
        %swap3A_908 = arith.constant 80 : index
        %swap3A_909 = tpu.vector_load %arg15[%swap3A_907, %swap3A_908] {strides = array<i32>} : memref<96x128xf32, #tpu.memory_space<vmem>>, vector<16xf32>,
        tpu.vector_store %arg15[%swap3A_907, %swap3A_908], %mul3A_906 {strides = array<i32>} : memref<96x128xf32, #tpu.memory_space<vmem>>, vector<16xf32>,
        %get3A_910 = arith.index_cast %add3A_864 : i32 to index
        %get3A_911 = arith.constant 96 : index
        %get3A_912 = tpu.vector_load %arg15[%get3A_910, %get3A_911] {strides = array<i32>} : memref<96x128xf32, #tpu.memory_space<vmem>>, vector<16xf32>,
        %mul3A_913 = arith.mulf %get3A_912, %broadcast_in_dim3A_867 : vector<16xf32>
        %swap3A_914 = arith.index_cast %add3A_864 : i32 to index
        %swap3A_915 = arith.constant 96 : index
        %swap3A_916 = tpu.vector_load %arg15[%swap3A_914, %swap3A_915] {strides = array<i32>} : memref<96x128xf32, #tpu.memory_space<vmem>>, vector<16xf32>,
        tpu.vector_store %arg15[%swap3A_914, %swap3A_915], %mul3A_913 {strides = array<i32>} : memref<96x128xf32, #tpu.memory_space<vmem>>, vector<16xf32>,
        %get3A_917 = arith.index_cast %add3A_864 : i32 to index
        %get3A_918 = arith.constant 112 : index
        %get3A_919 = tpu.vector_load %arg15[%get3A_917, %get3A_918] {strides = array<i32>} : memref<96x128xf32, #tpu.memory_space<vmem>>, vector<16xf32>,
        %mul3A_920 = arith.mulf %get3A_919, %broadcast_in_dim3A_867 : vector<16xf32>
        %swap3A_921 = arith.index_cast %add3A_864 : i32 to index
        %swap3A_922 = arith.constant 112 : index
        %swap3A_923 = tpu.vector_load %arg15[%swap3A_921, %swap3A_922] {strides = array<i32>} : memref<96x128xf32, #tpu.memory_space<vmem>>, vector<16xf32>,
        tpu.vector_store %arg15[%swap3A_921, %swap3A_922], %mul3A_920 {strides = array<i32>} : memref<96x128xf32, #tpu.memory_space<vmem>>, vector<16xf32>,
        %mul3A_924 = arith.constant 16 : i32
        %mul3A_925 = arith.muli %scan3A_416, %mul3A_924 : i32
        %add3A_926 = arith.constant 8 : i32
        %add3A_927 = arith.addi %mul3A_925, %add3A_926 : i32
        %slice3A_928 = vector.extract_strided_slice %get3A_421 {offsets = [8], sizes = [1], strides = [1]} : vector<16xf32> to vector<1xf32>
        %squeeze3A_929 = vector.extract %slice3A_928[0] : f32 from vector<1xf32>
        %broadcast_in_dim3A_930 = vector.broadcast %squeeze3A_929 : f32 to vector<16xf32>
        %get3A_931 = arith.index_cast %add3A_927 : i32 to index
        %get3A_932 = arith.constant 0 : index
        %get3A_933 = tpu.vector_load %arg15[%get3A_931, %get3A_932] {strides = array<i32>} : memref<96x128xf32, #tpu.memory_space<vmem>>, vector<16xf32>,
        %mul3A_934 = arith.mulf %get3A_933, %broadcast_in_dim3A_930 : vector<16xf32>
        %swap3A_935 = arith.index_cast %add3A_927 : i32 to index
        %swap3A_936 = arith.constant 0 : index
        %swap3A_937 = tpu.vector_load %arg15[%swap3A_935, %swap3A_936] {strides = array<i32>} : memref<96x128xf32, #tpu.memory_space<vmem>>, vector<16xf32>,
        tpu.vector_store %arg15[%swap3A_935, %swap3A_936], %mul3A_934 {strides = array<i32>} : memref<96x128xf32, #tpu.memory_space<vmem>>, vector<16xf32>,
        %get3A_938 = arith.index_cast %add3A_927 : i32 to index
        %get3A_939 = arith.constant 16 : index
        %get3A_940 = tpu.vector_load %arg15[%get3A_938, %get3A_939] {strides = array<i32>} : memref<96x128xf32, #tpu.memory_space<vmem>>, vector<16xf32>,
        %mul3A_941 = arith.mulf %get3A_940, %broadcast_in_dim3A_930 : vector<16xf32>
        %swap3A_942 = arith.index_cast %add3A_927 : i32 to index
        %swap3A_943 = arith.constant 16 : index
        %swap3A_944 = tpu.vector_load %arg15[%swap3A_942, %swap3A_943] {strides = array<i32>} : memref<96x128xf32, #tpu.memory_space<vmem>>, vector<16xf32>,
        tpu.vector_store %arg15[%swap3A_942, %swap3A_943], %mul3A_941 {strides = array<i32>} : memref<96x128xf32, #tpu.memory_space<vmem>>, vector<16xf32>,
        %get3A_945 = arith.index_cast %add3A_927 : i32 to index
        %get3A_946 = arith.constant 32 : index
        %get3A_947 = tpu.vector_load %arg15[%get3A_945, %get3A_946] {strides = array<i32>} : memref<96x128xf32, #tpu.memory_space<vmem>>, vector<16xf32>,
        %mul3A_948 = arith.mulf %get3A_947, %broadcast_in_dim3A_930 : vector<16xf32>
        %swap3A_949 = arith.index_cast %add3A_927 : i32 to index
        %swap3A_950 = arith.constant 32 : index
        %swap3A_951 = tpu.vector_load %arg15[%swap3A_949, %swap3A_950] {strides = array<i32>} : memref<96x128xf32, #tpu.memory_space<vmem>>, vector<16xf32>,
        tpu.vector_store %arg15[%swap3A_949, %swap3A_950], %mul3A_948 {strides = array<i32>} : memref<96x128xf32, #tpu.memory_space<vmem>>, vector<16xf32>,
        %get3A_952 = arith.index_cast %add3A_927 : i32 to index
        %get3A_953 = arith.constant 48 : index
        %get3A_954 = tpu.vector_load %arg15[%get3A_952, %get3A_953] {strides = array<i32>} : memref<96x128xf32, #tpu.memory_space<vmem>>, vector<16xf32>,
        %mul3A_955 = arith.mulf %get3A_954, %broadcast_in_dim3A_930 : vector<16xf32>
        %swap3A_956 = arith.index_cast %add3A_927 : i32 to index
        %swap3A_957 = arith.constant 48 : index
        %swap3A_958 = tpu.vector_load %arg15[%swap3A_956, %swap3A_957] {strides = array<i32>} : memref<96x128xf32, #tpu.memory_space<vmem>>, vector<16xf32>,
        tpu.vector_store %arg15[%swap3A_956, %swap3A_957], %mul3A_955 {strides = array<i32>} : memref<96x128xf32, #tpu.memory_space<vmem>>, vector<16xf32>,
        %get3A_959 = arith.index_cast %add3A_927 : i32 to index
        %get3A_960 = arith.constant 64 : index
        %get3A_961 = tpu.vector_load %arg15[%get3A_959, %get3A_960] {strides = array<i32>} : memref<96x128xf32, #tpu.memory_space<vmem>>, vector<16xf32>,
        %mul3A_962 = arith.mulf %get3A_961, %broadcast_in_dim3A_930 : vector<16xf32>
        %swap3A_963 = arith.index_cast %add3A_927 : i32 to index
        %swap3A_964 = arith.constant 64 : index
        %swap3A_965 = tpu.vector_load %arg15[%swap3A_963, %swap3A_964] {strides = array<i32>} : memref<96x128xf32, #tpu.memory_space<vmem>>, vector<16xf32>,
        tpu.vector_store %arg15[%swap3A_963, %swap3A_964], %mul3A_962 {strides = array<i32>} : memref<96x128xf32, #tpu.memory_space<vmem>>, vector<16xf32>,
        %get3A_966 = arith.index_cast %add3A_927 : i32 to index
        %get3A_967 = arith.constant 80 : index
        %get3A_968 = tpu.vector_load %arg15[%get3A_966, %get3A_967] {strides = array<i32>} : memref<96x128xf32, #tpu.memory_space<vmem>>, vector<16xf32>,
        %mul3A_969 = arith.mulf %get3A_968, %broadcast_in_dim3A_930 : vector<16xf32>
        %swap3A_970 = arith.index_cast %add3A_927 : i32 to index
        %swap3A_971 = arith.constant 80 : index
        %swap3A_972 = tpu.vector_load %arg15[%swap3A_970, %swap3A_971] {strides = array<i32>} : memref<96x128xf32, #tpu.memory_space<vmem>>, vector<16xf32>,
        tpu.vector_store %arg15[%swap3A_970, %swap3A_971], %mul3A_969 {strides = array<i32>} : memref<96x128xf32, #tpu.memory_space<vmem>>, vector<16xf32>,
        %get3A_973 = arith.index_cast %add3A_927 : i32 to index
        %get3A_974 = arith.constant 96 : index
        %get3A_975 = tpu.vector_load %arg15[%get3A_973, %get3A_974] {strides = array<i32>} : memref<96x128xf32, #tpu.memory_space<vmem>>, vector<16xf32>,
        %mul3A_976 = arith.mulf %get3A_975, %broadcast_in_dim3A_930 : vector<16xf32>
        %swap3A_977 = arith.index_cast %add3A_927 : i32 to index
        %swap3A_978 = arith.constant 96 : index
        %swap3A_979 = tpu.vector_load %arg15[%swap3A_977, %swap3A_978] {strides = array<i32>} : memref<96x128xf32, #tpu.memory_space<vmem>>, vector<16xf32>,
        tpu.vector_store %arg15[%swap3A_977, %swap3A_978], %mul3A_976 {strides = array<i32>} : memref<96x128xf32, #tpu.memory_space<vmem>>, vector<16xf32>,
        %get3A_980 = arith.index_cast %add3A_927 : i32 to index
        %get3A_981 = arith.constant 112 : index
        %get3A_982 = tpu.vector_load %arg15[%get3A_980, %get3A_981] {strides = array<i32>} : memref<96x128xf32, #tpu.memory_space<vmem>>, vector<16xf32>,
        %mul3A_983 = arith.mulf %get3A_982, %broadcast_in_dim3A_930 : vector<16xf32>
        %swap3A_984 = arith.index_cast %add3A_927 : i32 to index
        %swap3A_985 = arith.constant 112 : index
        %swap3A_986 = tpu.vector_load %arg15[%swap3A_984, %swap3A_985] {strides = array<i32>} : memref<96x128xf32, #tpu.memory_space<vmem>>, vector<16xf32>,
        tpu.vector_store %arg15[%swap3A_984, %swap3A_985], %mul3A_983 {strides = array<i32>} : memref<96x128xf32, #tpu.memory_space<vmem>>, vector<16xf32>,
        %mul3A_987 = arith.constant 16 : i32
        %mul3A_988 = arith.muli %scan3A_416, %mul3A_987 : i32
        %add3A_989 = arith.constant 9 : i32
        %add3A_990 = arith.addi %mul3A_988, %add3A_989 : i32
        %slice3A_991 = vector.extract_strided_slice %get3A_421 {offsets = [9], sizes = [1], strides = [1]} : vector<16xf32> to vector<1xf32>
        %squeeze3A_992 = vector.extract %slice3A_991[0] : f32 from vector<1xf32>
        %broadcast_in_dim3A_993 = vector.broadcast %squeeze3A_992 : f32 to vector<16xf32>
        %get3A_994 = arith.index_cast %add3A_990 : i32 to index
        %get3A_995 = arith.constant 0 : index
        %get3A_996 = tpu.vector_load %arg15[%get3A_994, %get3A_995] {strides = array<i32>} : memref<96x128xf32, #tpu.memory_space<vmem>>, vector<16xf32>,
        %mul3A_997 = arith.mulf %get3A_996, %broadcast_in_dim3A_993 : vector<16xf32>
        %swap3A_998 = arith.index_cast %add3A_990 : i32 to index
        %swap3A_999 = arith.constant 0 : index
        %swap3A_1000 = tpu.vector_load %arg15[%swap3A_998, %swap3A_999] {strides = array<i32>} : memref<96x128xf32, #tpu.memory_space<vmem>>, vector<16xf32>,
        tpu.vector_store %arg15[%swap3A_998, %swap3A_999], %mul3A_997 {strides = array<i32>} : memref<96x128xf32, #tpu.memory_space<vmem>>, vector<16xf32>,
        %get3A_1001 = arith.index_cast %add3A_990 : i32 to index
        %get3A_1002 = arith.constant 16 : index
        %get3A_1003 = tpu.vector_load %arg15[%get3A_1001, %get3A_1002] {strides = array<i32>} : memref<96x128xf32, #tpu.memory_space<vmem>>, vector<16xf32>,
        %mul3A_1004 = arith.mulf %get3A_1003, %broadcast_in_dim3A_993 : vector<16xf32>
        %swap3A_1005 = arith.index_cast %add3A_990 : i32 to index
        %swap3A_1006 = arith.constant 16 : index
        %swap3A_1007 = tpu.vector_load %arg15[%swap3A_1005, %swap3A_1006] {strides = array<i32>} : memref<96x128xf32, #tpu.memory_space<vmem>>, vector<16xf32>,
        tpu.vector_store %arg15[%swap3A_1005, %swap3A_1006], %mul3A_1004 {strides = array<i32>} : memref<96x128xf32, #tpu.memory_space<vmem>>, vector<16xf32>,
        %get3A_1008 = arith.index_cast %add3A_990 : i32 to index
        %get3A_1009 = arith.constant 32 : index
        %get3A_1010 = tpu.vector_load %arg15[%get3A_1008, %get3A_1009] {strides = array<i32>} : memref<96x128xf32, #tpu.memory_space<vmem>>, vector<16xf32>,
        %mul3A_1011 = arith.mulf %get3A_1010, %broadcast_in_dim3A_993 : vector<16xf32>
        %swap3A_1012 = arith.index_cast %add3A_990 : i32 to index
        %swap3A_1013 = arith.constant 32 : index
        %swap3A_1014 = tpu.vector_load %arg15[%swap3A_1012, %swap3A_1013] {strides = array<i32>} : memref<96x128xf32, #tpu.memory_space<vmem>>, vector<16xf32>,
        tpu.vector_store %arg15[%swap3A_1012, %swap3A_1013], %mul3A_1011 {strides = array<i32>} : memref<96x128xf32, #tpu.memory_space<vmem>>, vector<16xf32>,
        %get3A_1015 = arith.index_cast %add3A_990 : i32 to index
        %get3A_1016 = arith.constant 48 : index
        %get3A_1017 = tpu.vector_load %arg15[%get3A_1015, %get3A_1016] {strides = array<i32>} : memref<96x128xf32, #tpu.memory_space<vmem>>, vector<16xf32>,
        %mul3A_1018 = arith.mulf %get3A_1017, %broadcast_in_dim3A_993 : vector<16xf32>
        %swap3A_1019 = arith.index_cast %add3A_990 : i32 to index
        %swap3A_1020 = arith.constant 48 : index
        %swap3A_1021 = tpu.vector_load %arg15[%swap3A_1019, %swap3A_1020] {strides = array<i32>} : memref<96x128xf32, #tpu.memory_space<vmem>>, vector<16xf32>,
        tpu.vector_store %arg15[%swap3A_1019, %swap3A_1020], %mul3A_1018 {strides = array<i32>} : memref<96x128xf32, #tpu.memory_space<vmem>>, vector<16xf32>,
        %get3A_1022 = arith.index_cast %add3A_990 : i32 to index
        %get3A_1023 = arith.constant 64 : index
        %get3A_1024 = tpu.vector_load %arg15[%get3A_1022, %get3A_1023] {strides = array<i32>} : memref<96x128xf32, #tpu.memory_space<vmem>>, vector<16xf32>,
        %mul3A_1025 = arith.mulf %get3A_1024, %broadcast_in_dim3A_993 : vector<16xf32>
        %swap3A_1026 = arith.index_cast %add3A_990 : i32 to index
        %swap3A_1027 = arith.constant 64 : index
        %swap3A_1028 = tpu.vector_load %arg15[%swap3A_1026, %swap3A_1027] {strides = array<i32>} : memref<96x128xf32, #tpu.memory_space<vmem>>, vector<16xf32>,
        tpu.vector_store %arg15[%swap3A_1026, %swap3A_1027], %mul3A_1025 {strides = array<i32>} : memref<96x128xf32, #tpu.memory_space<vmem>>, vector<16xf32>,
        %get3A_1029 = arith.index_cast %add3A_990 : i32 to index
        %get3A_1030 = arith.constant 80 : index
        %get3A_1031 = tpu.vector_load %arg15[%get3A_1029, %get3A_1030] {strides = array<i32>} : memref<96x128xf32, #tpu.memory_space<vmem>>, vector<16xf32>,
        %mul3A_1032 = arith.mulf %get3A_1031, %broadcast_in_dim3A_993 : vector<16xf32>
        %swap3A_1033 = arith.index_cast %add3A_990 : i32 to index
        %swap3A_1034 = arith.constant 80 : index
        %swap3A_1035 = tpu.vector_load %arg15[%swap3A_1033, %swap3A_1034] {strides = array<i32>} : memref<96x128xf32, #tpu.memory_space<vmem>>, vector<16xf32>,
        tpu.vector_store %arg15[%swap3A_1033, %swap3A_1034], %mul3A_1032 {strides = array<i32>} : memref<96x128xf32, #tpu.memory_space<vmem>>, vector<16xf32>,
        %get3A_1036 = arith.index_cast %add3A_990 : i32 to index
        %get3A_1037 = arith.constant 96 : index
        %get3A_1038 = tpu.vector_load %arg15[%get3A_1036, %get3A_1037] {strides = array<i32>} : memref<96x128xf32, #tpu.memory_space<vmem>>, vector<16xf32>,
        %mul3A_1039 = arith.mulf %get3A_1038, %broadcast_in_dim3A_993 : vector<16xf32>
        %swap3A_1040 = arith.index_cast %add3A_990 : i32 to index
        %swap3A_1041 = arith.constant 96 : index
        %swap3A_1042 = tpu.vector_load %arg15[%swap3A_1040, %swap3A_1041] {strides = array<i32>} : memref<96x128xf32, #tpu.memory_space<vmem>>, vector<16xf32>,
        tpu.vector_store %arg15[%swap3A_1040, %swap3A_1041], %mul3A_1039 {strides = array<i32>} : memref<96x128xf32, #tpu.memory_space<vmem>>, vector<16xf32>,
        %get3A_1043 = arith.index_cast %add3A_990 : i32 to index
        %get3A_1044 = arith.constant 112 : index
        %get3A_1045 = tpu.vector_load %arg15[%get3A_1043, %get3A_1044] {strides = array<i32>} : memref<96x128xf32, #tpu.memory_space<vmem>>, vector<16xf32>,
        %mul3A_1046 = arith.mulf %get3A_1045, %broadcast_in_dim3A_993 : vector<16xf32>
        %swap3A_1047 = arith.index_cast %add3A_990 : i32 to index
        %swap3A_1048 = arith.constant 112 : index
        %swap3A_1049 = tpu.vector_load %arg15[%swap3A_1047, %swap3A_1048] {strides = array<i32>} : memref<96x128xf32, #tpu.memory_space<vmem>>, vector<16xf32>,
        tpu.vector_store %arg15[%swap3A_1047, %swap3A_1048], %mul3A_1046 {strides = array<i32>} : memref<96x128xf32, #tpu.memory_space<vmem>>, vector<16xf32>,
        %mul3A_1050 = arith.constant 16 : i32
        %mul3A_1051 = arith.muli %scan3A_416, %mul3A_1050 : i32
        %add3A_1052 = arith.constant 10 : i32
        %add3A_1053 = arith.addi %mul3A_1051, %add3A_1052 : i32
        %slice3A_1054 = vector.extract_strided_slice %get3A_421 {offsets = [10], sizes = [1], strides = [1]} : vector<16xf32> to vector<1xf32>
        %squeeze3A_1055 = vector.extract %slice3A_1054[0] : f32 from vector<1xf32>
        %broadcast_in_dim3A_1056 = vector.broadcast %squeeze3A_1055 : f32 to vector<16xf32>
        %get3A_1057 = arith.index_cast %add3A_1053 : i32 to index
        %get3A_1058 = arith.constant 0 : index
        %get3A_1059 = tpu.vector_load %arg15[%get3A_1057, %get3A_1058] {strides = array<i32>} : memref<96x128xf32, #tpu.memory_space<vmem>>, vector<16xf32>,
        %mul3A_1060 = arith.mulf %get3A_1059, %broadcast_in_dim3A_1056 : vector<16xf32>
        %swap3A_1061 = arith.index_cast %add3A_1053 : i32 to index
        %swap3A_1062 = arith.constant 0 : index
        %swap3A_1063 = tpu.vector_load %arg15[%swap3A_1061, %swap3A_1062] {strides = array<i32>} : memref<96x128xf32, #tpu.memory_space<vmem>>, vector<16xf32>,
        tpu.vector_store %arg15[%swap3A_1061, %swap3A_1062], %mul3A_1060 {strides = array<i32>} : memref<96x128xf32, #tpu.memory_space<vmem>>, vector<16xf32>,
        %get3A_1064 = arith.index_cast %add3A_1053 : i32 to index
        %get3A_1065 = arith.constant 16 : index
        %get3A_1066 = tpu.vector_load %arg15[%get3A_1064, %get3A_1065] {strides = array<i32>} : memref<96x128xf32, #tpu.memory_space<vmem>>, vector<16xf32>,
        %mul3A_1067 = arith.mulf %get3A_1066, %broadcast_in_dim3A_1056 : vector<16xf32>
        %swap3A_1068 = arith.index_cast %add3A_1053 : i32 to index
        %swap3A_1069 = arith.constant 16 : index
        %swap3A_1070 = tpu.vector_load %arg15[%swap3A_1068, %swap3A_1069] {strides = array<i32>} : memref<96x128xf32, #tpu.memory_space<vmem>>, vector<16xf32>,
        tpu.vector_store %arg15[%swap3A_1068, %swap3A_1069], %mul3A_1067 {strides = array<i32>} : memref<96x128xf32, #tpu.memory_space<vmem>>, vector<16xf32>,
        %get3A_1071 = arith.index_cast %add3A_1053 : i32 to index
        %get3A_1072 = arith.constant 32 : index
        %get3A_1073 = tpu.vector_load %arg15[%get3A_1071, %get3A_1072] {strides = array<i32>} : memref<96x128xf32, #tpu.memory_space<vmem>>, vector<16xf32>,
        %mul3A_1074 = arith.mulf %get3A_1073, %broadcast_in_dim3A_1056 : vector<16xf32>
        %swap3A_1075 = arith.index_cast %add3A_1053 : i32 to index
        %swap3A_1076 = arith.constant 32 : index
        %swap3A_1077 = tpu.vector_load %arg15[%swap3A_1075, %swap3A_1076] {strides = array<i32>} : memref<96x128xf32, #tpu.memory_space<vmem>>, vector<16xf32>,
        tpu.vector_store %arg15[%swap3A_1075, %swap3A_1076], %mul3A_1074 {strides = array<i32>} : memref<96x128xf32, #tpu.memory_space<vmem>>, vector<16xf32>,
        %get3A_1078 = arith.index_cast %add3A_1053 : i32 to index
        %get3A_1079 = arith.constant 48 : index
        %get3A_1080 = tpu.vector_load %arg15[%get3A_1078, %get3A_1079] {strides = array<i32>} : memref<96x128xf32, #tpu.memory_space<vmem>>, vector<16xf32>,
        %mul3A_1081 = arith.mulf %get3A_1080, %broadcast_in_dim3A_1056 : vector<16xf32>
        %swap3A_1082 = arith.index_cast %add3A_1053 : i32 to index
        %swap3A_1083 = arith.constant 48 : index
        %swap3A_1084 = tpu.vector_load %arg15[%swap3A_1082, %swap3A_1083] {strides = array<i32>} : memref<96x128xf32, #tpu.memory_space<vmem>>, vector<16xf32>,
        tpu.vector_store %arg15[%swap3A_1082, %swap3A_1083], %mul3A_1081 {strides = array<i32>} : memref<96x128xf32, #tpu.memory_space<vmem>>, vector<16xf32>,
        %get3A_1085 = arith.index_cast %add3A_1053 : i32 to index
        %get3A_1086 = arith.constant 64 : index
        %get3A_1087 = tpu.vector_load %arg15[%get3A_1085, %get3A_1086] {strides = array<i32>} : memref<96x128xf32, #tpu.memory_space<vmem>>, vector<16xf32>,
        %mul3A_1088 = arith.mulf %get3A_1087, %broadcast_in_dim3A_1056 : vector<16xf32>
        %swap3A_1089 = arith.index_cast %add3A_1053 : i32 to index
        %swap3A_1090 = arith.constant 64 : index
        %swap3A_1091 = tpu.vector_load %arg15[%swap3A_1089, %swap3A_1090] {strides = array<i32>} : memref<96x128xf32, #tpu.memory_space<vmem>>, vector<16xf32>,
        tpu.vector_store %arg15[%swap3A_1089, %swap3A_1090], %mul3A_1088 {strides = array<i32>} : memref<96x128xf32, #tpu.memory_space<vmem>>, vector<16xf32>,
        %get3A_1092 = arith.index_cast %add3A_1053 : i32 to index
        %get3A_1093 = arith.constant 80 : index
        %get3A_1094 = tpu.vector_load %arg15[%get3A_1092, %get3A_1093] {strides = array<i32>} : memref<96x128xf32, #tpu.memory_space<vmem>>, vector<16xf32>,
        %mul3A_1095 = arith.mulf %get3A_1094, %broadcast_in_dim3A_1056 : vector<16xf32>
        %swap3A_1096 = arith.index_cast %add3A_1053 : i32 to index
        %swap3A_1097 = arith.constant 80 : index
        %swap3A_1098 = tpu.vector_load %arg15[%swap3A_1096, %swap3A_1097] {strides = array<i32>} : memref<96x128xf32, #tpu.memory_space<vmem>>, vector<16xf32>,
        tpu.vector_store %arg15[%swap3A_1096, %swap3A_1097], %mul3A_1095 {strides = array<i32>} : memref<96x128xf32, #tpu.memory_space<vmem>>, vector<16xf32>,
        %get3A_1099 = arith.index_cast %add3A_1053 : i32 to index
        %get3A_1100 = arith.constant 96 : index
        %get3A_1101 = tpu.vector_load %arg15[%get3A_1099, %get3A_1100] {strides = array<i32>} : memref<96x128xf32, #tpu.memory_space<vmem>>, vector<16xf32>,
        %mul3A_1102 = arith.mulf %get3A_1101, %broadcast_in_dim3A_1056 : vector<16xf32>
        %swap3A_1103 = arith.index_cast %add3A_1053 : i32 to index
        %swap3A_1104 = arith.constant 96 : index
        %swap3A_1105 = tpu.vector_load %arg15[%swap3A_1103, %swap3A_1104] {strides = array<i32>} : memref<96x128xf32, #tpu.memory_space<vmem>>, vector<16xf32>,
        tpu.vector_store %arg15[%swap3A_1103, %swap3A_1104], %mul3A_1102 {strides = array<i32>} : memref<96x128xf32, #tpu.memory_space<vmem>>, vector<16xf32>,
        %get3A_1106 = arith.index_cast %add3A_1053 : i32 to index
        %get3A_1107 = arith.constant 112 : index
        %get3A_1108 = tpu.vector_load %arg15[%get3A_1106, %get3A_1107] {strides = array<i32>} : memref<96x128xf32, #tpu.memory_space<vmem>>, vector<16xf32>,
        %mul3A_1109 = arith.mulf %get3A_1108, %broadcast_in_dim3A_1056 : vector<16xf32>
        %swap3A_1110 = arith.index_cast %add3A_1053 : i32 to index
        %swap3A_1111 = arith.constant 112 : index
        %swap3A_1112 = tpu.vector_load %arg15[%swap3A_1110, %swap3A_1111] {strides = array<i32>} : memref<96x128xf32, #tpu.memory_space<vmem>>, vector<16xf32>,
        tpu.vector_store %arg15[%swap3A_1110, %swap3A_1111], %mul3A_1109 {strides = array<i32>} : memref<96x128xf32, #tpu.memory_space<vmem>>, vector<16xf32>,
        %mul3A_1113 = arith.constant 16 : i32
        %mul3A_1114 = arith.muli %scan3A_416, %mul3A_1113 : i32
        %add3A_1115 = arith.constant 11 : i32
        %add3A_1116 = arith.addi %mul3A_1114, %add3A_1115 : i32
        %slice3A_1117 = vector.extract_strided_slice %get3A_421 {offsets = [11], sizes = [1], strides = [1]} : vector<16xf32> to vector<1xf32>
        %squeeze3A_1118 = vector.extract %slice3A_1117[0] : f32 from vector<1xf32>
        %broadcast_in_dim3A_1119 = vector.broadcast %squeeze3A_1118 : f32 to vector<16xf32>
        %get3A_1120 = arith.index_cast %add3A_1116 : i32 to index
        %get3A_1121 = arith.constant 0 : index
        %get3A_1122 = tpu.vector_load %arg15[%get3A_1120, %get3A_1121] {strides = array<i32>} : memref<96x128xf32, #tpu.memory_space<vmem>>, vector<16xf32>,
        %mul3A_1123 = arith.mulf %get3A_1122, %broadcast_in_dim3A_1119 : vector<16xf32>
        %swap3A_1124 = arith.index_cast %add3A_1116 : i32 to index
        %swap3A_1125 = arith.constant 0 : index
        %swap3A_1126 = tpu.vector_load %arg15[%swap3A_1124, %swap3A_1125] {strides = array<i32>} : memref<96x128xf32, #tpu.memory_space<vmem>>, vector<16xf32>,
        tpu.vector_store %arg15[%swap3A_1124, %swap3A_1125], %mul3A_1123 {strides = array<i32>} : memref<96x128xf32, #tpu.memory_space<vmem>>, vector<16xf32>,
        %get3A_1127 = arith.index_cast %add3A_1116 : i32 to index
        %get3A_1128 = arith.constant 16 : index
        %get3A_1129 = tpu.vector_load %arg15[%get3A_1127, %get3A_1128] {strides = array<i32>} : memref<96x128xf32, #tpu.memory_space<vmem>>, vector<16xf32>,
        %mul3A_1130 = arith.mulf %get3A_1129, %broadcast_in_dim3A_1119 : vector<16xf32>
        %swap3A_1131 = arith.index_cast %add3A_1116 : i32 to index
        %swap3A_1132 = arith.constant 16 : index
        %swap3A_1133 = tpu.vector_load %arg15[%swap3A_1131, %swap3A_1132] {strides = array<i32>} : memref<96x128xf32, #tpu.memory_space<vmem>>, vector<16xf32>,
        tpu.vector_store %arg15[%swap3A_1131, %swap3A_1132], %mul3A_1130 {strides = array<i32>} : memref<96x128xf32, #tpu.memory_space<vmem>>, vector<16xf32>,
        %get3A_1134 = arith.index_cast %add3A_1116 : i32 to index
        %get3A_1135 = arith.constant 32 : index
        %get3A_1136 = tpu.vector_load %arg15[%get3A_1134, %get3A_1135] {strides = array<i32>} : memref<96x128xf32, #tpu.memory_space<vmem>>, vector<16xf32>,
        %mul3A_1137 = arith.mulf %get3A_1136, %broadcast_in_dim3A_1119 : vector<16xf32>
        %swap3A_1138 = arith.index_cast %add3A_1116 : i32 to index
        %swap3A_1139 = arith.constant 32 : index
        %swap3A_1140 = tpu.vector_load %arg15[%swap3A_1138, %swap3A_1139] {strides = array<i32>} : memref<96x128xf32, #tpu.memory_space<vmem>>, vector<16xf32>,
        tpu.vector_store %arg15[%swap3A_1138, %swap3A_1139], %mul3A_1137 {strides = array<i32>} : memref<96x128xf32, #tpu.memory_space<vmem>>, vector<16xf32>,
        %get3A_1141 = arith.index_cast %add3A_1116 : i32 to index
        %get3A_1142 = arith.constant 48 : index
        %get3A_1143 = tpu.vector_load %arg15[%get3A_1141, %get3A_1142] {strides = array<i32>} : memref<96x128xf32, #tpu.memory_space<vmem>>, vector<16xf32>,
        %mul3A_1144 = arith.mulf %get3A_1143, %broadcast_in_dim3A_1119 : vector<16xf32>
        %swap3A_1145 = arith.index_cast %add3A_1116 : i32 to index
        %swap3A_1146 = arith.constant 48 : index
        %swap3A_1147 = tpu.vector_load %arg15[%swap3A_1145, %swap3A_1146] {strides = array<i32>} : memref<96x128xf32, #tpu.memory_space<vmem>>, vector<16xf32>,
        tpu.vector_store %arg15[%swap3A_1145, %swap3A_1146], %mul3A_1144 {strides = array<i32>} : memref<96x128xf32, #tpu.memory_space<vmem>>, vector<16xf32>,
        %get3A_1148 = arith.index_cast %add3A_1116 : i32 to index
        %get3A_1149 = arith.constant 64 : index
        %get3A_1150 = tpu.vector_load %arg15[%get3A_1148, %get3A_1149] {strides = array<i32>} : memref<96x128xf32, #tpu.memory_space<vmem>>, vector<16xf32>,
        %mul3A_1151 = arith.mulf %get3A_1150, %broadcast_in_dim3A_1119 : vector<16xf32>
        %swap3A_1152 = arith.index_cast %add3A_1116 : i32 to index
        %swap3A_1153 = arith.constant 64 : index
        %swap3A_1154 = tpu.vector_load %arg15[%swap3A_1152, %swap3A_1153] {strides = array<i32>} : memref<96x128xf32, #tpu.memory_space<vmem>>, vector<16xf32>,
        tpu.vector_store %arg15[%swap3A_1152, %swap3A_1153], %mul3A_1151 {strides = array<i32>} : memref<96x128xf32, #tpu.memory_space<vmem>>, vector<16xf32>,
        %get3A_1155 = arith.index_cast %add3A_1116 : i32 to index
        %get3A_1156 = arith.constant 80 : index
        %get3A_1157 = tpu.vector_load %arg15[%get3A_1155, %get3A_1156] {strides = array<i32>} : memref<96x128xf32, #tpu.memory_space<vmem>>, vector<16xf32>,
        %mul3A_1158 = arith.mulf %get3A_1157, %broadcast_in_dim3A_1119 : vector<16xf32>
        %swap3A_1159 = arith.index_cast %add3A_1116 : i32 to index
        %swap3A_1160 = arith.constant 80 : index
        %swap3A_1161 = tpu.vector_load %arg15[%swap3A_1159, %swap3A_1160] {strides = array<i32>} : memref<96x128xf32, #tpu.memory_space<vmem>>, vector<16xf32>,
        tpu.vector_store %arg15[%swap3A_1159, %swap3A_1160], %mul3A_1158 {strides = array<i32>} : memref<96x128xf32, #tpu.memory_space<vmem>>, vector<16xf32>,
        %get3A_1162 = arith.index_cast %add3A_1116 : i32 to index
        %get3A_1163 = arith.constant 96 : index
        %get3A_1164 = tpu.vector_load %arg15[%get3A_1162, %get3A_1163] {strides = array<i32>} : memref<96x128xf32, #tpu.memory_space<vmem>>, vector<16xf32>,
        %mul3A_1165 = arith.mulf %get3A_1164, %broadcast_in_dim3A_1119 : vector<16xf32>
        %swap3A_1166 = arith.index_cast %add3A_1116 : i32 to index
        %swap3A_1167 = arith.constant 96 : index
        %swap3A_1168 = tpu.vector_load %arg15[%swap3A_1166, %swap3A_1167] {strides = array<i32>} : memref<96x128xf32, #tpu.memory_space<vmem>>, vector<16xf32>,
        tpu.vector_store %arg15[%swap3A_1166, %swap3A_1167], %mul3A_1165 {strides = array<i32>} : memref<96x128xf32, #tpu.memory_space<vmem>>, vector<16xf32>,
        %get3A_1169 = arith.index_cast %add3A_1116 : i32 to index
        %get3A_1170 = arith.constant 112 : index
        %get3A_1171 = tpu.vector_load %arg15[%get3A_1169, %get3A_1170] {strides = array<i32>} : memref<96x128xf32, #tpu.memory_space<vmem>>, vector<16xf32>,
        %mul3A_1172 = arith.mulf %get3A_1171, %broadcast_in_dim3A_1119 : vector<16xf32>
        %swap3A_1173 = arith.index_cast %add3A_1116 : i32 to index
        %swap3A_1174 = arith.constant 112 : index
        %swap3A_1175 = tpu.vector_load %arg15[%swap3A_1173, %swap3A_1174] {strides = array<i32>} : memref<96x128xf32, #tpu.memory_space<vmem>>, vector<16xf32>,
        tpu.vector_store %arg15[%swap3A_1173, %swap3A_1174], %mul3A_1172 {strides = array<i32>} : memref<96x128xf32, #tpu.memory_space<vmem>>, vector<16xf32>,
        %mul3A_1176 = arith.constant 16 : i32
        %mul3A_1177 = arith.muli %scan3A_416, %mul3A_1176 : i32
        %add3A_1178 = arith.constant 12 : i32
        %add3A_1179 = arith.addi %mul3A_1177, %add3A_1178 : i32
        %slice3A_1180 = vector.extract_strided_slice %get3A_421 {offsets = [12], sizes = [1], strides = [1]} : vector<16xf32> to vector<1xf32>
        %squeeze3A_1181 = vector.extract %slice3A_1180[0] : f32 from vector<1xf32>
        %broadcast_in_dim3A_1182 = vector.broadcast %squeeze3A_1181 : f32 to vector<16xf32>
        %get3A_1183 = arith.index_cast %add3A_1179 : i32 to index
        %get3A_1184 = arith.constant 0 : index
        %get3A_1185 = tpu.vector_load %arg15[%get3A_1183, %get3A_1184] {strides = array<i32>} : memref<96x128xf32, #tpu.memory_space<vmem>>, vector<16xf32>,
        %mul3A_1186 = arith.mulf %get3A_1185, %broadcast_in_dim3A_1182 : vector<16xf32>
        %swap3A_1187 = arith.index_cast %add3A_1179 : i32 to index
        %swap3A_1188 = arith.constant 0 : index
        %swap3A_1189 = tpu.vector_load %arg15[%swap3A_1187, %swap3A_1188] {strides = array<i32>} : memref<96x128xf32, #tpu.memory_space<vmem>>, vector<16xf32>,
        tpu.vector_store %arg15[%swap3A_1187, %swap3A_1188], %mul3A_1186 {strides = array<i32>} : memref<96x128xf32, #tpu.memory_space<vmem>>, vector<16xf32>,
        %get3A_1190 = arith.index_cast %add3A_1179 : i32 to index
        %get3A_1191 = arith.constant 16 : index
        %get3A_1192 = tpu.vector_load %arg15[%get3A_1190, %get3A_1191] {strides = array<i32>} : memref<96x128xf32, #tpu.memory_space<vmem>>, vector<16xf32>,
        %mul3A_1193 = arith.mulf %get3A_1192, %broadcast_in_dim3A_1182 : vector<16xf32>
        %swap3A_1194 = arith.index_cast %add3A_1179 : i32 to index
        %swap3A_1195 = arith.constant 16 : index
        %swap3A_1196 = tpu.vector_load %arg15[%swap3A_1194, %swap3A_1195] {strides = array<i32>} : memref<96x128xf32, #tpu.memory_space<vmem>>, vector<16xf32>,
        tpu.vector_store %arg15[%swap3A_1194, %swap3A_1195], %mul3A_1193 {strides = array<i32>} : memref<96x128xf32, #tpu.memory_space<vmem>>, vector<16xf32>,
        %get3A_1197 = arith.index_cast %add3A_1179 : i32 to index
        %get3A_1198 = arith.constant 32 : index
        %get3A_1199 = tpu.vector_load %arg15[%get3A_1197, %get3A_1198] {strides = array<i32>} : memref<96x128xf32, #tpu.memory_space<vmem>>, vector<16xf32>,
        %mul3A_1200 = arith.mulf %get3A_1199, %broadcast_in_dim3A_1182 : vector<16xf32>
        %swap3A_1201 = arith.index_cast %add3A_1179 : i32 to index
        %swap3A_1202 = arith.constant 32 : index
        %swap3A_1203 = tpu.vector_load %arg15[%swap3A_1201, %swap3A_1202] {strides = array<i32>} : memref<96x128xf32, #tpu.memory_space<vmem>>, vector<16xf32>,
        tpu.vector_store %arg15[%swap3A_1201, %swap3A_1202], %mul3A_1200 {strides = array<i32>} : memref<96x128xf32, #tpu.memory_space<vmem>>, vector<16xf32>,
        %get3A_1204 = arith.index_cast %add3A_1179 : i32 to index
        %get3A_1205 = arith.constant 48 : index
        %get3A_1206 = tpu.vector_load %arg15[%get3A_1204, %get3A_1205] {strides = array<i32>} : memref<96x128xf32, #tpu.memory_space<vmem>>, vector<16xf32>,
        %mul3A_1207 = arith.mulf %get3A_1206, %broadcast_in_dim3A_1182 : vector<16xf32>
        %swap3A_1208 = arith.index_cast %add3A_1179 : i32 to index
        %swap3A_1209 = arith.constant 48 : index
        %swap3A_1210 = tpu.vector_load %arg15[%swap3A_1208, %swap3A_1209] {strides = array<i32>} : memref<96x128xf32, #tpu.memory_space<vmem>>, vector<16xf32>,
        tpu.vector_store %arg15[%swap3A_1208, %swap3A_1209], %mul3A_1207 {strides = array<i32>} : memref<96x128xf32, #tpu.memory_space<vmem>>, vector<16xf32>,
        %get3A_1211 = arith.index_cast %add3A_1179 : i32 to index
        %get3A_1212 = arith.constant 64 : index
        %get3A_1213 = tpu.vector_load %arg15[%get3A_1211, %get3A_1212] {strides = array<i32>} : memref<96x128xf32, #tpu.memory_space<vmem>>, vector<16xf32>,
        %mul3A_1214 = arith.mulf %get3A_1213, %broadcast_in_dim3A_1182 : vector<16xf32>
        %swap3A_1215 = arith.index_cast %add3A_1179 : i32 to index
        %swap3A_1216 = arith.constant 64 : index
        %swap3A_1217 = tpu.vector_load %arg15[%swap3A_1215, %swap3A_1216] {strides = array<i32>} : memref<96x128xf32, #tpu.memory_space<vmem>>, vector<16xf32>,
        tpu.vector_store %arg15[%swap3A_1215, %swap3A_1216], %mul3A_1214 {strides = array<i32>} : memref<96x128xf32, #tpu.memory_space<vmem>>, vector<16xf32>,
        %get3A_1218 = arith.index_cast %add3A_1179 : i32 to index
        %get3A_1219 = arith.constant 80 : index
        %get3A_1220 = tpu.vector_load %arg15[%get3A_1218, %get3A_1219] {strides = array<i32>} : memref<96x128xf32, #tpu.memory_space<vmem>>, vector<16xf32>,
        %mul3A_1221 = arith.mulf %get3A_1220, %broadcast_in_dim3A_1182 : vector<16xf32>
        %swap3A_1222 = arith.index_cast %add3A_1179 : i32 to index
        %swap3A_1223 = arith.constant 80 : index
        %swap3A_1224 = tpu.vector_load %arg15[%swap3A_1222, %swap3A_1223] {strides = array<i32>} : memref<96x128xf32, #tpu.memory_space<vmem>>, vector<16xf32>,
        tpu.vector_store %arg15[%swap3A_1222, %swap3A_1223], %mul3A_1221 {strides = array<i32>} : memref<96x128xf32, #tpu.memory_space<vmem>>, vector<16xf32>,
        %get3A_1225 = arith.index_cast %add3A_1179 : i32 to index
        %get3A_1226 = arith.constant 96 : index
        %get3A_1227 = tpu.vector_load %arg15[%get3A_1225, %get3A_1226] {strides = array<i32>} : memref<96x128xf32, #tpu.memory_space<vmem>>, vector<16xf32>,
        %mul3A_1228 = arith.mulf %get3A_1227, %broadcast_in_dim3A_1182 : vector<16xf32>
        %swap3A_1229 = arith.index_cast %add3A_1179 : i32 to index
        %swap3A_1230 = arith.constant 96 : index
        %swap3A_1231 = tpu.vector_load %arg15[%swap3A_1229, %swap3A_1230] {strides = array<i32>} : memref<96x128xf32, #tpu.memory_space<vmem>>, vector<16xf32>,
        tpu.vector_store %arg15[%swap3A_1229, %swap3A_1230], %mul3A_1228 {strides = array<i32>} : memref<96x128xf32, #tpu.memory_space<vmem>>, vector<16xf32>,
        %get3A_1232 = arith.index_cast %add3A_1179 : i32 to index
        %get3A_1233 = arith.constant 112 : index
        %get3A_1234 = tpu.vector_load %arg15[%get3A_1232, %get3A_1233] {strides = array<i32>} : memref<96x128xf32, #tpu.memory_space<vmem>>, vector<16xf32>,
        %mul3A_1235 = arith.mulf %get3A_1234, %broadcast_in_dim3A_1182 : vector<16xf32>
        %swap3A_1236 = arith.index_cast %add3A_1179 : i32 to index
        %swap3A_1237 = arith.constant 112 : index
        %swap3A_1238 = tpu.vector_load %arg15[%swap3A_1236, %swap3A_1237] {strides = array<i32>} : memref<96x128xf32, #tpu.memory_space<vmem>>, vector<16xf32>,
        tpu.vector_store %arg15[%swap3A_1236, %swap3A_1237], %mul3A_1235 {strides = array<i32>} : memref<96x128xf32, #tpu.memory_space<vmem>>, vector<16xf32>,
        %mul3A_1239 = arith.constant 16 : i32
        %mul3A_1240 = arith.muli %scan3A_416, %mul3A_1239 : i32
        %add3A_1241 = arith.constant 13 : i32
        %add3A_1242 = arith.addi %mul3A_1240, %add3A_1241 : i32
        %slice3A_1243 = vector.extract_strided_slice %get3A_421 {offsets = [13], sizes = [1], strides = [1]} : vector<16xf32> to vector<1xf32>
        %squeeze3A_1244 = vector.extract %slice3A_1243[0] : f32 from vector<1xf32>
        %broadcast_in_dim3A_1245 = vector.broadcast %squeeze3A_1244 : f32 to vector<16xf32>
        %get3A_1246 = arith.index_cast %add3A_1242 : i32 to index
        %get3A_1247 = arith.constant 0 : index
        %get3A_1248 = tpu.vector_load %arg15[%get3A_1246, %get3A_1247] {strides = array<i32>} : memref<96x128xf32, #tpu.memory_space<vmem>>, vector<16xf32>,
        %mul3A_1249 = arith.mulf %get3A_1248, %broadcast_in_dim3A_1245 : vector<16xf32>
        %swap3A_1250 = arith.index_cast %add3A_1242 : i32 to index
        %swap3A_1251 = arith.constant 0 : index
        %swap3A_1252 = tpu.vector_load %arg15[%swap3A_1250, %swap3A_1251] {strides = array<i32>} : memref<96x128xf32, #tpu.memory_space<vmem>>, vector<16xf32>,
        tpu.vector_store %arg15[%swap3A_1250, %swap3A_1251], %mul3A_1249 {strides = array<i32>} : memref<96x128xf32, #tpu.memory_space<vmem>>, vector<16xf32>,
        %get3A_1253 = arith.index_cast %add3A_1242 : i32 to index
        %get3A_1254 = arith.constant 16 : index
        %get3A_1255 = tpu.vector_load %arg15[%get3A_1253, %get3A_1254] {strides = array<i32>} : memref<96x128xf32, #tpu.memory_space<vmem>>, vector<16xf32>,
        %mul3A_1256 = arith.mulf %get3A_1255, %broadcast_in_dim3A_1245 : vector<16xf32>
        %swap3A_1257 = arith.index_cast %add3A_1242 : i32 to index
        %swap3A_1258 = arith.constant 16 : index
        %swap3A_1259 = tpu.vector_load %arg15[%swap3A_1257, %swap3A_1258] {strides = array<i32>} : memref<96x128xf32, #tpu.memory_space<vmem>>, vector<16xf32>,
        tpu.vector_store %arg15[%swap3A_1257, %swap3A_1258], %mul3A_1256 {strides = array<i32>} : memref<96x128xf32, #tpu.memory_space<vmem>>, vector<16xf32>,
        %get3A_1260 = arith.index_cast %add3A_1242 : i32 to index
        %get3A_1261 = arith.constant 32 : index
        %get3A_1262 = tpu.vector_load %arg15[%get3A_1260, %get3A_1261] {strides = array<i32>} : memref<96x128xf32, #tpu.memory_space<vmem>>, vector<16xf32>,
        %mul3A_1263 = arith.mulf %get3A_1262, %broadcast_in_dim3A_1245 : vector<16xf32>
        %swap3A_1264 = arith.index_cast %add3A_1242 : i32 to index
        %swap3A_1265 = arith.constant 32 : index
        %swap3A_1266 = tpu.vector_load %arg15[%swap3A_1264, %swap3A_1265] {strides = array<i32>} : memref<96x128xf32, #tpu.memory_space<vmem>>, vector<16xf32>,
        tpu.vector_store %arg15[%swap3A_1264, %swap3A_1265], %mul3A_1263 {strides = array<i32>} : memref<96x128xf32, #tpu.memory_space<vmem>>, vector<16xf32>,
        %get3A_1267 = arith.index_cast %add3A_1242 : i32 to index
        %get3A_1268 = arith.constant 48 : index
        %get3A_1269 = tpu.vector_load %arg15[%get3A_1267, %get3A_1268] {strides = array<i32>} : memref<96x128xf32, #tpu.memory_space<vmem>>, vector<16xf32>,
        %mul3A_1270 = arith.mulf %get3A_1269, %broadcast_in_dim3A_1245 : vector<16xf32>
        %swap3A_1271 = arith.index_cast %add3A_1242 : i32 to index
        %swap3A_1272 = arith.constant 48 : index
        %swap3A_1273 = tpu.vector_load %arg15[%swap3A_1271, %swap3A_1272] {strides = array<i32>} : memref<96x128xf32, #tpu.memory_space<vmem>>, vector<16xf32>,
        tpu.vector_store %arg15[%swap3A_1271, %swap3A_1272], %mul3A_1270 {strides = array<i32>} : memref<96x128xf32, #tpu.memory_space<vmem>>, vector<16xf32>,
        %get3A_1274 = arith.index_cast %add3A_1242 : i32 to index
        %get3A_1275 = arith.constant 64 : index
        %get3A_1276 = tpu.vector_load %arg15[%get3A_1274, %get3A_1275] {strides = array<i32>} : memref<96x128xf32, #tpu.memory_space<vmem>>, vector<16xf32>,
        %mul3A_1277 = arith.mulf %get3A_1276, %broadcast_in_dim3A_1245 : vector<16xf32>
        %swap3A_1278 = arith.index_cast %add3A_1242 : i32 to index
        %swap3A_1279 = arith.constant 64 : index
        %swap3A_1280 = tpu.vector_load %arg15[%swap3A_1278, %swap3A_1279] {strides = array<i32>} : memref<96x128xf32, #tpu.memory_space<vmem>>, vector<16xf32>,
        tpu.vector_store %arg15[%swap3A_1278, %swap3A_1279], %mul3A_1277 {strides = array<i32>} : memref<96x128xf32, #tpu.memory_space<vmem>>, vector<16xf32>,
        %get3A_1281 = arith.index_cast %add3A_1242 : i32 to index
        %get3A_1282 = arith.constant 80 : index
        %get3A_1283 = tpu.vector_load %arg15[%get3A_1281, %get3A_1282] {strides = array<i32>} : memref<96x128xf32, #tpu.memory_space<vmem>>, vector<16xf32>,
        %mul3A_1284 = arith.mulf %get3A_1283, %broadcast_in_dim3A_1245 : vector<16xf32>
        %swap3A_1285 = arith.index_cast %add3A_1242 : i32 to index
        %swap3A_1286 = arith.constant 80 : index
        %swap3A_1287 = tpu.vector_load %arg15[%swap3A_1285, %swap3A_1286] {strides = array<i32>} : memref<96x128xf32, #tpu.memory_space<vmem>>, vector<16xf32>,
        tpu.vector_store %arg15[%swap3A_1285, %swap3A_1286], %mul3A_1284 {strides = array<i32>} : memref<96x128xf32, #tpu.memory_space<vmem>>, vector<16xf32>,
        %get3A_1288 = arith.index_cast %add3A_1242 : i32 to index
        %get3A_1289 = arith.constant 96 : index
        %get3A_1290 = tpu.vector_load %arg15[%get3A_1288, %get3A_1289] {strides = array<i32>} : memref<96x128xf32, #tpu.memory_space<vmem>>, vector<16xf32>,
        %mul3A_1291 = arith.mulf %get3A_1290, %broadcast_in_dim3A_1245 : vector<16xf32>
        %swap3A_1292 = arith.index_cast %add3A_1242 : i32 to index
        %swap3A_1293 = arith.constant 96 : index
        %swap3A_1294 = tpu.vector_load %arg15[%swap3A_1292, %swap3A_1293] {strides = array<i32>} : memref<96x128xf32, #tpu.memory_space<vmem>>, vector<16xf32>,
        tpu.vector_store %arg15[%swap3A_1292, %swap3A_1293], %mul3A_1291 {strides = array<i32>} : memref<96x128xf32, #tpu.memory_space<vmem>>, vector<16xf32>,
        %get3A_1295 = arith.index_cast %add3A_1242 : i32 to index
        %get3A_1296 = arith.constant 112 : index
        %get3A_1297 = tpu.vector_load %arg15[%get3A_1295, %get3A_1296] {strides = array<i32>} : memref<96x128xf32, #tpu.memory_space<vmem>>, vector<16xf32>,
        %mul3A_1298 = arith.mulf %get3A_1297, %broadcast_in_dim3A_1245 : vector<16xf32>
        %swap3A_1299 = arith.index_cast %add3A_1242 : i32 to index
        %swap3A_1300 = arith.constant 112 : index
        %swap3A_1301 = tpu.vector_load %arg15[%swap3A_1299, %swap3A_1300] {strides = array<i32>} : memref<96x128xf32, #tpu.memory_space<vmem>>, vector<16xf32>,
        tpu.vector_store %arg15[%swap3A_1299, %swap3A_1300], %mul3A_1298 {strides = array<i32>} : memref<96x128xf32, #tpu.memory_space<vmem>>, vector<16xf32>,
        %mul3A_1302 = arith.constant 16 : i32
        %mul3A_1303 = arith.muli %scan3A_416, %mul3A_1302 : i32
        %add3A_1304 = arith.constant 14 : i32
        %add3A_1305 = arith.addi %mul3A_1303, %add3A_1304 : i32
        %slice3A_1306 = vector.extract_strided_slice %get3A_421 {offsets = [14], sizes = [1], strides = [1]} : vector<16xf32> to vector<1xf32>
        %squeeze3A_1307 = vector.extract %slice3A_1306[0] : f32 from vector<1xf32>
        %broadcast_in_dim3A_1308 = vector.broadcast %squeeze3A_1307 : f32 to vector<16xf32>
        %get3A_1309 = arith.index_cast %add3A_1305 : i32 to index
        %get3A_1310 = arith.constant 0 : index
        %get3A_1311 = tpu.vector_load %arg15[%get3A_1309, %get3A_1310] {strides = array<i32>} : memref<96x128xf32, #tpu.memory_space<vmem>>, vector<16xf32>,
        %mul3A_1312 = arith.mulf %get3A_1311, %broadcast_in_dim3A_1308 : vector<16xf32>
        %swap3A_1313 = arith.index_cast %add3A_1305 : i32 to index
        %swap3A_1314 = arith.constant 0 : index
        %swap3A_1315 = tpu.vector_load %arg15[%swap3A_1313, %swap3A_1314] {strides = array<i32>} : memref<96x128xf32, #tpu.memory_space<vmem>>, vector<16xf32>,
        tpu.vector_store %arg15[%swap3A_1313, %swap3A_1314], %mul3A_1312 {strides = array<i32>} : memref<96x128xf32, #tpu.memory_space<vmem>>, vector<16xf32>,
        %get3A_1316 = arith.index_cast %add3A_1305 : i32 to index
        %get3A_1317 = arith.constant 16 : index
        %get3A_1318 = tpu.vector_load %arg15[%get3A_1316, %get3A_1317] {strides = array<i32>} : memref<96x128xf32, #tpu.memory_space<vmem>>, vector<16xf32>,
        %mul3A_1319 = arith.mulf %get3A_1318, %broadcast_in_dim3A_1308 : vector<16xf32>
        %swap3A_1320 = arith.index_cast %add3A_1305 : i32 to index
        %swap3A_1321 = arith.constant 16 : index
        %swap3A_1322 = tpu.vector_load %arg15[%swap3A_1320, %swap3A_1321] {strides = array<i32>} : memref<96x128xf32, #tpu.memory_space<vmem>>, vector<16xf32>,
        tpu.vector_store %arg15[%swap3A_1320, %swap3A_1321], %mul3A_1319 {strides = array<i32>} : memref<96x128xf32, #tpu.memory_space<vmem>>, vector<16xf32>,
        %get3A_1323 = arith.index_cast %add3A_1305 : i32 to index
        %get3A_1324 = arith.constant 32 : index
        %get3A_1325 = tpu.vector_load %arg15[%get3A_1323, %get3A_1324] {strides = array<i32>} : memref<96x128xf32, #tpu.memory_space<vmem>>, vector<16xf32>,
        %mul3A_1326 = arith.mulf %get3A_1325, %broadcast_in_dim3A_1308 : vector<16xf32>
        %swap3A_1327 = arith.index_cast %add3A_1305 : i32 to index
        %swap3A_1328 = arith.constant 32 : index
        %swap3A_1329 = tpu.vector_load %arg15[%swap3A_1327, %swap3A_1328] {strides = array<i32>} : memref<96x128xf32, #tpu.memory_space<vmem>>, vector<16xf32>,
        tpu.vector_store %arg15[%swap3A_1327, %swap3A_1328], %mul3A_1326 {strides = array<i32>} : memref<96x128xf32, #tpu.memory_space<vmem>>, vector<16xf32>,
        %get3A_1330 = arith.index_cast %add3A_1305 : i32 to index
        %get3A_1331 = arith.constant 48 : index
        %get3A_1332 = tpu.vector_load %arg15[%get3A_1330, %get3A_1331] {strides = array<i32>} : memref<96x128xf32, #tpu.memory_space<vmem>>, vector<16xf32>,
        %mul3A_1333 = arith.mulf %get3A_1332, %broadcast_in_dim3A_1308 : vector<16xf32>
        %swap3A_1334 = arith.index_cast %add3A_1305 : i32 to index
        %swap3A_1335 = arith.constant 48 : index
        %swap3A_1336 = tpu.vector_load %arg15[%swap3A_1334, %swap3A_1335] {strides = array<i32>} : memref<96x128xf32, #tpu.memory_space<vmem>>, vector<16xf32>,
        tpu.vector_store %arg15[%swap3A_1334, %swap3A_1335], %mul3A_1333 {strides = array<i32>} : memref<96x128xf32, #tpu.memory_space<vmem>>, vector<16xf32>,
        %get3A_1337 = arith.index_cast %add3A_1305 : i32 to index
        %get3A_1338 = arith.constant 64 : index
        %get3A_1339 = tpu.vector_load %arg15[%get3A_1337, %get3A_1338] {strides = array<i32>} : memref<96x128xf32, #tpu.memory_space<vmem>>, vector<16xf32>,
        %mul3A_1340 = arith.mulf %get3A_1339, %broadcast_in_dim3A_1308 : vector<16xf32>
        %swap3A_1341 = arith.index_cast %add3A_1305 : i32 to index
        %swap3A_1342 = arith.constant 64 : index
        %swap3A_1343 = tpu.vector_load %arg15[%swap3A_1341, %swap3A_1342] {strides = array<i32>} : memref<96x128xf32, #tpu.memory_space<vmem>>, vector<16xf32>,
        tpu.vector_store %arg15[%swap3A_1341, %swap3A_1342], %mul3A_1340 {strides = array<i32>} : memref<96x128xf32, #tpu.memory_space<vmem>>, vector<16xf32>,
        %get3A_1344 = arith.index_cast %add3A_1305 : i32 to index
        %get3A_1345 = arith.constant 80 : index
        %get3A_1346 = tpu.vector_load %arg15[%get3A_1344, %get3A_1345] {strides = array<i32>} : memref<96x128xf32, #tpu.memory_space<vmem>>, vector<16xf32>,
        %mul3A_1347 = arith.mulf %get3A_1346, %broadcast_in_dim3A_1308 : vector<16xf32>
        %swap3A_1348 = arith.index_cast %add3A_1305 : i32 to index
        %swap3A_1349 = arith.constant 80 : index
        %swap3A_1350 = tpu.vector_load %arg15[%swap3A_1348, %swap3A_1349] {strides = array<i32>} : memref<96x128xf32, #tpu.memory_space<vmem>>, vector<16xf32>,
        tpu.vector_store %arg15[%swap3A_1348, %swap3A_1349], %mul3A_1347 {strides = array<i32>} : memref<96x128xf32, #tpu.memory_space<vmem>>, vector<16xf32>,
        %get3A_1351 = arith.index_cast %add3A_1305 : i32 to index
        %get3A_1352 = arith.constant 96 : index
        %get3A_1353 = tpu.vector_load %arg15[%get3A_1351, %get3A_1352] {strides = array<i32>} : memref<96x128xf32, #tpu.memory_space<vmem>>, vector<16xf32>,
        %mul3A_1354 = arith.mulf %get3A_1353, %broadcast_in_dim3A_1308 : vector<16xf32>
        %swap3A_1355 = arith.index_cast %add3A_1305 : i32 to index
        %swap3A_1356 = arith.constant 96 : index
        %swap3A_1357 = tpu.vector_load %arg15[%swap3A_1355, %swap3A_1356] {strides = array<i32>} : memref<96x128xf32, #tpu.memory_space<vmem>>, vector<16xf32>,
        tpu.vector_store %arg15[%swap3A_1355, %swap3A_1356], %mul3A_1354 {strides = array<i32>} : memref<96x128xf32, #tpu.memory_space<vmem>>, vector<16xf32>,
        %get3A_1358 = arith.index_cast %add3A_1305 : i32 to index
        %get3A_1359 = arith.constant 112 : index
        %get3A_1360 = tpu.vector_load %arg15[%get3A_1358, %get3A_1359] {strides = array<i32>} : memref<96x128xf32, #tpu.memory_space<vmem>>, vector<16xf32>,
        %mul3A_1361 = arith.mulf %get3A_1360, %broadcast_in_dim3A_1308 : vector<16xf32>
        %swap3A_1362 = arith.index_cast %add3A_1305 : i32 to index
        %swap3A_1363 = arith.constant 112 : index
        %swap3A_1364 = tpu.vector_load %arg15[%swap3A_1362, %swap3A_1363] {strides = array<i32>} : memref<96x128xf32, #tpu.memory_space<vmem>>, vector<16xf32>,
        tpu.vector_store %arg15[%swap3A_1362, %swap3A_1363], %mul3A_1361 {strides = array<i32>} : memref<96x128xf32, #tpu.memory_space<vmem>>, vector<16xf32>,
        %mul3A_1365 = arith.constant 16 : i32
        %mul3A_1366 = arith.muli %scan3A_416, %mul3A_1365 : i32
        %add3A_1367 = arith.constant 15 : i32
        %add3A_1368 = arith.addi %mul3A_1366, %add3A_1367 : i32
        %slice3A_1369 = vector.extract_strided_slice %get3A_421 {offsets = [15], sizes = [1], strides = [1]} : vector<16xf32> to vector<1xf32>
        %squeeze3A_1370 = vector.extract %slice3A_1369[0] : f32 from vector<1xf32>
        %broadcast_in_dim3A_1371 = vector.broadcast %squeeze3A_1370 : f32 to vector<16xf32>
        %get3A_1372 = arith.index_cast %add3A_1368 : i32 to index
        %get3A_1373 = arith.constant 0 : index
        %get3A_1374 = tpu.vector_load %arg15[%get3A_1372, %get3A_1373] {strides = array<i32>} : memref<96x128xf32, #tpu.memory_space<vmem>>, vector<16xf32>,
        %mul3A_1375 = arith.mulf %get3A_1374, %broadcast_in_dim3A_1371 : vector<16xf32>
        %swap3A_1376 = arith.index_cast %add3A_1368 : i32 to index
        %swap3A_1377 = arith.constant 0 : index
        %swap3A_1378 = tpu.vector_load %arg15[%swap3A_1376, %swap3A_1377] {strides = array<i32>} : memref<96x128xf32, #tpu.memory_space<vmem>>, vector<16xf32>,
        tpu.vector_store %arg15[%swap3A_1376, %swap3A_1377], %mul3A_1375 {strides = array<i32>} : memref<96x128xf32, #tpu.memory_space<vmem>>, vector<16xf32>,
        %get3A_1379 = arith.index_cast %add3A_1368 : i32 to index
        %get3A_1380 = arith.constant 16 : index
        %get3A_1381 = tpu.vector_load %arg15[%get3A_1379, %get3A_1380] {strides = array<i32>} : memref<96x128xf32, #tpu.memory_space<vmem>>, vector<16xf32>,
        %mul3A_1382 = arith.mulf %get3A_1381, %broadcast_in_dim3A_1371 : vector<16xf32>
        %swap3A_1383 = arith.index_cast %add3A_1368 : i32 to index
        %swap3A_1384 = arith.constant 16 : index
        %swap3A_1385 = tpu.vector_load %arg15[%swap3A_1383, %swap3A_1384] {strides = array<i32>} : memref<96x128xf32, #tpu.memory_space<vmem>>, vector<16xf32>,
        tpu.vector_store %arg15[%swap3A_1383, %swap3A_1384], %mul3A_1382 {strides = array<i32>} : memref<96x128xf32, #tpu.memory_space<vmem>>, vector<16xf32>,
        %get3A_1386 = arith.index_cast %add3A_1368 : i32 to index
        %get3A_1387 = arith.constant 32 : index
        %get3A_1388 = tpu.vector_load %arg15[%get3A_1386, %get3A_1387] {strides = array<i32>} : memref<96x128xf32, #tpu.memory_space<vmem>>, vector<16xf32>,
        %mul3A_1389 = arith.mulf %get3A_1388, %broadcast_in_dim3A_1371 : vector<16xf32>
        %swap3A_1390 = arith.index_cast %add3A_1368 : i32 to index
        %swap3A_1391 = arith.constant 32 : index
        %swap3A_1392 = tpu.vector_load %arg15[%swap3A_1390, %swap3A_1391] {strides = array<i32>} : memref<96x128xf32, #tpu.memory_space<vmem>>, vector<16xf32>,
        tpu.vector_store %arg15[%swap3A_1390, %swap3A_1391], %mul3A_1389 {strides = array<i32>} : memref<96x128xf32, #tpu.memory_space<vmem>>, vector<16xf32>,
        %get3A_1393 = arith.index_cast %add3A_1368 : i32 to index
        %get3A_1394 = arith.constant 48 : index
        %get3A_1395 = tpu.vector_load %arg15[%get3A_1393, %get3A_1394] {strides = array<i32>} : memref<96x128xf32, #tpu.memory_space<vmem>>, vector<16xf32>,
        %mul3A_1396 = arith.mulf %get3A_1395, %broadcast_in_dim3A_1371 : vector<16xf32>
        %swap3A_1397 = arith.index_cast %add3A_1368 : i32 to index
        %swap3A_1398 = arith.constant 48 : index
        %swap3A_1399 = tpu.vector_load %arg15[%swap3A_1397, %swap3A_1398] {strides = array<i32>} : memref<96x128xf32, #tpu.memory_space<vmem>>, vector<16xf32>,
        tpu.vector_store %arg15[%swap3A_1397, %swap3A_1398], %mul3A_1396 {strides = array<i32>} : memref<96x128xf32, #tpu.memory_space<vmem>>, vector<16xf32>,
        %get3A_1400 = arith.index_cast %add3A_1368 : i32 to index
        %get3A_1401 = arith.constant 64 : index
        %get3A_1402 = tpu.vector_load %arg15[%get3A_1400, %get3A_1401] {strides = array<i32>} : memref<96x128xf32, #tpu.memory_space<vmem>>, vector<16xf32>,
        %mul3A_1403 = arith.mulf %get3A_1402, %broadcast_in_dim3A_1371 : vector<16xf32>
        %swap3A_1404 = arith.index_cast %add3A_1368 : i32 to index
        %swap3A_1405 = arith.constant 64 : index
        %swap3A_1406 = tpu.vector_load %arg15[%swap3A_1404, %swap3A_1405] {strides = array<i32>} : memref<96x128xf32, #tpu.memory_space<vmem>>, vector<16xf32>,
        tpu.vector_store %arg15[%swap3A_1404, %swap3A_1405], %mul3A_1403 {strides = array<i32>} : memref<96x128xf32, #tpu.memory_space<vmem>>, vector<16xf32>,
        %get3A_1407 = arith.index_cast %add3A_1368 : i32 to index
        %get3A_1408 = arith.constant 80 : index
        %get3A_1409 = tpu.vector_load %arg15[%get3A_1407, %get3A_1408] {strides = array<i32>} : memref<96x128xf32, #tpu.memory_space<vmem>>, vector<16xf32>,
        %mul3A_1410 = arith.mulf %get3A_1409, %broadcast_in_dim3A_1371 : vector<16xf32>
        %swap3A_1411 = arith.index_cast %add3A_1368 : i32 to index
        %swap3A_1412 = arith.constant 80 : index
        %swap3A_1413 = tpu.vector_load %arg15[%swap3A_1411, %swap3A_1412] {strides = array<i32>} : memref<96x128xf32, #tpu.memory_space<vmem>>, vector<16xf32>,
        tpu.vector_store %arg15[%swap3A_1411, %swap3A_1412], %mul3A_1410 {strides = array<i32>} : memref<96x128xf32, #tpu.memory_space<vmem>>, vector<16xf32>,
        %get3A_1414 = arith.index_cast %add3A_1368 : i32 to index
        %get3A_1415 = arith.constant 96 : index
        %get3A_1416 = tpu.vector_load %arg15[%get3A_1414, %get3A_1415] {strides = array<i32>} : memref<96x128xf32, #tpu.memory_space<vmem>>, vector<16xf32>,
        %mul3A_1417 = arith.mulf %get3A_1416, %broadcast_in_dim3A_1371 : vector<16xf32>
        %swap3A_1418 = arith.index_cast %add3A_1368 : i32 to index
        %swap3A_1419 = arith.constant 96 : index
        %swap3A_1420 = tpu.vector_load %arg15[%swap3A_1418, %swap3A_1419] {strides = array<i32>} : memref<96x128xf32, #tpu.memory_space<vmem>>, vector<16xf32>,
        tpu.vector_store %arg15[%swap3A_1418, %swap3A_1419], %mul3A_1417 {strides = array<i32>} : memref<96x128xf32, #tpu.memory_space<vmem>>, vector<16xf32>,
        %get3A_1421 = arith.index_cast %add3A_1368 : i32 to index
        %get3A_1422 = arith.constant 112 : index
        %get3A_1423 = tpu.vector_load %arg15[%get3A_1421, %get3A_1422] {strides = array<i32>} : memref<96x128xf32, #tpu.memory_space<vmem>>, vector<16xf32>,
        %mul3A_1424 = arith.mulf %get3A_1423, %broadcast_in_dim3A_1371 : vector<16xf32>
        %swap3A_1425 = arith.index_cast %add3A_1368 : i32 to index
        %swap3A_1426 = arith.constant 112 : index
        %swap3A_1427 = tpu.vector_load %arg15[%swap3A_1425, %swap3A_1426] {strides = array<i32>} : memref<96x128xf32, #tpu.memory_space<vmem>>, vector<16xf32>,
        tpu.vector_store %arg15[%swap3A_1425, %swap3A_1426], %mul3A_1424 {strides = array<i32>} : memref<96x128xf32, #tpu.memory_space<vmem>>, vector<16xf32>,
        %scan3A_1428 = arith.constant 0 : i32
        scf.yield %scan3A_1428 : i32
      }
      %scan3A_397 = arith.constant 6 : i32
      %dma_start3A_398 = arith.constant 0 : i32
      %dma_start3A_399 = tpu.memref_slice %arg11[%while3A_92, %dma_start3A_398] : memref<128x96xi32, #tpu.memory_space<vmem>> -> memref<1x96xi32, #tpu.memory_space<vmem>>
      %dma_start3A_400 = tpu.memref_squeeze %dma_start3A_399 : memref<1x96xi32, #tpu.memory_space<vmem>> -> memref<96xi32, #tpu.memory_space<vmem>>
      %dma_start3A_401 = arith.constant 0 : i32
      %dma_start3A_402 = arith.constant 0 : i32
      %dma_start3A_403 = tpu.memref_slice %arg18[%dma_start3A_401, %dma_start3A_402] : memref<10240x128xf32, #tpu.memory_space<vmem_shared>> -> memref<10240x128xf32, #tpu.memory_space<vmem_shared>>
      tpu.enqueue_indirect_dma source(%arg15 : memref<96x128xf32, #tpu.memory_space<vmem>>) target(%dma_start3A_403 : memref<10240x128xf32, #tpu.memory_space<vmem_shared>>) offsets(%dma_start3A_400 : memref<96xi32, #tpu.memory_space<vmem>>) semaphore(%arg21 : memref<!tpu.dma_semaphore, #tpu.memory_space<semaphore_mem>>) {add = true}
      %dma_wait3A_404 = arith.constant 0 : i32
      %dma_wait3A_405 = tpu.memref_slice %arg11[%while3A_92, %dma_wait3A_404] : memref<128x96xi32, #tpu.memory_space<vmem>> -> memref<1x96xi32, #tpu.memory_space<vmem>>
      %dma_wait3A_406 = tpu.memref_squeeze %dma_wait3A_405 : memref<1x96xi32, #tpu.memory_space<vmem>> -> memref<96xi32, #tpu.memory_space<vmem>>
      %dma_wait3A_407 = arith.constant 0 : i32
      %dma_wait3A_408 = arith.constant 0 : i32
      %dma_wait3A_409 = tpu.memref_slice %arg18[%dma_wait3A_407, %dma_wait3A_408] : memref<10240x128xf32, #tpu.memory_space<vmem_shared>> -> memref<10240x128xf32, #tpu.memory_space<vmem_shared>>
      tpu.wait_indirect_dma semaphore(%arg21 : memref<!tpu.dma_semaphore, #tpu.memory_space<semaphore_mem>>) src(%arg15 : memref<96x128xf32, #tpu.memory_space<vmem>>) dst(%dma_wait3A_409 : memref<10240x128xf32, #tpu.memory_space<vmem_shared>>)
      %dma_wait3A_410 = arith.constant 0 : i32
      %dma_wait3A_411 = tpu.memref_slice %arg11[%while3A_92, %dma_wait3A_410] : memref<128x96xi32, #tpu.memory_space<vmem>> -> memref<1x96xi32, #tpu.memory_space<vmem>>
      %dma_wait3A_412 = tpu.memref_squeeze %dma_wait3A_411 : memref<1x96xi32, #tpu.memory_space<vmem>> -> memref<96xi32, #tpu.memory_space<vmem>>
      %dma_wait3A_413 = arith.constant 0 : i32
      %dma_wait3A_414 = tpu.memref_slice %arg19[%dma_wait3A_413] : memref<10240xf32, #tpu.memory_space<vmem_shared>> -> memref<10240xf32, #tpu.memory_space<vmem_shared>>
      tpu.wait_indirect_dma semaphore(%arg22 : memref<!tpu.dma_semaphore, #tpu.memory_space<semaphore_mem>>) src(%arg17 : memref<96xf32, #tpu.memory_space<vmem>>) dst(%dma_wait3A_414 : memref<10240xf32, #tpu.memory_space<vmem_shared>>)
      %while3A_415 = arith.constant 0 : i32
      scf.yield %while3A_415 : i32
    }
    %barrier3A_77 = arith.constant 0 : index
    tpu.barrier barrier_id(%barrier3A_77)
    %mul3A_78 = arith.constant 640 : i32
    %mul3A_79 = arith.muli %arg1, %mul3A_78 : i32
    %mul3A_80 = arith.constant 10240 : i32
    %mul3A_81 = arith.muli %arg0, %mul3A_80 : i32
    %mul3A_82 = arith.constant 640 : i32
    %mul3A_83 = arith.muli %arg1, %mul3A_82 : i32
    %add3A_84 = arith.addi %mul3A_81, %mul3A_83 : i32
    "tpu.region"() ({
      %run_scoped3A_92 = tpu.sem_alloc : memref<!tpu.dma_semaphore, #tpu.memory_space<semaphore_mem>>
      %dma_start3A = tpu.memref_slice %arg8[%add3A_84] : memref<20480xf32, #tpu.memory_space<hbm>> -> memref<640xf32, #tpu.memory_space<hbm>>
      %dma_start3A_93 = tpu.memref_slice %arg19[%mul3A_79] : memref<10240xf32, #tpu.memory_space<vmem_shared>> -> memref<640xf32, #tpu.memory_space<vmem_shared>>
      tpu.enqueue_dma source(%dma_start3A_93 : memref<640xf32, #tpu.memory_space<vmem_shared>>) target(%dma_start3A : memref<640xf32, #tpu.memory_space<hbm>>) target_semaphore(%run_scoped3A_92 : memref<!tpu.dma_semaphore, #tpu.memory_space<semaphore_mem>>)
      %dma_wait3A = tpu.memref_slice %arg8[%add3A_84] : memref<20480xf32, #tpu.memory_space<hbm>> -> memref<640xf32, #tpu.memory_space<hbm>>
      %dma_wait3A_94 = tpu.memref_slice %arg19[%mul3A_79] : memref<10240xf32, #tpu.memory_space<vmem_shared>> -> memref<640xf32, #tpu.memory_space<vmem_shared>>
      tpu.wait_dma2 semaphore(%run_scoped3A_92 : memref<!tpu.dma_semaphore, #tpu.memory_space<semaphore_mem>>) src(%dma_wait3A_94 : memref<640xf32, #tpu.memory_space<vmem_shared>>) dst(%dma_wait3A : memref<640xf32, #tpu.memory_space<hbm>>)
      tpu.yield
    }) : () -> ()
    %mul3A_85 = arith.constant 640 : i32
    %mul3A_86 = arith.muli %arg1, %mul3A_85 : i32
    %mul3A_87 = arith.constant 10240 : i32
    %mul3A_88 = arith.muli %arg0, %mul3A_87 : i32
    %mul3A_89 = arith.constant 640 : i32
    %mul3A_90 = arith.muli %arg1, %mul3A_89 : i32
    %add3A_91 = arith.addi %mul3A_88, %mul3A_90 : i32
    "tpu.region"() ({
      %run_scoped3A_92 = tpu.sem_alloc : memref<!tpu.dma_semaphore, #tpu.memory_space<semaphore_mem>>
      %dma_start3A = arith.constant 0 : i32
      %dma_start3A_93 = tpu.memref_slice %arg9[%add3A_91, %dma_start3A] : memref<20480x128xf32, #tpu.memory_space<hbm>> -> memref<640x128xf32, #tpu.memory_space<hbm>>
      %dma_start3A_94 = arith.constant 0 : i32
      %dma_start3A_95 = tpu.memref_slice %arg18[%mul3A_86, %dma_start3A_94] : memref<10240x128xf32, #tpu.memory_space<vmem_shared>> -> memref<640x128xf32, #tpu.memory_space<vmem_shared>>
      tpu.enqueue_dma source(%dma_start3A_95 : memref<640x128xf32, #tpu.memory_space<vmem_shared>>) target(%dma_start3A_93 : memref<640x128xf32, #tpu.memory_space<hbm>>) target_semaphore(%run_scoped3A_92 : memref<!tpu.dma_semaphore, #tpu.memory_space<semaphore_mem>>)
      %dma_wait3A = arith.constant 0 : i32
      %dma_wait3A_96 = tpu.memref_slice %arg9[%add3A_91, %dma_wait3A] : memref<20480x128xf32, #tpu.memory_space<hbm>> -> memref<640x128xf32, #tpu.memory_space<hbm>>
      %dma_wait3A_97 = arith.constant 0 : i32
      %dma_wait3A_98 = tpu.memref_slice %arg18[%mul3A_86, %dma_wait3A_97] : memref<10240x128xf32, #tpu.memory_space<vmem_shared>> -> memref<640x128xf32, #tpu.memory_space<vmem_shared>>
      tpu.wait_dma2 semaphore(%run_scoped3A_92 : memref<!tpu.dma_semaphore, #tpu.memory_space<semaphore_mem>>) src(%dma_wait3A_98 : memref<640x128xf32, #tpu.memory_space<vmem_shared>>) dst(%dma_wait3A_96 : memref<640x128xf32, #tpu.memory_space<hbm>>)
      tpu.yield
    }) : () -> ()
    return
  }
}

module attributes {stable_mosaic.version = 14 : i64} {
  func.func @_k1_body(%arg0: memref<10000x128xf32, #tpu.memory_space<vmem>>, %arg1: memref<128x128xf32, #tpu.memory_space<vmem>>, %arg2: memref<8x128xf32, #tpu.memory_space<vmem>>, %arg3: memref<10000x128xf32, #tpu.memory_space<vmem>>, %arg4: memref<10000xf32, #tpu.memory_space<vmem>>, %arg5: memref<10000xf32, #tpu.memory_space<vmem>>) attributes {dimension_semantics = [], scalar_prefetch = 0 : i64, scratch_operands = 0 : i64, tpu.core_type = #tpu.core_type<tc>} {
    %get3A = arith.constant 0 : index
    %get3A_0 = arith.constant 0 : index
    %get3A_1 = vector.load %arg0[%get3A, %get3A_0] : memref<10000x128xf32, #tpu.memory_space<vmem>>, vector<10000x128xf32>
    %get3A_2 = arith.constant 0 : index
    %get3A_3 = arith.constant 0 : index
    %get3A_4 = vector.load %arg1[%get3A_2, %get3A_3] : memref<128x128xf32, #tpu.memory_space<vmem>>, vector<128x128xf32>
    %dot_general3A = arith.constant dense<0.000000e+00> : vector<10000x128xf32>
    %dot_general3A_5 = tpu.matmul %get3A_1, %get3A_4, %dot_general3A {dimension_numbers = #tpu.dot_dimension_numbers<[1], [0], [0], [1], [0, 0, 1, 1], [], []>, transpose_lhs_hint = false} : vector<10000x128xf32>, vector<128x128xf32>, vector<10000x128xf32> -> vector<10000x128xf32>
    %get3A_6 = arith.constant 0 : index
    %get3A_7 = arith.constant 0 : index
    %get3A_8 = vector.load %arg2[%get3A_6, %get3A_7] : memref<8x128xf32, #tpu.memory_space<vmem>>, vector<1x128xf32>
    %get3A_9 = vector.shape_cast %get3A_8 : vector<1x128xf32> to vector<128xf32>
    %broadcast_in_dim3A = vector.shape_cast %get3A_9 : vector<128xf32> to vector<1x128xf32>
    %add3A = vector.broadcast %broadcast_in_dim3A : vector<1x128xf32> to vector<10000x128xf32>
    %add3A_10 = arith.addf %dot_general3A_5, %add3A : vector<10000x128xf32>
    %swap3A = arith.constant 0 : index
    %swap3A_11 = arith.constant 0 : index
    %swap3A_12 = vector.load %arg3[%swap3A, %swap3A_11] : memref<10000x128xf32, #tpu.memory_space<vmem>>, vector<10000x128xf32>
    tpu.vector_store %arg3[%swap3A, %swap3A_11], %add3A_10 {strides = array<i32>} : memref<10000x128xf32, #tpu.memory_space<vmem>>, vector<10000x128xf32>,
    %get3A_13 = arith.constant 1 : index
    %get3A_14 = arith.constant 0 : index
    %get3A_15 = vector.load %arg2[%get3A_13, %get3A_14] : memref<8x128xf32, #tpu.memory_space<vmem>>, vector<1x128xf32>
    %get3A_16 = vector.shape_cast %get3A_15 : vector<1x128xf32> to vector<128xf32>
    %broadcast_in_dim3A_17 = vector.shape_cast %get3A_16 : vector<128xf32> to vector<1x128xf32>
    %mul3A = vector.broadcast %broadcast_in_dim3A_17 : vector<1x128xf32> to vector<10000x128xf32>
    %mul3A_18 = arith.mulf %add3A_10, %mul3A : vector<10000x128xf32>
    %reduce_sum3A = arith.constant dense<0.000000e+00> : vector<10000xf32>
    %reduce_sum3A_19 = vector.multi_reduction <add>, %mul3A_18, %reduce_sum3A [1] : vector<10000x128xf32> to vector<10000xf32>
    %get3A_20 = arith.constant 3 : index
    %get3A_21 = arith.constant 0 : index
    %get3A_22 = vector.load %arg2[%get3A_20, %get3A_21] : memref<8x128xf32, #tpu.memory_space<vmem>>, vector<1x1xf32>
    %get3A_23 = vector.extract %get3A_22[0, 0] : f32 from vector<1x1xf32>
    %add3A_24 = vector.broadcast %get3A_23 : f32 to vector<10000xf32>
    %add3A_25 = arith.addf %reduce_sum3A_19, %add3A_24 : vector<10000xf32>
    %swap3A_26 = arith.constant 0 : index
    %swap3A_27 = vector.load %arg4[%swap3A_26] : memref<10000xf32, #tpu.memory_space<vmem>>, vector<10000xf32>
    tpu.vector_store %arg4[%swap3A_26], %add3A_25 {strides = array<i32>} : memref<10000xf32, #tpu.memory_space<vmem>>, vector<10000xf32>,
    %get3A_28 = arith.constant 2 : index
    %get3A_29 = arith.constant 0 : index
    %get3A_30 = vector.load %arg2[%get3A_28, %get3A_29] : memref<8x128xf32, #tpu.memory_space<vmem>>, vector<1x128xf32>
    %get3A_31 = vector.shape_cast %get3A_30 : vector<1x128xf32> to vector<128xf32>
    %broadcast_in_dim3A_32 = vector.shape_cast %get3A_31 : vector<128xf32> to vector<1x128xf32>
    %mul3A_33 = vector.broadcast %broadcast_in_dim3A_32 : vector<1x128xf32> to vector<10000x128xf32>
    %mul3A_34 = arith.mulf %add3A_10, %mul3A_33 : vector<10000x128xf32>
    %reduce_sum3A_35 = arith.constant dense<0.000000e+00> : vector<10000xf32>
    %reduce_sum3A_36 = vector.multi_reduction <add>, %mul3A_34, %reduce_sum3A_35 [1] : vector<10000x128xf32> to vector<10000xf32>
    %swap3A_37 = arith.constant 0 : index
    %swap3A_38 = vector.load %arg5[%swap3A_37] : memref<10000xf32, #tpu.memory_space<vmem>>, vector<10000xf32>
    tpu.vector_store %arg5[%swap3A_37], %reduce_sum3A_36 {strides = array<i32>} : memref<10000xf32, #tpu.memory_space<vmem>>, vector<10000xf32>,
    return
  }
}

module attributes {stable_mosaic.version = 14 : i64} {
  func.func @_k4_body(%arg0: memref<2x10240x128xf32, #tpu.memory_space<vmem>>, %arg1: memref<2x10240xf32, #tpu.memory_space<vmem>>, %arg2: memref<10240x128xf32, #tpu.memory_space<vmem>>) attributes {dimension_semantics = [], scalar_prefetch = 0 : i64, scratch_operands = 0 : i64, tpu.core_type = #tpu.core_type<tc>} {
    %get3A = arith.constant 0 : index
    %get3A_0 = arith.constant 0 : index
    %get3A_1 = arith.constant 0 : index
    %get3A_2 = vector.load %arg0[%get3A, %get3A_0, %get3A_1] : memref<2x10240x128xf32, #tpu.memory_space<vmem>>, vector<1x10240x128xf32>
    %get3A_3 = vector.shape_cast %get3A_2 : vector<1x10240x128xf32> to vector<10240x128xf32>
    %get3A_4 = arith.constant 1 : index
    %get3A_5 = arith.constant 0 : index
    %get3A_6 = arith.constant 0 : index
    %get3A_7 = vector.load %arg0[%get3A_4, %get3A_5, %get3A_6] : memref<2x10240x128xf32, #tpu.memory_space<vmem>>, vector<1x10240x128xf32>
    %get3A_8 = vector.shape_cast %get3A_7 : vector<1x10240x128xf32> to vector<10240x128xf32>
    %add3A = arith.addf %get3A_3, %get3A_8 : vector<10240x128xf32>
    %get3A_9 = arith.constant 0 : index
    %get3A_10 = arith.constant 0 : index
    %get3A_11 = vector.load %arg1[%get3A_9, %get3A_10] : memref<2x10240xf32, #tpu.memory_space<vmem>>, vector<1x10240xf32>
    %get3A_12 = vector.shape_cast %get3A_11 : vector<1x10240xf32> to vector<10240xf32>
    %get3A_13 = arith.constant 1 : index
    %get3A_14 = arith.constant 0 : index
    %get3A_15 = vector.load %arg1[%get3A_13, %get3A_14] : memref<2x10240xf32, #tpu.memory_space<vmem>>, vector<1x10240xf32>
    %get3A_16 = vector.shape_cast %get3A_15 : vector<1x10240xf32> to vector<10240xf32>
    %add3A_17 = arith.addf %get3A_12, %get3A_16 : vector<10240xf32>
    %broadcast_in_dim3A = vector.shape_cast %add3A_17 : vector<10240xf32> to vector<10240x1xf32>
    %div3A = vector.broadcast %broadcast_in_dim3A : vector<10240x1xf32> to vector<10240x128xf32>
    %div3A_18 = arith.divf %add3A, %div3A : vector<10240x128xf32>
    %gt3A = arith.constant 0.000000e+00 : f32
    %gt3A_19 = vector.broadcast %gt3A : f32 to vector<10240x128xf32>
    %gt3A_20 = arith.cmpf ogt, %div3A_18, %gt3A_19 : vector<10240x128xf32>
    %exp3A = math.exp %div3A_18 : vector<10240x128xf32>
    %sub3A = arith.constant 1.000000e+00 : f32
    %sub3A_21 = vector.broadcast %sub3A : f32 to vector<10240x128xf32>
    %sub3A_22 = arith.subf %exp3A, %sub3A_21 : vector<10240x128xf32>
    %select_n3A = arith.select %gt3A_20, %div3A_18, %sub3A_22 : vector<10240x128xi1>, vector<10240x128xf32>
    %swap3A = arith.constant 0 : index
    %swap3A_23 = arith.constant 0 : index
    %swap3A_24 = vector.load %arg2[%swap3A, %swap3A_23] : memref<10240x128xf32, #tpu.memory_space<vmem>>, vector<10240x128xf32>
    tpu.vector_store %arg2[%swap3A, %swap3A_23], %select_n3A {strides = array<i32>} : memref<10240x128xf32, #tpu.memory_space<vmem>>, vector<10240x128xf32>,
    return
  }
}

</mosaic_0001>

<sc_bundles>
// kernel: kernel.6.cloned.1.call-start
scs
__scs_entry_jumppad:
0x0: {  	(pc) =	sbr.rel $0x88, $3  }
0x1: {  	(tag) =	ssettag $0x0;
	lr =	simm.s32 $0x1  }
0x2: {  	[smem:$0x3F9B] =	sst lr;
	_ =	strace $0xD0000000  }
0x3: {  	_ = 	snop  }
0x4: {  	_ = 	snop  }
0x5: {  	_ = 	snop  }
0x6: {  	_ = 	snop  }
0x7: {  	_ = 	snop  }
__scs_overlays_trampoline_lowered:
0x8: {  	[smem:$0x3FAA] =	sst s0  }
0x9: {  	[smem:$0x3FAB] =	sst s1  }
0xa: {  	[smem:$0x3FAC] =	sst s2  }
0xb: {  	[smem:$0x3FAD] =	sst s3  }
0xc: {  	[smem:$0x3FAE] =	sst s4  }
0xd: {  	[smem:$0x3FAF] =	sst s5  }
0xe: {  	[smem:$0x3FB0] =	sst s6  }
0xf: {  	[smem:$0x3FB1] =	sst s7  }
0x10: {  	[smem:$0x3FB2] =	sst s8  }
0x11: {  	[smem:$0x3FB3] =	sst s9;
	s0 =	simm.s32 @!p0 $0x0  }
0x12: {  	s1 =	sld [smem:$0x3F99];
	s0 =	simm.s32 @p0 $0x1  }
0x13: {  	[smem:$0x3FB4] =	sst s0;
	s0 =	simm.s32 @!p1 $0x0  }
0x14: {  	s2 =	sld [smem:$0x3F98];
	s0 =	simm.s32 @p1 $0x1  }
0x15: {  	[smem:$0x3FB5] =	sst s0;
	s0 =	simm.s32 @!p2 $0x0  }
0x16: {  	s3 =	sld [smem:$0x3FDB];
	s0 =	simm.s32 @p2 $0x1  }
0x17: {  	s4 =	simm.s32 $0x1BF5;
	[smem:$0x3FB7] =	sst s0  }
0x18: {  	s0 =	sld [smem:$0x3F9A];
	_ =	swait.ge [sflag:s4], $0x0  }
0x19: {  	s7 =	sld [smem:$0x3F9B]  }
0x1a: {  	s8 =	sadd.s32 $0xFFFFE003, lr  }
0x1b: {  	s9 =	sadd.s32 $0xFFFFFEF7, lr;
	s5 =	simm.s32 $0xFFFFFFFF;
	p2 =	slt.u32 s8, $0xFFFFF086  }
0x1c: {  	p1 =	slt.u32 s9, $0xF7A;
	s5 =	simm.s32 @!p2 $0x0  }
0x1d: {  	s5 =	simm.s32 @p1 $0x1;
	p0 =	seq.s32 s7, s2  }
0x1e: {  	s7 =	smul.u32 @!p0 $0xF7A, s2;
	p2 =	seq.s32 @!p0 s5, $0x0  }
0x1f: {  	s9 =	smul.u32 $0xF7A, s1;
	s8 =	simm.s32 @!p0 $0x1BF5;
	p2 =	por !p2, p0  }
0x20: {  	[sflag:s8] =	ssyncset.s32 @!p0 $0xFFFFF086;
	s6 =	sadd.s32 @!p0 s3, s7;
	s7 =	simm.s32 @!p0 $0x108  }
0x21: {  	s3 =	sadd.s32 s3, s9;
	s6 =	sadd.s32 @!p0 $0x88, s6;
	s7 =	simm.s32 @p2 $0x1082  }
0x22: {  	[simem:s7], [sflag:s8] =	dma.local @!p0 [hbm:s6], $0xF7A  }
0x23: {  	s9 =	sor.u32 $0xD0000000, s2;
	s6 =	simm.s32 $0x108;
	_ =	swait.ge @!p0 [sflag:s8], $0x0  }
0x24: {  	s3 =	sadd.s32 $0x88, s3;
	s6 =	simm.s32 @!p1 $0x1082;
	[sflag:s4] =	ssyncset.s32 $0xFFFFF086  }
0x25: {  	[simem:s6], [sflag:s4] =	dma.local [hbm:s3], $0xF7A  }
0x26: {  	[smem:$0x3F9B] =	sst s1;
	(tag) =	ssettag s2;
	_ =	strace s9  }
0x27: {  	s1 =	sld [smem:$0x3FAB]  }
0x28: {  	s2 =	sld [smem:$0x3FAC]  }
0x29: {  	s4 =	sld [smem:$0x3FAE]  }
0x2a: {  	p0 =	seq.s32 s5, $0x0;
	s5 =	sld [smem:$0x3FAF]  }
0x2b: {  	s6 =	sld [smem:$0x3FB0]  }
0x2c: {  	s7 =	sld [smem:$0x3FB1]  }
0x2d: {  	s3 =	simm.s32 $0x108;
	s8 =	sld [smem:$0x3FB2]  }
0x2e: {  	s3 =	simm.s32 @!p0 $0x1082;
	s9 =	sld [smem:$0x3FB3]  }
0x2f: {  	lr =	sadd.s32 s0, s3;
	s0 =	sld [smem:$0x3FAA]  }
0x30: {  	s3 =	sld [smem:$0x3FAD]  }
0x31: {  	[smem:$0x3FB6] =	sst s10  }
0x32: {  	s10 =	sld [smem:$0x3FB4];
	_ =	sdelay $0x3  }
0x33: {  	p0 =	seq.s32 s10, $0x1;
	s10 =	sld [smem:$0x3FB6];
	_ =	sdelay $0x3  }
0x34: {  	[smem:$0x3FB6] =	sst s10  }
0x35: {  	s10 =	sld [smem:$0x3FB5];
	_ =	sdelay $0x3  }
0x36: {  	p1 =	seq.s32 s10, $0x1;
	s10 =	sld [smem:$0x3FB6];
	_ =	sdelay $0x3  }
0x37: {  	[smem:$0x3FB6] =	sst s10  }
0x38: {  	s10 =	sld [smem:$0x3FB7]  }
0x39: {  	_ = 	snop;
	(pc) =	sbr.ind lr, $3  }
0x3a: {  	_ = 	snop  }
0x3b: {  	_ = 	snop  }
0x3c: {  	p2 =	seq.s32 s10, $0x1;
	s10 =	sld [smem:$0x3FB6]  }
0x3d: {  	_ =	shalt  }
0x3e: {  	_ =	shalt  }
0x3f: {  	_ =	shalt  }
0x40: {  	_ =	shalt  }
0x41: {  	_ =	shalt  }
0x42: {  	_ =	shalt  }
0x43: {  	_ =	shalt  }
0x44: {  	_ =	shalt  }
0x45: {  	_ =	shalt  }
0x46: {  	_ =	shalt  }
0x47: {  	_ =	shalt  }
0x48: {  	_ =	shalt  }
0x49: {  	_ =	shalt  }
0x4a: {  	_ =	shalt  }
0x4b: {  	_ =	shalt  }
0x4c: {  	_ =	shalt  }
0x4d: {  	_ =	shalt  }
0x4e: {  	_ =	shalt  }
0x4f: {  	_ =	shalt  }
0x50: {  	_ =	shalt  }
0x51: {  	_ =	shalt  }
0x52: {  	_ =	shalt  }
0x53: {  	_ =	shalt  }
0x54: {  	_ =	shalt  }
0x55: {  	_ =	shalt  }
0x56: {  	_ =	shalt  }
0x57: {  	_ =	shalt  }
0x58: {  	_ =	shalt  }
0x59: {  	_ =	shalt  }
0x5a: {  	_ =	shalt  }
0x5b: {  	_ =	shalt  }
0x5c: {  	_ =	shalt  }
0x5d: {  	_ =	shalt  }
0x5e: {  	_ =	shalt  }
0x5f: {  	_ =	shalt  }
0x60: {  	_ =	shalt  }
0x61: {  	_ =	shalt  }
0x62: {  	_ =	shalt  }
0x63: {  	_ =	shalt  }
0x64: {  	_ =	shalt  }
0x65: {  	_ =	shalt  }
0x66: {  	_ =	shalt  }
0x67: {  	_ =	shalt  }
0x68: {  	_ =	shalt  }
0x69: {  	_ =	shalt  }
0x6a: {  	_ =	shalt  }
0x6b: {  	_ =	shalt  }
0x6c: {  	_ =	shalt  }
0x6d: {  	_ =	shalt  }
0x6e: {  	_ =	shalt  }
0x6f: {  	_ =	shalt  }
0x70: {  	_ =	shalt  }
0x71: {  	_ =	shalt  }
0x72: {  	_ =	shalt  }
0x73: {  	_ =	shalt  }
0x74: {  	_ =	shalt  }
0x75: {  	_ =	shalt  }
0x76: {  	_ =	shalt  }
0x77: {  	_ =	shalt  }
0x78: {  	_ =	shalt  }
0x79: {  	_ =	shalt  }
0x7a: {  	_ =	shalt  }
0x7b: {  	_ =	shalt  }
0x7c: {  	_ =	shalt  }
0x7d: {  	_ =	shalt  }
0x7e: {  	_ =	shalt  }
0x7f: {  	_ =	shalt  }
0x80: {  	_ =	shalt  }
0x81: {  	_ =	shalt  }
0x82: {  	_ =	shalt  }
0x83: {  	_ =	shalt  }
0x84: {  	_ =	shalt  }
0x85: {  	_ =	shalt  }
0x86: {  	_ =	shalt  }
0x87: {  	_ =	shalt  }
.Lfunc_end0:
.L_simem_size_0:
called_computation_lowered:
.L_overlay_start_0:
0x88: {  	s2 =	sld [smem:$0x3FD9]  }
0x89: {  	s3 =	sld [smem:$0x3FFE];
	_ =	sdelay $0x1  }
0x8a: {  	s1 =	srdreg.scid  }
0x8b: {  	s0 =	sand.u32 $0x1, s1  }
0x8c: {  	s16 =	sshll.u32 s0, $0xA;
	s2 =	sadd.s32 s3, s2  }
0x8d: {  	s2 =	sadd.s32 s2, s16  }
0x8e: {  	[smem:$0x3FC2] =	sst s2  }
0x8f: {  	_ = 	snop  }
0x90: {  	(tm) =	ssettm $0x1  }
0x91: {  	s17 =	sld [smem:$0x3FFB];
	_ =	sdelay $0x3  }
0x92: {  	_ =	strace s17  }
0x93: {  	s2 =	sld [smem:$0x3FFC];
	_ =	sdelay $0x3  }
0x94: {  	_ =	strace s2  }
0x95: {  	s2 =	sld [smem:$0x3FFD];
	_ =	sdelay $0x3  }
0x96: {  	_ =	strace s2  }
0x97: {  	_ =	strace $0x8FFFFFFF  }
0x98: {  	s18 =	sld [smem:$0x3FDB];
	_ =	sdelay $0x1  }
0x99: {  	s19 =	simm.s32 $_scs_section_size  }
0x9a: {  	s4 =	simm.s32 $_size__tile_overlayer_lowered;
	s5 =	simm.s32 $_tile_overlayer_lowered  }
0x9b: {  	s22 =	simm.s32 $0x1BFF;
	s21 =	sshll.u32 s5, $0x1;
	s2 =	sadd.s32 s19, s18  }
0x9c: {  	s6 =	simm.s32 $0x0;
	s20 =	sshll.u32 s4, $0x1;
	s4 =	sadd.s32 s21, s2  }
0x9d: {  	[timem:s6], [sflag:s22] =	dma.local [hbm:s4], s20  }
0x9e: {  	_ =	swait.ge [sflag:s22], s20  }
0x9f: {  	s3 =	ssub.s32 $0x0, s20;
	[sflag:s22] =	ssyncset.done $0x0  }
0xa0: {  	[sflag:s22] =	ssyncadd.s32 s3;
	_ =	sdelay $0x1  }
0xa1: {  	s23 =	simm.s32 $0x1B8B  }
0xa2: {  	_ =	swait.ge [sflag:s23], $0x1  }
0xa3: {  	[sflag:s23] =	ssyncset.done $0x0  }
0xa4: {  	s25 =	simm.s32 $0x1B8E;
	s24 =	sld [smem:$0x3FFE];
	[sflag:s23] =	ssyncadd.s32 $0xFFFFFFFF  }
0xa5: {  	s26 =	simm.s32 $execute0_lowered;
	[smem:$0x3FD2] =	sst s25  }
0xa6: {  	s4 =	sshll.u32 s26, $0x1;
	_ =	strace $0x80000046;
	[dreg:$0x1] =	wrdreg $0xFFFFFFFF  }
0xa7: {  	s28 =	simm.s32 $_size_execute0_lowered;
	s2 =	sadd.s32 s2, s4;
	[dreg:$0x0] =	wrdreg $0x0  }
0xa8: {  	s4 =	sshll.u32 s28, $0x1;
	[dreg:$0x2] =	wrdreg s2  }
0xa9: {  	[dreg:$0x3] =	wrdreg s4  }
0xaa: {  	[dreg:$0x4] =	wrdreg $0xC0  }
0xab: {  	_ =	task [dreg:s6], $0x5FFFF  }
0xac: {  	[dreg:$0x1] =	wrdreg $0xFFFFFFFF  }
0xad: {  	[dreg:$0x0] =	wrdreg $0x60  }
0xae: {  	[dreg:$0x2] =	wrdreg s24  }
0xaf: {  	[dreg:$0x3] =	wrdreg $0x9  }
0xb0: {  	_ =	task.clear_ibuf [dreg:s6], $0x4FFFF;
	_ =	strace $0x90000046  }
0xb1: {  	s29 =	simm.s32 $0x9;
	_ =	strace $0x80000048  }
0xb2: {  	_ =	swait.ge [sflag:s29], $0x1  }
0xb3: {  	[sflag:s29] =	ssyncadd.s32 $0xFFFFFFFF  }
0xb4: {  	_ =	strace $0x90000048  }
0xb5: {  	_ =	sfence  }
0xb6: {  	s30 =	sld [smem:$0x0];
	_ =	sdelay $0x2  }
0xb7: {  	s31 =	sshll.u32 s1, $0xD;
	s1 =	sshrl.u32 s1, $0x2  }
0xb8: {  	s3 =	sand.u32 $0x4000, s31;
	s1 =	sadd.s32 s1, s30  }
0xb9: {  	s0 =	sor.u32 s3, s0;
	s1 =	sshll.u32 s1, $0x11  }
0xba: {  	s0 =	sor.u32 s1, s0  }
0xbb: {  	s0 =	sadd.s32 $0x8F2B, s0  }
0xbc: {  	[sflag:s0] =	ssyncadd.remote.s32 $0x1  }
0xbd: {  	_ =	sfence.sel $0xFFFF  }
0xbe: {  	[dreg:$0x0] =	wrdreg $0xFFFFFFFF;
	(pc) =	sbr.abs _section_cstart, $3  }
0xbf: {  	[dreg:$0x1] =	wrdreg $0xFFFFFFFF  }
0xc0: {  	_ =	task.clear_ibuf [dreg:s6], $0x2FFFF;
	_ =	strace $0x9FFFFFFF  }
0xc1: {  	(tm) =	ssettm $0x7FFFFFFF  }
tec
execute0_lowered:
.L_overlay_start_1:
0x0: {  	(tag) =	ssettag $0x1  }
0x1: {  	s5 =	rddreg [dreg:$0x0]  }
0x2: {  	s0 =	stileid.u32;
	s2 =	srdreg.scid  }
0x3: {  	s1 =	rddreg [dreg:$0x1];
	s10 =	simm.s32 $0x2;
	s11 =	simm.s32 $0x3000  }
0x4: {  	s12 =	simm.s32 $0x80;
	s13 =	simm.s32 $0x1;
	s3 =	smul.u32 $0x2100, s0  }
0x5: {  	s14 =	simm.s32 $0x0;
	s4 =	sand.u32 $0x1, s2;
	s6 =	smul.u32 $0x3000, s0  }
0x6: {  	s2 =	simm.s32 $0x0;
	p0 =	seq.s32 s4, $0x0;
	s3 =	sadd.s32 $0x30000, s3  }
0x7: {  	[smem:$0x7FF] =	sst s2;
	s7 =	ssub.s32 $0x2, s4;
	s3 =	smov.u32 @p0 s6  }
0x8: {  	s4 =	simm.s32 $0x60;
	_ =	strace $0x80000047;
	s6 =	sshrl.u32 s3, $0x3  }
0x9: {  	s31 =	sshrl.u32 s7, $0x1;
	s4 =	simm.s32 @!p0 $0x42;
	s8 =	sadd.s32 s6, s5  }
0xa: {  	s9 =	ssub.s32 s7, s31;
	s5 =	sadd.s32 $0x16000, s5;
	s6 =	sadd.s32 $0xBC00, s8  }
0xb: {  	v0 =	vlaneseq.u32;
	s7 =	sadd.s32 $0x1800, s8;
	s8 =	smax.u32 s9, $0x1;
	s9 =	sshll.u32 s4, $0x7  }
.LBB2_1:
0xc: {  	[tilespmem:s2], [sflag:$0x2] =	stream.linear.gather [hbm4b:s6+s2], $0x3000, $0x38;
	[tilespmem:$0xC000] =	vst v63  }
0xd: {  	_ =	swait.ge [sflag:s10], $0x3000  }
0xe: {  	[sflag:s10] =	ssyncset.done $0x0  }
0xf: {  	[sflag:s10] =	ssyncadd.s32 $0xFFFFD000  }
0x10: {  	[tilespmem:s11], [sflag:$0x2] =	stream.linear.gather [hbm4b:s7+s2], $0x3000, $0x38;
	[tilespmem:$0xC000] =	vst v63  }
0x11: {  	_ =	swait.ge [sflag:s10], $0x3000  }
0x12: {  	[sflag:s10] =	ssyncset.done $0x0  }
0x13: {  	s17 =	simm.s32 $0x40;
	[sflag:s10] =	ssyncadd.s32 $0xFFFFD000  }
0x14: {  	v1 =	vld [tilespmem:s17+$0xFFFFFFC0]  }
0x15: {  	s18 =	simm.s32 $0x3040  }
0x16: {  	v2 =	vld [tilespmem:s18+$0xFFFFFFC0];
	_ =	sdelay $0x2  }
0x17: {  	v1 =	vmul.u32 $0x2710, v1;
	_ =	sdelay $0x1  }
0x18: {  	s15 =	simm.s32 $0x6040;
	s19 =	sadd.s32 $0x0, s3;
	v1 =	vadd.s32 v2, v1  }
0x19: {  	s16 =	simm.s32 $0x9040;
	[tilespmem:s15+$0xFFFFFFC0] =	vst v1;
	v1 =	vor.u32 s19, v0  }
0x1a: {  	[tilespmem:s16+$0xFFFFFFC0] =	vst v1  }
0x1b: {  	v1 =	vld [tilespmem:s17+$0xFFFFFFD0];
	_ =	sdelay $0x1  }
0x1c: {  	v2 =	vld [tilespmem:s18+$0xFFFFFFD0];
	_ =	sdelay $0x2  }
0x1d: {  	v1 =	vmul.u32 $0x2710, v1;
	_ =	sdelay $0x1  }
0x1e: {  	s20 =	sadd.s32 $0x10, s19;
	v1 =	vadd.s32 v2, v1  }
0x1f: {  	[tilespmem:s15+$0xFFFFFFD0] =	vst v1;
	v1 =	vor.u32 s20, v0  }
0x20: {  	[tilespmem:s16+$0xFFFFFFD0] =	vst v1  }
0x21: {  	v1 =	vld [tilespmem:s17+$0xFFFFFFE0];
	_ =	sdelay $0x1  }
0x22: {  	v2 =	vld [tilespmem:s18+$0xFFFFFFE0];
	_ =	sdelay $0x2  }
0x23: {  	v1 =	vmul.u32 $0x2710, v1;
	_ =	sdelay $0x1  }
0x24: {  	s25 =	sadd.s32 $0x20, s19;
	v1 =	vadd.s32 v2, v1  }
0x25: {  	[tilespmem:s15+$0xFFFFFFE0] =	vst v1;
	v1 =	vor.u32 s25, v0  }
0x26: {  	[tilespmem:s16+$0xFFFFFFE0] =	vst v1  }
0x27: {  	v1 =	vld [tilespmem:s17+$0xFFFFFFF0];
	_ =	sdelay $0x1  }
0x28: {  	v2 =	vld [tilespmem:s18+$0xFFFFFFF0];
	_ =	sdelay $0x2  }
0x29: {  	v1 =	vmul.u32 $0x2710, v1;
	_ =	sdelay $0x1  }
0x2a: {  	s26 =	sadd.s32 $0x30, s19;
	v1 =	vadd.s32 v2, v1  }
0x2b: {  	[tilespmem:s15+$0xFFFFFFF0] =	vst v1;
	v1 =	vor.u32 s26, v0  }
0x2c: {  	[tilespmem:s16+$0xFFFFFFF0] =	vst v1  }
0x2d: {  	v1 =	vld [tilespmem:s17+$0x0];
	_ =	sdelay $0x1  }
0x2e: {  	v2 =	vld [tilespmem:s18+$0x0];
	_ =	sdelay $0x2  }
0x2f: {  	v1 =	vmul.u32 $0x2710, v1;
	_ =	sdelay $0x1  }
0x30: {  	s28 =	sadd.s32 $0x40, s19;
	v1 =	vadd.s32 v2, v1  }
0x31: {  	[tilespmem:s15+$0x0] =	vst v1;
	v1 =	vor.u32 s28, v0  }
0x32: {  	[tilespmem:s16+$0x0] =	vst v1  }
0x33: {  	v1 =	vld [tilespmem:s17+$0x10];
	_ =	sdelay $0x1  }
0x34: {  	v2 =	vld [tilespmem:s18+$0x10];
	_ =	sdelay $0x2  }
0x35: {  	v1 =	vmul.u32 $0x2710, v1;
	_ =	sdelay $0x1  }
0x36: {  	s29 =	sadd.s32 $0x50, s19;
	v1 =	vadd.s32 v2, v1  }
0x37: {  	[tilespmem:s15+$0x10] =	vst v1;
	v1 =	vor.u32 s29, v0  }
0x38: {  	[tilespmem:s16+$0x10] =	vst v1  }
0x39: {  	v1 =	vld [tilespmem:s17+$0x20];
	_ =	sdelay $0x1  }
0x3a: {  	v2 =	vld [tilespmem:s18+$0x20];
	_ =	sdelay $0x2  }
0x3b: {  	v1 =	vmul.u32 $0x2710, v1;
	_ =	sdelay $0x1  }
0x3c: {  	s30 =	sadd.s32 $0x60, s19;
	v1 =	vadd.s32 v2, v1  }
0x3d: {  	[tilespmem:s15+$0x20] =	vst v1;
	v1 =	vor.u32 s30, v0  }
0x3e: {  	[tilespmem:s16+$0x20] =	vst v1  }
0x3f: {  	v1 =	vld [tilespmem:s17+$0x30];
	_ =	sdelay $0x1  }
0x40: {  	v2 =	vld [tilespmem:s18+$0x30]  }
0x41: {  	p0 =	sne.s32 s9, $0x80  }
.Ltmp0:
0x42: {  	_ = 	snop;
	(pc) =	sbr.rel @!p0 .LBB2_3-.Ltmp0, $3  }
0x43: {  	v1 =	vmul.u32 $0x2710, v1;
	_ =	sdelay $0x1  }
0x44: {  	s31 =	sadd.s32 $0x70, s19;
	v1 =	vadd.s32 v2, v1  }
0x45: {  	s19 =	simm.s32 $0x30C0;
	s17 =	simm.s32 $0x80;
	s18 =	simm.s32 $0xC0;
	[tilespmem:s15+$0x30] =	vst v1;
	v1 =	vor.u32 s31, v0  }
.LBB2_2:
0x46: {  	s15 =	sadd.s32 $0x80, s15  }
0x47: {  	[tilespmem:s16+$0x30] =	vst v1;
	s16 =	sadd.s32 $0x80, s16;
	s20 =	smov.u32 s17;
	s17 =	sadd.s32 $0x80, s17  }
0x48: {  	v1 =	vld [tilespmem:s18+$0xFFFFFFC0];
	p0 =	sne.s32 s9, s17;
	_ =	sdelay $0x1  }
0x49: {  	v2 =	vld [tilespmem:s19+$0xFFFFFFC0];
	_ =	sdelay $0x2  }
0x4a: {  	v1 =	vmul.u32 $0x2710, v1;
	_ =	sdelay $0x1  }
0x4b: {  	s20 =	sadd.s32 s20, s3;
	v1 =	vadd.s32 v2, v1  }
0x4c: {  	s24 =	sadd.s32 $0x10, s20;
	s25 =	sadd.s32 $0x20, s20;
	s26 =	sadd.s32 $0x30, s20;
	[tilespmem:s15+$0xFFFFFFC0] =	vst v1;
	v1 =	vor.u32 s20, v0  }
0x4d: {  	s23 =	sadd.s32 $0x40, s20;
	s22 =	sadd.s32 $0x50, s20;
	s21 =	sadd.s32 $0x60, s20;
	[tilespmem:s16+$0xFFFFFFC0] =	vst v1  }
0x4e: {  	s20 =	sadd.s32 $0x70, s20;
	v1 =	vld [tilespmem:s18+$0xFFFFFFD0];
	_ =	sdelay $0x1  }
0x4f: {  	v2 =	vld [tilespmem:s19+$0xFFFFFFD0];
	_ =	sdelay $0x2  }
0x50: {  	v1 =	vmul.u32 $0x2710, v1;
	_ =	sdelay $0x1  }
0x51: {  	v1 =	vadd.s32 v2, v1  }
0x52: {  	[tilespmem:s15+$0xFFFFFFD0] =	vst v1;
	v1 =	vor.u32 s24, v0  }
0x53: {  	[tilespmem:s16+$0xFFFFFFD0] =	vst v1  }
0x54: {  	v1 =	vld [tilespmem:s18+$0xFFFFFFE0];
	_ =	sdelay $0x1  }
0x55: {  	v2 =	vld [tilespmem:s19+$0xFFFFFFE0];
	_ =	sdelay $0x2  }
0x56: {  	v1 =	vmul.u32 $0x2710, v1;
	_ =	sdelay $0x1  }
0x57: {  	v1 =	vadd.s32 v2, v1  }
0x58: {  	[tilespmem:s15+$0xFFFFFFE0] =	vst v1;
	v1 =	vor.u32 s25, v0  }
0x59: {  	[tilespmem:s16+$0xFFFFFFE0] =	vst v1  }
0x5a: {  	v1 =	vld [tilespmem:s18+$0xFFFFFFF0];
	_ =	sdelay $0x1  }
0x5b: {  	v2 =	vld [tilespmem:s19+$0xFFFFFFF0];
	_ =	sdelay $0x2  }
0x5c: {  	v1 =	vmul.u32 $0x2710, v1;
	_ =	sdelay $0x1  }
0x5d: {  	v1 =	vadd.s32 v2, v1  }
0x5e: {  	[tilespmem:s15+$0xFFFFFFF0] =	vst v1;
	v1 =	vor.u32 s26, v0  }
0x5f: {  	[tilespmem:s16+$0xFFFFFFF0] =	vst v1  }
0x60: {  	v1 =	vld [tilespmem:s18+$0x0];
	_ =	sdelay $0x1  }
0x61: {  	v2 =	vld [tilespmem:s19+$0x0];
	_ =	sdelay $0x2  }
0x62: {  	v1 =	vmul.u32 $0x2710, v1;
	_ =	sdelay $0x1  }
0x63: {  	v1 =	vadd.s32 v2, v1  }
0x64: {  	[tilespmem:s15+$0x0] =	vst v1;
	v1 =	vor.u32 s23, v0  }
0x65: {  	[tilespmem:s16+$0x0] =	vst v1  }
0x66: {  	v1 =	vld [tilespmem:s18+$0x10]  }
0x67: {  	v2 =	vld [tilespmem:s19+$0x10];
	_ =	sdelay $0x3  }
0x68: {  	v1 =	vmul.u32 $0x2710, v1;
	_ =	sdelay $0x1  }
0x69: {  	v1 =	vadd.s32 v2, v1  }
0x6a: {  	[tilespmem:s15+$0x10] =	vst v1;
	v1 =	vor.u32 s22, v0  }
0x6b: {  	[tilespmem:s16+$0x10] =	vst v1  }
0x6c: {  	v1 =	vld [tilespmem:s18+$0x20]  }
0x6d: {  	v2 =	vld [tilespmem:s19+$0x20];
	_ =	sdelay $0x3  }
0x6e: {  	v1 =	vmul.u32 $0x2710, v1;
	_ =	sdelay $0x1  }
0x6f: {  	v1 =	vadd.s32 v2, v1  }
0x70: {  	[tilespmem:s15+$0x20] =	vst v1;
	v1 =	vor.u32 s21, v0  }
0x71: {  	[tilespmem:s16+$0x20] =	vst v1  }
0x72: {  	v1 =	vld [tilespmem:s18+$0x30]  }
0x73: {  	v2 =	vld [tilespmem:s19+$0x30];
	_ =	sdelay $0x2  }
.Ltmp1:
0x74: {  	(pc) =	sbr.rel @p0 .LBB2_2-.Ltmp1, $3  }
0x75: {  	v1 =	vmul.u32 $0x2710, v1;
	_ =	sdelay $0x1  }
0x76: {  	v1 =	vadd.s32 v2, v1  }
0x77: {  	s18 =	sadd.s32 $0x80, s18;
	s19 =	sadd.s32 $0x80, s19;
	[tilespmem:s15+$0x30] =	vst v1;
	v1 =	vor.u32 s20, v0  }
.LBB2_3:
0x78: {  	p0 =	sne.s32 s4, $0x1  }
.Ltmp2:
0x79: {  	_ = 	snop;
	(pc) =	sbr.rel @!p0 .LBB2_5-.Ltmp2, $4  }
0x7a: {  	[tilespmem:s16+$0x30] =	vst v1;
	s15 =	simm.s32 $0x9000;
	s16 =	simm.s32 $0x6000  }
0x7b: {  	[hbm4b:s5+s12] =	stream.indirect.scatter [tilespmem:s15], [sflag:$0x1], $0x1, s16, s12, $0xb8;
	[tilespmem:$0xC000] =	vst v63  }
0x7c: {  	_ =	swait.ge [sflag:s13], $0x80  }
0x7d: {  	s17 =	sadd.s32 $0xFFFFFFFF, s4;
	[sflag:s13] =	ssyncset.done $0x0  }
.LBB2_4:
0x7e: {  	[sflag:s13] =	ssyncadd.s32 $0xFFFFFF80  }
0x7f: {  	s15 =	sadd.s32 $0x80, s15;
	s16 =	sadd.s32 $0x80, s16;
	p0 =	sne.s32 s17, $0x1  }
.Ltmp3:
0x80: {  	s17 =	sadd.s32 $0xFFFFFFFF, s17;
	(pc) =	sbr.rel @p0 .LBB2_4-.Ltmp3, $4  }
0x81: {  	_ = 	snop  }
0x82: {  	[hbm4b:s5+s12] =	stream.indirect.scatter [tilespmem:s15], [sflag:$0x1], $0x1, s16, s12, $0xb8;
	[tilespmem:$0xC000] =	vst v63  }
0x83: {  	_ =	swait.ge [sflag:s13], $0x80  }
0x84: {  	[sflag:s13] =	ssyncset.done $0x0  }
.LBB2_5:
0x85: {  	s14 =	sadd.s32 $0x1, s14  }
0x86: {  	p0 =	sne.s32 s14, s8  }
.Ltmp4:
0x87: {  	_ = 	snop;
	(pc) =	sbr.rel @p0 .LBB2_1-.Ltmp4, $2  }
0x88: {  	_ =	sdelay $0x2  }
0x89: {  	[sflag:s13] =	ssyncadd.s32 $0xFFFFFF80  }
0x8a: {  	_ =	sfence.sel $0x180000  }
0x8b: {  	[bflag:$0x0] =	sbarrier.arrive $0xFFFF  }
0x8c: {  	p0 =	sne.s32 s0, $0x0;
	_ =	strace $0x90000047  }
0x8d: {  	s0 =	sadd.s32 @!p0 $0x100000, s1;
	[bflag:$0x2] =	sbarrier.arrive $0xFFFF  }
0x8e: {  	[sflag:s0] =	ssyncadd.tile.s32 @!p0 $0x1;
	_ =	shalt  }
.Lfunc_end2:
_tile_overlayer_lowered:
.L_overlay_start_2:
0x8f: {  	(tag) =	ssettag $0x2  }
0x90: {  	s0 =	rddreg [dreg:$0x0];
	s2 =	stileid.u32  }
0x91: {  	s1 =	rddreg [dreg:$0x1];
	p0 =	sne.s32 s2, $0x0  }
0x92: {  	s3 =	rddreg [dreg:$0x2];
	[bflag:$0x3] =	sbarrier.arrive $0xFFFF;
	s2 =	simm.s32 @!p0 $0x1C02  }
0x93: {  	[timem:s3], [sflag:s2] =	dma.local @!p0 [hbm:s0], s1  }
0x94: {  	s0 =	simm.s32 @!p0 $0x2  }
0x95: {  	_ =	swait.ge @!p0 [sflag:s0], s1  }
0x96: {  	s1 =	ssub.s32 @!p0 $0x0, s1;
	[sflag:s0] =	ssyncset.done @!p0 $0x0  }
0x97: {  	[sflag:s0] =	ssyncadd.s32 @!p0 s1  }
0x98: {  	[bflag:$0x3] =	sbarrier.arrive $0xFFFF  }
0x99: {  	_ =	shalt  }

// kernel: kernel.9.cloned.1.call-start
scs
__scs_entry_jumppad:
0x0: {  	(pc) =	sbr.rel $0x88, $3  }
0x1: {  	(tag) =	ssettag $0x0;
	lr =	simm.s32 $0x1  }
0x2: {  	[smem:$0x3F9B] =	sst lr;
	_ =	strace $0xD0000000  }
0x3: {  	_ = 	snop  }
0x4: {  	_ = 	snop  }
0x5: {  	_ = 	snop  }
0x6: {  	_ = 	snop  }
0x7: {  	_ = 	snop  }
__scs_overlays_trampoline_lowered:
0x8: {  	[smem:$0x3FAA] =	sst s0  }
0x9: {  	[smem:$0x3FAB] =	sst s1  }
0xa: {  	[smem:$0x3FAC] =	sst s2  }
0xb: {  	[smem:$0x3FAD] =	sst s3  }
0xc: {  	[smem:$0x3FAE] =	sst s4  }
0xd: {  	[smem:$0x3FAF] =	sst s5  }
0xe: {  	[smem:$0x3FB0] =	sst s6  }
0xf: {  	[smem:$0x3FB1] =	sst s7  }
0x10: {  	[smem:$0x3FB2] =	sst s8  }
0x11: {  	[smem:$0x3FB3] =	sst s9;
	s0 =	simm.s32 @!p0 $0x0  }
0x12: {  	s1 =	sld [smem:$0x3F99];
	s0 =	simm.s32 @p0 $0x1  }
0x13: {  	[smem:$0x3FB4] =	sst s0;
	s0 =	simm.s32 @!p1 $0x0  }
0x14: {  	s2 =	sld [smem:$0x3F98];
	s0 =	simm.s32 @p1 $0x1  }
0x15: {  	[smem:$0x3FB5] =	sst s0;
	s0 =	simm.s32 @!p2 $0x0  }
0x16: {  	s3 =	sld [smem:$0x3FDB];
	s0 =	simm.s32 @p2 $0x1  }
0x17: {  	s4 =	simm.s32 $0x1BF5;
	[smem:$0x3FB7] =	sst s0  }
0x18: {  	s0 =	sld [smem:$0x3F9A];
	_ =	swait.ge [sflag:s4], $0x0  }
0x19: {  	s7 =	sld [smem:$0x3F9B]  }
0x1a: {  	s8 =	sadd.s32 $0xFFFFE003, lr  }
0x1b: {  	s9 =	sadd.s32 $0xFFFFFEF7, lr;
	s5 =	simm.s32 $0xFFFFFFFF;
	p2 =	slt.u32 s8, $0xFFFFF086  }
0x1c: {  	p1 =	slt.u32 s9, $0xF7A;
	s5 =	simm.s32 @!p2 $0x0  }
0x1d: {  	s5 =	simm.s32 @p1 $0x1;
	p0 =	seq.s32 s7, s2  }
0x1e: {  	s7 =	smul.u32 @!p0 $0xF7A, s2;
	p2 =	seq.s32 @!p0 s5, $0x0  }
0x1f: {  	s9 =	smul.u32 $0xF7A, s1;
	s8 =	simm.s32 @!p0 $0x1BF5;
	p2 =	por !p2, p0  }
0x20: {  	[sflag:s8] =	ssyncset.s32 @!p0 $0xFFFFF086;
	s6 =	sadd.s32 @!p0 s3, s7;
	s7 =	simm.s32 @!p0 $0x108  }
0x21: {  	s3 =	sadd.s32 s3, s9;
	s6 =	sadd.s32 @!p0 $0x88, s6;
	s7 =	simm.s32 @p2 $0x1082  }
0x22: {  	[simem:s7], [sflag:s8] =	dma.local @!p0 [hbm:s6], $0xF7A  }
0x23: {  	s9 =	sor.u32 $0xD0000000, s2;
	s6 =	simm.s32 $0x108;
	_ =	swait.ge @!p0 [sflag:s8], $0x0  }
0x24: {  	s3 =	sadd.s32 $0x88, s3;
	s6 =	simm.s32 @!p1 $0x1082;
	[sflag:s4] =	ssyncset.s32 $0xFFFFF086  }
0x25: {  	[simem:s6], [sflag:s4] =	dma.local [hbm:s3], $0xF7A  }
0x26: {  	[smem:$0x3F9B] =	sst s1;
	(tag) =	ssettag s2;
	_ =	strace s9  }
0x27: {  	s1 =	sld [smem:$0x3FAB]  }
0x28: {  	s2 =	sld [smem:$0x3FAC]  }
0x29: {  	s4 =	sld [smem:$0x3FAE]  }
0x2a: {  	p0 =	seq.s32 s5, $0x0;
	s5 =	sld [smem:$0x3FAF]  }
0x2b: {  	s6 =	sld [smem:$0x3FB0]  }
0x2c: {  	s7 =	sld [smem:$0x3FB1]  }
0x2d: {  	s3 =	simm.s32 $0x108;
	s8 =	sld [smem:$0x3FB2]  }
0x2e: {  	s3 =	simm.s32 @!p0 $0x1082;
	s9 =	sld [smem:$0x3FB3]  }
0x2f: {  	lr =	sadd.s32 s0, s3;
	s0 =	sld [smem:$0x3FAA]  }
0x30: {  	s3 =	sld [smem:$0x3FAD]  }
0x31: {  	[smem:$0x3FB6] =	sst s10  }
0x32: {  	s10 =	sld [smem:$0x3FB4];
	_ =	sdelay $0x3  }
0x33: {  	p0 =	seq.s32 s10, $0x1;
	s10 =	sld [smem:$0x3FB6];
	_ =	sdelay $0x3  }
0x34: {  	[smem:$0x3FB6] =	sst s10  }
0x35: {  	s10 =	sld [smem:$0x3FB5];
	_ =	sdelay $0x3  }
0x36: {  	p1 =	seq.s32 s10, $0x1;
	s10 =	sld [smem:$0x3FB6];
	_ =	sdelay $0x3  }
0x37: {  	[smem:$0x3FB6] =	sst s10  }
0x38: {  	s10 =	sld [smem:$0x3FB7]  }
0x39: {  	_ = 	snop;
	(pc) =	sbr.ind lr, $3  }
0x3a: {  	_ = 	snop  }
0x3b: {  	_ = 	snop  }
0x3c: {  	p2 =	seq.s32 s10, $0x1;
	s10 =	sld [smem:$0x3FB6]  }
0x3d: {  	_ =	shalt  }
0x3e: {  	_ =	shalt  }
0x3f: {  	_ =	shalt  }
0x40: {  	_ =	shalt  }
0x41: {  	_ =	shalt  }
0x42: {  	_ =	shalt  }
0x43: {  	_ =	shalt  }
0x44: {  	_ =	shalt  }
0x45: {  	_ =	shalt  }
0x46: {  	_ =	shalt  }
0x47: {  	_ =	shalt  }
0x48: {  	_ =	shalt  }
0x49: {  	_ =	shalt  }
0x4a: {  	_ =	shalt  }
0x4b: {  	_ =	shalt  }
0x4c: {  	_ =	shalt  }
0x4d: {  	_ =	shalt  }
0x4e: {  	_ =	shalt  }
0x4f: {  	_ =	shalt  }
0x50: {  	_ =	shalt  }
0x51: {  	_ =	shalt  }
0x52: {  	_ =	shalt  }
0x53: {  	_ =	shalt  }
0x54: {  	_ =	shalt  }
0x55: {  	_ =	shalt  }
0x56: {  	_ =	shalt  }
0x57: {  	_ =	shalt  }
0x58: {  	_ =	shalt  }
0x59: {  	_ =	shalt  }
0x5a: {  	_ =	shalt  }
0x5b: {  	_ =	shalt  }
0x5c: {  	_ =	shalt  }
0x5d: {  	_ =	shalt  }
0x5e: {  	_ =	shalt  }
0x5f: {  	_ =	shalt  }
0x60: {  	_ =	shalt  }
0x61: {  	_ =	shalt  }
0x62: {  	_ =	shalt  }
0x63: {  	_ =	shalt  }
0x64: {  	_ =	shalt  }
0x65: {  	_ =	shalt  }
0x66: {  	_ =	shalt  }
0x67: {  	_ =	shalt  }
0x68: {  	_ =	shalt  }
0x69: {  	_ =	shalt  }
0x6a: {  	_ =	shalt  }
0x6b: {  	_ =	shalt  }
0x6c: {  	_ =	shalt  }
0x6d: {  	_ =	shalt  }
0x6e: {  	_ =	shalt  }
0x6f: {  	_ =	shalt  }
0x70: {  	_ =	shalt  }
0x71: {  	_ =	shalt  }
0x72: {  	_ =	shalt  }
0x73: {  	_ =	shalt  }
0x74: {  	_ =	shalt  }
0x75: {  	_ =	shalt  }
0x76: {  	_ =	shalt  }
0x77: {  	_ =	shalt  }
0x78: {  	_ =	shalt  }
0x79: {  	_ =	shalt  }
0x7a: {  	_ =	shalt  }
0x7b: {  	_ =	shalt  }
0x7c: {  	_ =	shalt  }
0x7d: {  	_ =	shalt  }
0x7e: {  	_ =	shalt  }
0x7f: {  	_ =	shalt  }
0x80: {  	_ =	shalt  }
0x81: {  	_ =	shalt  }
0x82: {  	_ =	shalt  }
0x83: {  	_ =	shalt  }
0x84: {  	_ =	shalt  }
0x85: {  	_ =	shalt  }
0x86: {  	_ =	shalt  }
0x87: {  	_ =	shalt  }
.Lfunc_end0:
.L_simem_size_0:
called_computation.1_lowered:
.L_overlay_start_0:
0x88: {  	s2 =	sld [smem:$0x3FD9]  }
0x89: {  	s3 =	sld [smem:$0x3FFE];
	_ =	sdelay $0x1  }
0x8a: {  	s1 =	srdreg.scid  }
0x8b: {  	s0 =	sand.u32 $0x1, s1  }
0x8c: {  	s17 =	sshll.u32 s0, $0xA;
	s2 =	sadd.s32 s3, s2  }
0x8d: {  	s2 =	sadd.s32 s2, s17  }
0x8e: {  	[smem:$0x3FC2] =	sst s2  }
0x8f: {  	_ = 	snop  }
0x90: {  	s2 =	sld [smem:$0x3FD0];
	(tm) =	ssettm $0x1  }
0x91: {  	s18 =	sld [smem:$0x3FFB];
	_ =	sdelay $0x3  }
0x92: {  	_ =	strace s18  }
0x93: {  	s3 =	sld [smem:$0x3FFC];
	_ =	sdelay $0x3  }
0x94: {  	_ =	strace s3  }
0x95: {  	s3 =	sld [smem:$0x3FFD];
	_ =	sdelay $0x3  }
0x96: {  	_ =	strace s3  }
0x97: {  	_ =	strace $0x8FFFFFFF  }
0x98: {  	s19 =	sld [smem:$0x3FDB];
	_ =	sdelay $0x1  }
0x99: {  	s4 =	simm.s32 $_scs_section_size  }
0x9a: {  	s5 =	simm.s32 $_size__tile_overlayer_lowered;
	s6 =	simm.s32 $_tile_overlayer_lowered  }
0x9b: {  	s22 =	simm.s32 $0x1BFF;
	s21 =	sshll.u32 s6, $0x1;
	s3 =	sadd.s32 s4, s19  }
0x9c: {  	s7 =	simm.s32 $0x0;
	s20 =	sshll.u32 s5, $0x1;
	s5 =	sadd.s32 s21, s3  }
0x9d: {  	[timem:s7], [sflag:s22] =	dma.local [hbm:s5], s20  }
0x9e: {  	_ =	swait.ge [sflag:s22], s20  }
0x9f: {  	s4 =	ssub.s32 $0x0, s20;
	[sflag:s22] =	ssyncset.done $0x0  }
0xa0: {  	[sflag:s22] =	ssyncadd.s32 s4;
	_ =	sdelay $0x1  }
0xa1: {  	s23 =	simm.s32 $0x1B8B  }
0xa2: {  	_ =	swait.ge [sflag:s23], $0x1  }
0xa3: {  	[sflag:s23] =	ssyncset.done $0x0  }
0xa4: {  	s25 =	simm.s32 $0x1B8E;
	s24 =	sld [smem:$0x3FFE];
	[sflag:s23] =	ssyncadd.s32 $0xFFFFFFFF  }
0xa5: {  	s26 =	simm.s32 $execute0_lowered;
	[smem:$0x3FD2] =	sst s25  }
0xa6: {  	s5 =	sshll.u32 s26, $0x1;
	_ =	strace $0x80000049;
	[dreg:$0x1] =	wrdreg $0xFFFFFFFF  }
0xa7: {  	s28 =	simm.s32 $_size_execute0_lowered;
	s3 =	sadd.s32 s3, s5;
	[dreg:$0x0] =	wrdreg $0x0  }
0xa8: {  	s5 =	sshll.u32 s28, $0x1;
	[dreg:$0x2] =	wrdreg s3  }
0xa9: {  	[dreg:$0x3] =	wrdreg s5  }
0xaa: {  	[dreg:$0x4] =	wrdreg $0xC0  }
0xab: {  	_ =	task [dreg:s7], $0x5FFFF  }
0xac: {  	[dreg:$0x1] =	wrdreg $0xFFFFFFFF  }
0xad: {  	[dreg:$0x0] =	wrdreg $0x60  }
0xae: {  	[dreg:$0x2] =	wrdreg s24  }
0xaf: {  	[dreg:$0x3] =	wrdreg s2  }
0xb0: {  	[dreg:$0x4] =	wrdreg $0xA2800  }
0xb1: {  	[dreg:$0x5] =	wrdreg $0x1E2800  }
0xb2: {  	[dreg:$0x6] =	wrdreg $0x9  }
0xb3: {  	_ =	task.clear_ibuf [dreg:s7], $0x7FFFF;
	_ =	strace $0x90000049  }
0xb4: {  	s29 =	simm.s32 $0x9;
	_ =	strace $0x8000004B  }
0xb5: {  	_ =	swait.ge [sflag:s29], $0x1  }
0xb6: {  	[sflag:s29] =	ssyncadd.s32 $0xFFFFFFFF  }
0xb7: {  	_ =	strace $0x9000004B  }
0xb8: {  	_ =	sfence  }
0xb9: {  	s30 =	sld [smem:$0x0];
	_ =	sdelay $0x2  }
0xba: {  	s31 =	sshll.u32 s1, $0xD;
	s1 =	sshrl.u32 s1, $0x2  }
0xbb: {  	s3 =	sand.u32 $0x4000, s31;
	s1 =	sadd.s32 s1, s30  }
0xbc: {  	s0 =	sor.u32 s3, s0;
	s1 =	sshll.u32 s1, $0x11  }
0xbd: {  	s0 =	sor.u32 s1, s0  }
0xbe: {  	s0 =	sadd.s32 $0x8F2B, s0  }
0xbf: {  	[sflag:s0] =	ssyncadd.remote.s32 $0x1  }
0xc0: {  	_ =	sfence.sel $0xFFFF  }
0xc1: {  	[dreg:$0x0] =	wrdreg $0xFFFFFFFF;
	(pc) =	sbr.abs _section_cstart, $3  }
0xc2: {  	[dreg:$0x1] =	wrdreg $0xFFFFFFFF  }
0xc3: {  	_ =	task.clear_ibuf [dreg:s7], $0x2FFFF;
	_ =	strace $0x9FFFFFFF  }
0xc4: {  	(tm) =	ssettm $0x7FFFFFFF  }
0xc5: {  	_ =	shalt  }
tec
execute0_lowered:
.L_overlay_start_1:
0x0: {  	(tag) =	ssettag $0x1  }
0x1: {  	s0 =	rddreg [dreg:$0x0]  }
0x2: {  	s2 =	rddreg [dreg:$0x1]  }
0x3: {  	s3 =	rddreg [dreg:$0x2]  }
0x4: {  	s4 =	rddreg [dreg:$0x3];
	s15 =	stileid.u32;
	s7 =	simm.s32 $0x0  }
0x5: {  	s5 =	srdreg.scid;
	s29 =	simm.s32 $0x4;
	s1 =	smul.u32 $0x3000, s15  }
0x6: {  	s30 =	simm.s32 $0x7180;
	s31 =	simm.s32 $0x60;
	s6 =	smul.u32 $0x2100, s15  }
0x7: {  	[smem:$0x7FF] =	sst s7;
	s5 =	sand.u32 $0x1, s5;
	s12 =	smul.u32 $0x280, s15  }
0x8: {  	s7 =	sadd.s32 $0xBC00, s0;
	s9 =	sadd.s32 $0xC01E00, s0;
	s26 =	smul.u32 $0x50000, s15  }
0x9: {  	s10 =	sadd.s32 $0xC02400, s0;
	p0 =	seq.s32 s5, $0x0;
	s8 =	smul.u32 $0x2800, s5  }
0xa: {  	_ =	strace $0x8000004A;
	s5 =	ssub.s32 $0x2, s5;
	s6 =	sadd.s32 $0x30000, s6  }
0xb: {  	s16 =	sshrl.u32 s5, $0x1;
	s17 =	sadd.s32 $0x180, s12;
	s6 =	smov.u32 @p0 s1  }
0xc: {  	s11 =	sadd.s32 s12, s8;
	s8 =	sadd.s32 $0x16000, s0;
	s5 =	ssub.s32 s5, s16  }
0xd: {  	s20 =	sshll.u32 s17, $0x7;
	s1 =	sshrl.u32 s6, $0x3;
	s13 =	sshrl.u32 s11, $0x3  }
0xe: {  	s11 =	sshll.u32 s11, $0x4;
	s15 =	sadd.s32 s20, s3;
	s25 =	smax.u32 s5, $0x1  }
0xf: {  	s1 =	sadd.s32 s1, s0;
	s14 =	sadd.s32 s13, s0;
	[dreg:$0x9] =	wrdreg s15  }
0x10: {  	s0 =	sadd.s32 s11, s0;
	[dreg:$0x10] =	wrdreg s25;
	s1 =	sadd.s32 $0x1800, s1  }
0x11: {  	s13 =	sshrl.u32 s26, $0x2;
	s24 =	sadd.s32 $0xC02A00, s14;
	[dreg:$0x5] =	wrdreg s1  }
0x12: {  	s13 =	sadd.s32 s13, s3;
	s0 =	sadd.s32 $0xC03400, s0;
	[dreg:$0xe] =	wrdreg s24  }
0x13: {  	s5 =	simm.s32 $0xA180;
	s18 =	sadd.s32 $0x3000, s13;
	[dreg:$0xf] =	wrdreg s0  }
0x14: {  	s11 =	simm.s32 $0x80;
	s19 =	sadd.s32 $0x6000, s13;
	[dreg:$0x6] =	wrdreg s18  }
0x15: {  	s15 =	simm.s32 $0xA200;
	s16 =	sadd.s32 $0x9000, s13;
	[dreg:$0x7] =	wrdreg s19  }
0x16: {  	s11 =	simm.s32 @!p0 $0x58;
	s21 =	sadd.s32 $0xF000, s13;
	[dreg:$0x8] =	wrdreg s16  }
0x17: {  	s14 =	simm.s32 $0x1;
	s22 =	sadd.s32 $0x11000, s13;
	[dreg:$0xa] =	wrdreg s21  }
0x18: {  	s1 =	sadd.s32 s17, s4;
	s0 =	simm.s32 $0x7000;
	[dreg:$0xb] =	wrdreg s22  }
0x19: {  	s17 =	simm.s32 $0x3;
	s18 =	sadd.s32 s12, s4;
	[dreg:$0xd] =	wrdreg s1  }
0x1a: {  	s1 =	simm.s32 $0x7080;
	s12 =	simm.s32 $0x7100;
	s23 =	sadd.s32 $0x80, s18  }
0x1b: {  	s16 =	simm.s32 $0x2;
	s26 =	sadd.s32 $0x100, s18;
	[dreg:$0xc] =	wrdreg s23  }
0x1c: {  	v0 =	vimm.f32 $0.0e+00;
	v1 =	vlaneseq.u32;
	s19 =	simm.s32 $0x0;
	s28 =	sadd.s32 $0x200, s18;
	[dreg:$0x11] =	wrdreg s26  }
.LBB2_1:
0x1d: {  	s20 =	simm.s32 $0x0;
	s21 =	rddreg [dreg:$0x5]  }
0x1e: {  	[tilespmem:s20], [sflag:$0x4] =	stream.linear.gather [hbm4b:s21+s20], $0x3000, $0x38;
	[tilespmem:$0x1E500] =	vst v63  }
0x1f: {  	_ =	swait.ge [sflag:s29], $0x3000  }
0x20: {  	[sflag:s29] =	ssyncset.done $0x0  }
0x21: {  	s20 =	simm.s32 $0x0;
	s21 =	simm.s32 $0x200;
	[sflag:s29] =	ssyncadd.s32 $0xFFFFD000  }
.LBB2_2:
0x22: {  	p0 =	sne.s32 s21, $0xBE00;
	[tilespmem:s20+$0x71F0] =	vst v0  }
0x23: {  	[tilespmem:s20+$0x7180] =	vst v0  }
0x24: {  	[tilespmem:s20+$0x7190] =	vst v0  }
.Ltmp0:
0x25: {  	[tilespmem:s20+$0x71A0] =	vst v0;
	(pc) =	sbr.rel @p0 .LBB2_2-.Ltmp0, $4  }
0x26: {  	[tilespmem:s20+$0x71B0] =	vst v0  }
0x27: {  	[tilespmem:s20+$0x71C0] =	vst v0  }
0x28: {  	[tilespmem:s20+$0x71D0] =	vst v0  }
0x29: {  	[tilespmem:s20+$0x71E0] =	vst v0;
	s20 =	sshra.s32 s21, $0x2;
	s21 =	sadd.s32 $0x200, s21  }
0x2a: {  	[tilespmem:s20+$0x71F0] =	vst v0  }
0x2b: {  	[tilespmem:s20+$0x7180] =	vst v0  }
0x2c: {  	[tilespmem:s20+$0x7190] =	vst v0  }
0x2d: {  	[tilespmem:s20+$0x71A0] =	vst v0  }
0x2e: {  	[tilespmem:s20+$0x71B0] =	vst v0  }
0x2f: {  	[tilespmem:s20+$0x71C0] =	vst v0  }
0x30: {  	[tilespmem:s20+$0x71D0] =	vst v0  }
0x31: {  	[tilespmem:s20+$0x71E0] =	vst v0  }
0x32: {  	[spmem:s13] =	stream.linear.scatter [tilespmem:s30], [sflag:$0x4], $0x3000, $0x38;
	[tilespmem:$0x1E500] =	vst v63  }
0x33: {  	_ =	swait.ge [sflag:s29], $0x3000  }
0x34: {  	[sflag:s29] =	ssyncset.done $0x0  }
0x35: {  	s24 =	rddreg [dreg:$0x6];
	[sflag:s29] =	ssyncadd.s32 $0xFFFFD000  }
0x36: {  	[spmem:s24] =	stream.linear.scatter [tilespmem:s30], [sflag:$0x4], $0x3000, $0x38;
	[tilespmem:$0x1E500] =	vst v63  }
0x37: {  	_ =	swait.ge [sflag:s29], $0x3000  }
0x38: {  	[sflag:s29] =	ssyncset.done $0x0  }
0x39: {  	s25 =	rddreg [dreg:$0x7];
	[sflag:s29] =	ssyncadd.s32 $0xFFFFD000  }
0x3a: {  	[spmem:s25] =	stream.linear.scatter [tilespmem:s30], [sflag:$0x4], $0x3000, $0x38;
	[tilespmem:$0x1E500] =	vst v63  }
0x3b: {  	_ =	swait.ge [sflag:s29], $0x3000  }
0x3c: {  	[sflag:s29] =	ssyncset.done $0x0  }
0x3d: {  	s26 =	rddreg [dreg:$0x8];
	[sflag:s29] =	ssyncadd.s32 $0xFFFFD000  }
0x3e: {  	[spmem:s26] =	stream.linear.scatter [tilespmem:s30], [sflag:$0x4], $0x3000, $0x38;
	[tilespmem:$0x1E500] =	vst v63  }
0x3f: {  	_ =	swait.ge [sflag:s29], $0x3000  }
0x40: {  	[sflag:s29] =	ssyncset.done $0x0  }
0x41: {  	s21 =	rddreg [dreg:$0x9];
	[sflag:s29] =	ssyncadd.s32 $0xFFFFD000  }
0x42: {  	[spmem:s21] =	stream.linear.scatter [tilespmem:s30], [sflag:$0x4], $0x3000, $0x38;
	[tilespmem:$0x1E500] =	vst v63  }
0x43: {  	_ =	swait.ge [sflag:s29], $0x3000  }
0x44: {  	[sflag:s29] =	ssyncset.done $0x0  }
0x45: {  	s22 =	rddreg [dreg:$0xa];
	[sflag:s29] =	ssyncadd.s32 $0xFFFFD000  }
0x46: {  	[spmem:s22] =	stream.linear.scatter [tilespmem:s30], [sflag:$0x4], $0x3000, $0x38;
	[tilespmem:$0x1E500] =	vst v63  }
0x47: {  	_ =	swait.ge [sflag:s29], $0x3000  }
0x48: {  	[sflag:s29] =	ssyncset.done $0x0  }
0x49: {  	s23 =	rddreg [dreg:$0xb];
	[sflag:s29] =	ssyncadd.s32 $0xFFFFD000  }
0x4a: {  	[spmem:s23] =	stream.linear.scatter [tilespmem:s30], [sflag:$0x4], $0x3000, $0x38;
	[tilespmem:$0x1E500] =	vst v63  }
0x4b: {  	_ =	swait.ge [sflag:s29], $0x3000  }
0x4c: {  	[sflag:s29] =	ssyncset.done $0x0  }
0x4d: {  	[sflag:s29] =	ssyncadd.s32 $0xFFFFD000  }
0x4e: {  	[spmem:s18] =	stream.linear.scatter [tilespmem:s30], [sflag:$0x4], $0x80, $0x38;
	[tilespmem:$0x1E500] =	vst v63  }
0x4f: {  	_ =	swait.ge [sflag:s29], $0x80  }
0x50: {  	[sflag:s29] =	ssyncset.done $0x0  }
0x51: {  	s24 =	rddreg [dreg:$0xc];
	[sflag:s29] =	ssyncadd.s32 $0xFFFFFF80  }
0x52: {  	[spmem:s24] =	stream.linear.scatter [tilespmem:s30], [sflag:$0x4], $0x80, $0x38;
	[tilespmem:$0x1E500] =	vst v63  }
0x53: {  	_ =	swait.ge [sflag:s29], $0x80  }
0x54: {  	[sflag:s29] =	ssyncset.done $0x0  }
0x55: {  	s25 =	rddreg [dreg:$0x11];
	[sflag:s29] =	ssyncadd.s32 $0xFFFFFF80  }
0x56: {  	[spmem:s25] =	stream.linear.scatter [tilespmem:s30], [sflag:$0x4], $0x80, $0x38;
	[tilespmem:$0x1E500] =	vst v63  }
0x57: {  	_ =	swait.ge [sflag:s29], $0x80  }
0x58: {  	[sflag:s29] =	ssyncset.done $0x0  }
0x59: {  	s26 =	rddreg [dreg:$0xd];
	[sflag:s29] =	ssyncadd.s32 $0xFFFFFF80  }
0x5a: {  	[spmem:s26] =	stream.linear.scatter [tilespmem:s30], [sflag:$0x4], $0x80, $0x38;
	[tilespmem:$0x1E500] =	vst v63  }
0x5b: {  	_ =	swait.ge [sflag:s29], $0x80  }
0x5c: {  	[sflag:s29] =	ssyncset.done $0x0  }
0x5d: {  	[sflag:s29] =	ssyncadd.s32 $0xFFFFFF80  }
0x5e: {  	[spmem:s28] =	stream.linear.scatter [tilespmem:s30], [sflag:$0x4], $0x80, $0x38;
	[tilespmem:$0x1E500] =	vst v63  }
0x5f: {  	_ =	swait.ge [sflag:s29], $0x80  }
0x60: {  	[sflag:s29] =	ssyncset.done $0x0  }
0x61: {  	[sflag:s29] =	ssyncadd.s32 $0xFFFFFF80  }
0x62: {  	s20 =	simm.s32 $0x0;
	s21 =	simm.s32 $0x0;
	[bflag:$0x0] =	sbarrier.arrive $0xFFFF  }
.LBB2_4:
0x63: {  	s23 =	smul.u32 $0x60, s21;
	_ =	sdelay $0x1  }
0x64: {  	s22 =	sshll.u32 s21, $0x9;
	s24 =	sadd.s32 s6, s23  }
0x65: {  	s25 =	sshra.s32 s22, $0x2;
	s26 =	sshrl.u32 s24, $0x3  }
0x66: {  	s22 =	sadd.s32 $0x3000, s25;
	s26 =	sadd.s32 s7, s26  }
0x67: {  	[tilespmem:s22], [sflag:$0x4] =	stream.linear.gather [hbm4b:s26+s20], $0x60, $0x38;
	[tilespmem:$0x1E500] =	vst v63  }
0x68: {  	_ =	swait.ge [sflag:s29], $0x60  }
0x69: {  	[sflag:s29] =	ssyncset.done $0x0  }
0x6a: {  	[sflag:s29] =	ssyncadd.s32 $0xFFFFFFA0  }
0x6b: {  	v2 =	vld [tilespmem:s25+$0x3000];
	_ =	sdelay $0x1  }
0x6c: {  	v3 =	vld [tilespmem:s23+$0x0];
	_ =	sdelay $0x2  }
0x6d: {  	v2 =	vmul.u32 $0x2710, v2;
	_ =	sdelay $0x1  }
0x6e: {  	v2 =	vadd.s32 v3, v2  }
0x6f: {  	[tilespmem:$0x7000] =	vst v2  }
0x70: {  	v2 =	vld [tilespmem:s25+$0x3010];
	_ =	sdelay $0x1  }
0x71: {  	v3 =	vld [tilespmem:s23+$0x10];
	_ =	sdelay $0x2  }
0x72: {  	v2 =	vmul.u32 $0x2710, v2;
	_ =	sdelay $0x1  }
0x73: {  	v2 =	vadd.s32 v3, v2  }
0x74: {  	[tilespmem:$0x7010] =	vst v2  }
0x75: {  	v2 =	vld [tilespmem:s25+$0x3020];
	_ =	sdelay $0x1  }
0x76: {  	v3 =	vld [tilespmem:s23+$0x20];
	_ =	sdelay $0x2  }
0x77: {  	v2 =	vmul.u32 $0x2710, v2;
	_ =	sdelay $0x1  }
0x78: {  	v2 =	vadd.s32 v3, v2  }
0x79: {  	[tilespmem:$0x7020] =	vst v2  }
0x7a: {  	v2 =	vld [tilespmem:s25+$0x3030];
	_ =	sdelay $0x1  }
0x7b: {  	v3 =	vld [tilespmem:s23+$0x30];
	_ =	sdelay $0x2  }
0x7c: {  	v2 =	vmul.u32 $0x2710, v2;
	_ =	sdelay $0x1  }
0x7d: {  	v2 =	vadd.s32 v3, v2  }
0x7e: {  	[tilespmem:$0x7030] =	vst v2  }
0x7f: {  	v2 =	vld [tilespmem:s25+$0x3040];
	_ =	sdelay $0x1  }
0x80: {  	v3 =	vld [tilespmem:s23+$0x40];
	_ =	sdelay $0x2  }
0x81: {  	v2 =	vmul.u32 $0x2710, v2;
	_ =	sdelay $0x1  }
0x82: {  	v2 =	vadd.s32 v3, v2  }
0x83: {  	[tilespmem:$0x7040] =	vst v2  }
0x84: {  	v2 =	vld [tilespmem:s25+$0x3050];
	_ =	sdelay $0x1  }
0x85: {  	v3 =	vld [tilespmem:s23+$0x50];
	_ =	sdelay $0x2  }
0x86: {  	v2 =	vmul.u32 $0x2710, v2;
	_ =	sdelay $0x1  }
0x87: {  	v2 =	vadd.s32 v3, v2  }
0x88: {  	[tilespmem:$0x7050] =	vst v2  }
0x89: {  	[tilespmem:s5], [sflag:$0x1] =	stream.indirect.gather [hbm4b:s8+s31], $0x1, s0, s31, $0xb8;
	[tilespmem:$0x1E500] =	vst v63  }
0x8a: {  	_ = 	snop  }
0x8b: {  	[tilespmem:s1], [sflag:$0x1] =	stream.indirect.gather [hbm4b:s9+s31], $0x1, s22, s31, $0xb8;
	[tilespmem:$0x1E500] =	vst v63  }
0x8c: {  	_ = 	snop  }
0x8d: {  	[tilespmem:s12], [sflag:$0x1] =	stream.indirect.gather [hbm4b:s10+s31], $0x1, s23, s31, $0xb8;
	[tilespmem:$0x1E500] =	vst v63  }
0x8e: {  	_ = 	snop  }
0x8f: {  	[tilespmem:s30], [sflag:$0x2] =	stream.indirect.gather [hbm4b:s2+s31], $0x80, s23, s31, $0xb8;
	[tilespmem:$0x1E500] =	vst v63  }
0x90: {  	_ =	swait.ge [sflag:s14], $0x60  }
0x91: {  	[sflag:s14] =	ssyncset.done $0x0  }
0x92: {  	[sflag:s14] =	ssyncadd.s32 $0xFFFFFFA0  }
0x93: {  	_ =	swait.ge [sflag:s14], $0x60  }
0x94: {  	[sflag:s14] =	ssyncset.done $0x0  }
0x95: {  	[sflag:s14] =	ssyncadd.s32 $0xFFFFFFA0  }
0x96: {  	_ =	swait.ge [sflag:s14], $0x60  }
0x97: {  	[sflag:s14] =	ssyncset.done $0x0  }
0x98: {  	[sflag:s14] =	ssyncadd.s32 $0xFFFFFFA0  }
0x99: {  	v2 =	vld [tilespmem:$0x7080]  }
0x9a: {  	v3 =	vld [tilespmem:$0x7100]  }
0x9b: {  	v4 =	vld [tilespmem:$0x7090]  }
0x9c: {  	v5 =	vld [tilespmem:$0x7110]  }
0x9d: {  	v6 =	vld [tilespmem:$0x70A0]  }
0x9e: {  	v7 =	vld [tilespmem:$0x7120]  }
0x9f: {  	v45 =	vld [tilespmem:$0x70C0]  }
0xa0: {  	v10 =	vld [tilespmem:$0x7140]  }
0xa1: {  	v12 =	vld [tilespmem:$0x70D0]  }
0xa2: {  	v46 =	vld [tilespmem:$0x7150]  }
0xa3: {  	v8 =	vld [tilespmem:$0x70B0];
	v2 =	vadd.f32 v3, v2  }
0xa4: {  	v3 =	vld [tilespmem:$0x7130]  }
0xa5: {  	v9 =	vmul.f32 $9.999999770e-03, v2  }
0xa6: {  	v4 =	vadd.f32 v5, v4;
	v6 =	vadd.f32 v7, v6;
	vm0 =	vgt.f32 v2, $0.0e+00  }
0xa7: {  	v47 =	vadd.f32 v10, v45;
	v49 =	vadd.f32 v46, v12;
	v2 =	vsel vm0, v2, v9  }
0xa8: {  	v11 =	vmul.f32 $9.999999770e-03, v4;
	vm5 =	vgt.f32 v4, $0.0e+00;
	v2 =	vmul.f32 $1.442695020e+00, v2  }
0xa9: {  	vm6 =	vgt.f32 v6, $0.0e+00;
	v50 =	vmul.f32 $9.999999770e-03, v47;
	v3 =	vadd.f32 v3, v8  }
0xaa: {  	vm8 =	vgt.f32 v47, $0.0e+00;
	(erf) = vpow2.f32 v2;
	v2 =	vmul.f32 $9.999999770e-03, v6  }
0xab: {  	v51 =	vmul.f32 $9.999999770e-03, v49;
	v4 =	vsel vm5, v4, v11;
	v48 =	vmul.f32 $9.999999770e-03, v3  }
0xac: {  	v4 =	vmul.f32 $1.442695020e+00, v4;
	vm7 =	vgt.f32 v3, $0.0e+00;
	v2 =	vsel vm6, v6, v2  }
0xad: {  	vm9 =	vgt.f32 v49, $0.0e+00;
	v3 =	vsel vm7, v3, v48;
	v2 =	vmul.f32 $1.442695020e+00, v2  }
0xae: {  	(erf) = vpow2.f32 v4;
	v4 =	vsel vm8, v47, v50;
	v3 =	vmul.f32 $1.442695020e+00, v3  }
0xaf: {  	v52 =	vsel vm9, v49, v51;
	(erf) = vpow2.f32 v2;
	v2 =	vmul.f32 $1.442695020e+00, v4  }
0xb0: {  	v53 =	vld [tilespmem:$0xA180];
	(erf) = vpow2.f32 v3;
	v3 =	vmul.f32 $1.442695020e+00, v52  }
0xb1: {  	(erf) = vpow2.f32 v2;
	v2 =	vld [tilespmem:$0xA190]  }
0xb2: {  	(erf) = vpow2.f32 v3;
	v3 =	vld [tilespmem:$0xA1A0]  }
0xb3: {  	s25 =	sor.u32 $0x10, s23;
	v56 =	vld [tilespmem:$0xA1C0]  }
0xb4: {  	v55 =	vor.u32 s24, v1;
	s26 =	sadd.s32 $0x20, s23;
	s25 =	sadd.s32 s6, s25;
	v54 =	vld [tilespmem:$0xA1B0]  }
0xb5: {  	s24 =	sadd.s32 s6, s26;
	s26 =	sadd.s32 $0x40, s23;
	v58 =	vor.u32 s25, v1;
	s25 =	sadd.s32 $0x30, s23;
	vm10 =	veq.s32 v53, v55;
	v57 =	vpop (erf)  }
0xb6: {  	v61 =	vor.u32 s24, v1;
	s24 =	sadd.s32 s6, s26;
	s25 =	sadd.s32 s6, s25;
	s23 =	sadd.s32 $0x50, s23;
	v59 =	vld [tilespmem:$0xA1D0];
	v8 =	vnsel vm10, $0x0, v57;
	vm11 =	veq.s32 v2, v58  }
0xb7: {  	s23 =	sadd.s32 s6, s23;
	v60 =	vpop (erf);
	v2 =	vor.u32 s25, v1;
	vm12 =	veq.s32 v3, v61;
	v3 =	vor.u32 s24, v1  }
0xb8: {  	[tilespmem:$0xA200] =	vst v8;
	v6 =	vnsel vm11, $0x0, v60;
	v62 =	vpop (erf);
	vm14 =	veq.s32 v56, v3;
	v3 =	vor.u32 s23, v1  }
0xb9: {  	vm13 =	veq.s32 v54, v2;
	[tilespmem:$0xA210] =	vst v6;
	v63 =	vpop (erf);
	v9 =	vnsel vm12, $0x0, v62  }
0xba: {  	v2 =	vpop (erf);
	v5 =	vnsel vm13, $0x0, v63;
	[tilespmem:$0xA220] =	vst v9  }
0xbb: {  	vm15 =	veq.s32 v59, v3;
	[tilespmem:$0xA230] =	vst v5;
	v2 =	vnsel vm14, $0x0, v2;
	v3 =	vpop (erf)  }
0xbc: {  	[tilespmem:$0xA240] =	vst v2;
	v2 =	vnsel vm15, $0x0, v3  }
0xbd: {  	[tilespmem:$0xA250] =	vst v2  }
0xbe: {  	[spmem:s4] =	stream.indirect.scatter.add.f32 [tilespmem:s15], [sflag:$0x3], $0x1, s22, s31, $0xb8;
	[tilespmem:$0x1E500] =	vst v63  }
0xbf: {  	_ =	swait.ge [sflag:s16], $0x3000  }
0xc0: {  	[sflag:s16] =	ssyncset.done $0x0  }
0xc1: {  	s23 =	simm.s32 $0x0;
	[sflag:s16] =	ssyncadd.s32 $0xFFFFD000  }
.LBB2_5:
0xc2: {  	s24 =	sshll.u32 s23, $0x4  }
0xc3: {  	s24 =	sand.u32 $0x3FFFFFF0, s24  }
0xc4: {  	s26 =	sshll.u32 s23, $0xB;
	v2 =	vld [tilespmem:s24+$0xA200]  }
0xc5: {  	s24 =	sand.u32 $0x3FFFF800, s26  }
0xc6: {  	v3 =	vld [tilespmem:s24+$0x7180]  }
0xc7: {  	v4 =	vld [tilespmem:s24+$0x7190]  }
0xc8: {  	v5 =	vld [tilespmem:s24+$0x71A0]  }
0xc9: {  	v7 =	vld [tilespmem:s24+$0x71B0];
	v6 =	vbroadcast v2, $0x0  }
0xca: {  	v8 =	vld [tilespmem:s24+$0x71C0]  }
0xcb: {  	v9 =	vld [tilespmem:s24+$0x71D0];
	v3 =	vmul.f32 v6, v3  }
0xcc: {  	v10 =	vld [tilespmem:s24+$0x71E0];
	v4 =	vmul.f32 v4, v6  }
0xcd: {  	v24 =	vld [tilespmem:s24+$0x71F0];
	[tilespmem:s24+$0x7180] =	vst v3;
	v3 =	vmul.f32 v5, v6  }
0xce: {  	v26 =	vld [tilespmem:s24+$0x7200];
	v25 =	vmul.f32 v7, v6;
	[tilespmem:s24+$0x7190] =	vst v4  }
0xcf: {  	v27 =	vld [tilespmem:s24+$0x7210];
	[tilespmem:s24+$0x71A0] =	vst v3;
	v3 =	vmul.f32 v8, v6  }
0xd0: {  	v29 =	vld [tilespmem:s24+$0x7220];
	v28 =	vmul.f32 v9, v6;
	[tilespmem:s24+$0x71B0] =	vst v25  }
0xd1: {  	v11 =	vld [tilespmem:s24+$0x7230];
	v30 =	vbroadcast v2, $0x1;
	[tilespmem:s24+$0x71C0] =	vst v3;
	v3 =	vmul.f32 v10, v6  }
0xd2: {  	v32 =	vld [tilespmem:s24+$0x7240];
	v31 =	vmul.f32 v24, v6;
	[tilespmem:s24+$0x71D0] =	vst v28  }
0xd3: {  	v33 =	vld [tilespmem:s24+$0x7250];
	[tilespmem:s24+$0x71E0] =	vst v3;
	v3 =	vmul.f32 v26, v30  }
0xd4: {  	v35 =	vld [tilespmem:s24+$0x7260];
	v34 =	vmul.f32 v27, v30;
	[tilespmem:s24+$0x71F0] =	vst v31  }
0xd5: {  	v36 =	vld [tilespmem:s24+$0x7270];
	[tilespmem:s24+$0x7200] =	vst v3;
	v3 =	vmul.f32 v29, v30  }
0xd6: {  	v38 =	vld [tilespmem:s24+$0x7280];
	v37 =	vmul.f32 v11, v30;
	[tilespmem:s24+$0x7210] =	vst v34  }
0xd7: {  	v39 =	vld [tilespmem:s24+$0x7290];
	[tilespmem:s24+$0x7220] =	vst v3;
	v3 =	vmul.f32 v32, v30  }
0xd8: {  	v41 =	vld [tilespmem:s24+$0x72A0];
	v40 =	vmul.f32 v33, v30;
	[tilespmem:s24+$0x7230] =	vst v37  }
0xd9: {  	v43 =	vld [tilespmem:s24+$0x72B0];
	v42 =	vbroadcast v2, $0x2;
	[tilespmem:s24+$0x7240] =	vst v3;
	v3 =	vmul.f32 v35, v30  }
0xda: {  	v45 =	vld [tilespmem:s24+$0x72C0];
	v44 =	vmul.f32 v36, v30;
	[tilespmem:s24+$0x7250] =	vst v40  }
0xdb: {  	v46 =	vld [tilespmem:s24+$0x72D0];
	[tilespmem:s24+$0x7260] =	vst v3;
	v3 =	vmul.f32 v38, v42  }
0xdc: {  	v48 =	vld [tilespmem:s24+$0x72E0];
	v47 =	vmul.f32 v39, v42;
	[tilespmem:s24+$0x7270] =	vst v44  }
0xdd: {  	v49 =	vld [tilespmem:s24+$0x72F0];
	[tilespmem:s24+$0x7280] =	vst v3;
	v3 =	vmul.f32 v41, v42  }
0xde: {  	v51 =	vld [tilespmem:s24+$0x7300];
	v50 =	vmul.f32 v43, v42;
	[tilespmem:s24+$0x7290] =	vst v47  }
0xdf: {  	v52 =	vld [tilespmem:s24+$0x7310];
	[tilespmem:s24+$0x72A0] =	vst v3;
	v3 =	vmul.f32 v45, v42  }
0xe0: {  	v54 =	vld [tilespmem:s24+$0x7320];
	v53 =	vmul.f32 v46, v42;
	[tilespmem:s24+$0x72B0] =	vst v50  }
0xe1: {  	v56 =	vld [tilespmem:s24+$0x7330];
	v55 =	vbroadcast v2, $0x3;
	[tilespmem:s24+$0x72C0] =	vst v3;
	v3 =	vmul.f32 v48, v42  }
0xe2: {  	v58 =	vld [tilespmem:s24+$0x7340];
	v57 =	vmul.f32 v49, v42;
	[tilespmem:s24+$0x72D0] =	vst v53  }
0xe3: {  	v59 =	vld [tilespmem:s24+$0x7350];
	[tilespmem:s24+$0x72E0] =	vst v3;
	v3 =	vmul.f32 v51, v55  }
0xe4: {  	v61 =	vld [tilespmem:s24+$0x7360];
	v60 =	vmul.f32 v52, v55;
	[tilespmem:s24+$0x72F0] =	vst v57  }
0xe5: {  	v62 =	vld [tilespmem:s24+$0x7370];
	[tilespmem:s24+$0x7300] =	vst v3;
	v3 =	vmul.f32 v54, v55  }
0xe6: {  	v12 =	vld [tilespmem:s24+$0x7380];
	v63 =	vmul.f32 v56, v55;
	[tilespmem:s24+$0x7310] =	vst v60  }
0xe7: {  	v13 =	vld [tilespmem:s24+$0x7390];
	[tilespmem:s24+$0x7320] =	vst v3;
	v3 =	vmul.f32 v58, v55  }
0xe8: {  	v15 =	vld [tilespmem:s24+$0x73A0];
	v14 =	vmul.f32 v59, v55;
	[tilespmem:s24+$0x7330] =	vst v63  }
0xe9: {  	v17 =	vld [tilespmem:s24+$0x73B0];
	v16 =	vbroadcast v2, $0x4;
	[tilespmem:s24+$0x7340] =	vst v3;
	v3 =	vmul.f32 v61, v55  }
0xea: {  	v19 =	vld [tilespmem:s24+$0x73C0];
	v18 =	vmul.f32 v62, v55;
	[tilespmem:s24+$0x7350] =	vst v14  }
0xeb: {  	v20 =	vld [tilespmem:s24+$0x73D0];
	[tilespmem:s24+$0x7360] =	vst v3;
	v3 =	vmul.f32 v12, v16  }
0xec: {  	v22 =	vld [tilespmem:s24+$0x73E0];
	v21 =	vmul.f32 v13, v16;
	[tilespmem:s24+$0x7370] =	vst v18  }
0xed: {  	v23 =	vld [tilespmem:s24+$0x73F0];
	[tilespmem:s24+$0x7380] =	vst v3;
	v3 =	vmul.f32 v15, v16  }
0xee: {  	v24 =	vmul.f32 v17, v16;
	[tilespmem:s24+$0x7390] =	vst v21;
	v25 =	vld [tilespmem:s24+$0x7400]  }
0xef: {  	v33 =	vld [tilespmem:s24+$0x7450];
	[tilespmem:s24+$0x73A0] =	vst v3;
	v3 =	vmul.f32 v19, v16  }
0xf0: {  	v27 =	vmul.f32 v20, v16;
	[tilespmem:s24+$0x73B0] =	vst v24;
	v28 =	vld [tilespmem:s24+$0x7420]  }
0xf1: {  	v36 =	vld [tilespmem:s24+$0x7470];
	v29 =	vbroadcast v2, $0x5;
	[tilespmem:s24+$0x73C0] =	vst v3;
	v3 =	vmul.f32 v22, v16  }
0xf2: {  	[tilespmem:s24+$0x73D0] =	vst v27;
	v31 =	vmul.f32 v23, v16;
	v32 =	vld [tilespmem:s24+$0x7440]  }
0xf3: {  	v26 =	vld [tilespmem:s24+$0x7410];
	[tilespmem:s24+$0x73E0] =	vst v3;
	v3 =	vmul.f32 v25, v29  }
0xf4: {  	[tilespmem:s24+$0x73F0] =	vst v31;
	v40 =	vmul.f32 v33, v29;
	v35 =	vld [tilespmem:s24+$0x7460]  }
0xf5: {  	v30 =	vld [tilespmem:s24+$0x7430];
	[tilespmem:s24+$0x7400] =	vst v3;
	v3 =	vmul.f32 v28, v29  }
0xf6: {  	v44 =	vmul.f32 v36, v29;
	[tilespmem:s24+$0x7450] =	vst v40;
	v38 =	vld [tilespmem:s24+$0x7480]  }
0xf7: {  	v39 =	vld [tilespmem:s24+$0x7490];
	[tilespmem:s24+$0x7420] =	vst v3;
	v3 =	vmul.f32 v32, v29  }
0xf8: {  	v34 =	vmul.f32 v26, v29;
	[tilespmem:s24+$0x7470] =	vst v44;
	v41 =	vld [tilespmem:s24+$0x74A0]  }
0xf9: {  	v43 =	vld [tilespmem:s24+$0x74B0];
	v42 =	vbroadcast v2, $0x6;
	[tilespmem:s24+$0x7440] =	vst v3;
	v3 =	vmul.f32 v35, v29  }
0xfa: {  	[tilespmem:s24+$0x7410] =	vst v34;
	v37 =	vmul.f32 v30, v29;
	v45 =	vld [tilespmem:s24+$0x74C0]  }
0xfb: {  	v46 =	vld [tilespmem:s24+$0x74D0];
	[tilespmem:s24+$0x7460] =	vst v3;
	v3 =	vmul.f32 v38, v42  }
0xfc: {  	[tilespmem:s24+$0x7430] =	vst v37;
	v48 =	vld [tilespmem:s24+$0x74E0];
	v47 =	vmul.f32 v39, v42  }
0xfd: {  	v49 =	vld [tilespmem:s24+$0x74F0];
	[tilespmem:s24+$0x7480] =	vst v3;
	v3 =	vmul.f32 v41, v42  }
0xfe: {  	v50 =	vmul.f32 v43, v42;
	v51 =	vld [tilespmem:s24+$0x7500];
	[tilespmem:s24+$0x7490] =	vst v47  }
0xff: {  	v52 =	vld [tilespmem:s24+$0x7510];
	[tilespmem:s24+$0x74A0] =	vst v3;
	v3 =	vmul.f32 v45, v42  }
0x100: {  	v53 =	vmul.f32 v46, v42;
	[tilespmem:s24+$0x74B0] =	vst v50;
	v54 =	vld [tilespmem:s24+$0x7520]  }
0x101: {  	v56 =	vld [tilespmem:s24+$0x7530];
	v55 =	vbroadcast v2, $0x7;
	[tilespmem:s24+$0x74C0] =	vst v3;
	v3 =	vmul.f32 v48, v42  }
0x102: {  	v57 =	vmul.f32 v49, v42;
	[tilespmem:s24+$0x74D0] =	vst v53;
	v58 =	vld [tilespmem:s24+$0x7540]  }
0x103: {  	v59 =	vld [tilespmem:s24+$0x7550];
	[tilespmem:s24+$0x74E0] =	vst v3;
	v3 =	vmul.f32 v51, v55  }
0x104: {  	[tilespmem:s24+$0x74F0] =	vst v57;
	v61 =	vld [tilespmem:s24+$0x7560];
	v60 =	vmul.f32 v52, v55  }
0x105: {  	v62 =	vld [tilespmem:s24+$0x7570];
	[tilespmem:s24+$0x7500] =	vst v3;
	v3 =	vmul.f32 v54, v55  }
0x106: {  	v63 =	vmul.f32 v56, v55;
	v12 =	vld [tilespmem:s24+$0x7580];
	[tilespmem:s24+$0x7510] =	vst v60  }
0x107: {  	v13 =	vld [tilespmem:s24+$0x7590];
	[tilespmem:s24+$0x7520] =	vst v3;
	v3 =	vmul.f32 v58, v55  }
0x108: {  	v14 =	vmul.f32 v59, v55;
	[tilespmem:s24+$0x7530] =	vst v63;
	v15 =	vld [tilespmem:s24+$0x75A0]  }
0x109: {  	v17 =	vld [tilespmem:s24+$0x75B0];
	v16 =	vbroadcast v2, $0x8;
	[tilespmem:s24+$0x7540] =	vst v3;
	v3 =	vmul.f32 v61, v55  }
0x10a: {  	v18 =	vmul.f32 v62, v55;
	[tilespmem:s24+$0x7550] =	vst v14;
	v19 =	vld [tilespmem:s24+$0x75C0]  }
0x10b: {  	v20 =	vld [tilespmem:s24+$0x75D0];
	[tilespmem:s24+$0x7560] =	vst v3;
	v3 =	vmul.f32 v12, v16  }
0x10c: {  	[tilespmem:s24+$0x7570] =	vst v18;
	v22 =	vld [tilespmem:s24+$0x75E0];
	v21 =	vmul.f32 v13, v16  }
0x10d: {  	v23 =	vld [tilespmem:s24+$0x75F0];
	[tilespmem:s24+$0x7580] =	vst v3;
	v3 =	vmul.f32 v15, v16  }
0x10e: {  	v24 =	vmul.f32 v17, v16;
	v25 =	vld [tilespmem:s24+$0x7600];
	[tilespmem:s24+$0x7590] =	vst v21  }
0x10f: {  	v26 =	vld [tilespmem:s24+$0x7610];
	[tilespmem:s24+$0x75A0] =	vst v3;
	v3 =	vmul.f32 v19, v16  }
0x110: {  	v27 =	vmul.f32 v20, v16;
	[tilespmem:s24+$0x75B0] =	vst v24;
	v28 =	vld [tilespmem:s24+$0x7620]  }
0x111: {  	v30 =	vld [tilespmem:s24+$0x7630];
	v29 =	vbroadcast v2, $0x9;
	[tilespmem:s24+$0x75C0] =	vst v3;
	v3 =	vmul.f32 v22, v16  }
0x112: {  	v31 =	vmul.f32 v23, v16;
	[tilespmem:s24+$0x75D0] =	vst v27;
	v32 =	vld [tilespmem:s24+$0x7640]  }
0x113: {  	v33 =	vld [tilespmem:s24+$0x7650];
	[tilespmem:s24+$0x75E0] =	vst v3;
	v3 =	vmul.f32 v25, v29  }
0x114: {  	[tilespmem:s24+$0x75F0] =	vst v31;
	v35 =	vld [tilespmem:s24+$0x7660];
	v34 =	vmul.f32 v26, v29  }
0x115: {  	v36 =	vld [tilespmem:s24+$0x7670];
	[tilespmem:s24+$0x7600] =	vst v3;
	v3 =	vmul.f32 v28, v29  }
0x116: {  	v37 =	vmul.f32 v30, v29;
	v38 =	vld [tilespmem:s24+$0x7680];
	[tilespmem:s24+$0x7610] =	vst v34  }
0x117: {  	v39 =	vld [tilespmem:s24+$0x7690];
	[tilespmem:s24+$0x7620] =	vst v3;
	v3 =	vmul.f32 v32, v29  }
0x118: {  	v40 =	vmul.f32 v33, v29;
	[tilespmem:s24+$0x7630] =	vst v37;
	v41 =	vld [tilespmem:s24+$0x76A0]  }
0x119: {  	v43 =	vld [tilespmem:s24+$0x76B0];
	v42 =	vbroadcast v2, $0xA;
	[tilespmem:s24+$0x7640] =	vst v3;
	v3 =	vmul.f32 v35, v29  }
0x11a: {  	v44 =	vmul.f32 v36, v29;
	[tilespmem:s24+$0x7650] =	vst v40;
	v45 =	vld [tilespmem:s24+$0x76C0]  }
0x11b: {  	v46 =	vld [tilespmem:s24+$0x76D0];
	[tilespmem:s24+$0x7660] =	vst v3;
	v3 =	vmul.f32 v38, v42  }
0x11c: {  	[tilespmem:s24+$0x7670] =	vst v44;
	v48 =	vld [tilespmem:s24+$0x76E0];
	v47 =	vmul.f32 v39, v42  }
0x11d: {  	v49 =	vld [tilespmem:s24+$0x76F0];
	[tilespmem:s24+$0x7680] =	vst v3;
	v3 =	vmul.f32 v41, v42  }
0x11e: {  	v50 =	vmul.f32 v43, v42;
	v51 =	vld [tilespmem:s24+$0x7700];
	[tilespmem:s24+$0x7690] =	vst v47  }
0x11f: {  	v52 =	vld [tilespmem:s24+$0x7710];
	[tilespmem:s24+$0x76A0] =	vst v3;
	v3 =	vmul.f32 v45, v42  }
0x120: {  	v53 =	vmul.f32 v46, v42;
	[tilespmem:s24+$0x76B0] =	vst v50;
	v54 =	vld [tilespmem:s24+$0x7720]  }
0x121: {  	v56 =	vld [tilespmem:s24+$0x7730];
	v55 =	vbroadcast v2, $0xB;
	[tilespmem:s24+$0x76C0] =	vst v3;
	v3 =	vmul.f32 v48, v42  }
0x122: {  	v57 =	vmul.f32 v49, v42;
	[tilespmem:s24+$0x76D0] =	vst v53;
	v58 =	vld [tilespmem:s24+$0x7740]  }
0x123: {  	v59 =	vld [tilespmem:s24+$0x7750];
	[tilespmem:s24+$0x76E0] =	vst v3;
	v3 =	vmul.f32 v51, v55  }
0x124: {  	[tilespmem:s24+$0x76F0] =	vst v57;
	v61 =	vld [tilespmem:s24+$0x7760];
	v60 =	vmul.f32 v52, v55  }
0x125: {  	v62 =	vld [tilespmem:s24+$0x7770];
	[tilespmem:s24+$0x7700] =	vst v3;
	v3 =	vmul.f32 v54, v55  }
0x126: {  	v63 =	vmul.f32 v56, v55;
	v12 =	vld [tilespmem:s24+$0x7780];
	[tilespmem:s24+$0x7710] =	vst v60  }
0x127: {  	v13 =	vld [tilespmem:s24+$0x7790];
	[tilespmem:s24+$0x7720] =	vst v3;
	v3 =	vmul.f32 v58, v55  }
0x128: {  	v14 =	vmul.f32 v59, v55;
	[tilespmem:s24+$0x7730] =	vst v63;
	v15 =	vld [tilespmem:s24+$0x77A0]  }
0x129: {  	v17 =	vld [tilespmem:s24+$0x77B0];
	v16 =	vbroadcast v2, $0xC;
	[tilespmem:s24+$0x7740] =	vst v3;
	v3 =	vmul.f32 v61, v55  }
0x12a: {  	v18 =	vmul.f32 v62, v55;
	[tilespmem:s24+$0x7750] =	vst v14;
	v19 =	vld [tilespmem:s24+$0x77C0]  }
0x12b: {  	v20 =	vld [tilespmem:s24+$0x77D0];
	[tilespmem:s24+$0x7760] =	vst v3;
	v3 =	vmul.f32 v12, v16  }
0x12c: {  	[tilespmem:s24+$0x7770] =	vst v18;
	v22 =	vld [tilespmem:s24+$0x77E0];
	v21 =	vmul.f32 v13, v16  }
0x12d: {  	v23 =	vld [tilespmem:s24+$0x77F0];
	[tilespmem:s24+$0x7780] =	vst v3;
	v3 =	vmul.f32 v15, v16  }
0x12e: {  	v24 =	vmul.f32 v17, v16;
	v25 =	vld [tilespmem:s24+$0x7800];
	[tilespmem:s24+$0x7790] =	vst v21  }
0x12f: {  	v26 =	vld [tilespmem:s24+$0x7810];
	[tilespmem:s24+$0x77A0] =	vst v3;
	v3 =	vmul.f32 v19, v16  }
0x130: {  	v27 =	vmul.f32 v20, v16;
	[tilespmem:s24+$0x77B0] =	vst v24;
	v28 =	vld [tilespmem:s24+$0x7820]  }
0x131: {  	v30 =	vld [tilespmem:s24+$0x7830];
	v29 =	vbroadcast v2, $0xD;
	[tilespmem:s24+$0x77C0] =	vst v3;
	v3 =	vmul.f32 v22, v16  }
0x132: {  	v31 =	vmul.f32 v23, v16;
	[tilespmem:s24+$0x77D0] =	vst v27;
	v32 =	vld [tilespmem:s24+$0x7840]  }
0x133: {  	v33 =	vld [tilespmem:s24+$0x7850];
	[tilespmem:s24+$0x77E0] =	vst v3;
	v3 =	vmul.f32 v25, v29  }
0x134: {  	[tilespmem:s24+$0x77F0] =	vst v31;
	v35 =	vld [tilespmem:s24+$0x7860];
	v34 =	vmul.f32 v26, v29  }
0x135: {  	v36 =	vld [tilespmem:s24+$0x7870];
	[tilespmem:s24+$0x7800] =	vst v3;
	v3 =	vmul.f32 v28, v29  }
0x136: {  	v37 =	vmul.f32 v30, v29;
	v38 =	vld [tilespmem:s24+$0x7880];
	[tilespmem:s24+$0x7810] =	vst v34  }
0x137: {  	v39 =	vld [tilespmem:s24+$0x7890];
	[tilespmem:s24+$0x7820] =	vst v3;
	v3 =	vmul.f32 v32, v29  }
0x138: {  	v40 =	vmul.f32 v33, v29;
	[tilespmem:s24+$0x7830] =	vst v37;
	v41 =	vld [tilespmem:s24+$0x78A0]  }
0x139: {  	v43 =	vld [tilespmem:s24+$0x78B0];
	v42 =	vbroadcast v2, $0xE;
	[tilespmem:s24+$0x7840] =	vst v3;
	v3 =	vmul.f32 v35, v29  }
0x13a: {  	v44 =	vmul.f32 v36, v29;
	[tilespmem:s24+$0x7850] =	vst v40;
	v45 =	vld [tilespmem:s24+$0x78C0]  }
0x13b: {  	v46 =	vld [tilespmem:s24+$0x78D0];
	[tilespmem:s24+$0x7860] =	vst v3;
	v3 =	vmul.f32 v38, v42  }
0x13c: {  	[tilespmem:s24+$0x7870] =	vst v44;
	v48 =	vld [tilespmem:s24+$0x78E0];
	v47 =	vmul.f32 v39, v42  }
0x13d: {  	v49 =	vld [tilespmem:s24+$0x78F0];
	[tilespmem:s24+$0x7880] =	vst v3;
	v3 =	vmul.f32 v41, v42  }
0x13e: {  	v50 =	vmul.f32 v43, v42;
	v51 =	vld [tilespmem:s24+$0x7900];
	[tilespmem:s24+$0x7890] =	vst v47  }
0x13f: {  	v52 =	vld [tilespmem:s24+$0x7910];
	[tilespmem:s24+$0x78A0] =	vst v3;
	v3 =	vmul.f32 v45, v42  }
0x140: {  	v53 =	vmul.f32 v46, v42;
	[tilespmem:s24+$0x78B0] =	vst v50;
	v54 =	vld [tilespmem:s24+$0x7920]  }
0x141: {  	v2 =	vbroadcast v2, $0xF;
	v58 =	vld [tilespmem:s24+$0x7950];
	[tilespmem:s24+$0x78C0] =	vst v3;
	v3 =	vmul.f32 v48, v42  }
0x142: {  	v57 =	vld [tilespmem:s24+$0x7940];
	v56 =	vmul.f32 v49, v42;
	[tilespmem:s24+$0x78D0] =	vst v53  }
0x143: {  	v55 =	vld [tilespmem:s24+$0x7930];
	[tilespmem:s24+$0x78E0] =	vst v3;
	v3 =	vmul.f32 v51, v2  }
0x144: {  	v60 =	vld [tilespmem:s24+$0x7960];
	v59 =	vmul.f32 v52, v2;
	[tilespmem:s24+$0x78F0] =	vst v56  }
0x145: {  	v61 =	vld [tilespmem:s24+$0x7970];
	[tilespmem:s24+$0x7900] =	vst v3;
	v3 =	vmul.f32 v54, v2  }
0x146: {  	[tilespmem:s24+$0x7910] =	vst v59;
	v63 =	vmul.f32 v58, v2  }
0x147: {  	p0 =	sne.s32 s23, $0x5;
	[tilespmem:s24+$0x7920] =	vst v3;
	v3 =	vmul.f32 v57, v2  }
.Ltmp1:
0x148: {  	v62 =	vmul.f32 v55, v2;
	[tilespmem:s24+$0x7950] =	vst v63;
	(pc) =	sbr.rel @p0 .LBB2_5-.Ltmp1, $4  }
0x149: {  	[tilespmem:s24+$0x7940] =	vst v3;
	v3 =	vmul.f32 v60, v2  }
0x14a: {  	[tilespmem:s24+$0x7930] =	vst v62;
	v2 =	vmul.f32 v61, v2  }
0x14b: {  	[tilespmem:s24+$0x7960] =	vst v3  }
0x14c: {  	s23 =	sadd.s32 $0x1, s23;
	[tilespmem:s24+$0x7970] =	vst v2  }
0x14d: {  	[spmem:s3] =	stream.indirect.scatter.add.f32 [tilespmem:s30], [sflag:$0x2], $0x80, s22, s31, $0xb8;
	[tilespmem:$0x1E500] =	vst v63  }
0x14e: {  	s21 =	sadd.s32 $0x1, s21  }
0x14f: {  	_ =	swait.ge [sflag:s16], $0x3000;
	p0 =	sne.s32 s21, s11  }
.Ltmp2:
0x150: {  	[sflag:s16] =	ssyncset.done $0x0;
	(pc) =	sbr.rel @p0 .LBB2_4-.Ltmp2, $4  }
0x151: {  	[sflag:s16] =	ssyncadd.s32 $0xFFFFD000  }
0x152: {  	_ =	swait.ge [sflag:s17], $0x60  }
0x153: {  	[sflag:s17] =	ssyncset.done $0x0  }
0x154: {  	[sflag:s17] =	ssyncadd.s32 $0xFFFFFFA0  }
0x155: {  	s20 =	stileid.u32  }
0x156: {  	[bflag:$0x0] =	sbarrier.arrive $0xFFFF;
	s20 =	sshll.u32 s20, $0x6  }
0x157: {  	s21 =	sshrl.u32 s18, $0x3;
	s22 =	rddreg [dreg:$0xe];
	s20 =	sor.u32 $0x1C04, s20  }
0x158: {  	[hbm:s22], [sflag:s20] =	dma.local [spmem:s21], $0x50  }
0x159: {  	_ =	swait.ge [sflag:s29], $0x50  }
0x15a: {  	[sflag:s29] =	ssyncset.done $0x0  }
0x15b: {  	s24 =	sshrl.u32 s13, $0x3;
	s25 =	rddreg [dreg:$0xf];
	[sflag:s29] =	ssyncadd.s32 $0xFFFFFFB0  }
0x15c: {  	[hbm:s25], [sflag:s20] =	dma.local [spmem:s24], $0x2800  }
0x15d: {  	_ =	swait.ge [sflag:s29], $0x2800  }
0x15e: {  	s19 =	sadd.s32 $0x1, s19;
	s26 =	rddreg [dreg:$0x10]  }
0x15f: {  	p0 =	sne.s32 s19, s26  }
.Ltmp3:
0x160: {  	_ = 	snop;
	(pc) =	sbr.rel @p0 .LBB2_1-.Ltmp3, $3  }
0x161: {  	_ =	sdelay $0x1  }
0x162: {  	[sflag:s29] =	ssyncset.done $0x0  }
0x163: {  	[sflag:s29] =	ssyncadd.s32 $0xFFFFD800  }
0x164: {  	_ =	sfence.sel $0x180000  }
0x165: {  	[bflag:$0x0] =	sbarrier.arrive $0xFFFF  }
0x166: {  	_ =	strace $0x9000004A  }
0x167: {  	s0 =	stileid.u32;
	[bflag:$0x2] =	sbarrier.arrive $0xFFFF  }
0x168: {  	p0 =	sne.s32 s0, $0x0;
	s0 =	rddreg [dreg:$0x4]  }
0x169: {  	s0 =	sadd.s32 @!p0 $0x100000, s0  }
0x16a: {  	[sflag:s0] =	ssyncadd.tile.s32 @!p0 $0x1;
	_ =	shalt  }
.Lfunc_end2:
_tile_overlayer_lowered:
.L_overlay_start_2:
0x16b: {  	(tag) =	ssettag $0x2  }
0x16c: {  	s0 =	rddreg [dreg:$0x0];
	s2 =	stileid.u32  }
0x16d: {  	s1 =	rddreg [dreg:$0x1];
	p0 =	sne.s32 s2, $0x0  }
0x16e: {  	s3 =	rddreg [dreg:$0x2];
	[bflag:$0x3] =	sbarrier.arrive $0xFFFF;
	s2 =	simm.s32 @!p0 $0x1C04  }
0x16f: {  	[timem:s3], [sflag:s2] =	dma.local @!p0 [hbm:s0], s1  }
0x170: {  	s0 =	simm.s32 @!p0 $0x4  }
0x171: {  	_ =	swait.ge @!p0 [sflag:s0], s1  }
0x172: {  	s1 =	ssub.s32 @!p0 $0x0, s1;
	[sflag:s0] =	ssyncset.done @!p0 $0x0  }
0x173: {  	[sflag:s0] =	ssyncadd.s32 @!p0 s1  }
0x174: {  	[bflag:$0x3] =	sbarrier.arrive $0xFFFF  }
0x175: {  	_ =	shalt  }

</sc_bundles>
